<compile_context>
chip_gen: v7x
topology: tpu7x:2x2x1
jax: 0.10.2.dev20260603
libtpu: 0.0.44.dev20260713+nightly
codegen_flags: <defaults>
</compile_context>

<pallas_src>
import jax
import jax.numpy as jnp
from jax import lax
from jax.experimental import pallas as pl
from jax.experimental.pallas import tpu as pltpu
from jax.experimental.pallas import tpu_sc as plsc

N = 10000
E = 320000
D = 128
ALPHA = 0.2

NC = 2
NS = 16
NW = NC * NS
CH = 80
GS = 5
NG = E // (NW * GS * CH)
NB = 3
ROWS_PER_TILE = N // NS


def _pre_body(x_ref, w_ref, al_ref, ar_ref, h_ref, hl_ref, hr_ref, h16_ref):
    h = jnp.dot(x_ref[...], w_ref[...], preferred_element_type=jnp.float32)
    h = jnp.where(jnp.isnan(h), 0.0, h)
    h_ref[...] = h
    hl = jnp.sum(h * al_ref[...][None, :], axis=1)
    hr = jnp.sum(h * ar_ref[...][None, :], axis=1)
    hl_ref[...] = hl
    hr_ref[...] = hr
    h16_ref[...] = jnp.full((16,), jnp.max(hr), jnp.float32)


_pre_call = pl.pallas_call(
    _pre_body,
    out_shape=[
        jax.ShapeDtypeStruct((N, D), jnp.float32),
        jax.ShapeDtypeStruct((N,), jnp.float32),
        jax.ShapeDtypeStruct((N,), jnp.float32),
        jax.ShapeDtypeStruct((16,), jnp.float32),
    ],
)


def _sc_body(h_hbm, row_hbm, col_hbm, hl_hbm, hr_hbm, h16_hbm,
             acc_hbm, den_hbm,
             h16_v, rowi_v, coli_v, w_v, zidx_v, hl3_v, hr3_v, rows3_v,
             acc_sh, den_sh, hl_sh, hr_sh,
             gsem0, gsem1, gsem2, ssem0, ssem1, ssem2,
             lsem0, lsem1, lsem2, rsem0, rsem1, rsem2,
             isem, dsem0, dsem1):
    gsem = (gsem0, gsem1, gsem2)
    ssem = (ssem0, ssem1, ssem2)
    lsem = (lsem0, lsem1, lsem2)
    rsem = (rsem0, rsem1, rsem2)
    dsem = (dsem0, dsem1)
    c = lax.axis_index("c")
    s = lax.axis_index("s")
    wid = s * NC + c

    pltpu.sync_copy(h16_hbm, h16_v)
    @pl.when(s == 1)
    def _stage_hlr():
        pltpu.sync_copy(hl_hbm, hl_sh)
        pltpu.sync_copy(hr_hbm, hr_sh)

    def _zero_rows(k, carry):
        for b in range(NB):
            for v in range(D // 16):
                rows3_v[b, k, pl.ds(v * 16, 16)] = jnp.zeros((16,), jnp.float32)
        return carry
    lax.fori_loop(0, CH, _zero_rows, 0)
    for k in range(CH // 16):
        zidx_v[pl.ds(k * 16, 16)] = jnp.zeros((16,), jnp.int32)
        for jp in range(2):
            w_v[jp, pl.ds(k * 16, 16)] = jnp.zeros((16,), jnp.float32)

    lo = s * ROWS_PER_TILE
    for t in range(ROWS_PER_TILE // CH):
        pltpu.sync_copy(rows3_v.at[0], acc_sh.at[pl.ds(lo + t * CH, CH)])
    rem = ROWS_PER_TILE % CH
    if rem:
        pltpu.sync_copy(rows3_v.at[0, pl.ds(0, rem)],
                        acc_sh.at[pl.ds(lo + (ROWS_PER_TILE // CH) * CH, rem)])
    @pl.when(s == 0)
    def _zero_den():
        def _zd(k, carry):
            pltpu.sync_copy(rows3_v.at[0, 0], den_sh.at[pl.ds(k * D, D)])
            return carry
        lax.fori_loop(0, N // D, _zd, 0)
        pltpu.sync_copy(rows3_v.at[0, 0, pl.ds(0, N % D)],
                        den_sh.at[pl.ds((N // D) * D, N % D)])
    plsc.subcore_barrier()

    for b in range(NB):
        pltpu.async_copy(rows3_v.at[b], acc_sh.at[zidx_v], ssem[b], add=True)
    for jp in range(2):
        pltpu.async_copy(w_v.at[jp], den_sh.at[zidx_v], dsem[jp], add=True)
    pltpu.async_copy(row_hbm.at[wid, 0], rowi_v.at[0], isem)
    pltpu.async_copy(col_hbm.at[wid, 0], coli_v.at[0], isem)

    hsplat = h16_v[pl.ds(0, 16)]

    def _issue(pg, b, j):
        pltpu.make_async_copy(rows3_v.at[b], acc_sh.at[zidx_v], ssem[b]).wait()
        pltpu.async_copy(hl_sh.at[rowi_v.at[pg, j]], hl3_v.at[b], lsem[b])
        pltpu.async_copy(hr_sh.at[coli_v.at[pg, j]], hr3_v.at[b], rsem[b])
        pltpu.async_copy(h_hbm.at[coli_v.at[pg, j]], rows3_v.at[b], gsem[b])

    def _group(g, carry):
        pg = g % 2
        pltpu.make_async_copy(row_hbm.at[wid, g], rowi_v.at[pg], isem).wait()
        pltpu.make_async_copy(col_hbm.at[wid, g], coli_v.at[pg], isem).wait()
        for j in range(min(NB, GS)):
            _issue(pg, j % NB, j)
        for j in range(GS):
            b = j % NB
            jp = j % 2
            pltpu.make_async_copy(hl_sh.at[rowi_v.at[pg, j]], hl3_v.at[b],
                                  lsem[b]).wait()
            pltpu.make_async_copy(hr_sh.at[coli_v.at[pg, j]], hr3_v.at[b],
                                  rsem[b]).wait()
            pltpu.make_async_copy(w_v.at[jp], den_sh.at[zidx_v],
                                  dsem[jp]).wait()
            for k in range(CH // 16):
                sl = pl.ds(k * 16, 16)
                a = hl3_v[b, sl]
                t0 = a + hr3_v[b, sl]
                e = jnp.where(t0 >= 0.0, t0, t0 * ALPHA)
                tm = a + hsplat
                m = jnp.where(tm >= 0.0, tm, tm * ALPHA)
                w_v[jp, sl] = jnp.exp(e - m)
            pltpu.async_copy(w_v.at[jp], den_sh.at[rowi_v.at[pg, j]],
                             dsem[jp], add=True)
            if j == 1:
                @pl.when(g + 1 < NG)
                def _prefetch():
                    pltpu.async_copy(row_hbm.at[wid, g + 1],
                                     rowi_v.at[1 - pg], isem)
                    pltpu.async_copy(col_hbm.at[wid, g + 1],
                                     coli_v.at[1 - pg], isem)
            pltpu.make_async_copy(h_hbm.at[coli_v.at[pg, j]], rows3_v.at[b],
                                  gsem[b]).wait()

            @plsc.parallel_loop(0, CH, 1, unroll=8)
            def _scale(jj):
                ws = plsc.load_gather(w_v.at[jp], [jnp.full((16,), jj,
                                                            jnp.int32)])
                for v in range(D // 16):
                    sl = pl.ds(v * 16, 16)
                    rows3_v[b, jj, sl] = rows3_v[b, jj, sl] * ws

            pltpu.async_copy(rows3_v.at[b], acc_sh.at[rowi_v.at[pg, j]],
                             ssem[b], add=True)
            if j + NB < GS:
                _issue(pg, (j + NB) % NB, j + NB)
        return carry

    lax.fori_loop(0, NG, _group, 0)

    for b in range(NB):
        pltpu.make_async_copy(rows3_v.at[b], acc_sh.at[zidx_v], ssem[b]).wait()
    for jp in range(2):
        pltpu.make_async_copy(w_v.at[jp], den_sh.at[zidx_v], dsem[jp]).wait()
    plsc.subcore_barrier()
    pltpu.sync_copy(acc_sh.at[pl.ds(lo, ROWS_PER_TILE)], acc_hbm.at[c, s])
    @pl.when(s == 0)
    def _out_den():
        pltpu.sync_copy(den_sh, den_hbm.at[c])


_sc_call = pl.kernel(
    _sc_body,
    out_type=(
        jax.ShapeDtypeStruct((NC, NS, ROWS_PER_TILE, D), jnp.float32),
        jax.ShapeDtypeStruct((NC, N), jnp.float32),
    ),
    mesh=plsc.VectorSubcoreMesh(core_axis_name="c", subcore_axis_name="s"),
    compiler_params=pltpu.CompilerParams(needs_layout_passes=False),
    scratch_types=[
        pltpu.VMEM((16,), jnp.float32),
        pltpu.VMEM((2, GS, CH), jnp.int32),
        pltpu.VMEM((2, GS, CH), jnp.int32),
        pltpu.VMEM((2, CH), jnp.float32),
        pltpu.VMEM((CH,), jnp.int32),
        pltpu.VMEM((NB, CH), jnp.float32),
        pltpu.VMEM((NB, CH), jnp.float32),
        pltpu.VMEM((NB, CH, D), jnp.float32),
        pltpu.VMEM_SHARED((N, D), jnp.float32),
        pltpu.VMEM_SHARED((N,), jnp.float32),
        pltpu.VMEM_SHARED((N,), jnp.float32),
        pltpu.VMEM_SHARED((N,), jnp.float32),
        pltpu.SemaphoreType.DMA,
        pltpu.SemaphoreType.DMA,
        pltpu.SemaphoreType.DMA,
        pltpu.SemaphoreType.DMA,
        pltpu.SemaphoreType.DMA,
        pltpu.SemaphoreType.DMA,
        pltpu.SemaphoreType.DMA,
        pltpu.SemaphoreType.DMA,
        pltpu.SemaphoreType.DMA,
        pltpu.SemaphoreType.DMA,
        pltpu.SemaphoreType.DMA,
        pltpu.SemaphoreType.DMA,
        pltpu.SemaphoreType.DMA,
        pltpu.SemaphoreType.DMA,
        pltpu.SemaphoreType.DMA,
    ],
)


def _comb_body(acc_ref, den_ref, out_ref):
    a = acc_ref[0] + acc_ref[1]
    dsum = den_ref[0] + den_ref[1]
    out_ref[...] = a / (dsum[:, None] + 1e-16)


_comb_call = pl.pallas_call(
    _comb_body,
    out_shape=jax.ShapeDtypeStruct((N, D), jnp.float32),
)


@jax.jit
def kernel(x, edge_index, W, a_l, a_r):
    al = a_l.reshape(-1).astype(jnp.float32)
    ar = a_r.reshape(-1).astype(jnp.float32)
    h, hl, hr, h16 = _pre_call(x, W, al, ar)
    row4 = edge_index[0].reshape(NW, NG, GS, CH)
    col4 = edge_index[1].reshape(NW, NG, GS, CH)
    acc, den = _sc_call(h, row4, col4, hl, hr, h16)
    return _comb_call(acc.reshape(NC, N, D), den)

# --- scband reference (transcript-rebuilt; emitter-appended) ---
"""Pipeline reference for scband-gatlayer-11587821765007 (READ-ONLY COPY).

The authoritative reference and input builder live on the scoring server;
editing this copy changes nothing except your own understanding.
"""

import jax, jax.numpy as jnp
import numpy as np

N = 10000
E = 320000
D_IN = 128
D_OUT = 128
NHEAD = 1
ALPHA = 0.2


def setup_inputs(seed: int = 0) -> dict:
    key = jax.random.key(seed)
    k1, k2, k3, k4, k5 = jax.random.split(key, 5)
    x = jax.random.normal(k1, (N, D_IN), dtype=jnp.float32)
    edge_index = jax.random.randint(k2, (2, E), 0, N, dtype=jnp.int32)
    # parameters, init like reset_parameters (uniform +- sqrt(6/(fan_in+fan_out)))
    stdv_W = float(np.sqrt(6.0 / (D_IN + D_OUT * NHEAD)))
    W = jax.random.uniform(k3, (D_IN, D_OUT * NHEAD), dtype=jnp.float32, minval=-stdv_W, maxval=stdv_W)
    stdv_a = float(np.sqrt(6.0 / (NHEAD + D_OUT)))
    a_l = jax.random.uniform(k4, (1, NHEAD, D_OUT), dtype=jnp.float32, minval=-stdv_a, maxval=stdv_a)
    a_r = jax.random.uniform(k5, (1, NHEAD, D_OUT), dtype=jnp.float32, minval=-stdv_a, maxval=stdv_a)
    return {"x": x, "edge_index": edge_index, "W": W, "a_l": a_l, "a_r": a_r}


def reference(x, edge_index, W, a_l, a_r):
    # h = x @ W, reshaped to [N, nhead, out_feats]
    h = jnp.matmul(x, W).reshape(-1, NHEAD, D_OUT)
    # h[isnan(h)] = 0.0
    h = jnp.where(jnp.isnan(h), 0.0, h)
    row = edge_index[0]
    col = edge_index[1]
    # per-node attention logits
    h_l = (a_l * h).sum(axis=-1)  # [N, nhead]
    h_r = (a_r * h).sum(axis=-1)  # [N, nhead]
    # per-edge attention (gather)
    e = jax.nn.leaky_relu(h_l[row] + h_r[col], negative_slope=ALPHA)  # [E, nhead]
    # edge softmax grouped by destination (row)
    m = jax.ops.segment_max(e, row, num_segments=N)  # [N, nhead]
    m = jnp.where(jnp.isneginf(m), 0.0, m)
    ex = jnp.exp(e - m[row])
    denom = jax.ops.segment_sum(ex, row, num_segments=N)  # [N, nhead]
    att = ex / (denom[row] + 1e-16)  # [E, nhead]
    # attn_drop = 0.0 (dropout is identity)
    # multi-head SpMM: out[row] += att * h[col]
    msg = att[:, :, None] * h[col]  # [E, nhead, out_feats]
    out = jax.ops.segment_sum(msg, row, num_segments=N)  # [N, nhead, out_feats]
    # residual=False, norm=None, activation=None
    return out.reshape(N, NHEAD * D_OUT)

if __name__ == "__main__":
    import jax
    _d = setup_inputs()
    print(jax.jit(kernel)(*tuple(_d.values())))

</pallas_src>

<mosaic_0001>
#map = affine_map<(d0, d1) -> (0, 0)>
#map1 = affine_map<(d0, d1) -> (0, 0, 0, 0)>
#map2 = affine_map<(d0, d1) -> (0)>
module attributes {stable_mosaic.version = 14 : i64} {
  func.func @_sc_body(%arg0: i32, %arg1: i32, %arg2: memref<10000x128xf32, #tpu.memory_space<hbm>>, %arg3: memref<32x25x5x80xi32, #tpu.memory_space<hbm>>, %arg4: memref<32x25x5x80xi32, #tpu.memory_space<hbm>>, %arg5: memref<10000xf32, #tpu.memory_space<hbm>>, %arg6: memref<10000xf32, #tpu.memory_space<hbm>>, %arg7: memref<16xf32, #tpu.memory_space<hbm>>, %arg8: memref<2x16x625x128xf32, #tpu.memory_space<hbm>>, %arg9: memref<2x10000xf32, #tpu.memory_space<hbm>>, %arg10: memref<16xf32, #tpu.memory_space<vmem>>, %arg11: memref<2x5x80xi32, #tpu.memory_space<vmem>>, %arg12: memref<2x5x80xi32, #tpu.memory_space<vmem>>, %arg13: memref<2x80xf32, #tpu.memory_space<vmem>>, %arg14: memref<80xi32, #tpu.memory_space<vmem>>, %arg15: memref<3x80xf32, #tpu.memory_space<vmem>>, %arg16: memref<3x80xf32, #tpu.memory_space<vmem>>, %arg17: memref<3x80x128xf32, #tpu.memory_space<vmem>>, %arg18: memref<10000x128xf32, #tpu.memory_space<vmem_shared>>, %arg19: memref<10000xf32, #tpu.memory_space<vmem_shared>>, %arg20: memref<10000xf32, #tpu.memory_space<vmem_shared>>, %arg21: memref<10000xf32, #tpu.memory_space<vmem_shared>>, %arg22: memref<!tpu.dma_semaphore, #tpu.memory_space<semaphore_mem>>, %arg23: memref<!tpu.dma_semaphore, #tpu.memory_space<semaphore_mem>>, %arg24: memref<!tpu.dma_semaphore, #tpu.memory_space<semaphore_mem>>, %arg25: memref<!tpu.dma_semaphore, #tpu.memory_space<semaphore_mem>>, %arg26: memref<!tpu.dma_semaphore, #tpu.memory_space<semaphore_mem>>, %arg27: memref<!tpu.dma_semaphore, #tpu.memory_space<semaphore_mem>>, %arg28: memref<!tpu.dma_semaphore, #tpu.memory_space<semaphore_mem>>, %arg29: memref<!tpu.dma_semaphore, #tpu.memory_space<semaphore_mem>>, %arg30: memref<!tpu.dma_semaphore, #tpu.memory_space<semaphore_mem>>, %arg31: memref<!tpu.dma_semaphore, #tpu.memory_space<semaphore_mem>>, %arg32: memref<!tpu.dma_semaphore, #tpu.memory_space<semaphore_mem>>, %arg33: memref<!tpu.dma_semaphore, #tpu.memory_space<semaphore_mem>>, %arg34: memref<!tpu.dma_semaphore, #tpu.memory_space<semaphore_mem>>, %arg35: memref<!tpu.dma_semaphore, #tpu.memory_space<semaphore_mem>>, %arg36: memref<!tpu.dma_semaphore, #tpu.memory_space<semaphore_mem>>) attributes {dimension_semantics = [#tpu.dimension_semantics<core_parallel>, #tpu.dimension_semantics<subcore_parallel>], iteration_bounds = array<i64: 2, 16>, scalar_prefetch = 0 : i64, scratch_operands = 27 : i64, tpu.core_type = #tpu.core_type<sc_vector_subcore>, window_params = [{transform_indices = #map}, {transform_indices = #map1}, {transform_indices = #map1}, {transform_indices = #map2}, {transform_indices = #map2}, {transform_indices = #map2}, {transform_indices = #map1}, {transform_indices = #map}]} {
    %mul3A = arith.constant 2 : i32
    %mul3A_0 = arith.muli %arg1, %mul3A : i32
    %add3A = arith.addi %mul3A_0, %arg0 : i32
    "tpu.region"() ({
      %run_scoped3A_235 = tpu.sem_alloc : memref<!tpu.dma_semaphore, #tpu.memory_space<semaphore_mem>>
      tpu.enqueue_dma source(%arg7 : memref<16xf32, #tpu.memory_space<hbm>>) target(%arg10 : memref<16xf32, #tpu.memory_space<vmem>>) target_semaphore(%run_scoped3A_235 : memref<!tpu.dma_semaphore, #tpu.memory_space<semaphore_mem>>)
      tpu.wait_dma2 semaphore(%run_scoped3A_235 : memref<!tpu.dma_semaphore, #tpu.memory_space<semaphore_mem>>) src(%arg7 : memref<16xf32, #tpu.memory_space<hbm>>) dst(%arg10 : memref<16xf32, #tpu.memory_space<vmem>>)
      tpu.yield
    }) : () -> ()
    %eq3A = arith.constant 1 : i32
    %eq3A_1 = arith.cmpi eq, %arg1, %eq3A : i32
    %convert_element_type3A = arith.extui %eq3A_1 : i1 to i32
    %cond3A = arith.constant 0 : i32
    %cond3A_2 = arith.cmpi ne, %convert_element_type3A, %cond3A : i32
    scf.if %cond3A_2 {
      "tpu.region"() ({
        %run_scoped3A_235 = tpu.sem_alloc : memref<!tpu.dma_semaphore, #tpu.memory_space<semaphore_mem>>
        tpu.enqueue_dma source(%arg5 : memref<10000xf32, #tpu.memory_space<hbm>>) target(%arg20 : memref<10000xf32, #tpu.memory_space<vmem_shared>>) target_semaphore(%run_scoped3A_235 : memref<!tpu.dma_semaphore, #tpu.memory_space<semaphore_mem>>)
        tpu.wait_dma2 semaphore(%run_scoped3A_235 : memref<!tpu.dma_semaphore, #tpu.memory_space<semaphore_mem>>) src(%arg5 : memref<10000xf32, #tpu.memory_space<hbm>>) dst(%arg20 : memref<10000xf32, #tpu.memory_space<vmem_shared>>)
        tpu.yield
      }) : () -> ()
      "tpu.region"() ({
        %run_scoped3A_235 = tpu.sem_alloc : memref<!tpu.dma_semaphore, #tpu.memory_space<semaphore_mem>>
        tpu.enqueue_dma source(%arg6 : memref<10000xf32, #tpu.memory_space<hbm>>) target(%arg21 : memref<10000xf32, #tpu.memory_space<vmem_shared>>) target_semaphore(%run_scoped3A_235 : memref<!tpu.dma_semaphore, #tpu.memory_space<semaphore_mem>>)
        tpu.wait_dma2 semaphore(%run_scoped3A_235 : memref<!tpu.dma_semaphore, #tpu.memory_space<semaphore_mem>>) src(%arg6 : memref<10000xf32, #tpu.memory_space<hbm>>) dst(%arg21 : memref<10000xf32, #tpu.memory_space<vmem_shared>>)
        tpu.yield
      }) : () -> ()
    } else {
    }
    %scan3A = arith.constant 0 : i32
    %scan3A_3 = arith.constant 0 : i32
    %scan3A_4 = arith.constant 80 : i32
    %scan3A_5 = arith.addi %scan3A_3, %scan3A_4 : i32
    %scan3A_6 = arith.constant 1 : i32
    scf.for %scan3A_235 = %scan3A_3 to %scan3A_5 step %scan3A_6  : i32 {
      %broadcast_in_dim3A_236 = arith.constant 0.000000e+00 : f32
      %broadcast_in_dim3A_237 = vector.broadcast %broadcast_in_dim3A_236 : f32 to vector<16xf32>
      %swap3A_238 = arith.constant 0 : i32
      %swap3A_239 = arith.index_cast %swap3A_238 : i32 to index
      %swap3A_240 = arith.index_cast %scan3A_235 : i32 to index
      %swap3A_241 = arith.constant 0 : index
      %swap3A_242 = tpu.vector_load %arg17[%swap3A_239, %swap3A_240, %swap3A_241] {strides = array<i32>} : memref<3x80x128xf32, #tpu.memory_space<vmem>>, vector<16xf32>,
      tpu.vector_store %arg17[%swap3A_239, %swap3A_240, %swap3A_241], %broadcast_in_dim3A_237 {strides = array<i32>} : memref<3x80x128xf32, #tpu.memory_space<vmem>>, vector<16xf32>,
      %broadcast_in_dim3A_243 = arith.constant 0.000000e+00 : f32
      %broadcast_in_dim3A_244 = vector.broadcast %broadcast_in_dim3A_243 : f32 to vector<16xf32>
      %swap3A_245 = arith.constant 0 : i32
      %swap3A_246 = arith.index_cast %swap3A_245 : i32 to index
      %swap3A_247 = arith.index_cast %scan3A_235 : i32 to index
      %swap3A_248 = arith.constant 16 : index
      %swap3A_249 = tpu.vector_load %arg17[%swap3A_246, %swap3A_247, %swap3A_248] {strides = array<i32>} : memref<3x80x128xf32, #tpu.memory_space<vmem>>, vector<16xf32>,
      tpu.vector_store %arg17[%swap3A_246, %swap3A_247, %swap3A_248], %broadcast_in_dim3A_244 {strides = array<i32>} : memref<3x80x128xf32, #tpu.memory_space<vmem>>, vector<16xf32>,
      %broadcast_in_dim3A_250 = arith.constant 0.000000e+00 : f32
      %broadcast_in_dim3A_251 = vector.broadcast %broadcast_in_dim3A_250 : f32 to vector<16xf32>
      %swap3A_252 = arith.constant 0 : i32
      %swap3A_253 = arith.index_cast %swap3A_252 : i32 to index
      %swap3A_254 = arith.index_cast %scan3A_235 : i32 to index
      %swap3A_255 = arith.constant 32 : index
      %swap3A_256 = tpu.vector_load %arg17[%swap3A_253, %swap3A_254, %swap3A_255] {strides = array<i32>} : memref<3x80x128xf32, #tpu.memory_space<vmem>>, vector<16xf32>,
      tpu.vector_store %arg17[%swap3A_253, %swap3A_254, %swap3A_255], %broadcast_in_dim3A_251 {strides = array<i32>} : memref<3x80x128xf32, #tpu.memory_space<vmem>>, vector<16xf32>,
      %broadcast_in_dim3A_257 = arith.constant 0.000000e+00 : f32
      %broadcast_in_dim3A_258 = vector.broadcast %broadcast_in_dim3A_257 : f32 to vector<16xf32>
      %swap3A_259 = arith.constant 0 : i32
      %swap3A_260 = arith.index_cast %swap3A_259 : i32 to index
      %swap3A_261 = arith.index_cast %scan3A_235 : i32 to index
      %swap3A_262 = arith.constant 48 : index
      %swap3A_263 = tpu.vector_load %arg17[%swap3A_260, %swap3A_261, %swap3A_262] {strides = array<i32>} : memref<3x80x128xf32, #tpu.memory_space<vmem>>, vector<16xf32>,
      tpu.vector_store %arg17[%swap3A_260, %swap3A_261, %swap3A_262], %broadcast_in_dim3A_258 {strides = array<i32>} : memref<3x80x128xf32, #tpu.memory_space<vmem>>, vector<16xf32>,
      %broadcast_in_dim3A_264 = arith.constant 0.000000e+00 : f32
      %broadcast_in_dim3A_265 = vector.broadcast %broadcast_in_dim3A_264 : f32 to vector<16xf32>
      %swap3A_266 = arith.constant 0 : i32
      %swap3A_267 = arith.index_cast %swap3A_266 : i32 to index
      %swap3A_268 = arith.index_cast %scan3A_235 : i32 to index
      %swap3A_269 = arith.constant 64 : index
      %swap3A_270 = tpu.vector_load %arg17[%swap3A_267, %swap3A_268, %swap3A_269] {strides = array<i32>} : memref<3x80x128xf32, #tpu.memory_space<vmem>>, vector<16xf32>,
      tpu.vector_store %arg17[%swap3A_267, %swap3A_268, %swap3A_269], %broadcast_in_dim3A_265 {strides = array<i32>} : memref<3x80x128xf32, #tpu.memory_space<vmem>>, vector<16xf32>,
      %broadcast_in_dim3A_271 = arith.constant 0.000000e+00 : f32
      %broadcast_in_dim3A_272 = vector.broadcast %broadcast_in_dim3A_271 : f32 to vector<16xf32>
      %swap3A_273 = arith.constant 0 : i32
      %swap3A_274 = arith.index_cast %swap3A_273 : i32 to index
      %swap3A_275 = arith.index_cast %scan3A_235 : i32 to index
      %swap3A_276 = arith.constant 80 : index
      %swap3A_277 = tpu.vector_load %arg17[%swap3A_274, %swap3A_275, %swap3A_276] {strides = array<i32>} : memref<3x80x128xf32, #tpu.memory_space<vmem>>, vector<16xf32>,
      tpu.vector_store %arg17[%swap3A_274, %swap3A_275, %swap3A_276], %broadcast_in_dim3A_272 {strides = array<i32>} : memref<3x80x128xf32, #tpu.memory_space<vmem>>, vector<16xf32>,
      %broadcast_in_dim3A_278 = arith.constant 0.000000e+00 : f32
      %broadcast_in_dim3A_279 = vector.broadcast %broadcast_in_dim3A_278 : f32 to vector<16xf32>
      %swap3A_280 = arith.constant 0 : i32
      %swap3A_281 = arith.index_cast %swap3A_280 : i32 to index
      %swap3A_282 = arith.index_cast %scan3A_235 : i32 to index
      %swap3A_283 = arith.constant 96 : index
      %swap3A_284 = tpu.vector_load %arg17[%swap3A_281, %swap3A_282, %swap3A_283] {strides = array<i32>} : memref<3x80x128xf32, #tpu.memory_space<vmem>>, vector<16xf32>,
      tpu.vector_store %arg17[%swap3A_281, %swap3A_282, %swap3A_283], %broadcast_in_dim3A_279 {strides = array<i32>} : memref<3x80x128xf32, #tpu.memory_space<vmem>>, vector<16xf32>,
      %broadcast_in_dim3A_285 = arith.constant 0.000000e+00 : f32
      %broadcast_in_dim3A_286 = vector.broadcast %broadcast_in_dim3A_285 : f32 to vector<16xf32>
      %swap3A_287 = arith.constant 0 : i32
      %swap3A_288 = arith.index_cast %swap3A_287 : i32 to index
      %swap3A_289 = arith.index_cast %scan3A_235 : i32 to index
      %swap3A_290 = arith.constant 112 : index
      %swap3A_291 = tpu.vector_load %arg17[%swap3A_288, %swap3A_289, %swap3A_290] {strides = array<i32>} : memref<3x80x128xf32, #tpu.memory_space<vmem>>, vector<16xf32>,
      tpu.vector_store %arg17[%swap3A_288, %swap3A_289, %swap3A_290], %broadcast_in_dim3A_286 {strides = array<i32>} : memref<3x80x128xf32, #tpu.memory_space<vmem>>, vector<16xf32>,
      %broadcast_in_dim3A_292 = arith.constant 0.000000e+00 : f32
      %broadcast_in_dim3A_293 = vector.broadcast %broadcast_in_dim3A_292 : f32 to vector<16xf32>
      %swap3A_294 = arith.constant 1 : i32
      %swap3A_295 = arith.index_cast %swap3A_294 : i32 to index
      %swap3A_296 = arith.index_cast %scan3A_235 : i32 to index
      %swap3A_297 = arith.constant 0 : index
      %swap3A_298 = tpu.vector_load %arg17[%swap3A_295, %swap3A_296, %swap3A_297] {strides = array<i32>} : memref<3x80x128xf32, #tpu.memory_space<vmem>>, vector<16xf32>,
      tpu.vector_store %arg17[%swap3A_295, %swap3A_296, %swap3A_297], %broadcast_in_dim3A_293 {strides = array<i32>} : memref<3x80x128xf32, #tpu.memory_space<vmem>>, vector<16xf32>,
      %broadcast_in_dim3A_299 = arith.constant 0.000000e+00 : f32
      %broadcast_in_dim3A_300 = vector.broadcast %broadcast_in_dim3A_299 : f32 to vector<16xf32>
      %swap3A_301 = arith.constant 1 : i32
      %swap3A_302 = arith.index_cast %swap3A_301 : i32 to index
      %swap3A_303 = arith.index_cast %scan3A_235 : i32 to index
      %swap3A_304 = arith.constant 16 : index
      %swap3A_305 = tpu.vector_load %arg17[%swap3A_302, %swap3A_303, %swap3A_304] {strides = array<i32>} : memref<3x80x128xf32, #tpu.memory_space<vmem>>, vector<16xf32>,
      tpu.vector_store %arg17[%swap3A_302, %swap3A_303, %swap3A_304], %broadcast_in_dim3A_300 {strides = array<i32>} : memref<3x80x128xf32, #tpu.memory_space<vmem>>, vector<16xf32>,
      %broadcast_in_dim3A_306 = arith.constant 0.000000e+00 : f32
      %broadcast_in_dim3A_307 = vector.broadcast %broadcast_in_dim3A_306 : f32 to vector<16xf32>
      %swap3A_308 = arith.constant 1 : i32
      %swap3A_309 = arith.index_cast %swap3A_308 : i32 to index
      %swap3A_310 = arith.index_cast %scan3A_235 : i32 to index
      %swap3A_311 = arith.constant 32 : index
      %swap3A_312 = tpu.vector_load %arg17[%swap3A_309, %swap3A_310, %swap3A_311] {strides = array<i32>} : memref<3x80x128xf32, #tpu.memory_space<vmem>>, vector<16xf32>,
      tpu.vector_store %arg17[%swap3A_309, %swap3A_310, %swap3A_311], %broadcast_in_dim3A_307 {strides = array<i32>} : memref<3x80x128xf32, #tpu.memory_space<vmem>>, vector<16xf32>,
      %broadcast_in_dim3A_313 = arith.constant 0.000000e+00 : f32
      %broadcast_in_dim3A_314 = vector.broadcast %broadcast_in_dim3A_313 : f32 to vector<16xf32>
      %swap3A_315 = arith.constant 1 : i32
      %swap3A_316 = arith.index_cast %swap3A_315 : i32 to index
      %swap3A_317 = arith.index_cast %scan3A_235 : i32 to index
      %swap3A_318 = arith.constant 48 : index
      %swap3A_319 = tpu.vector_load %arg17[%swap3A_316, %swap3A_317, %swap3A_318] {strides = array<i32>} : memref<3x80x128xf32, #tpu.memory_space<vmem>>, vector<16xf32>,
      tpu.vector_store %arg17[%swap3A_316, %swap3A_317, %swap3A_318], %broadcast_in_dim3A_314 {strides = array<i32>} : memref<3x80x128xf32, #tpu.memory_space<vmem>>, vector<16xf32>,
      %broadcast_in_dim3A_320 = arith.constant 0.000000e+00 : f32
      %broadcast_in_dim3A_321 = vector.broadcast %broadcast_in_dim3A_320 : f32 to vector<16xf32>
      %swap3A_322 = arith.constant 1 : i32
      %swap3A_323 = arith.index_cast %swap3A_322 : i32 to index
      %swap3A_324 = arith.index_cast %scan3A_235 : i32 to index
      %swap3A_325 = arith.constant 64 : index
      %swap3A_326 = tpu.vector_load %arg17[%swap3A_323, %swap3A_324, %swap3A_325] {strides = array<i32>} : memref<3x80x128xf32, #tpu.memory_space<vmem>>, vector<16xf32>,
      tpu.vector_store %arg17[%swap3A_323, %swap3A_324, %swap3A_325], %broadcast_in_dim3A_321 {strides = array<i32>} : memref<3x80x128xf32, #tpu.memory_space<vmem>>, vector<16xf32>,
      %broadcast_in_dim3A_327 = arith.constant 0.000000e+00 : f32
      %broadcast_in_dim3A_328 = vector.broadcast %broadcast_in_dim3A_327 : f32 to vector<16xf32>
      %swap3A_329 = arith.constant 1 : i32
      %swap3A_330 = arith.index_cast %swap3A_329 : i32 to index
      %swap3A_331 = arith.index_cast %scan3A_235 : i32 to index
      %swap3A_332 = arith.constant 80 : index
      %swap3A_333 = tpu.vector_load %arg17[%swap3A_330, %swap3A_331, %swap3A_332] {strides = array<i32>} : memref<3x80x128xf32, #tpu.memory_space<vmem>>, vector<16xf32>,
      tpu.vector_store %arg17[%swap3A_330, %swap3A_331, %swap3A_332], %broadcast_in_dim3A_328 {strides = array<i32>} : memref<3x80x128xf32, #tpu.memory_space<vmem>>, vector<16xf32>,
      %broadcast_in_dim3A_334 = arith.constant 0.000000e+00 : f32
      %broadcast_in_dim3A_335 = vector.broadcast %broadcast_in_dim3A_334 : f32 to vector<16xf32>
      %swap3A_336 = arith.constant 1 : i32
      %swap3A_337 = arith.index_cast %swap3A_336 : i32 to index
      %swap3A_338 = arith.index_cast %scan3A_235 : i32 to index
      %swap3A_339 = arith.constant 96 : index
      %swap3A_340 = tpu.vector_load %arg17[%swap3A_337, %swap3A_338, %swap3A_339] {strides = array<i32>} : memref<3x80x128xf32, #tpu.memory_space<vmem>>, vector<16xf32>,
      tpu.vector_store %arg17[%swap3A_337, %swap3A_338, %swap3A_339], %broadcast_in_dim3A_335 {strides = array<i32>} : memref<3x80x128xf32, #tpu.memory_space<vmem>>, vector<16xf32>,
      %broadcast_in_dim3A_341 = arith.constant 0.000000e+00 : f32
      %broadcast_in_dim3A_342 = vector.broadcast %broadcast_in_dim3A_341 : f32 to vector<16xf32>
      %swap3A_343 = arith.constant 1 : i32
      %swap3A_344 = arith.index_cast %swap3A_343 : i32 to index
      %swap3A_345 = arith.index_cast %scan3A_235 : i32 to index
      %swap3A_346 = arith.constant 112 : index
      %swap3A_347 = tpu.vector_load %arg17[%swap3A_344, %swap3A_345, %swap3A_346] {strides = array<i32>} : memref<3x80x128xf32, #tpu.memory_space<vmem>>, vector<16xf32>,
      tpu.vector_store %arg17[%swap3A_344, %swap3A_345, %swap3A_346], %broadcast_in_dim3A_342 {strides = array<i32>} : memref<3x80x128xf32, #tpu.memory_space<vmem>>, vector<16xf32>,
      %broadcast_in_dim3A_348 = arith.constant 0.000000e+00 : f32
      %broadcast_in_dim3A_349 = vector.broadcast %broadcast_in_dim3A_348 : f32 to vector<16xf32>
      %swap3A_350 = arith.constant 2 : i32
      %swap3A_351 = arith.index_cast %swap3A_350 : i32 to index
      %swap3A_352 = arith.index_cast %scan3A_235 : i32 to index
      %swap3A_353 = arith.constant 0 : index
      %swap3A_354 = tpu.vector_load %arg17[%swap3A_351, %swap3A_352, %swap3A_353] {strides = array<i32>} : memref<3x80x128xf32, #tpu.memory_space<vmem>>, vector<16xf32>,
      tpu.vector_store %arg17[%swap3A_351, %swap3A_352, %swap3A_353], %broadcast_in_dim3A_349 {strides = array<i32>} : memref<3x80x128xf32, #tpu.memory_space<vmem>>, vector<16xf32>,
      %broadcast_in_dim3A_355 = arith.constant 0.000000e+00 : f32
      %broadcast_in_dim3A_356 = vector.broadcast %broadcast_in_dim3A_355 : f32 to vector<16xf32>
      %swap3A_357 = arith.constant 2 : i32
      %swap3A_358 = arith.index_cast %swap3A_357 : i32 to index
      %swap3A_359 = arith.index_cast %scan3A_235 : i32 to index
      %swap3A_360 = arith.constant 16 : index
      %swap3A_361 = tpu.vector_load %arg17[%swap3A_358, %swap3A_359, %swap3A_360] {strides = array<i32>} : memref<3x80x128xf32, #tpu.memory_space<vmem>>, vector<16xf32>,
      tpu.vector_store %arg17[%swap3A_358, %swap3A_359, %swap3A_360], %broadcast_in_dim3A_356 {strides = array<i32>} : memref<3x80x128xf32, #tpu.memory_space<vmem>>, vector<16xf32>,
      %broadcast_in_dim3A_362 = arith.constant 0.000000e+00 : f32
      %broadcast_in_dim3A_363 = vector.broadcast %broadcast_in_dim3A_362 : f32 to vector<16xf32>
      %swap3A_364 = arith.constant 2 : i32
      %swap3A_365 = arith.index_cast %swap3A_364 : i32 to index
      %swap3A_366 = arith.index_cast %scan3A_235 : i32 to index
      %swap3A_367 = arith.constant 32 : index
      %swap3A_368 = tpu.vector_load %arg17[%swap3A_365, %swap3A_366, %swap3A_367] {strides = array<i32>} : memref<3x80x128xf32, #tpu.memory_space<vmem>>, vector<16xf32>,
      tpu.vector_store %arg17[%swap3A_365, %swap3A_366, %swap3A_367], %broadcast_in_dim3A_363 {strides = array<i32>} : memref<3x80x128xf32, #tpu.memory_space<vmem>>, vector<16xf32>,
      %broadcast_in_dim3A_369 = arith.constant 0.000000e+00 : f32
      %broadcast_in_dim3A_370 = vector.broadcast %broadcast_in_dim3A_369 : f32 to vector<16xf32>
      %swap3A_371 = arith.constant 2 : i32
      %swap3A_372 = arith.index_cast %swap3A_371 : i32 to index
      %swap3A_373 = arith.index_cast %scan3A_235 : i32 to index
      %swap3A_374 = arith.constant 48 : index
      %swap3A_375 = tpu.vector_load %arg17[%swap3A_372, %swap3A_373, %swap3A_374] {strides = array<i32>} : memref<3x80x128xf32, #tpu.memory_space<vmem>>, vector<16xf32>,
      tpu.vector_store %arg17[%swap3A_372, %swap3A_373, %swap3A_374], %broadcast_in_dim3A_370 {strides = array<i32>} : memref<3x80x128xf32, #tpu.memory_space<vmem>>, vector<16xf32>,
      %broadcast_in_dim3A_376 = arith.constant 0.000000e+00 : f32
      %broadcast_in_dim3A_377 = vector.broadcast %broadcast_in_dim3A_376 : f32 to vector<16xf32>
      %swap3A_378 = arith.constant 2 : i32
      %swap3A_379 = arith.index_cast %swap3A_378 : i32 to index
      %swap3A_380 = arith.index_cast %scan3A_235 : i32 to index
      %swap3A_381 = arith.constant 64 : index
      %swap3A_382 = tpu.vector_load %arg17[%swap3A_379, %swap3A_380, %swap3A_381] {strides = array<i32>} : memref<3x80x128xf32, #tpu.memory_space<vmem>>, vector<16xf32>,
      tpu.vector_store %arg17[%swap3A_379, %swap3A_380, %swap3A_381], %broadcast_in_dim3A_377 {strides = array<i32>} : memref<3x80x128xf32, #tpu.memory_space<vmem>>, vector<16xf32>,
      %broadcast_in_dim3A_383 = arith.constant 0.000000e+00 : f32
      %broadcast_in_dim3A_384 = vector.broadcast %broadcast_in_dim3A_383 : f32 to vector<16xf32>
      %swap3A_385 = arith.constant 2 : i32
      %swap3A_386 = arith.index_cast %swap3A_385 : i32 to index
      %swap3A_387 = arith.index_cast %scan3A_235 : i32 to index
      %swap3A_388 = arith.constant 80 : index
      %swap3A_389 = tpu.vector_load %arg17[%swap3A_386, %swap3A_387, %swap3A_388] {strides = array<i32>} : memref<3x80x128xf32, #tpu.memory_space<vmem>>, vector<16xf32>,
      tpu.vector_store %arg17[%swap3A_386, %swap3A_387, %swap3A_388], %broadcast_in_dim3A_384 {strides = array<i32>} : memref<3x80x128xf32, #tpu.memory_space<vmem>>, vector<16xf32>,
      %broadcast_in_dim3A_390 = arith.constant 0.000000e+00 : f32
      %broadcast_in_dim3A_391 = vector.broadcast %broadcast_in_dim3A_390 : f32 to vector<16xf32>
      %swap3A_392 = arith.constant 2 : i32
      %swap3A_393 = arith.index_cast %swap3A_392 : i32 to index
      %swap3A_394 = arith.index_cast %scan3A_235 : i32 to index
      %swap3A_395 = arith.constant 96 : index
      %swap3A_396 = tpu.vector_load %arg17[%swap3A_393, %swap3A_394, %swap3A_395] {strides = array<i32>} : memref<3x80x128xf32, #tpu.memory_space<vmem>>, vector<16xf32>,
      tpu.vector_store %arg17[%swap3A_393, %swap3A_394, %swap3A_395], %broadcast_in_dim3A_391 {strides = array<i32>} : memref<3x80x128xf32, #tpu.memory_space<vmem>>, vector<16xf32>,
      %broadcast_in_dim3A_397 = arith.constant 0.000000e+00 : f32
      %broadcast_in_dim3A_398 = vector.broadcast %broadcast_in_dim3A_397 : f32 to vector<16xf32>
      %swap3A_399 = arith.constant 2 : i32
      %swap3A_400 = arith.index_cast %swap3A_399 : i32 to index
      %swap3A_401 = arith.index_cast %scan3A_235 : i32 to index
      %swap3A_402 = arith.constant 112 : index
      %swap3A_403 = tpu.vector_load %arg17[%swap3A_400, %swap3A_401, %swap3A_402] {strides = array<i32>} : memref<3x80x128xf32, #tpu.memory_space<vmem>>, vector<16xf32>,
      tpu.vector_store %arg17[%swap3A_400, %swap3A_401, %swap3A_402], %broadcast_in_dim3A_398 {strides = array<i32>} : memref<3x80x128xf32, #tpu.memory_space<vmem>>, vector<16xf32>,
    }
    %scan3A_7 = arith.constant 80 : i32
    %broadcast_in_dim3A = arith.constant 0 : i32
    %broadcast_in_dim3A_8 = vector.broadcast %broadcast_in_dim3A : i32 to vector<16xi32>
    %swap3A = arith.constant 0 : index
    %swap3A_9 = tpu.vector_load %arg14[%swap3A] {strides = array<i32>} : memref<80xi32, #tpu.memory_space<vmem>>, vector<16xi32>,
    tpu.vector_store %arg14[%swap3A], %broadcast_in_dim3A_8 {strides = array<i32>} : memref<80xi32, #tpu.memory_space<vmem>>, vector<16xi32>,
    %broadcast_in_dim3A_10 = arith.constant 0.000000e+00 : f32
    %broadcast_in_dim3A_11 = vector.broadcast %broadcast_in_dim3A_10 : f32 to vector<16xf32>
    %swap3A_12 = arith.constant 0 : i32
    %swap3A_13 = arith.index_cast %swap3A_12 : i32 to index
    %swap3A_14 = arith.constant 0 : index
    %swap3A_15 = tpu.vector_load %arg13[%swap3A_13, %swap3A_14] {strides = array<i32>} : memref<2x80xf32, #tpu.memory_space<vmem>>, vector<16xf32>,
    tpu.vector_store %arg13[%swap3A_13, %swap3A_14], %broadcast_in_dim3A_11 {strides = array<i32>} : memref<2x80xf32, #tpu.memory_space<vmem>>, vector<16xf32>,
    %broadcast_in_dim3A_16 = arith.constant 0.000000e+00 : f32
    %broadcast_in_dim3A_17 = vector.broadcast %broadcast_in_dim3A_16 : f32 to vector<16xf32>
    %swap3A_18 = arith.constant 1 : i32
    %swap3A_19 = arith.index_cast %swap3A_18 : i32 to index
    %swap3A_20 = arith.constant 0 : index
    %swap3A_21 = tpu.vector_load %arg13[%swap3A_19, %swap3A_20] {strides = array<i32>} : memref<2x80xf32, #tpu.memory_space<vmem>>, vector<16xf32>,
    tpu.vector_store %arg13[%swap3A_19, %swap3A_20], %broadcast_in_dim3A_17 {strides = array<i32>} : memref<2x80xf32, #tpu.memory_space<vmem>>, vector<16xf32>,
    %broadcast_in_dim3A_22 = arith.constant 0 : i32
    %broadcast_in_dim3A_23 = vector.broadcast %broadcast_in_dim3A_22 : i32 to vector<16xi32>
    %swap3A_24 = arith.constant 16 : index
    %swap3A_25 = tpu.vector_load %arg14[%swap3A_24] {strides = array<i32>} : memref<80xi32, #tpu.memory_space<vmem>>, vector<16xi32>,
    tpu.vector_store %arg14[%swap3A_24], %broadcast_in_dim3A_23 {strides = array<i32>} : memref<80xi32, #tpu.memory_space<vmem>>, vector<16xi32>,
    %broadcast_in_dim3A_26 = arith.constant 0.000000e+00 : f32
    %broadcast_in_dim3A_27 = vector.broadcast %broadcast_in_dim3A_26 : f32 to vector<16xf32>
    %swap3A_28 = arith.constant 0 : i32
    %swap3A_29 = arith.index_cast %swap3A_28 : i32 to index
    %swap3A_30 = arith.constant 16 : index
    %swap3A_31 = tpu.vector_load %arg13[%swap3A_29, %swap3A_30] {strides = array<i32>} : memref<2x80xf32, #tpu.memory_space<vmem>>, vector<16xf32>,
    tpu.vector_store %arg13[%swap3A_29, %swap3A_30], %broadcast_in_dim3A_27 {strides = array<i32>} : memref<2x80xf32, #tpu.memory_space<vmem>>, vector<16xf32>,
    %broadcast_in_dim3A_32 = arith.constant 0.000000e+00 : f32
    %broadcast_in_dim3A_33 = vector.broadcast %broadcast_in_dim3A_32 : f32 to vector<16xf32>
    %swap3A_34 = arith.constant 1 : i32
    %swap3A_35 = arith.index_cast %swap3A_34 : i32 to index
    %swap3A_36 = arith.constant 16 : index
    %swap3A_37 = tpu.vector_load %arg13[%swap3A_35, %swap3A_36] {strides = array<i32>} : memref<2x80xf32, #tpu.memory_space<vmem>>, vector<16xf32>,
    tpu.vector_store %arg13[%swap3A_35, %swap3A_36], %broadcast_in_dim3A_33 {strides = array<i32>} : memref<2x80xf32, #tpu.memory_space<vmem>>, vector<16xf32>,
    %broadcast_in_dim3A_38 = arith.constant 0 : i32
    %broadcast_in_dim3A_39 = vector.broadcast %broadcast_in_dim3A_38 : i32 to vector<16xi32>
    %swap3A_40 = arith.constant 32 : index
    %swap3A_41 = tpu.vector_load %arg14[%swap3A_40] {strides = array<i32>} : memref<80xi32, #tpu.memory_space<vmem>>, vector<16xi32>,
    tpu.vector_store %arg14[%swap3A_40], %broadcast_in_dim3A_39 {strides = array<i32>} : memref<80xi32, #tpu.memory_space<vmem>>, vector<16xi32>,
    %broadcast_in_dim3A_42 = arith.constant 0.000000e+00 : f32
    %broadcast_in_dim3A_43 = vector.broadcast %broadcast_in_dim3A_42 : f32 to vector<16xf32>
    %swap3A_44 = arith.constant 0 : i32
    %swap3A_45 = arith.index_cast %swap3A_44 : i32 to index
    %swap3A_46 = arith.constant 32 : index
    %swap3A_47 = tpu.vector_load %arg13[%swap3A_45, %swap3A_46] {strides = array<i32>} : memref<2x80xf32, #tpu.memory_space<vmem>>, vector<16xf32>,
    tpu.vector_store %arg13[%swap3A_45, %swap3A_46], %broadcast_in_dim3A_43 {strides = array<i32>} : memref<2x80xf32, #tpu.memory_space<vmem>>, vector<16xf32>,
    %broadcast_in_dim3A_48 = arith.constant 0.000000e+00 : f32
    %broadcast_in_dim3A_49 = vector.broadcast %broadcast_in_dim3A_48 : f32 to vector<16xf32>
    %swap3A_50 = arith.constant 1 : i32
    %swap3A_51 = arith.index_cast %swap3A_50 : i32 to index
    %swap3A_52 = arith.constant 32 : index
    %swap3A_53 = tpu.vector_load %arg13[%swap3A_51, %swap3A_52] {strides = array<i32>} : memref<2x80xf32, #tpu.memory_space<vmem>>, vector<16xf32>,
    tpu.vector_store %arg13[%swap3A_51, %swap3A_52], %broadcast_in_dim3A_49 {strides = array<i32>} : memref<2x80xf32, #tpu.memory_space<vmem>>, vector<16xf32>,
    %broadcast_in_dim3A_54 = arith.constant 0 : i32
    %broadcast_in_dim3A_55 = vector.broadcast %broadcast_in_dim3A_54 : i32 to vector<16xi32>
    %swap3A_56 = arith.constant 48 : index
    %swap3A_57 = tpu.vector_load %arg14[%swap3A_56] {strides = array<i32>} : memref<80xi32, #tpu.memory_space<vmem>>, vector<16xi32>,
    tpu.vector_store %arg14[%swap3A_56], %broadcast_in_dim3A_55 {strides = array<i32>} : memref<80xi32, #tpu.memory_space<vmem>>, vector<16xi32>,
    %broadcast_in_dim3A_58 = arith.constant 0.000000e+00 : f32
    %broadcast_in_dim3A_59 = vector.broadcast %broadcast_in_dim3A_58 : f32 to vector<16xf32>
    %swap3A_60 = arith.constant 0 : i32
    %swap3A_61 = arith.index_cast %swap3A_60 : i32 to index
    %swap3A_62 = arith.constant 48 : index
    %swap3A_63 = tpu.vector_load %arg13[%swap3A_61, %swap3A_62] {strides = array<i32>} : memref<2x80xf32, #tpu.memory_space<vmem>>, vector<16xf32>,
    tpu.vector_store %arg13[%swap3A_61, %swap3A_62], %broadcast_in_dim3A_59 {strides = array<i32>} : memref<2x80xf32, #tpu.memory_space<vmem>>, vector<16xf32>,
    %broadcast_in_dim3A_64 = arith.constant 0.000000e+00 : f32
    %broadcast_in_dim3A_65 = vector.broadcast %broadcast_in_dim3A_64 : f32 to vector<16xf32>
    %swap3A_66 = arith.constant 1 : i32
    %swap3A_67 = arith.index_cast %swap3A_66 : i32 to index
    %swap3A_68 = arith.constant 48 : index
    %swap3A_69 = tpu.vector_load %arg13[%swap3A_67, %swap3A_68] {strides = array<i32>} : memref<2x80xf32, #tpu.memory_space<vmem>>, vector<16xf32>,
    tpu.vector_store %arg13[%swap3A_67, %swap3A_68], %broadcast_in_dim3A_65 {strides = array<i32>} : memref<2x80xf32, #tpu.memory_space<vmem>>, vector<16xf32>,
    %broadcast_in_dim3A_70 = arith.constant 0 : i32
    %broadcast_in_dim3A_71 = vector.broadcast %broadcast_in_dim3A_70 : i32 to vector<16xi32>
    %swap3A_72 = arith.constant 64 : index
    %swap3A_73 = tpu.vector_load %arg14[%swap3A_72] {strides = array<i32>} : memref<80xi32, #tpu.memory_space<vmem>>, vector<16xi32>,
    tpu.vector_store %arg14[%swap3A_72], %broadcast_in_dim3A_71 {strides = array<i32>} : memref<80xi32, #tpu.memory_space<vmem>>, vector<16xi32>,
    %broadcast_in_dim3A_74 = arith.constant 0.000000e+00 : f32
    %broadcast_in_dim3A_75 = vector.broadcast %broadcast_in_dim3A_74 : f32 to vector<16xf32>
    %swap3A_76 = arith.constant 0 : i32
    %swap3A_77 = arith.index_cast %swap3A_76 : i32 to index
    %swap3A_78 = arith.constant 64 : index
    %swap3A_79 = tpu.vector_load %arg13[%swap3A_77, %swap3A_78] {strides = array<i32>} : memref<2x80xf32, #tpu.memory_space<vmem>>, vector<16xf32>,
    tpu.vector_store %arg13[%swap3A_77, %swap3A_78], %broadcast_in_dim3A_75 {strides = array<i32>} : memref<2x80xf32, #tpu.memory_space<vmem>>, vector<16xf32>,
    %broadcast_in_dim3A_80 = arith.constant 0.000000e+00 : f32
    %broadcast_in_dim3A_81 = vector.broadcast %broadcast_in_dim3A_80 : f32 to vector<16xf32>
    %swap3A_82 = arith.constant 1 : i32
    %swap3A_83 = arith.index_cast %swap3A_82 : i32 to index
    %swap3A_84 = arith.constant 64 : index
    %swap3A_85 = tpu.vector_load %arg13[%swap3A_83, %swap3A_84] {strides = array<i32>} : memref<2x80xf32, #tpu.memory_space<vmem>>, vector<16xf32>,
    tpu.vector_store %arg13[%swap3A_83, %swap3A_84], %broadcast_in_dim3A_81 {strides = array<i32>} : memref<2x80xf32, #tpu.memory_space<vmem>>, vector<16xf32>,
    %mul3A_86 = arith.constant 625 : i32
    %mul3A_87 = arith.muli %arg1, %mul3A_86 : i32
    %add3A_88 = arith.constant 0 : i32
    %add3A_89 = arith.addi %mul3A_87, %add3A_88 : i32
    %run_scoped3A = arith.constant 0 : i32
    "tpu.region"() ({
      %run_scoped3A_235 = tpu.sem_alloc : memref<!tpu.dma_semaphore, #tpu.memory_space<semaphore_mem>>
      %dma_start3A_236 = arith.constant 0 : i32
      %dma_start3A_237 = arith.constant 0 : i32
      %dma_start3A_238 = tpu.memref_slice %arg17[%run_scoped3A, %dma_start3A_236, %dma_start3A_237] : memref<3x80x128xf32, #tpu.memory_space<vmem>> -> memref<1x80x128xf32, #tpu.memory_space<vmem>>
      %dma_start3A_239 = tpu.memref_squeeze %dma_start3A_238 : memref<1x80x128xf32, #tpu.memory_space<vmem>> -> memref<80x128xf32, #tpu.memory_space<vmem>>
      %dma_start3A_240 = arith.constant 0 : i32
      %dma_start3A_241 = tpu.memref_slice %arg18[%add3A_89, %dma_start3A_240] : memref<10000x128xf32, #tpu.memory_space<vmem_shared>> -> memref<80x128xf32, #tpu.memory_space<vmem_shared>>
      %dma_start3A_242 = arith.constant 0 : i32
      %dma_start3A_243 = tpu.memref_slice %arg18[%add3A_89, %dma_start3A_242] : memref<10000x128xf32, #tpu.memory_space<vmem_shared>> -> memref<80x128xf32, #tpu.memory_space<vmem_shared>>
      %dma_start3A_244 = arith.constant 0 : i32
      %dma_start3A_245 = arith.constant 0 : i32
      %dma_start3A_246 = tpu.memref_slice %arg17[%run_scoped3A, %dma_start3A_244, %dma_start3A_245] : memref<3x80x128xf32, #tpu.memory_space<vmem>> -> memref<1x80x128xf32, #tpu.memory_space<vmem>>
      %dma_start3A_247 = tpu.memref_squeeze %dma_start3A_246 : memref<1x80x128xf32, #tpu.memory_space<vmem>> -> memref<80x128xf32, #tpu.memory_space<vmem>>
      tpu.enqueue_dma source(%dma_start3A_247 : memref<80x128xf32, #tpu.memory_space<vmem>>) target(%dma_start3A_243 : memref<80x128xf32, #tpu.memory_space<vmem_shared>>) target_semaphore(%run_scoped3A_235 : memref<!tpu.dma_semaphore, #tpu.memory_space<semaphore_mem>>)
      %dma_wait3A_248 = arith.constant 0 : i32
      %dma_wait3A_249 = arith.constant 0 : i32
      %dma_wait3A_250 = tpu.memref_slice %arg17[%run_scoped3A, %dma_wait3A_248, %dma_wait3A_249] : memref<3x80x128xf32, #tpu.memory_space<vmem>> -> memref<1x80x128xf32, #tpu.memory_space<vmem>>
      %dma_wait3A_251 = tpu.memref_squeeze %dma_wait3A_250 : memref<1x80x128xf32, #tpu.memory_space<vmem>> -> memref<80x128xf32, #tpu.memory_space<vmem>>
      %dma_wait3A_252 = arith.constant 0 : i32
      %dma_wait3A_253 = tpu.memref_slice %arg18[%add3A_89, %dma_wait3A_252] : memref<10000x128xf32, #tpu.memory_space<vmem_shared>> -> memref<80x128xf32, #tpu.memory_space<vmem_shared>>
      %dma_wait3A_254 = arith.constant 0 : i32
      %dma_wait3A_255 = tpu.memref_slice %arg18[%add3A_89, %dma_wait3A_254] : memref<10000x128xf32, #tpu.memory_space<vmem_shared>> -> memref<80x128xf32, #tpu.memory_space<vmem_shared>>
      %dma_wait3A_256 = arith.constant 0 : i32
      %dma_wait3A_257 = arith.constant 0 : i32
      %dma_wait3A_258 = tpu.memref_slice %arg17[%run_scoped3A, %dma_wait3A_256, %dma_wait3A_257] : memref<3x80x128xf32, #tpu.memory_space<vmem>> -> memref<1x80x128xf32, #tpu.memory_space<vmem>>
      %dma_wait3A_259 = tpu.memref_squeeze %dma_wait3A_258 : memref<1x80x128xf32, #tpu.memory_space<vmem>> -> memref<80x128xf32, #tpu.memory_space<vmem>>
      tpu.wait_dma2 semaphore(%run_scoped3A_235 : memref<!tpu.dma_semaphore, #tpu.memory_space<semaphore_mem>>) src(%dma_wait3A_259 : memref<80x128xf32, #tpu.memory_space<vmem>>) dst(%dma_wait3A_255 : memref<80x128xf32, #tpu.memory_space<vmem_shared>>)
      tpu.yield
    }) : () -> ()
    %add3A_90 = arith.constant 80 : i32
    %add3A_91 = arith.addi %mul3A_87, %add3A_90 : i32
    %run_scoped3A_92 = arith.constant 0 : i32
    "tpu.region"() ({
      %run_scoped3A_235 = tpu.sem_alloc : memref<!tpu.dma_semaphore, #tpu.memory_space<semaphore_mem>>
      %dma_start3A_236 = arith.constant 0 : i32
      %dma_start3A_237 = arith.constant 0 : i32
      %dma_start3A_238 = tpu.memref_slice %arg17[%run_scoped3A_92, %dma_start3A_236, %dma_start3A_237] : memref<3x80x128xf32, #tpu.memory_space<vmem>> -> memref<1x80x128xf32, #tpu.memory_space<vmem>>
      %dma_start3A_239 = tpu.memref_squeeze %dma_start3A_238 : memref<1x80x128xf32, #tpu.memory_space<vmem>> -> memref<80x128xf32, #tpu.memory_space<vmem>>
      %dma_start3A_240 = arith.constant 0 : i32
      %dma_start3A_241 = tpu.memref_slice %arg18[%add3A_91, %dma_start3A_240] : memref<10000x128xf32, #tpu.memory_space<vmem_shared>> -> memref<80x128xf32, #tpu.memory_space<vmem_shared>>
      %dma_start3A_242 = arith.constant 0 : i32
      %dma_start3A_243 = tpu.memref_slice %arg18[%add3A_91, %dma_start3A_242] : memref<10000x128xf32, #tpu.memory_space<vmem_shared>> -> memref<80x128xf32, #tpu.memory_space<vmem_shared>>
      %dma_start3A_244 = arith.constant 0 : i32
      %dma_start3A_245 = arith.constant 0 : i32
      %dma_start3A_246 = tpu.memref_slice %arg17[%run_scoped3A_92, %dma_start3A_244, %dma_start3A_245] : memref<3x80x128xf32, #tpu.memory_space<vmem>> -> memref<1x80x128xf32, #tpu.memory_space<vmem>>
      %dma_start3A_247 = tpu.memref_squeeze %dma_start3A_246 : memref<1x80x128xf32, #tpu.memory_space<vmem>> -> memref<80x128xf32, #tpu.memory_space<vmem>>
      tpu.enqueue_dma source(%dma_start3A_247 : memref<80x128xf32, #tpu.memory_space<vmem>>) target(%dma_start3A_243 : memref<80x128xf32, #tpu.memory_space<vmem_shared>>) target_semaphore(%run_scoped3A_235 : memref<!tpu.dma_semaphore, #tpu.memory_space<semaphore_mem>>)
      %dma_wait3A_248 = arith.constant 0 : i32
      %dma_wait3A_249 = arith.constant 0 : i32
      %dma_wait3A_250 = tpu.memref_slice %arg17[%run_scoped3A_92, %dma_wait3A_248, %dma_wait3A_249] : memref<3x80x128xf32, #tpu.memory_space<vmem>> -> memref<1x80x128xf32, #tpu.memory_space<vmem>>
      %dma_wait3A_251 = tpu.memref_squeeze %dma_wait3A_250 : memref<1x80x128xf32, #tpu.memory_space<vmem>> -> memref<80x128xf32, #tpu.memory_space<vmem>>
      %dma_wait3A_252 = arith.constant 0 : i32
      %dma_wait3A_253 = tpu.memref_slice %arg18[%add3A_91, %dma_wait3A_252] : memref<10000x128xf32, #tpu.memory_space<vmem_shared>> -> memref<80x128xf32, #tpu.memory_space<vmem_shared>>
      %dma_wait3A_254 = arith.constant 0 : i32
      %dma_wait3A_255 = tpu.memref_slice %arg18[%add3A_91, %dma_wait3A_254] : memref<10000x128xf32, #tpu.memory_space<vmem_shared>> -> memref<80x128xf32, #tpu.memory_space<vmem_shared>>
      %dma_wait3A_256 = arith.constant 0 : i32
      %dma_wait3A_257 = arith.constant 0 : i32
      %dma_wait3A_258 = tpu.memref_slice %arg17[%run_scoped3A_92, %dma_wait3A_256, %dma_wait3A_257] : memref<3x80x128xf32, #tpu.memory_space<vmem>> -> memref<1x80x128xf32, #tpu.memory_space<vmem>>
      %dma_wait3A_259 = tpu.memref_squeeze %dma_wait3A_258 : memref<1x80x128xf32, #tpu.memory_space<vmem>> -> memref<80x128xf32, #tpu.memory_space<vmem>>
      tpu.wait_dma2 semaphore(%run_scoped3A_235 : memref<!tpu.dma_semaphore, #tpu.memory_space<semaphore_mem>>) src(%dma_wait3A_259 : memref<80x128xf32, #tpu.memory_space<vmem>>) dst(%dma_wait3A_255 : memref<80x128xf32, #tpu.memory_space<vmem_shared>>)
      tpu.yield
    }) : () -> ()
    %add3A_93 = arith.constant 160 : i32
    %add3A_94 = arith.addi %mul3A_87, %add3A_93 : i32
    %run_scoped3A_95 = arith.constant 0 : i32
    "tpu.region"() ({
      %run_scoped3A_235 = tpu.sem_alloc : memref<!tpu.dma_semaphore, #tpu.memory_space<semaphore_mem>>
      %dma_start3A_236 = arith.constant 0 : i32
      %dma_start3A_237 = arith.constant 0 : i32
      %dma_start3A_238 = tpu.memref_slice %arg17[%run_scoped3A_95, %dma_start3A_236, %dma_start3A_237] : memref<3x80x128xf32, #tpu.memory_space<vmem>> -> memref<1x80x128xf32, #tpu.memory_space<vmem>>
      %dma_start3A_239 = tpu.memref_squeeze %dma_start3A_238 : memref<1x80x128xf32, #tpu.memory_space<vmem>> -> memref<80x128xf32, #tpu.memory_space<vmem>>
      %dma_start3A_240 = arith.constant 0 : i32
      %dma_start3A_241 = tpu.memref_slice %arg18[%add3A_94, %dma_start3A_240] : memref<10000x128xf32, #tpu.memory_space<vmem_shared>> -> memref<80x128xf32, #tpu.memory_space<vmem_shared>>
      %dma_start3A_242 = arith.constant 0 : i32
      %dma_start3A_243 = tpu.memref_slice %arg18[%add3A_94, %dma_start3A_242] : memref<10000x128xf32, #tpu.memory_space<vmem_shared>> -> memref<80x128xf32, #tpu.memory_space<vmem_shared>>
      %dma_start3A_244 = arith.constant 0 : i32
      %dma_start3A_245 = arith.constant 0 : i32
      %dma_start3A_246 = tpu.memref_slice %arg17[%run_scoped3A_95, %dma_start3A_244, %dma_start3A_245] : memref<3x80x128xf32, #tpu.memory_space<vmem>> -> memref<1x80x128xf32, #tpu.memory_space<vmem>>
      %dma_start3A_247 = tpu.memref_squeeze %dma_start3A_246 : memref<1x80x128xf32, #tpu.memory_space<vmem>> -> memref<80x128xf32, #tpu.memory_space<vmem>>
      tpu.enqueue_dma source(%dma_start3A_247 : memref<80x128xf32, #tpu.memory_space<vmem>>) target(%dma_start3A_243 : memref<80x128xf32, #tpu.memory_space<vmem_shared>>) target_semaphore(%run_scoped3A_235 : memref<!tpu.dma_semaphore, #tpu.memory_space<semaphore_mem>>)
      %dma_wait3A_248 = arith.constant 0 : i32
      %dma_wait3A_249 = arith.constant 0 : i32
      %dma_wait3A_250 = tpu.memref_slice %arg17[%run_scoped3A_95, %dma_wait3A_248, %dma_wait3A_249] : memref<3x80x128xf32, #tpu.memory_space<vmem>> -> memref<1x80x128xf32, #tpu.memory_space<vmem>>
      %dma_wait3A_251 = tpu.memref_squeeze %dma_wait3A_250 : memref<1x80x128xf32, #tpu.memory_space<vmem>> -> memref<80x128xf32, #tpu.memory_space<vmem>>
      %dma_wait3A_252 = arith.constant 0 : i32
      %dma_wait3A_253 = tpu.memref_slice %arg18[%add3A_94, %dma_wait3A_252] : memref<10000x128xf32, #tpu.memory_space<vmem_shared>> -> memref<80x128xf32, #tpu.memory_space<vmem_shared>>
      %dma_wait3A_254 = arith.constant 0 : i32
      %dma_wait3A_255 = tpu.memref_slice %arg18[%add3A_94, %dma_wait3A_254] : memref<10000x128xf32, #tpu.memory_space<vmem_shared>> -> memref<80x128xf32, #tpu.memory_space<vmem_shared>>
      %dma_wait3A_256 = arith.constant 0 : i32
      %dma_wait3A_257 = arith.constant 0 : i32
      %dma_wait3A_258 = tpu.memref_slice %arg17[%run_scoped3A_95, %dma_wait3A_256, %dma_wait3A_257] : memref<3x80x128xf32, #tpu.memory_space<vmem>> -> memref<1x80x128xf32, #tpu.memory_space<vmem>>
      %dma_wait3A_259 = tpu.memref_squeeze %dma_wait3A_258 : memref<1x80x128xf32, #tpu.memory_space<vmem>> -> memref<80x128xf32, #tpu.memory_space<vmem>>
      tpu.wait_dma2 semaphore(%run_scoped3A_235 : memref<!tpu.dma_semaphore, #tpu.memory_space<semaphore_mem>>) src(%dma_wait3A_259 : memref<80x128xf32, #tpu.memory_space<vmem>>) dst(%dma_wait3A_255 : memref<80x128xf32, #tpu.memory_space<vmem_shared>>)
      tpu.yield
    }) : () -> ()
    %add3A_96 = arith.constant 240 : i32
    %add3A_97 = arith.addi %mul3A_87, %add3A_96 : i32
    %run_scoped3A_98 = arith.constant 0 : i32
    "tpu.region"() ({
      %run_scoped3A_235 = tpu.sem_alloc : memref<!tpu.dma_semaphore, #tpu.memory_space<semaphore_mem>>
      %dma_start3A_236 = arith.constant 0 : i32
      %dma_start3A_237 = arith.constant 0 : i32
      %dma_start3A_238 = tpu.memref_slice %arg17[%run_scoped3A_98, %dma_start3A_236, %dma_start3A_237] : memref<3x80x128xf32, #tpu.memory_space<vmem>> -> memref<1x80x128xf32, #tpu.memory_space<vmem>>
      %dma_start3A_239 = tpu.memref_squeeze %dma_start3A_238 : memref<1x80x128xf32, #tpu.memory_space<vmem>> -> memref<80x128xf32, #tpu.memory_space<vmem>>
      %dma_start3A_240 = arith.constant 0 : i32
      %dma_start3A_241 = tpu.memref_slice %arg18[%add3A_97, %dma_start3A_240] : memref<10000x128xf32, #tpu.memory_space<vmem_shared>> -> memref<80x128xf32, #tpu.memory_space<vmem_shared>>
      %dma_start3A_242 = arith.constant 0 : i32
      %dma_start3A_243 = tpu.memref_slice %arg18[%add3A_97, %dma_start3A_242] : memref<10000x128xf32, #tpu.memory_space<vmem_shared>> -> memref<80x128xf32, #tpu.memory_space<vmem_shared>>
      %dma_start3A_244 = arith.constant 0 : i32
      %dma_start3A_245 = arith.constant 0 : i32
      %dma_start3A_246 = tpu.memref_slice %arg17[%run_scoped3A_98, %dma_start3A_244, %dma_start3A_245] : memref<3x80x128xf32, #tpu.memory_space<vmem>> -> memref<1x80x128xf32, #tpu.memory_space<vmem>>
      %dma_start3A_247 = tpu.memref_squeeze %dma_start3A_246 : memref<1x80x128xf32, #tpu.memory_space<vmem>> -> memref<80x128xf32, #tpu.memory_space<vmem>>
      tpu.enqueue_dma source(%dma_start3A_247 : memref<80x128xf32, #tpu.memory_space<vmem>>) target(%dma_start3A_243 : memref<80x128xf32, #tpu.memory_space<vmem_shared>>) target_semaphore(%run_scoped3A_235 : memref<!tpu.dma_semaphore, #tpu.memory_space<semaphore_mem>>)
      %dma_wait3A_248 = arith.constant 0 : i32
      %dma_wait3A_249 = arith.constant 0 : i32
      %dma_wait3A_250 = tpu.memref_slice %arg17[%run_scoped3A_98, %dma_wait3A_248, %dma_wait3A_249] : memref<3x80x128xf32, #tpu.memory_space<vmem>> -> memref<1x80x128xf32, #tpu.memory_space<vmem>>
      %dma_wait3A_251 = tpu.memref_squeeze %dma_wait3A_250 : memref<1x80x128xf32, #tpu.memory_space<vmem>> -> memref<80x128xf32, #tpu.memory_space<vmem>>
      %dma_wait3A_252 = arith.constant 0 : i32
      %dma_wait3A_253 = tpu.memref_slice %arg18[%add3A_97, %dma_wait3A_252] : memref<10000x128xf32, #tpu.memory_space<vmem_shared>> -> memref<80x128xf32, #tpu.memory_space<vmem_shared>>
      %dma_wait3A_254 = arith.constant 0 : i32
      %dma_wait3A_255 = tpu.memref_slice %arg18[%add3A_97, %dma_wait3A_254] : memref<10000x128xf32, #tpu.memory_space<vmem_shared>> -> memref<80x128xf32, #tpu.memory_space<vmem_shared>>
      %dma_wait3A_256 = arith.constant 0 : i32
      %dma_wait3A_257 = arith.constant 0 : i32
      %dma_wait3A_258 = tpu.memref_slice %arg17[%run_scoped3A_98, %dma_wait3A_256, %dma_wait3A_257] : memref<3x80x128xf32, #tpu.memory_space<vmem>> -> memref<1x80x128xf32, #tpu.memory_space<vmem>>
      %dma_wait3A_259 = tpu.memref_squeeze %dma_wait3A_258 : memref<1x80x128xf32, #tpu.memory_space<vmem>> -> memref<80x128xf32, #tpu.memory_space<vmem>>
      tpu.wait_dma2 semaphore(%run_scoped3A_235 : memref<!tpu.dma_semaphore, #tpu.memory_space<semaphore_mem>>) src(%dma_wait3A_259 : memref<80x128xf32, #tpu.memory_space<vmem>>) dst(%dma_wait3A_255 : memref<80x128xf32, #tpu.memory_space<vmem_shared>>)
      tpu.yield
    }) : () -> ()
    %add3A_99 = arith.constant 320 : i32
    %add3A_100 = arith.addi %mul3A_87, %add3A_99 : i32
    %run_scoped3A_101 = arith.constant 0 : i32
    "tpu.region"() ({
      %run_scoped3A_235 = tpu.sem_alloc : memref<!tpu.dma_semaphore, #tpu.memory_space<semaphore_mem>>
      %dma_start3A_236 = arith.constant 0 : i32
      %dma_start3A_237 = arith.constant 0 : i32
      %dma_start3A_238 = tpu.memref_slice %arg17[%run_scoped3A_101, %dma_start3A_236, %dma_start3A_237] : memref<3x80x128xf32, #tpu.memory_space<vmem>> -> memref<1x80x128xf32, #tpu.memory_space<vmem>>
      %dma_start3A_239 = tpu.memref_squeeze %dma_start3A_238 : memref<1x80x128xf32, #tpu.memory_space<vmem>> -> memref<80x128xf32, #tpu.memory_space<vmem>>
      %dma_start3A_240 = arith.constant 0 : i32
      %dma_start3A_241 = tpu.memref_slice %arg18[%add3A_100, %dma_start3A_240] : memref<10000x128xf32, #tpu.memory_space<vmem_shared>> -> memref<80x128xf32, #tpu.memory_space<vmem_shared>>
      %dma_start3A_242 = arith.constant 0 : i32
      %dma_start3A_243 = tpu.memref_slice %arg18[%add3A_100, %dma_start3A_242] : memref<10000x128xf32, #tpu.memory_space<vmem_shared>> -> memref<80x128xf32, #tpu.memory_space<vmem_shared>>
      %dma_start3A_244 = arith.constant 0 : i32
      %dma_start3A_245 = arith.constant 0 : i32
      %dma_start3A_246 = tpu.memref_slice %arg17[%run_scoped3A_101, %dma_start3A_244, %dma_start3A_245] : memref<3x80x128xf32, #tpu.memory_space<vmem>> -> memref<1x80x128xf32, #tpu.memory_space<vmem>>
      %dma_start3A_247 = tpu.memref_squeeze %dma_start3A_246 : memref<1x80x128xf32, #tpu.memory_space<vmem>> -> memref<80x128xf32, #tpu.memory_space<vmem>>
      tpu.enqueue_dma source(%dma_start3A_247 : memref<80x128xf32, #tpu.memory_space<vmem>>) target(%dma_start3A_243 : memref<80x128xf32, #tpu.memory_space<vmem_shared>>) target_semaphore(%run_scoped3A_235 : memref<!tpu.dma_semaphore, #tpu.memory_space<semaphore_mem>>)
      %dma_wait3A_248 = arith.constant 0 : i32
      %dma_wait3A_249 = arith.constant 0 : i32
      %dma_wait3A_250 = tpu.memref_slice %arg17[%run_scoped3A_101, %dma_wait3A_248, %dma_wait3A_249] : memref<3x80x128xf32, #tpu.memory_space<vmem>> -> memref<1x80x128xf32, #tpu.memory_space<vmem>>
      %dma_wait3A_251 = tpu.memref_squeeze %dma_wait3A_250 : memref<1x80x128xf32, #tpu.memory_space<vmem>> -> memref<80x128xf32, #tpu.memory_space<vmem>>
      %dma_wait3A_252 = arith.constant 0 : i32
      %dma_wait3A_253 = tpu.memref_slice %arg18[%add3A_100, %dma_wait3A_252] : memref<10000x128xf32, #tpu.memory_space<vmem_shared>> -> memref<80x128xf32, #tpu.memory_space<vmem_shared>>
      %dma_wait3A_254 = arith.constant 0 : i32
      %dma_wait3A_255 = tpu.memref_slice %arg18[%add3A_100, %dma_wait3A_254] : memref<10000x128xf32, #tpu.memory_space<vmem_shared>> -> memref<80x128xf32, #tpu.memory_space<vmem_shared>>
      %dma_wait3A_256 = arith.constant 0 : i32
      %dma_wait3A_257 = arith.constant 0 : i32
      %dma_wait3A_258 = tpu.memref_slice %arg17[%run_scoped3A_101, %dma_wait3A_256, %dma_wait3A_257] : memref<3x80x128xf32, #tpu.memory_space<vmem>> -> memref<1x80x128xf32, #tpu.memory_space<vmem>>
      %dma_wait3A_259 = tpu.memref_squeeze %dma_wait3A_258 : memref<1x80x128xf32, #tpu.memory_space<vmem>> -> memref<80x128xf32, #tpu.memory_space<vmem>>
      tpu.wait_dma2 semaphore(%run_scoped3A_235 : memref<!tpu.dma_semaphore, #tpu.memory_space<semaphore_mem>>) src(%dma_wait3A_259 : memref<80x128xf32, #tpu.memory_space<vmem>>) dst(%dma_wait3A_255 : memref<80x128xf32, #tpu.memory_space<vmem_shared>>)
      tpu.yield
    }) : () -> ()
    %add3A_102 = arith.constant 400 : i32
    %add3A_103 = arith.addi %mul3A_87, %add3A_102 : i32
    %run_scoped3A_104 = arith.constant 0 : i32
    "tpu.region"() ({
      %run_scoped3A_235 = tpu.sem_alloc : memref<!tpu.dma_semaphore, #tpu.memory_space<semaphore_mem>>
      %dma_start3A_236 = arith.constant 0 : i32
      %dma_start3A_237 = arith.constant 0 : i32
      %dma_start3A_238 = tpu.memref_slice %arg17[%run_scoped3A_104, %dma_start3A_236, %dma_start3A_237] : memref<3x80x128xf32, #tpu.memory_space<vmem>> -> memref<1x80x128xf32, #tpu.memory_space<vmem>>
      %dma_start3A_239 = tpu.memref_squeeze %dma_start3A_238 : memref<1x80x128xf32, #tpu.memory_space<vmem>> -> memref<80x128xf32, #tpu.memory_space<vmem>>
      %dma_start3A_240 = arith.constant 0 : i32
      %dma_start3A_241 = tpu.memref_slice %arg18[%add3A_103, %dma_start3A_240] : memref<10000x128xf32, #tpu.memory_space<vmem_shared>> -> memref<80x128xf32, #tpu.memory_space<vmem_shared>>
      %dma_start3A_242 = arith.constant 0 : i32
      %dma_start3A_243 = tpu.memref_slice %arg18[%add3A_103, %dma_start3A_242] : memref<10000x128xf32, #tpu.memory_space<vmem_shared>> -> memref<80x128xf32, #tpu.memory_space<vmem_shared>>
      %dma_start3A_244 = arith.constant 0 : i32
      %dma_start3A_245 = arith.constant 0 : i32
      %dma_start3A_246 = tpu.memref_slice %arg17[%run_scoped3A_104, %dma_start3A_244, %dma_start3A_245] : memref<3x80x128xf32, #tpu.memory_space<vmem>> -> memref<1x80x128xf32, #tpu.memory_space<vmem>>
      %dma_start3A_247 = tpu.memref_squeeze %dma_start3A_246 : memref<1x80x128xf32, #tpu.memory_space<vmem>> -> memref<80x128xf32, #tpu.memory_space<vmem>>
      tpu.enqueue_dma source(%dma_start3A_247 : memref<80x128xf32, #tpu.memory_space<vmem>>) target(%dma_start3A_243 : memref<80x128xf32, #tpu.memory_space<vmem_shared>>) target_semaphore(%run_scoped3A_235 : memref<!tpu.dma_semaphore, #tpu.memory_space<semaphore_mem>>)
      %dma_wait3A_248 = arith.constant 0 : i32
      %dma_wait3A_249 = arith.constant 0 : i32
      %dma_wait3A_250 = tpu.memref_slice %arg17[%run_scoped3A_104, %dma_wait3A_248, %dma_wait3A_249] : memref<3x80x128xf32, #tpu.memory_space<vmem>> -> memref<1x80x128xf32, #tpu.memory_space<vmem>>
      %dma_wait3A_251 = tpu.memref_squeeze %dma_wait3A_250 : memref<1x80x128xf32, #tpu.memory_space<vmem>> -> memref<80x128xf32, #tpu.memory_space<vmem>>
      %dma_wait3A_252 = arith.constant 0 : i32
      %dma_wait3A_253 = tpu.memref_slice %arg18[%add3A_103, %dma_wait3A_252] : memref<10000x128xf32, #tpu.memory_space<vmem_shared>> -> memref<80x128xf32, #tpu.memory_space<vmem_shared>>
      %dma_wait3A_254 = arith.constant 0 : i32
      %dma_wait3A_255 = tpu.memref_slice %arg18[%add3A_103, %dma_wait3A_254] : memref<10000x128xf32, #tpu.memory_space<vmem_shared>> -> memref<80x128xf32, #tpu.memory_space<vmem_shared>>
      %dma_wait3A_256 = arith.constant 0 : i32
      %dma_wait3A_257 = arith.constant 0 : i32
      %dma_wait3A_258 = tpu.memref_slice %arg17[%run_scoped3A_104, %dma_wait3A_256, %dma_wait3A_257] : memref<3x80x128xf32, #tpu.memory_space<vmem>> -> memref<1x80x128xf32, #tpu.memory_space<vmem>>
      %dma_wait3A_259 = tpu.memref_squeeze %dma_wait3A_258 : memref<1x80x128xf32, #tpu.memory_space<vmem>> -> memref<80x128xf32, #tpu.memory_space<vmem>>
      tpu.wait_dma2 semaphore(%run_scoped3A_235 : memref<!tpu.dma_semaphore, #tpu.memory_space<semaphore_mem>>) src(%dma_wait3A_259 : memref<80x128xf32, #tpu.memory_space<vmem>>) dst(%dma_wait3A_255 : memref<80x128xf32, #tpu.memory_space<vmem_shared>>)
      tpu.yield
    }) : () -> ()
    %add3A_105 = arith.constant 480 : i32
    %add3A_106 = arith.addi %mul3A_87, %add3A_105 : i32
    %run_scoped3A_107 = arith.constant 0 : i32
    "tpu.region"() ({
      %run_scoped3A_235 = tpu.sem_alloc : memref<!tpu.dma_semaphore, #tpu.memory_space<semaphore_mem>>
      %dma_start3A_236 = arith.constant 0 : i32
      %dma_start3A_237 = arith.constant 0 : i32
      %dma_start3A_238 = tpu.memref_slice %arg17[%run_scoped3A_107, %dma_start3A_236, %dma_start3A_237] : memref<3x80x128xf32, #tpu.memory_space<vmem>> -> memref<1x80x128xf32, #tpu.memory_space<vmem>>
      %dma_start3A_239 = tpu.memref_squeeze %dma_start3A_238 : memref<1x80x128xf32, #tpu.memory_space<vmem>> -> memref<80x128xf32, #tpu.memory_space<vmem>>
      %dma_start3A_240 = arith.constant 0 : i32
      %dma_start3A_241 = tpu.memref_slice %arg18[%add3A_106, %dma_start3A_240] : memref<10000x128xf32, #tpu.memory_space<vmem_shared>> -> memref<80x128xf32, #tpu.memory_space<vmem_shared>>
      %dma_start3A_242 = arith.constant 0 : i32
      %dma_start3A_243 = tpu.memref_slice %arg18[%add3A_106, %dma_start3A_242] : memref<10000x128xf32, #tpu.memory_space<vmem_shared>> -> memref<80x128xf32, #tpu.memory_space<vmem_shared>>
      %dma_start3A_244 = arith.constant 0 : i32
      %dma_start3A_245 = arith.constant 0 : i32
      %dma_start3A_246 = tpu.memref_slice %arg17[%run_scoped3A_107, %dma_start3A_244, %dma_start3A_245] : memref<3x80x128xf32, #tpu.memory_space<vmem>> -> memref<1x80x128xf32, #tpu.memory_space<vmem>>
      %dma_start3A_247 = tpu.memref_squeeze %dma_start3A_246 : memref<1x80x128xf32, #tpu.memory_space<vmem>> -> memref<80x128xf32, #tpu.memory_space<vmem>>
      tpu.enqueue_dma source(%dma_start3A_247 : memref<80x128xf32, #tpu.memory_space<vmem>>) target(%dma_start3A_243 : memref<80x128xf32, #tpu.memory_space<vmem_shared>>) target_semaphore(%run_scoped3A_235 : memref<!tpu.dma_semaphore, #tpu.memory_space<semaphore_mem>>)
      %dma_wait3A_248 = arith.constant 0 : i32
      %dma_wait3A_249 = arith.constant 0 : i32
      %dma_wait3A_250 = tpu.memref_slice %arg17[%run_scoped3A_107, %dma_wait3A_248, %dma_wait3A_249] : memref<3x80x128xf32, #tpu.memory_space<vmem>> -> memref<1x80x128xf32, #tpu.memory_space<vmem>>
      %dma_wait3A_251 = tpu.memref_squeeze %dma_wait3A_250 : memref<1x80x128xf32, #tpu.memory_space<vmem>> -> memref<80x128xf32, #tpu.memory_space<vmem>>
      %dma_wait3A_252 = arith.constant 0 : i32
      %dma_wait3A_253 = tpu.memref_slice %arg18[%add3A_106, %dma_wait3A_252] : memref<10000x128xf32, #tpu.memory_space<vmem_shared>> -> memref<80x128xf32, #tpu.memory_space<vmem_shared>>
      %dma_wait3A_254 = arith.constant 0 : i32
      %dma_wait3A_255 = tpu.memref_slice %arg18[%add3A_106, %dma_wait3A_254] : memref<10000x128xf32, #tpu.memory_space<vmem_shared>> -> memref<80x128xf32, #tpu.memory_space<vmem_shared>>
      %dma_wait3A_256 = arith.constant 0 : i32
      %dma_wait3A_257 = arith.constant 0 : i32
      %dma_wait3A_258 = tpu.memref_slice %arg17[%run_scoped3A_107, %dma_wait3A_256, %dma_wait3A_257] : memref<3x80x128xf32, #tpu.memory_space<vmem>> -> memref<1x80x128xf32, #tpu.memory_space<vmem>>
      %dma_wait3A_259 = tpu.memref_squeeze %dma_wait3A_258 : memref<1x80x128xf32, #tpu.memory_space<vmem>> -> memref<80x128xf32, #tpu.memory_space<vmem>>
      tpu.wait_dma2 semaphore(%run_scoped3A_235 : memref<!tpu.dma_semaphore, #tpu.memory_space<semaphore_mem>>) src(%dma_wait3A_259 : memref<80x128xf32, #tpu.memory_space<vmem>>) dst(%dma_wait3A_255 : memref<80x128xf32, #tpu.memory_space<vmem_shared>>)
      tpu.yield
    }) : () -> ()
    %add3A_108 = arith.constant 560 : i32
    %add3A_109 = arith.addi %mul3A_87, %add3A_108 : i32
    %run_scoped3A_110 = arith.constant 0 : i32
    "tpu.region"() ({
      %run_scoped3A_235 = tpu.sem_alloc : memref<!tpu.dma_semaphore, #tpu.memory_space<semaphore_mem>>
      %dma_start3A_236 = arith.constant 0 : i32
      %dma_start3A_237 = arith.constant 0 : i32
      %dma_start3A_238 = tpu.memref_slice %arg17[%run_scoped3A_110, %dma_start3A_236, %dma_start3A_237] : memref<3x80x128xf32, #tpu.memory_space<vmem>> -> memref<1x65x128xf32, #tpu.memory_space<vmem>>
      %dma_start3A_239 = tpu.memref_squeeze %dma_start3A_238 : memref<1x65x128xf32, #tpu.memory_space<vmem>> -> memref<65x128xf32, #tpu.memory_space<vmem>>
      %dma_start3A_240 = arith.constant 0 : i32
      %dma_start3A_241 = tpu.memref_slice %arg18[%add3A_109, %dma_start3A_240] : memref<10000x128xf32, #tpu.memory_space<vmem_shared>> -> memref<65x128xf32, #tpu.memory_space<vmem_shared>>
      %dma_start3A_242 = arith.constant 0 : i32
      %dma_start3A_243 = tpu.memref_slice %arg18[%add3A_109, %dma_start3A_242] : memref<10000x128xf32, #tpu.memory_space<vmem_shared>> -> memref<65x128xf32, #tpu.memory_space<vmem_shared>>
      %dma_start3A_244 = arith.constant 0 : i32
      %dma_start3A_245 = arith.constant 0 : i32
      %dma_start3A_246 = tpu.memref_slice %arg17[%run_scoped3A_110, %dma_start3A_244, %dma_start3A_245] : memref<3x80x128xf32, #tpu.memory_space<vmem>> -> memref<1x65x128xf32, #tpu.memory_space<vmem>>
      %dma_start3A_247 = tpu.memref_squeeze %dma_start3A_246 : memref<1x65x128xf32, #tpu.memory_space<vmem>> -> memref<65x128xf32, #tpu.memory_space<vmem>>
      tpu.enqueue_dma source(%dma_start3A_247 : memref<65x128xf32, #tpu.memory_space<vmem>>) target(%dma_start3A_243 : memref<65x128xf32, #tpu.memory_space<vmem_shared>>) target_semaphore(%run_scoped3A_235 : memref<!tpu.dma_semaphore, #tpu.memory_space<semaphore_mem>>)
      %dma_wait3A_248 = arith.constant 0 : i32
      %dma_wait3A_249 = arith.constant 0 : i32
      %dma_wait3A_250 = tpu.memref_slice %arg17[%run_scoped3A_110, %dma_wait3A_248, %dma_wait3A_249] : memref<3x80x128xf32, #tpu.memory_space<vmem>> -> memref<1x65x128xf32, #tpu.memory_space<vmem>>
      %dma_wait3A_251 = tpu.memref_squeeze %dma_wait3A_250 : memref<1x65x128xf32, #tpu.memory_space<vmem>> -> memref<65x128xf32, #tpu.memory_space<vmem>>
      %dma_wait3A_252 = arith.constant 0 : i32
      %dma_wait3A_253 = tpu.memref_slice %arg18[%add3A_109, %dma_wait3A_252] : memref<10000x128xf32, #tpu.memory_space<vmem_shared>> -> memref<65x128xf32, #tpu.memory_space<vmem_shared>>
      %dma_wait3A_254 = arith.constant 0 : i32
      %dma_wait3A_255 = tpu.memref_slice %arg18[%add3A_109, %dma_wait3A_254] : memref<10000x128xf32, #tpu.memory_space<vmem_shared>> -> memref<65x128xf32, #tpu.memory_space<vmem_shared>>
      %dma_wait3A_256 = arith.constant 0 : i32
      %dma_wait3A_257 = arith.constant 0 : i32
      %dma_wait3A_258 = tpu.memref_slice %arg17[%run_scoped3A_110, %dma_wait3A_256, %dma_wait3A_257] : memref<3x80x128xf32, #tpu.memory_space<vmem>> -> memref<1x65x128xf32, #tpu.memory_space<vmem>>
      %dma_wait3A_259 = tpu.memref_squeeze %dma_wait3A_258 : memref<1x65x128xf32, #tpu.memory_space<vmem>> -> memref<65x128xf32, #tpu.memory_space<vmem>>
      tpu.wait_dma2 semaphore(%run_scoped3A_235 : memref<!tpu.dma_semaphore, #tpu.memory_space<semaphore_mem>>) src(%dma_wait3A_259 : memref<65x128xf32, #tpu.memory_space<vmem>>) dst(%dma_wait3A_255 : memref<65x128xf32, #tpu.memory_space<vmem_shared>>)
      tpu.yield
    }) : () -> ()
    %eq3A_111 = arith.constant 0 : i32
    %eq3A_112 = arith.cmpi eq, %arg1, %eq3A_111 : i32
    %convert_element_type3A_113 = arith.extui %eq3A_112 : i1 to i32
    %cond3A_114 = arith.constant 0 : i32
    %cond3A_115 = arith.cmpi ne, %convert_element_type3A_113, %cond3A_114 : i32
    scf.if %cond3A_115 {
      %scan3A_235 = arith.constant 0 : i32
      %scan3A_236 = arith.constant 0 : i32
      %scan3A_237 = arith.constant 78 : i32
      %scan3A_238 = arith.addi %scan3A_236, %scan3A_237 : i32
      %scan3A_239 = arith.constant 1 : i32
      scf.for %scan3A_243 = %scan3A_236 to %scan3A_238 step %scan3A_239  : i32 {
        %mul3A_244 = arith.constant 128 : i32
        %mul3A_245 = arith.muli %scan3A_243, %mul3A_244 : i32
        %run_scoped3A_246 = arith.constant 0 : i32
        %run_scoped3A_247 = arith.constant 0 : i32
        "tpu.region"() ({
          %run_scoped3A_248 = tpu.sem_alloc : memref<!tpu.dma_semaphore, #tpu.memory_space<semaphore_mem>>
          %dma_start3A_249 = arith.constant 0 : i32
          %dma_start3A_250 = tpu.memref_slice %arg17[%run_scoped3A_246, %run_scoped3A_247, %dma_start3A_249] : memref<3x80x128xf32, #tpu.memory_space<vmem>> -> memref<1x1x128xf32, #tpu.memory_space<vmem>>
          %dma_start3A_251 = tpu.memref_squeeze %dma_start3A_250 : memref<1x1x128xf32, #tpu.memory_space<vmem>> -> memref<128xf32, #tpu.memory_space<vmem>>
          %dma_start3A_252 = tpu.memref_slice %arg19[%mul3A_245] : memref<10000xf32, #tpu.memory_space<vmem_shared>> -> memref<128xf32, #tpu.memory_space<vmem_shared>>
          %dma_start3A_253 = tpu.memref_slice %arg19[%mul3A_245] : memref<10000xf32, #tpu.memory_space<vmem_shared>> -> memref<128xf32, #tpu.memory_space<vmem_shared>>
          %dma_start3A_254 = arith.constant 0 : i32
          %dma_start3A_255 = tpu.memref_slice %arg17[%run_scoped3A_246, %run_scoped3A_247, %dma_start3A_254] : memref<3x80x128xf32, #tpu.memory_space<vmem>> -> memref<1x1x128xf32, #tpu.memory_space<vmem>>
          %dma_start3A_256 = tpu.memref_squeeze %dma_start3A_255 : memref<1x1x128xf32, #tpu.memory_space<vmem>> -> memref<128xf32, #tpu.memory_space<vmem>>
          tpu.enqueue_dma source(%dma_start3A_256 : memref<128xf32, #tpu.memory_space<vmem>>) target(%dma_start3A_253 : memref<128xf32, #tpu.memory_space<vmem_shared>>) target_semaphore(%run_scoped3A_248 : memref<!tpu.dma_semaphore, #tpu.memory_space<semaphore_mem>>)
          %dma_wait3A_257 = arith.constant 0 : i32
          %dma_wait3A_258 = tpu.memref_slice %arg17[%run_scoped3A_246, %run_scoped3A_247, %dma_wait3A_257] : memref<3x80x128xf32, #tpu.memory_space<vmem>> -> memref<1x1x128xf32, #tpu.memory_space<vmem>>
          %dma_wait3A_259 = tpu.memref_squeeze %dma_wait3A_258 : memref<1x1x128xf32, #tpu.memory_space<vmem>> -> memref<128xf32, #tpu.memory_space<vmem>>
          %dma_wait3A_260 = tpu.memref_slice %arg19[%mul3A_245] : memref<10000xf32, #tpu.memory_space<vmem_shared>> -> memref<128xf32, #tpu.memory_space<vmem_shared>>
          %dma_wait3A_261 = tpu.memref_slice %arg19[%mul3A_245] : memref<10000xf32, #tpu.memory_space<vmem_shared>> -> memref<128xf32, #tpu.memory_space<vmem_shared>>
          %dma_wait3A_262 = arith.constant 0 : i32
          %dma_wait3A_263 = tpu.memref_slice %arg17[%run_scoped3A_246, %run_scoped3A_247, %dma_wait3A_262] : memref<3x80x128xf32, #tpu.memory_space<vmem>> -> memref<1x1x128xf32, #tpu.memory_space<vmem>>
          %dma_wait3A_264 = tpu.memref_squeeze %dma_wait3A_263 : memref<1x1x128xf32, #tpu.memory_space<vmem>> -> memref<128xf32, #tpu.memory_space<vmem>>
          tpu.wait_dma2 semaphore(%run_scoped3A_248 : memref<!tpu.dma_semaphore, #tpu.memory_space<semaphore_mem>>) src(%dma_wait3A_264 : memref<128xf32, #tpu.memory_space<vmem>>) dst(%dma_wait3A_261 : memref<128xf32, #tpu.memory_space<vmem_shared>>)
          tpu.yield
        }) : () -> ()
      }
      %scan3A_240 = arith.constant 78 : i32
      %run_scoped3A_241 = arith.constant 0 : i32
      %run_scoped3A_242 = arith.constant 0 : i32
      "tpu.region"() ({
        %run_scoped3A_243 = tpu.sem_alloc : memref<!tpu.dma_semaphore, #tpu.memory_space<semaphore_mem>>
        %dma_start3A_244 = arith.constant 0 : i32
        %dma_start3A_245 = tpu.memref_slice %arg17[%run_scoped3A_241, %run_scoped3A_242, %dma_start3A_244] : memref<3x80x128xf32, #tpu.memory_space<vmem>> -> memref<1x1x16xf32, #tpu.memory_space<vmem>>
        %dma_start3A_246 = tpu.memref_squeeze %dma_start3A_245 : memref<1x1x16xf32, #tpu.memory_space<vmem>> -> memref<16xf32, #tpu.memory_space<vmem>>
        %dma_start3A_247 = arith.constant 9984 : i32
        %dma_start3A_248 = tpu.memref_slice %arg19[%dma_start3A_247] : memref<10000xf32, #tpu.memory_space<vmem_shared>> -> memref<16xf32, #tpu.memory_space<vmem_shared>>
        %dma_start3A_249 = arith.constant 9984 : i32
        %dma_start3A_250 = tpu.memref_slice %arg19[%dma_start3A_249] : memref<10000xf32, #tpu.memory_space<vmem_shared>> -> memref<16xf32, #tpu.memory_space<vmem_shared>>
        %dma_start3A_251 = arith.constant 0 : i32
        %dma_start3A_252 = tpu.memref_slice %arg17[%run_scoped3A_241, %run_scoped3A_242, %dma_start3A_251] : memref<3x80x128xf32, #tpu.memory_space<vmem>> -> memref<1x1x16xf32, #tpu.memory_space<vmem>>
        %dma_start3A_253 = tpu.memref_squeeze %dma_start3A_252 : memref<1x1x16xf32, #tpu.memory_space<vmem>> -> memref<16xf32, #tpu.memory_space<vmem>>
        tpu.enqueue_dma source(%dma_start3A_253 : memref<16xf32, #tpu.memory_space<vmem>>) target(%dma_start3A_250 : memref<16xf32, #tpu.memory_space<vmem_shared>>) target_semaphore(%run_scoped3A_243 : memref<!tpu.dma_semaphore, #tpu.memory_space<semaphore_mem>>)
        %dma_wait3A_254 = arith.constant 0 : i32
        %dma_wait3A_255 = tpu.memref_slice %arg17[%run_scoped3A_241, %run_scoped3A_242, %dma_wait3A_254] : memref<3x80x128xf32, #tpu.memory_space<vmem>> -> memref<1x1x16xf32, #tpu.memory_space<vmem>>
        %dma_wait3A_256 = tpu.memref_squeeze %dma_wait3A_255 : memref<1x1x16xf32, #tpu.memory_space<vmem>> -> memref<16xf32, #tpu.memory_space<vmem>>
        %dma_wait3A_257 = arith.constant 9984 : i32
        %dma_wait3A_258 = tpu.memref_slice %arg19[%dma_wait3A_257] : memref<10000xf32, #tpu.memory_space<vmem_shared>> -> memref<16xf32, #tpu.memory_space<vmem_shared>>
        %dma_wait3A_259 = arith.constant 9984 : i32
        %dma_wait3A_260 = tpu.memref_slice %arg19[%dma_wait3A_259] : memref<10000xf32, #tpu.memory_space<vmem_shared>> -> memref<16xf32, #tpu.memory_space<vmem_shared>>
        %dma_wait3A_261 = arith.constant 0 : i32
        %dma_wait3A_262 = tpu.memref_slice %arg17[%run_scoped3A_241, %run_scoped3A_242, %dma_wait3A_261] : memref<3x80x128xf32, #tpu.memory_space<vmem>> -> memref<1x1x16xf32, #tpu.memory_space<vmem>>
        %dma_wait3A_263 = tpu.memref_squeeze %dma_wait3A_262 : memref<1x1x16xf32, #tpu.memory_space<vmem>> -> memref<16xf32, #tpu.memory_space<vmem>>
        tpu.wait_dma2 semaphore(%run_scoped3A_243 : memref<!tpu.dma_semaphore, #tpu.memory_space<semaphore_mem>>) src(%dma_wait3A_263 : memref<16xf32, #tpu.memory_space<vmem>>) dst(%dma_wait3A_260 : memref<16xf32, #tpu.memory_space<vmem_shared>>)
        tpu.yield
      }) : () -> ()
    } else {
    }
    %barrier3A = arith.constant 0 : index
    tpu.barrier barrier_id(%barrier3A)
    %dma_start3A = arith.constant 0 : i32
    %dma_start3A_116 = arith.constant 0 : i32
    %dma_start3A_117 = arith.constant 0 : i32
    %dma_start3A_118 = tpu.memref_slice %arg17[%dma_start3A, %dma_start3A_116, %dma_start3A_117] : memref<3x80x128xf32, #tpu.memory_space<vmem>> -> memref<1x80x128xf32, #tpu.memory_space<vmem>>
    %dma_start3A_119 = tpu.memref_squeeze %dma_start3A_118 : memref<1x80x128xf32, #tpu.memory_space<vmem>> -> memref<80x128xf32, #tpu.memory_space<vmem>>
    %dma_start3A_120 = arith.constant 0 : i32
    %dma_start3A_121 = arith.constant 0 : i32
    %dma_start3A_122 = tpu.memref_slice %arg18[%dma_start3A_120, %dma_start3A_121] : memref<10000x128xf32, #tpu.memory_space<vmem_shared>> -> memref<10000x128xf32, #tpu.memory_space<vmem_shared>>
    tpu.enqueue_indirect_dma source(%dma_start3A_119 : memref<80x128xf32, #tpu.memory_space<vmem>>) target(%dma_start3A_122 : memref<10000x128xf32, #tpu.memory_space<vmem_shared>>) offsets(%arg14 : memref<80xi32, #tpu.memory_space<vmem>>) semaphore(%arg25 : memref<!tpu.dma_semaphore, #tpu.memory_space<semaphore_mem>>) {add = true}
    %dma_start3A_123 = arith.constant 1 : i32
    %dma_start3A_124 = arith.constant 0 : i32
    %dma_start3A_125 = arith.constant 0 : i32
    %dma_start3A_126 = tpu.memref_slice %arg17[%dma_start3A_123, %dma_start3A_124, %dma_start3A_125] : memref<3x80x128xf32, #tpu.memory_space<vmem>> -> memref<1x80x128xf32, #tpu.memory_space<vmem>>
    %dma_start3A_127 = tpu.memref_squeeze %dma_start3A_126 : memref<1x80x128xf32, #tpu.memory_space<vmem>> -> memref<80x128xf32, #tpu.memory_space<vmem>>
    %dma_start3A_128 = arith.constant 0 : i32
    %dma_start3A_129 = arith.constant 0 : i32
    %dma_start3A_130 = tpu.memref_slice %arg18[%dma_start3A_128, %dma_start3A_129] : memref<10000x128xf32, #tpu.memory_space<vmem_shared>> -> memref<10000x128xf32, #tpu.memory_space<vmem_shared>>
    tpu.enqueue_indirect_dma source(%dma_start3A_127 : memref<80x128xf32, #tpu.memory_space<vmem>>) target(%dma_start3A_130 : memref<10000x128xf32, #tpu.memory_space<vmem_shared>>) offsets(%arg14 : memref<80xi32, #tpu.memory_space<vmem>>) semaphore(%arg26 : memref<!tpu.dma_semaphore, #tpu.memory_space<semaphore_mem>>) {add = true}
    %dma_start3A_131 = arith.constant 2 : i32
    %dma_start3A_132 = arith.constant 0 : i32
    %dma_start3A_133 = arith.constant 0 : i32
    %dma_start3A_134 = tpu.memref_slice %arg17[%dma_start3A_131, %dma_start3A_132, %dma_start3A_133] : memref<3x80x128xf32, #tpu.memory_space<vmem>> -> memref<1x80x128xf32, #tpu.memory_space<vmem>>
    %dma_start3A_135 = tpu.memref_squeeze %dma_start3A_134 : memref<1x80x128xf32, #tpu.memory_space<vmem>> -> memref<80x128xf32, #tpu.memory_space<vmem>>
    %dma_start3A_136 = arith.constant 0 : i32
    %dma_start3A_137 = arith.constant 0 : i32
    %dma_start3A_138 = tpu.memref_slice %arg18[%dma_start3A_136, %dma_start3A_137] : memref<10000x128xf32, #tpu.memory_space<vmem_shared>> -> memref<10000x128xf32, #tpu.memory_space<vmem_shared>>
    tpu.enqueue_indirect_dma source(%dma_start3A_135 : memref<80x128xf32, #tpu.memory_space<vmem>>) target(%dma_start3A_138 : memref<10000x128xf32, #tpu.memory_space<vmem_shared>>) offsets(%arg14 : memref<80xi32, #tpu.memory_space<vmem>>) semaphore(%arg27 : memref<!tpu.dma_semaphore, #tpu.memory_space<semaphore_mem>>) {add = true}
    %dma_start3A_139 = arith.constant 0 : i32
    %dma_start3A_140 = arith.constant 0 : i32
    %dma_start3A_141 = tpu.memref_slice %arg13[%dma_start3A_139, %dma_start3A_140] : memref<2x80xf32, #tpu.memory_space<vmem>> -> memref<1x80xf32, #tpu.memory_space<vmem>>
    %dma_start3A_142 = tpu.memref_squeeze %dma_start3A_141 : memref<1x80xf32, #tpu.memory_space<vmem>> -> memref<80xf32, #tpu.memory_space<vmem>>
    %dma_start3A_143 = arith.constant 0 : i32
    %dma_start3A_144 = tpu.memref_slice %arg19[%dma_start3A_143] : memref<10000xf32, #tpu.memory_space<vmem_shared>> -> memref<10000xf32, #tpu.memory_space<vmem_shared>>
    tpu.enqueue_indirect_dma source(%dma_start3A_142 : memref<80xf32, #tpu.memory_space<vmem>>) target(%dma_start3A_144 : memref<10000xf32, #tpu.memory_space<vmem_shared>>) offsets(%arg14 : memref<80xi32, #tpu.memory_space<vmem>>) semaphore(%arg35 : memref<!tpu.dma_semaphore, #tpu.memory_space<semaphore_mem>>) {add = true}
    %dma_start3A_145 = arith.constant 1 : i32
    %dma_start3A_146 = arith.constant 0 : i32
    %dma_start3A_147 = tpu.memref_slice %arg13[%dma_start3A_145, %dma_start3A_146] : memref<2x80xf32, #tpu.memory_space<vmem>> -> memref<1x80xf32, #tpu.memory_space<vmem>>
    %dma_start3A_148 = tpu.memref_squeeze %dma_start3A_147 : memref<1x80xf32, #tpu.memory_space<vmem>> -> memref<80xf32, #tpu.memory_space<vmem>>
    %dma_start3A_149 = arith.constant 0 : i32
    %dma_start3A_150 = tpu.memref_slice %arg19[%dma_start3A_149] : memref<10000xf32, #tpu.memory_space<vmem_shared>> -> memref<10000xf32, #tpu.memory_space<vmem_shared>>
    tpu.enqueue_indirect_dma source(%dma_start3A_148 : memref<80xf32, #tpu.memory_space<vmem>>) target(%dma_start3A_150 : memref<10000xf32, #tpu.memory_space<vmem_shared>>) offsets(%arg14 : memref<80xi32, #tpu.memory_space<vmem>>) semaphore(%arg36 : memref<!tpu.dma_semaphore, #tpu.memory_space<semaphore_mem>>) {add = true}
    %dma_start3A_151 = arith.constant 0 : i32
    %dma_start3A_152 = arith.constant 0 : i32
    %dma_start3A_153 = arith.constant 0 : i32
    %dma_start3A_154 = arith.constant 0 : i32
    %dma_start3A_155 = tpu.memref_slice %arg11[%dma_start3A_152, %dma_start3A_153, %dma_start3A_154] : memref<2x5x80xi32, #tpu.memory_space<vmem>> -> memref<1x5x80xi32, #tpu.memory_space<vmem>>
    %dma_start3A_156 = tpu.memref_squeeze %dma_start3A_155 : memref<1x5x80xi32, #tpu.memory_space<vmem>> -> memref<5x80xi32, #tpu.memory_space<vmem>>
    %dma_start3A_157 = arith.constant 0 : i32
    %dma_start3A_158 = arith.constant 0 : i32
    %dma_start3A_159 = tpu.memref_slice %arg3[%add3A, %dma_start3A_151, %dma_start3A_157, %dma_start3A_158] : memref<32x25x5x80xi32, #tpu.memory_space<hbm>> -> memref<1x1x5x80xi32, #tpu.memory_space<hbm>>
    %dma_start3A_160 = tpu.memref_squeeze %dma_start3A_159 : memref<1x1x5x80xi32, #tpu.memory_space<hbm>> -> memref<5x80xi32, #tpu.memory_space<hbm>>
    %dma_start3A_161 = arith.constant 0 : i32
    %dma_start3A_162 = arith.constant 0 : i32
    %dma_start3A_163 = tpu.memref_slice %arg11[%dma_start3A_152, %dma_start3A_161, %dma_start3A_162] : memref<2x5x80xi32, #tpu.memory_space<vmem>> -> memref<1x5x80xi32, #tpu.memory_space<vmem>>
    %dma_start3A_164 = tpu.memref_squeeze %dma_start3A_163 : memref<1x5x80xi32, #tpu.memory_space<vmem>> -> memref<5x80xi32, #tpu.memory_space<vmem>>
    %dma_start3A_165 = arith.constant 0 : i32
    %dma_start3A_166 = arith.constant 0 : i32
    %dma_start3A_167 = tpu.memref_slice %arg3[%add3A, %dma_start3A_151, %dma_start3A_165, %dma_start3A_166] : memref<32x25x5x80xi32, #tpu.memory_space<hbm>> -> memref<1x1x5x80xi32, #tpu.memory_space<hbm>>
    %dma_start3A_168 = tpu.memref_squeeze %dma_start3A_167 : memref<1x1x5x80xi32, #tpu.memory_space<hbm>> -> memref<5x80xi32, #tpu.memory_space<hbm>>
    tpu.enqueue_dma source(%dma_start3A_168 : memref<5x80xi32, #tpu.memory_space<hbm>>) target(%dma_start3A_164 : memref<5x80xi32, #tpu.memory_space<vmem>>) target_semaphore(%arg34 : memref<!tpu.dma_semaphore, #tpu.memory_space<semaphore_mem>>)
    %dma_start3A_169 = arith.constant 0 : i32
    %dma_start3A_170 = arith.constant 0 : i32
    %dma_start3A_171 = arith.constant 0 : i32
    %dma_start3A_172 = arith.constant 0 : i32
    %dma_start3A_173 = tpu.memref_slice %arg12[%dma_start3A_170, %dma_start3A_171, %dma_start3A_172] : memref<2x5x80xi32, #tpu.memory_space<vmem>> -> memref<1x5x80xi32, #tpu.memory_space<vmem>>
    %dma_start3A_174 = tpu.memref_squeeze %dma_start3A_173 : memref<1x5x80xi32, #tpu.memory_space<vmem>> -> memref<5x80xi32, #tpu.memory_space<vmem>>
    %dma_start3A_175 = arith.constant 0 : i32
    %dma_start3A_176 = arith.constant 0 : i32
    %dma_start3A_177 = tpu.memref_slice %arg4[%add3A, %dma_start3A_169, %dma_start3A_175, %dma_start3A_176] : memref<32x25x5x80xi32, #tpu.memory_space<hbm>> -> memref<1x1x5x80xi32, #tpu.memory_space<hbm>>
    %dma_start3A_178 = tpu.memref_squeeze %dma_start3A_177 : memref<1x1x5x80xi32, #tpu.memory_space<hbm>> -> memref<5x80xi32, #tpu.memory_space<hbm>>
    %dma_start3A_179 = arith.constant 0 : i32
    %dma_start3A_180 = arith.constant 0 : i32
    %dma_start3A_181 = tpu.memref_slice %arg12[%dma_start3A_170, %dma_start3A_179, %dma_start3A_180] : memref<2x5x80xi32, #tpu.memory_space<vmem>> -> memref<1x5x80xi32, #tpu.memory_space<vmem>>
    %dma_start3A_182 = tpu.memref_squeeze %dma_start3A_181 : memref<1x5x80xi32, #tpu.memory_space<vmem>> -> memref<5x80xi32, #tpu.memory_space<vmem>>
    %dma_start3A_183 = arith.constant 0 : i32
    %dma_start3A_184 = arith.constant 0 : i32
    %dma_start3A_185 = tpu.memref_slice %arg4[%add3A, %dma_start3A_169, %dma_start3A_183, %dma_start3A_184] : memref<32x25x5x80xi32, #tpu.memory_space<hbm>> -> memref<1x1x5x80xi32, #tpu.memory_space<hbm>>
    %dma_start3A_186 = tpu.memref_squeeze %dma_start3A_185 : memref<1x1x5x80xi32, #tpu.memory_space<hbm>> -> memref<5x80xi32, #tpu.memory_space<hbm>>
    tpu.enqueue_dma source(%dma_start3A_186 : memref<5x80xi32, #tpu.memory_space<hbm>>) target(%dma_start3A_182 : memref<5x80xi32, #tpu.memory_space<vmem>>) target_semaphore(%arg34 : memref<!tpu.dma_semaphore, #tpu.memory_space<semaphore_mem>>)
    %get3A = arith.constant 0 : index
    %get3A_187 = tpu.vector_load %arg10[%get3A] {strides = array<i32>} : memref<16xf32, #tpu.memory_space<vmem>>, vector<16xf32>,
    %scan3A_188 = arith.constant 0 : i32
    %scan3A_189 = arith.constant 0 : i32
    %scan3A_190 = arith.constant 25 : i32
    %scan3A_191 = arith.addi %scan3A_189, %scan3A_190 : i32
    %scan3A_192 = arith.constant 1 : i32
    scf.for %scan3A_235 = %scan3A_189 to %scan3A_191 step %scan3A_192  : i32 {
      %jit3A = arith.constant 2 : i32
      %eq3A_236 = arith.constant 0 : i32
      %eq3A_237 = arith.cmpi eq, %jit3A, %eq3A_236 : i32
      %jit3A_238 = arith.constant 1 : i32
      %select_n3A = arith.select %eq3A_237, %jit3A_238, %jit3A : i32
      %rem3A = arith.remsi %scan3A_235, %select_n3A : i32
      %ne3A = arith.constant 0 : i32
      %ne3A_239 = arith.cmpi ne, %rem3A, %ne3A : i32
      %lt3A = arith.constant 0 : i32
      %lt3A_240 = arith.cmpi slt, %rem3A, %lt3A : i32
      %lt3A_241 = arith.constant 0 : i32
      %lt3A_242 = arith.cmpi slt, %select_n3A, %lt3A_241 : i32
      %ne3A_243 = arith.xori %lt3A_240, %lt3A_242 : i1
      %and3A = arith.andi %ne3A_243, %ne3A_239 : i1
      %add3A_244 = arith.addi %rem3A, %select_n3A : i32
      %select_n3A_245 = arith.select %and3A, %add3A_244, %rem3A : i32
      %dma_wait3A_246 = arith.constant 0 : i32
      %dma_wait3A_247 = arith.constant 0 : i32
      %dma_wait3A_248 = tpu.memref_slice %arg11[%select_n3A_245, %dma_wait3A_246, %dma_wait3A_247] : memref<2x5x80xi32, #tpu.memory_space<vmem>> -> memref<1x5x80xi32, #tpu.memory_space<vmem>>
      %dma_wait3A_249 = tpu.memref_squeeze %dma_wait3A_248 : memref<1x5x80xi32, #tpu.memory_space<vmem>> -> memref<5x80xi32, #tpu.memory_space<vmem>>
      %dma_wait3A_250 = arith.constant 0 : i32
      %dma_wait3A_251 = arith.constant 0 : i32
      %dma_wait3A_252 = tpu.memref_slice %arg3[%add3A, %scan3A_235, %dma_wait3A_250, %dma_wait3A_251] : memref<32x25x5x80xi32, #tpu.memory_space<hbm>> -> memref<1x1x5x80xi32, #tpu.memory_space<hbm>>
      %dma_wait3A_253 = tpu.memref_squeeze %dma_wait3A_252 : memref<1x1x5x80xi32, #tpu.memory_space<hbm>> -> memref<5x80xi32, #tpu.memory_space<hbm>>
      %dma_wait3A_254 = arith.constant 0 : i32
      %dma_wait3A_255 = arith.constant 0 : i32
      %dma_wait3A_256 = tpu.memref_slice %arg11[%select_n3A_245, %dma_wait3A_254, %dma_wait3A_255] : memref<2x5x80xi32, #tpu.memory_space<vmem>> -> memref<1x5x80xi32, #tpu.memory_space<vmem>>
      %dma_wait3A_257 = tpu.memref_squeeze %dma_wait3A_256 : memref<1x5x80xi32, #tpu.memory_space<vmem>> -> memref<5x80xi32, #tpu.memory_space<vmem>>
      %dma_wait3A_258 = arith.constant 0 : i32
      %dma_wait3A_259 = arith.constant 0 : i32
      %dma_wait3A_260 = tpu.memref_slice %arg3[%add3A, %scan3A_235, %dma_wait3A_258, %dma_wait3A_259] : memref<32x25x5x80xi32, #tpu.memory_space<hbm>> -> memref<1x1x5x80xi32, #tpu.memory_space<hbm>>
      %dma_wait3A_261 = tpu.memref_squeeze %dma_wait3A_260 : memref<1x1x5x80xi32, #tpu.memory_space<hbm>> -> memref<5x80xi32, #tpu.memory_space<hbm>>
      tpu.wait_dma2 semaphore(%arg34 : memref<!tpu.dma_semaphore, #tpu.memory_space<semaphore_mem>>) src(%dma_wait3A_261 : memref<5x80xi32, #tpu.memory_space<hbm>>) dst(%dma_wait3A_257 : memref<5x80xi32, #tpu.memory_space<vmem>>)
      %dma_wait3A_262 = arith.constant 0 : i32
      %dma_wait3A_263 = arith.constant 0 : i32
      %dma_wait3A_264 = tpu.memref_slice %arg12[%select_n3A_245, %dma_wait3A_262, %dma_wait3A_263] : memref<2x5x80xi32, #tpu.memory_space<vmem>> -> memref<1x5x80xi32, #tpu.memory_space<vmem>>
      %dma_wait3A_265 = tpu.memref_squeeze %dma_wait3A_264 : memref<1x5x80xi32, #tpu.memory_space<vmem>> -> memref<5x80xi32, #tpu.memory_space<vmem>>
      %dma_wait3A_266 = arith.constant 0 : i32
      %dma_wait3A_267 = arith.constant 0 : i32
      %dma_wait3A_268 = tpu.memref_slice %arg4[%add3A, %scan3A_235, %dma_wait3A_266, %dma_wait3A_267] : memref<32x25x5x80xi32, #tpu.memory_space<hbm>> -> memref<1x1x5x80xi32, #tpu.memory_space<hbm>>
      %dma_wait3A_269 = tpu.memref_squeeze %dma_wait3A_268 : memref<1x1x5x80xi32, #tpu.memory_space<hbm>> -> memref<5x80xi32, #tpu.memory_space<hbm>>
      %dma_wait3A_270 = arith.constant 0 : i32
      %dma_wait3A_271 = arith.constant 0 : i32
      %dma_wait3A_272 = tpu.memref_slice %arg12[%select_n3A_245, %dma_wait3A_270, %dma_wait3A_271] : memref<2x5x80xi32, #tpu.memory_space<vmem>> -> memref<1x5x80xi32, #tpu.memory_space<vmem>>
      %dma_wait3A_273 = tpu.memref_squeeze %dma_wait3A_272 : memref<1x5x80xi32, #tpu.memory_space<vmem>> -> memref<5x80xi32, #tpu.memory_space<vmem>>
      %dma_wait3A_274 = arith.constant 0 : i32
      %dma_wait3A_275 = arith.constant 0 : i32
      %dma_wait3A_276 = tpu.memref_slice %arg4[%add3A, %scan3A_235, %dma_wait3A_274, %dma_wait3A_275] : memref<32x25x5x80xi32, #tpu.memory_space<hbm>> -> memref<1x1x5x80xi32, #tpu.memory_space<hbm>>
      %dma_wait3A_277 = tpu.memref_squeeze %dma_wait3A_276 : memref<1x1x5x80xi32, #tpu.memory_space<hbm>> -> memref<5x80xi32, #tpu.memory_space<hbm>>
      tpu.wait_dma2 semaphore(%arg34 : memref<!tpu.dma_semaphore, #tpu.memory_space<semaphore_mem>>) src(%dma_wait3A_277 : memref<5x80xi32, #tpu.memory_space<hbm>>) dst(%dma_wait3A_273 : memref<5x80xi32, #tpu.memory_space<vmem>>)
      %dma_wait3A_278 = arith.constant 0 : i32
      %dma_wait3A_279 = arith.constant 0 : i32
      %dma_wait3A_280 = arith.constant 0 : i32
      %dma_wait3A_281 = tpu.memref_slice %arg17[%dma_wait3A_278, %dma_wait3A_279, %dma_wait3A_280] : memref<3x80x128xf32, #tpu.memory_space<vmem>> -> memref<1x80x128xf32, #tpu.memory_space<vmem>>
      %dma_wait3A_282 = tpu.memref_squeeze %dma_wait3A_281 : memref<1x80x128xf32, #tpu.memory_space<vmem>> -> memref<80x128xf32, #tpu.memory_space<vmem>>
      %dma_wait3A_283 = arith.constant 0 : i32
      %dma_wait3A_284 = arith.constant 0 : i32
      %dma_wait3A_285 = tpu.memref_slice %arg18[%dma_wait3A_283, %dma_wait3A_284] : memref<10000x128xf32, #tpu.memory_space<vmem_shared>> -> memref<10000x128xf32, #tpu.memory_space<vmem_shared>>
      tpu.wait_indirect_dma semaphore(%arg25 : memref<!tpu.dma_semaphore, #tpu.memory_space<semaphore_mem>>) src(%dma_wait3A_282 : memref<80x128xf32, #tpu.memory_space<vmem>>) dst(%dma_wait3A_285 : memref<10000x128xf32, #tpu.memory_space<vmem_shared>>)
      %dma_start3A_286 = arith.constant 0 : i32
      %dma_start3A_287 = arith.constant 0 : i32
      %dma_start3A_288 = arith.constant 0 : i32
      %dma_start3A_289 = tpu.memref_slice %arg15[%dma_start3A_287, %dma_start3A_288] : memref<3x80xf32, #tpu.memory_space<vmem>> -> memref<1x80xf32, #tpu.memory_space<vmem>>
      %dma_start3A_290 = tpu.memref_squeeze %dma_start3A_289 : memref<1x80xf32, #tpu.memory_space<vmem>> -> memref<80xf32, #tpu.memory_space<vmem>>
      %dma_start3A_291 = arith.constant 0 : i32
      %dma_start3A_292 = tpu.memref_slice %arg11[%select_n3A_245, %dma_start3A_286, %dma_start3A_291] : memref<2x5x80xi32, #tpu.memory_space<vmem>> -> memref<1x1x80xi32, #tpu.memory_space<vmem>>
      %dma_start3A_293 = tpu.memref_squeeze %dma_start3A_292 : memref<1x1x80xi32, #tpu.memory_space<vmem>> -> memref<80xi32, #tpu.memory_space<vmem>>
      %dma_start3A_294 = arith.constant 0 : i32
      %dma_start3A_295 = tpu.memref_slice %arg20[%dma_start3A_294] : memref<10000xf32, #tpu.memory_space<vmem_shared>> -> memref<10000xf32, #tpu.memory_space<vmem_shared>>
      tpu.enqueue_indirect_dma source(%dma_start3A_295 : memref<10000xf32, #tpu.memory_space<vmem_shared>>) target(%dma_start3A_290 : memref<80xf32, #tpu.memory_space<vmem>>) offsets(%dma_start3A_293 : memref<80xi32, #tpu.memory_space<vmem>>) semaphore(%arg28 : memref<!tpu.dma_semaphore, #tpu.memory_space<semaphore_mem>>)
      %dma_start3A_296 = arith.constant 0 : i32
      %dma_start3A_297 = arith.constant 0 : i32
      %dma_start3A_298 = arith.constant 0 : i32
      %dma_start3A_299 = tpu.memref_slice %arg16[%dma_start3A_297, %dma_start3A_298] : memref<3x80xf32, #tpu.memory_space<vmem>> -> memref<1x80xf32, #tpu.memory_space<vmem>>
      %dma_start3A_300 = tpu.memref_squeeze %dma_start3A_299 : memref<1x80xf32, #tpu.memory_space<vmem>> -> memref<80xf32, #tpu.memory_space<vmem>>
      %dma_start3A_301 = arith.constant 0 : i32
      %dma_start3A_302 = tpu.memref_slice %arg12[%select_n3A_245, %dma_start3A_296, %dma_start3A_301] : memref<2x5x80xi32, #tpu.memory_space<vmem>> -> memref<1x1x80xi32, #tpu.memory_space<vmem>>
      %dma_start3A_303 = tpu.memref_squeeze %dma_start3A_302 : memref<1x1x80xi32, #tpu.memory_space<vmem>> -> memref<80xi32, #tpu.memory_space<vmem>>
      %dma_start3A_304 = arith.constant 0 : i32
      %dma_start3A_305 = tpu.memref_slice %arg21[%dma_start3A_304] : memref<10000xf32, #tpu.memory_space<vmem_shared>> -> memref<10000xf32, #tpu.memory_space<vmem_shared>>
      tpu.enqueue_indirect_dma source(%dma_start3A_305 : memref<10000xf32, #tpu.memory_space<vmem_shared>>) target(%dma_start3A_300 : memref<80xf32, #tpu.memory_space<vmem>>) offsets(%dma_start3A_303 : memref<80xi32, #tpu.memory_space<vmem>>) semaphore(%arg31 : memref<!tpu.dma_semaphore, #tpu.memory_space<semaphore_mem>>)
      %dma_start3A_306 = arith.constant 0 : i32
      %dma_start3A_307 = arith.constant 0 : i32
      %dma_start3A_308 = arith.constant 0 : i32
      %dma_start3A_309 = arith.constant 0 : i32
      %dma_start3A_310 = tpu.memref_slice %arg17[%dma_start3A_307, %dma_start3A_308, %dma_start3A_309] : memref<3x80x128xf32, #tpu.memory_space<vmem>> -> memref<1x80x128xf32, #tpu.memory_space<vmem>>
      %dma_start3A_311 = tpu.memref_squeeze %dma_start3A_310 : memref<1x80x128xf32, #tpu.memory_space<vmem>> -> memref<80x128xf32, #tpu.memory_space<vmem>>
      %dma_start3A_312 = arith.constant 0 : i32
      %dma_start3A_313 = tpu.memref_slice %arg12[%select_n3A_245, %dma_start3A_306, %dma_start3A_312] : memref<2x5x80xi32, #tpu.memory_space<vmem>> -> memref<1x1x80xi32, #tpu.memory_space<vmem>>
      %dma_start3A_314 = tpu.memref_squeeze %dma_start3A_313 : memref<1x1x80xi32, #tpu.memory_space<vmem>> -> memref<80xi32, #tpu.memory_space<vmem>>
      %dma_start3A_315 = arith.constant 0 : i32
      %dma_start3A_316 = arith.constant 0 : i32
      %dma_start3A_317 = tpu.memref_slice %arg2[%dma_start3A_315, %dma_start3A_316] : memref<10000x128xf32, #tpu.memory_space<hbm>> -> memref<10000x128xf32, #tpu.memory_space<hbm>>
      tpu.enqueue_indirect_dma source(%dma_start3A_317 : memref<10000x128xf32, #tpu.memory_space<hbm>>) target(%dma_start3A_311 : memref<80x128xf32, #tpu.memory_space<vmem>>) offsets(%dma_start3A_314 : memref<80xi32, #tpu.memory_space<vmem>>) semaphore(%arg22 : memref<!tpu.dma_semaphore, #tpu.memory_space<semaphore_mem>>)
      %dma_wait3A_318 = arith.constant 1 : i32
      %dma_wait3A_319 = arith.constant 0 : i32
      %dma_wait3A_320 = arith.constant 0 : i32
      %dma_wait3A_321 = tpu.memref_slice %arg17[%dma_wait3A_318, %dma_wait3A_319, %dma_wait3A_320] : memref<3x80x128xf32, #tpu.memory_space<vmem>> -> memref<1x80x128xf32, #tpu.memory_space<vmem>>
      %dma_wait3A_322 = tpu.memref_squeeze %dma_wait3A_321 : memref<1x80x128xf32, #tpu.memory_space<vmem>> -> memref<80x128xf32, #tpu.memory_space<vmem>>
      %dma_wait3A_323 = arith.constant 0 : i32
      %dma_wait3A_324 = arith.constant 0 : i32
      %dma_wait3A_325 = tpu.memref_slice %arg18[%dma_wait3A_323, %dma_wait3A_324] : memref<10000x128xf32, #tpu.memory_space<vmem_shared>> -> memref<10000x128xf32, #tpu.memory_space<vmem_shared>>
      tpu.wait_indirect_dma semaphore(%arg26 : memref<!tpu.dma_semaphore, #tpu.memory_space<semaphore_mem>>) src(%dma_wait3A_322 : memref<80x128xf32, #tpu.memory_space<vmem>>) dst(%dma_wait3A_325 : memref<10000x128xf32, #tpu.memory_space<vmem_shared>>)
      %dma_start3A_326 = arith.constant 1 : i32
      %dma_start3A_327 = arith.constant 1 : i32
      %dma_start3A_328 = arith.constant 0 : i32
      %dma_start3A_329 = tpu.memref_slice %arg15[%dma_start3A_327, %dma_start3A_328] : memref<3x80xf32, #tpu.memory_space<vmem>> -> memref<1x80xf32, #tpu.memory_space<vmem>>
      %dma_start3A_330 = tpu.memref_squeeze %dma_start3A_329 : memref<1x80xf32, #tpu.memory_space<vmem>> -> memref<80xf32, #tpu.memory_space<vmem>>
      %dma_start3A_331 = arith.constant 0 : i32
      %dma_start3A_332 = tpu.memref_slice %arg11[%select_n3A_245, %dma_start3A_326, %dma_start3A_331] : memref<2x5x80xi32, #tpu.memory_space<vmem>> -> memref<1x1x80xi32, #tpu.memory_space<vmem>>
      %dma_start3A_333 = tpu.memref_squeeze %dma_start3A_332 : memref<1x1x80xi32, #tpu.memory_space<vmem>> -> memref<80xi32, #tpu.memory_space<vmem>>
      %dma_start3A_334 = arith.constant 0 : i32
      %dma_start3A_335 = tpu.memref_slice %arg20[%dma_start3A_334] : memref<10000xf32, #tpu.memory_space<vmem_shared>> -> memref<10000xf32, #tpu.memory_space<vmem_shared>>
      tpu.enqueue_indirect_dma source(%dma_start3A_335 : memref<10000xf32, #tpu.memory_space<vmem_shared>>) target(%dma_start3A_330 : memref<80xf32, #tpu.memory_space<vmem>>) offsets(%dma_start3A_333 : memref<80xi32, #tpu.memory_space<vmem>>) semaphore(%arg29 : memref<!tpu.dma_semaphore, #tpu.memory_space<semaphore_mem>>)
      %dma_start3A_336 = arith.constant 1 : i32
      %dma_start3A_337 = arith.constant 1 : i32
      %dma_start3A_338 = arith.constant 0 : i32
      %dma_start3A_339 = tpu.memref_slice %arg16[%dma_start3A_337, %dma_start3A_338] : memref<3x80xf32, #tpu.memory_space<vmem>> -> memref<1x80xf32, #tpu.memory_space<vmem>>
      %dma_start3A_340 = tpu.memref_squeeze %dma_start3A_339 : memref<1x80xf32, #tpu.memory_space<vmem>> -> memref<80xf32, #tpu.memory_space<vmem>>
      %dma_start3A_341 = arith.constant 0 : i32
      %dma_start3A_342 = tpu.memref_slice %arg12[%select_n3A_245, %dma_start3A_336, %dma_start3A_341] : memref<2x5x80xi32, #tpu.memory_space<vmem>> -> memref<1x1x80xi32, #tpu.memory_space<vmem>>
      %dma_start3A_343 = tpu.memref_squeeze %dma_start3A_342 : memref<1x1x80xi32, #tpu.memory_space<vmem>> -> memref<80xi32, #tpu.memory_space<vmem>>
      %dma_start3A_344 = arith.constant 0 : i32
      %dma_start3A_345 = tpu.memref_slice %arg21[%dma_start3A_344] : memref<10000xf32, #tpu.memory_space<vmem_shared>> -> memref<10000xf32, #tpu.memory_space<vmem_shared>>
      tpu.enqueue_indirect_dma source(%dma_start3A_345 : memref<10000xf32, #tpu.memory_space<vmem_shared>>) target(%dma_start3A_340 : memref<80xf32, #tpu.memory_space<vmem>>) offsets(%dma_start3A_343 : memref<80xi32, #tpu.memory_space<vmem>>) semaphore(%arg32 : memref<!tpu.dma_semaphore, #tpu.memory_space<semaphore_mem>>)
      %dma_start3A_346 = arith.constant 1 : i32
      %dma_start3A_347 = arith.constant 1 : i32
      %dma_start3A_348 = arith.constant 0 : i32
      %dma_start3A_349 = arith.constant 0 : i32
      %dma_start3A_350 = tpu.memref_slice %arg17[%dma_start3A_347, %dma_start3A_348, %dma_start3A_349] : memref<3x80x128xf32, #tpu.memory_space<vmem>> -> memref<1x80x128xf32, #tpu.memory_space<vmem>>
      %dma_start3A_351 = tpu.memref_squeeze %dma_start3A_350 : memref<1x80x128xf32, #tpu.memory_space<vmem>> -> memref<80x128xf32, #tpu.memory_space<vmem>>
      %dma_start3A_352 = arith.constant 0 : i32
      %dma_start3A_353 = tpu.memref_slice %arg12[%select_n3A_245, %dma_start3A_346, %dma_start3A_352] : memref<2x5x80xi32, #tpu.memory_space<vmem>> -> memref<1x1x80xi32, #tpu.memory_space<vmem>>
      %dma_start3A_354 = tpu.memref_squeeze %dma_start3A_353 : memref<1x1x80xi32, #tpu.memory_space<vmem>> -> memref<80xi32, #tpu.memory_space<vmem>>
      %dma_start3A_355 = arith.constant 0 : i32
      %dma_start3A_356 = arith.constant 0 : i32
      %dma_start3A_357 = tpu.memref_slice %arg2[%dma_start3A_355, %dma_start3A_356] : memref<10000x128xf32, #tpu.memory_space<hbm>> -> memref<10000x128xf32, #tpu.memory_space<hbm>>
      tpu.enqueue_indirect_dma source(%dma_start3A_357 : memref<10000x128xf32, #tpu.memory_space<hbm>>) target(%dma_start3A_351 : memref<80x128xf32, #tpu.memory_space<vmem>>) offsets(%dma_start3A_354 : memref<80xi32, #tpu.memory_space<vmem>>) semaphore(%arg23 : memref<!tpu.dma_semaphore, #tpu.memory_space<semaphore_mem>>)
      %dma_wait3A_358 = arith.constant 2 : i32
      %dma_wait3A_359 = arith.constant 0 : i32
      %dma_wait3A_360 = arith.constant 0 : i32
      %dma_wait3A_361 = tpu.memref_slice %arg17[%dma_wait3A_358, %dma_wait3A_359, %dma_wait3A_360] : memref<3x80x128xf32, #tpu.memory_space<vmem>> -> memref<1x80x128xf32, #tpu.memory_space<vmem>>
      %dma_wait3A_362 = tpu.memref_squeeze %dma_wait3A_361 : memref<1x80x128xf32, #tpu.memory_space<vmem>> -> memref<80x128xf32, #tpu.memory_space<vmem>>
      %dma_wait3A_363 = arith.constant 0 : i32
      %dma_wait3A_364 = arith.constant 0 : i32
      %dma_wait3A_365 = tpu.memref_slice %arg18[%dma_wait3A_363, %dma_wait3A_364] : memref<10000x128xf32, #tpu.memory_space<vmem_shared>> -> memref<10000x128xf32, #tpu.memory_space<vmem_shared>>
      tpu.wait_indirect_dma semaphore(%arg27 : memref<!tpu.dma_semaphore, #tpu.memory_space<semaphore_mem>>) src(%dma_wait3A_362 : memref<80x128xf32, #tpu.memory_space<vmem>>) dst(%dma_wait3A_365 : memref<10000x128xf32, #tpu.memory_space<vmem_shared>>)
      %dma_start3A_366 = arith.constant 2 : i32
      %dma_start3A_367 = arith.constant 2 : i32
      %dma_start3A_368 = arith.constant 0 : i32
      %dma_start3A_369 = tpu.memref_slice %arg15[%dma_start3A_367, %dma_start3A_368] : memref<3x80xf32, #tpu.memory_space<vmem>> -> memref<1x80xf32, #tpu.memory_space<vmem>>
      %dma_start3A_370 = tpu.memref_squeeze %dma_start3A_369 : memref<1x80xf32, #tpu.memory_space<vmem>> -> memref<80xf32, #tpu.memory_space<vmem>>
      %dma_start3A_371 = arith.constant 0 : i32
      %dma_start3A_372 = tpu.memref_slice %arg11[%select_n3A_245, %dma_start3A_366, %dma_start3A_371] : memref<2x5x80xi32, #tpu.memory_space<vmem>> -> memref<1x1x80xi32, #tpu.memory_space<vmem>>
      %dma_start3A_373 = tpu.memref_squeeze %dma_start3A_372 : memref<1x1x80xi32, #tpu.memory_space<vmem>> -> memref<80xi32, #tpu.memory_space<vmem>>
      %dma_start3A_374 = arith.constant 0 : i32
      %dma_start3A_375 = tpu.memref_slice %arg20[%dma_start3A_374] : memref<10000xf32, #tpu.memory_space<vmem_shared>> -> memref<10000xf32, #tpu.memory_space<vmem_shared>>
      tpu.enqueue_indirect_dma source(%dma_start3A_375 : memref<10000xf32, #tpu.memory_space<vmem_shared>>) target(%dma_start3A_370 : memref<80xf32, #tpu.memory_space<vmem>>) offsets(%dma_start3A_373 : memref<80xi32, #tpu.memory_space<vmem>>) semaphore(%arg30 : memref<!tpu.dma_semaphore, #tpu.memory_space<semaphore_mem>>)
      %dma_start3A_376 = arith.constant 2 : i32
      %dma_start3A_377 = arith.constant 2 : i32
      %dma_start3A_378 = arith.constant 0 : i32
      %dma_start3A_379 = tpu.memref_slice %arg16[%dma_start3A_377, %dma_start3A_378] : memref<3x80xf32, #tpu.memory_space<vmem>> -> memref<1x80xf32, #tpu.memory_space<vmem>>
      %dma_start3A_380 = tpu.memref_squeeze %dma_start3A_379 : memref<1x80xf32, #tpu.memory_space<vmem>> -> memref<80xf32, #tpu.memory_space<vmem>>
      %dma_start3A_381 = arith.constant 0 : i32
      %dma_start3A_382 = tpu.memref_slice %arg12[%select_n3A_245, %dma_start3A_376, %dma_start3A_381] : memref<2x5x80xi32, #tpu.memory_space<vmem>> -> memref<1x1x80xi32, #tpu.memory_space<vmem>>
      %dma_start3A_383 = tpu.memref_squeeze %dma_start3A_382 : memref<1x1x80xi32, #tpu.memory_space<vmem>> -> memref<80xi32, #tpu.memory_space<vmem>>
      %dma_start3A_384 = arith.constant 0 : i32
      %dma_start3A_385 = tpu.memref_slice %arg21[%dma_start3A_384] : memref<10000xf32, #tpu.memory_space<vmem_shared>> -> memref<10000xf32, #tpu.memory_space<vmem_shared>>
      tpu.enqueue_indirect_dma source(%dma_start3A_385 : memref<10000xf32, #tpu.memory_space<vmem_shared>>) target(%dma_start3A_380 : memref<80xf32, #tpu.memory_space<vmem>>) offsets(%dma_start3A_383 : memref<80xi32, #tpu.memory_space<vmem>>) semaphore(%arg33 : memref<!tpu.dma_semaphore, #tpu.memory_space<semaphore_mem>>)
      %dma_start3A_386 = arith.constant 2 : i32
      %dma_start3A_387 = arith.constant 2 : i32
      %dma_start3A_388 = arith.constant 0 : i32
      %dma_start3A_389 = arith.constant 0 : i32
      %dma_start3A_390 = tpu.memref_slice %arg17[%dma_start3A_387, %dma_start3A_388, %dma_start3A_389] : memref<3x80x128xf32, #tpu.memory_space<vmem>> -> memref<1x80x128xf32, #tpu.memory_space<vmem>>
      %dma_start3A_391 = tpu.memref_squeeze %dma_start3A_390 : memref<1x80x128xf32, #tpu.memory_space<vmem>> -> memref<80x128xf32, #tpu.memory_space<vmem>>
      %dma_start3A_392 = arith.constant 0 : i32
      %dma_start3A_393 = tpu.memref_slice %arg12[%select_n3A_245, %dma_start3A_386, %dma_start3A_392] : memref<2x5x80xi32, #tpu.memory_space<vmem>> -> memref<1x1x80xi32, #tpu.memory_space<vmem>>
      %dma_start3A_394 = tpu.memref_squeeze %dma_start3A_393 : memref<1x1x80xi32, #tpu.memory_space<vmem>> -> memref<80xi32, #tpu.memory_space<vmem>>
      %dma_start3A_395 = arith.constant 0 : i32
      %dma_start3A_396 = arith.constant 0 : i32
      %dma_start3A_397 = tpu.memref_slice %arg2[%dma_start3A_395, %dma_start3A_396] : memref<10000x128xf32, #tpu.memory_space<hbm>> -> memref<10000x128xf32, #tpu.memory_space<hbm>>
      tpu.enqueue_indirect_dma source(%dma_start3A_397 : memref<10000x128xf32, #tpu.memory_space<hbm>>) target(%dma_start3A_391 : memref<80x128xf32, #tpu.memory_space<vmem>>) offsets(%dma_start3A_394 : memref<80xi32, #tpu.memory_space<vmem>>) semaphore(%arg24 : memref<!tpu.dma_semaphore, #tpu.memory_space<semaphore_mem>>)
      %dma_wait3A_398 = arith.constant 0 : i32
      %dma_wait3A_399 = arith.constant 0 : i32
      %dma_wait3A_400 = arith.constant 0 : i32
      %dma_wait3A_401 = tpu.memref_slice %arg15[%dma_wait3A_399, %dma_wait3A_400] : memref<3x80xf32, #tpu.memory_space<vmem>> -> memref<1x80xf32, #tpu.memory_space<vmem>>
      %dma_wait3A_402 = tpu.memref_squeeze %dma_wait3A_401 : memref<1x80xf32, #tpu.memory_space<vmem>> -> memref<80xf32, #tpu.memory_space<vmem>>
      %dma_wait3A_403 = arith.constant 0 : i32
      %dma_wait3A_404 = tpu.memref_slice %arg11[%select_n3A_245, %dma_wait3A_398, %dma_wait3A_403] : memref<2x5x80xi32, #tpu.memory_space<vmem>> -> memref<1x1x80xi32, #tpu.memory_space<vmem>>
      %dma_wait3A_405 = tpu.memref_squeeze %dma_wait3A_404 : memref<1x1x80xi32, #tpu.memory_space<vmem>> -> memref<80xi32, #tpu.memory_space<vmem>>
      %dma_wait3A_406 = arith.constant 0 : i32
      %dma_wait3A_407 = tpu.memref_slice %arg20[%dma_wait3A_406] : memref<10000xf32, #tpu.memory_space<vmem_shared>> -> memref<10000xf32, #tpu.memory_space<vmem_shared>>
      tpu.wait_indirect_dma semaphore(%arg28 : memref<!tpu.dma_semaphore, #tpu.memory_space<semaphore_mem>>) src(%dma_wait3A_407 : memref<10000xf32, #tpu.memory_space<vmem_shared>>) dst(%dma_wait3A_402 : memref<80xf32, #tpu.memory_space<vmem>>)
      %dma_wait3A_408 = arith.constant 0 : i32
      %dma_wait3A_409 = arith.constant 0 : i32
      %dma_wait3A_410 = arith.constant 0 : i32
      %dma_wait3A_411 = tpu.memref_slice %arg16[%dma_wait3A_409, %dma_wait3A_410] : memref<3x80xf32, #tpu.memory_space<vmem>> -> memref<1x80xf32, #tpu.memory_space<vmem>>
      %dma_wait3A_412 = tpu.memref_squeeze %dma_wait3A_411 : memref<1x80xf32, #tpu.memory_space<vmem>> -> memref<80xf32, #tpu.memory_space<vmem>>
      %dma_wait3A_413 = arith.constant 0 : i32
      %dma_wait3A_414 = tpu.memref_slice %arg12[%select_n3A_245, %dma_wait3A_408, %dma_wait3A_413] : memref<2x5x80xi32, #tpu.memory_space<vmem>> -> memref<1x1x80xi32, #tpu.memory_space<vmem>>
      %dma_wait3A_415 = tpu.memref_squeeze %dma_wait3A_414 : memref<1x1x80xi32, #tpu.memory_space<vmem>> -> memref<80xi32, #tpu.memory_space<vmem>>
      %dma_wait3A_416 = arith.constant 0 : i32
      %dma_wait3A_417 = tpu.memref_slice %arg21[%dma_wait3A_416] : memref<10000xf32, #tpu.memory_space<vmem_shared>> -> memref<10000xf32, #tpu.memory_space<vmem_shared>>
      tpu.wait_indirect_dma semaphore(%arg31 : memref<!tpu.dma_semaphore, #tpu.memory_space<semaphore_mem>>) src(%dma_wait3A_417 : memref<10000xf32, #tpu.memory_space<vmem_shared>>) dst(%dma_wait3A_412 : memref<80xf32, #tpu.memory_space<vmem>>)
      %dma_wait3A_418 = arith.constant 0 : i32
      %dma_wait3A_419 = arith.constant 0 : i32
      %dma_wait3A_420 = tpu.memref_slice %arg13[%dma_wait3A_418, %dma_wait3A_419] : memref<2x80xf32, #tpu.memory_space<vmem>> -> memref<1x80xf32, #tpu.memory_space<vmem>>
      %dma_wait3A_421 = tpu.memref_squeeze %dma_wait3A_420 : memref<1x80xf32, #tpu.memory_space<vmem>> -> memref<80xf32, #tpu.memory_space<vmem>>
      %dma_wait3A_422 = arith.constant 0 : i32
      %dma_wait3A_423 = tpu.memref_slice %arg19[%dma_wait3A_422] : memref<10000xf32, #tpu.memory_space<vmem_shared>> -> memref<10000xf32, #tpu.memory_space<vmem_shared>>
      tpu.wait_indirect_dma semaphore(%arg35 : memref<!tpu.dma_semaphore, #tpu.memory_space<semaphore_mem>>) src(%dma_wait3A_421 : memref<80xf32, #tpu.memory_space<vmem>>) dst(%dma_wait3A_423 : memref<10000xf32, #tpu.memory_space<vmem_shared>>)
      %get3A_424 = arith.constant 0 : i32
      %get3A_425 = arith.index_cast %get3A_424 : i32 to index
      %get3A_426 = arith.constant 0 : index
      %get3A_427 = tpu.vector_load %arg15[%get3A_425, %get3A_426] {strides = array<i32>} : memref<3x80xf32, #tpu.memory_space<vmem>>, vector<16xf32>,
      %get3A_428 = arith.constant 0 : i32
      %get3A_429 = arith.index_cast %get3A_428 : i32 to index
      %get3A_430 = arith.constant 0 : index
      %get3A_431 = tpu.vector_load %arg16[%get3A_429, %get3A_430] {strides = array<i32>} : memref<3x80xf32, #tpu.memory_space<vmem>>, vector<16xf32>,
      %add3A_432 = arith.addf %get3A_427, %get3A_431 : vector<16xf32>
      %ge3A = arith.constant 0.000000e+00 : f32
      %ge3A_433 = vector.broadcast %ge3A : f32 to vector<16xf32>
      %ge3A_434 = arith.cmpf oge, %add3A_432, %ge3A_433 : vector<16xf32>
      %mul3A_435 = arith.constant 2.000000e-01 : f32
      %mul3A_436 = vector.broadcast %mul3A_435 : f32 to vector<16xf32>
      %mul3A_437 = arith.mulf %add3A_432, %mul3A_436 : vector<16xf32>
      %select_n3A_438 = arith.select %ge3A_434, %add3A_432, %mul3A_437 : vector<16xi1>, vector<16xf32>
      %add3A_439 = arith.addf %get3A_427, %get3A_187 : vector<16xf32>
      %ge3A_440 = arith.constant 0.000000e+00 : f32
      %ge3A_441 = vector.broadcast %ge3A_440 : f32 to vector<16xf32>
      %ge3A_442 = arith.cmpf oge, %add3A_439, %ge3A_441 : vector<16xf32>
      %mul3A_443 = arith.constant 2.000000e-01 : f32
      %mul3A_444 = vector.broadcast %mul3A_443 : f32 to vector<16xf32>
      %mul3A_445 = arith.mulf %add3A_439, %mul3A_444 : vector<16xf32>
      %select_n3A_446 = arith.select %ge3A_442, %add3A_439, %mul3A_445 : vector<16xi1>, vector<16xf32>
      %sub3A = arith.subf %select_n3A_438, %select_n3A_446 : vector<16xf32>
      %exp3A = math.exp %sub3A : vector<16xf32>
      %swap3A_447 = arith.constant 0 : i32
      %swap3A_448 = arith.index_cast %swap3A_447 : i32 to index
      %swap3A_449 = arith.constant 0 : index
      %swap3A_450 = tpu.vector_load %arg13[%swap3A_448, %swap3A_449] {strides = array<i32>} : memref<2x80xf32, #tpu.memory_space<vmem>>, vector<16xf32>,
      tpu.vector_store %arg13[%swap3A_448, %swap3A_449], %exp3A {strides = array<i32>} : memref<2x80xf32, #tpu.memory_space<vmem>>, vector<16xf32>,
      %get3A_451 = arith.constant 0 : i32
      %get3A_452 = arith.index_cast %get3A_451 : i32 to index
      %get3A_453 = arith.constant 16 : index
      %get3A_454 = tpu.vector_load %arg15[%get3A_452, %get3A_453] {strides = array<i32>} : memref<3x80xf32, #tpu.memory_space<vmem>>, vector<16xf32>,
      %get3A_455 = arith.constant 0 : i32
      %get3A_456 = arith.index_cast %get3A_455 : i32 to index
      %get3A_457 = arith.constant 16 : index
      %get3A_458 = tpu.vector_load %arg16[%get3A_456, %get3A_457] {strides = array<i32>} : memref<3x80xf32, #tpu.memory_space<vmem>>, vector<16xf32>,
      %add3A_459 = arith.addf %get3A_454, %get3A_458 : vector<16xf32>
      %ge3A_460 = arith.constant 0.000000e+00 : f32
      %ge3A_461 = vector.broadcast %ge3A_460 : f32 to vector<16xf32>
      %ge3A_462 = arith.cmpf oge, %add3A_459, %ge3A_461 : vector<16xf32>
      %mul3A_463 = arith.constant 2.000000e-01 : f32
      %mul3A_464 = vector.broadcast %mul3A_463 : f32 to vector<16xf32>
      %mul3A_465 = arith.mulf %add3A_459, %mul3A_464 : vector<16xf32>
      %select_n3A_466 = arith.select %ge3A_462, %add3A_459, %mul3A_465 : vector<16xi1>, vector<16xf32>
      %add3A_467 = arith.addf %get3A_454, %get3A_187 : vector<16xf32>
      %ge3A_468 = arith.constant 0.000000e+00 : f32
      %ge3A_469 = vector.broadcast %ge3A_468 : f32 to vector<16xf32>
      %ge3A_470 = arith.cmpf oge, %add3A_467, %ge3A_469 : vector<16xf32>
      %mul3A_471 = arith.constant 2.000000e-01 : f32
      %mul3A_472 = vector.broadcast %mul3A_471 : f32 to vector<16xf32>
      %mul3A_473 = arith.mulf %add3A_467, %mul3A_472 : vector<16xf32>
      %select_n3A_474 = arith.select %ge3A_470, %add3A_467, %mul3A_473 : vector<16xi1>, vector<16xf32>
      %sub3A_475 = arith.subf %select_n3A_466, %select_n3A_474 : vector<16xf32>
      %exp3A_476 = math.exp %sub3A_475 : vector<16xf32>
      %swap3A_477 = arith.constant 0 : i32
      %swap3A_478 = arith.index_cast %swap3A_477 : i32 to index
      %swap3A_479 = arith.constant 16 : index
      %swap3A_480 = tpu.vector_load %arg13[%swap3A_478, %swap3A_479] {strides = array<i32>} : memref<2x80xf32, #tpu.memory_space<vmem>>, vector<16xf32>,
      tpu.vector_store %arg13[%swap3A_478, %swap3A_479], %exp3A_476 {strides = array<i32>} : memref<2x80xf32, #tpu.memory_space<vmem>>, vector<16xf32>,
      %get3A_481 = arith.constant 0 : i32
      %get3A_482 = arith.index_cast %get3A_481 : i32 to index
      %get3A_483 = arith.constant 32 : index
      %get3A_484 = tpu.vector_load %arg15[%get3A_482, %get3A_483] {strides = array<i32>} : memref<3x80xf32, #tpu.memory_space<vmem>>, vector<16xf32>,
      %get3A_485 = arith.constant 0 : i32
      %get3A_486 = arith.index_cast %get3A_485 : i32 to index
      %get3A_487 = arith.constant 32 : index
      %get3A_488 = tpu.vector_load %arg16[%get3A_486, %get3A_487] {strides = array<i32>} : memref<3x80xf32, #tpu.memory_space<vmem>>, vector<16xf32>,
      %add3A_489 = arith.addf %get3A_484, %get3A_488 : vector<16xf32>
      %ge3A_490 = arith.constant 0.000000e+00 : f32
      %ge3A_491 = vector.broadcast %ge3A_490 : f32 to vector<16xf32>
      %ge3A_492 = arith.cmpf oge, %add3A_489, %ge3A_491 : vector<16xf32>
      %mul3A_493 = arith.constant 2.000000e-01 : f32
      %mul3A_494 = vector.broadcast %mul3A_493 : f32 to vector<16xf32>
      %mul3A_495 = arith.mulf %add3A_489, %mul3A_494 : vector<16xf32>
      %select_n3A_496 = arith.select %ge3A_492, %add3A_489, %mul3A_495 : vector<16xi1>, vector<16xf32>
      %add3A_497 = arith.addf %get3A_484, %get3A_187 : vector<16xf32>
      %ge3A_498 = arith.constant 0.000000e+00 : f32
      %ge3A_499 = vector.broadcast %ge3A_498 : f32 to vector<16xf32>
      %ge3A_500 = arith.cmpf oge, %add3A_497, %ge3A_499 : vector<16xf32>
      %mul3A_501 = arith.constant 2.000000e-01 : f32
      %mul3A_502 = vector.broadcast %mul3A_501 : f32 to vector<16xf32>
      %mul3A_503 = arith.mulf %add3A_497, %mul3A_502 : vector<16xf32>
      %select_n3A_504 = arith.select %ge3A_500, %add3A_497, %mul3A_503 : vector<16xi1>, vector<16xf32>
      %sub3A_505 = arith.subf %select_n3A_496, %select_n3A_504 : vector<16xf32>
      %exp3A_506 = math.exp %sub3A_505 : vector<16xf32>
      %swap3A_507 = arith.constant 0 : i32
      %swap3A_508 = arith.index_cast %swap3A_507 : i32 to index
      %swap3A_509 = arith.constant 32 : index
      %swap3A_510 = tpu.vector_load %arg13[%swap3A_508, %swap3A_509] {strides = array<i32>} : memref<2x80xf32, #tpu.memory_space<vmem>>, vector<16xf32>,
      tpu.vector_store %arg13[%swap3A_508, %swap3A_509], %exp3A_506 {strides = array<i32>} : memref<2x80xf32, #tpu.memory_space<vmem>>, vector<16xf32>,
      %get3A_511 = arith.constant 0 : i32
      %get3A_512 = arith.index_cast %get3A_511 : i32 to index
      %get3A_513 = arith.constant 48 : index
      %get3A_514 = tpu.vector_load %arg15[%get3A_512, %get3A_513] {strides = array<i32>} : memref<3x80xf32, #tpu.memory_space<vmem>>, vector<16xf32>,
      %get3A_515 = arith.constant 0 : i32
      %get3A_516 = arith.index_cast %get3A_515 : i32 to index
      %get3A_517 = arith.constant 48 : index
      %get3A_518 = tpu.vector_load %arg16[%get3A_516, %get3A_517] {strides = array<i32>} : memref<3x80xf32, #tpu.memory_space<vmem>>, vector<16xf32>,
      %add3A_519 = arith.addf %get3A_514, %get3A_518 : vector<16xf32>
      %ge3A_520 = arith.constant 0.000000e+00 : f32
      %ge3A_521 = vector.broadcast %ge3A_520 : f32 to vector<16xf32>
      %ge3A_522 = arith.cmpf oge, %add3A_519, %ge3A_521 : vector<16xf32>
      %mul3A_523 = arith.constant 2.000000e-01 : f32
      %mul3A_524 = vector.broadcast %mul3A_523 : f32 to vector<16xf32>
      %mul3A_525 = arith.mulf %add3A_519, %mul3A_524 : vector<16xf32>
      %select_n3A_526 = arith.select %ge3A_522, %add3A_519, %mul3A_525 : vector<16xi1>, vector<16xf32>
      %add3A_527 = arith.addf %get3A_514, %get3A_187 : vector<16xf32>
      %ge3A_528 = arith.constant 0.000000e+00 : f32
      %ge3A_529 = vector.broadcast %ge3A_528 : f32 to vector<16xf32>
      %ge3A_530 = arith.cmpf oge, %add3A_527, %ge3A_529 : vector<16xf32>
      %mul3A_531 = arith.constant 2.000000e-01 : f32
      %mul3A_532 = vector.broadcast %mul3A_531 : f32 to vector<16xf32>
      %mul3A_533 = arith.mulf %add3A_527, %mul3A_532 : vector<16xf32>
      %select_n3A_534 = arith.select %ge3A_530, %add3A_527, %mul3A_533 : vector<16xi1>, vector<16xf32>
      %sub3A_535 = arith.subf %select_n3A_526, %select_n3A_534 : vector<16xf32>
      %exp3A_536 = math.exp %sub3A_535 : vector<16xf32>
      %swap3A_537 = arith.constant 0 : i32
      %swap3A_538 = arith.index_cast %swap3A_537 : i32 to index
      %swap3A_539 = arith.constant 48 : index
      %swap3A_540 = tpu.vector_load %arg13[%swap3A_538, %swap3A_539] {strides = array<i32>} : memref<2x80xf32, #tpu.memory_space<vmem>>, vector<16xf32>,
      tpu.vector_store %arg13[%swap3A_538, %swap3A_539], %exp3A_536 {strides = array<i32>} : memref<2x80xf32, #tpu.memory_space<vmem>>, vector<16xf32>,
      %get3A_541 = arith.constant 0 : i32
      %get3A_542 = arith.index_cast %get3A_541 : i32 to index
      %get3A_543 = arith.constant 64 : index
      %get3A_544 = tpu.vector_load %arg15[%get3A_542, %get3A_543] {strides = array<i32>} : memref<3x80xf32, #tpu.memory_space<vmem>>, vector<16xf32>,
      %get3A_545 = arith.constant 0 : i32
      %get3A_546 = arith.index_cast %get3A_545 : i32 to index
      %get3A_547 = arith.constant 64 : index
      %get3A_548 = tpu.vector_load %arg16[%get3A_546, %get3A_547] {strides = array<i32>} : memref<3x80xf32, #tpu.memory_space<vmem>>, vector<16xf32>,
      %add3A_549 = arith.addf %get3A_544, %get3A_548 : vector<16xf32>
      %ge3A_550 = arith.constant 0.000000e+00 : f32
      %ge3A_551 = vector.broadcast %ge3A_550 : f32 to vector<16xf32>
      %ge3A_552 = arith.cmpf oge, %add3A_549, %ge3A_551 : vector<16xf32>
      %mul3A_553 = arith.constant 2.000000e-01 : f32
      %mul3A_554 = vector.broadcast %mul3A_553 : f32 to vector<16xf32>
      %mul3A_555 = arith.mulf %add3A_549, %mul3A_554 : vector<16xf32>
      %select_n3A_556 = arith.select %ge3A_552, %add3A_549, %mul3A_555 : vector<16xi1>, vector<16xf32>
      %add3A_557 = arith.addf %get3A_544, %get3A_187 : vector<16xf32>
      %ge3A_558 = arith.constant 0.000000e+00 : f32
      %ge3A_559 = vector.broadcast %ge3A_558 : f32 to vector<16xf32>
      %ge3A_560 = arith.cmpf oge, %add3A_557, %ge3A_559 : vector<16xf32>
      %mul3A_561 = arith.constant 2.000000e-01 : f32
      %mul3A_562 = vector.broadcast %mul3A_561 : f32 to vector<16xf32>
      %mul3A_563 = arith.mulf %add3A_557, %mul3A_562 : vector<16xf32>
      %select_n3A_564 = arith.select %ge3A_560, %add3A_557, %mul3A_563 : vector<16xi1>, vector<16xf32>
      %sub3A_565 = arith.subf %select_n3A_556, %select_n3A_564 : vector<16xf32>
      %exp3A_566 = math.exp %sub3A_565 : vector<16xf32>
      %swap3A_567 = arith.constant 0 : i32
      %swap3A_568 = arith.index_cast %swap3A_567 : i32 to index
      %swap3A_569 = arith.constant 64 : index
      %swap3A_570 = tpu.vector_load %arg13[%swap3A_568, %swap3A_569] {strides = array<i32>} : memref<2x80xf32, #tpu.memory_space<vmem>>, vector<16xf32>,
      tpu.vector_store %arg13[%swap3A_568, %swap3A_569], %exp3A_566 {strides = array<i32>} : memref<2x80xf32, #tpu.memory_space<vmem>>, vector<16xf32>,
      %dma_start3A_571 = arith.constant 0 : i32
      %dma_start3A_572 = arith.constant 0 : i32
      %dma_start3A_573 = arith.constant 0 : i32
      %dma_start3A_574 = tpu.memref_slice %arg13[%dma_start3A_571, %dma_start3A_573] : memref<2x80xf32, #tpu.memory_space<vmem>> -> memref<1x80xf32, #tpu.memory_space<vmem>>
      %dma_start3A_575 = tpu.memref_squeeze %dma_start3A_574 : memref<1x80xf32, #tpu.memory_space<vmem>> -> memref<80xf32, #tpu.memory_space<vmem>>
      %dma_start3A_576 = arith.constant 0 : i32
      %dma_start3A_577 = tpu.memref_slice %arg11[%select_n3A_245, %dma_start3A_572, %dma_start3A_576] : memref<2x5x80xi32, #tpu.memory_space<vmem>> -> memref<1x1x80xi32, #tpu.memory_space<vmem>>
      %dma_start3A_578 = tpu.memref_squeeze %dma_start3A_577 : memref<1x1x80xi32, #tpu.memory_space<vmem>> -> memref<80xi32, #tpu.memory_space<vmem>>
      %dma_start3A_579 = arith.constant 0 : i32
      %dma_start3A_580 = tpu.memref_slice %arg19[%dma_start3A_579] : memref<10000xf32, #tpu.memory_space<vmem_shared>> -> memref<10000xf32, #tpu.memory_space<vmem_shared>>
      tpu.enqueue_indirect_dma source(%dma_start3A_575 : memref<80xf32, #tpu.memory_space<vmem>>) target(%dma_start3A_580 : memref<10000xf32, #tpu.memory_space<vmem_shared>>) offsets(%dma_start3A_578 : memref<80xi32, #tpu.memory_space<vmem>>) semaphore(%arg35 : memref<!tpu.dma_semaphore, #tpu.memory_space<semaphore_mem>>) {add = true}
      %dma_wait3A_581 = arith.constant 0 : i32
      %dma_wait3A_582 = arith.constant 0 : i32
      %dma_wait3A_583 = arith.constant 0 : i32
      %dma_wait3A_584 = arith.constant 0 : i32
      %dma_wait3A_585 = tpu.memref_slice %arg17[%dma_wait3A_582, %dma_wait3A_583, %dma_wait3A_584] : memref<3x80x128xf32, #tpu.memory_space<vmem>> -> memref<1x80x128xf32, #tpu.memory_space<vmem>>
      %dma_wait3A_586 = tpu.memref_squeeze %dma_wait3A_585 : memref<1x80x128xf32, #tpu.memory_space<vmem>> -> memref<80x128xf32, #tpu.memory_space<vmem>>
      %dma_wait3A_587 = arith.constant 0 : i32
      %dma_wait3A_588 = tpu.memref_slice %arg12[%select_n3A_245, %dma_wait3A_581, %dma_wait3A_587] : memref<2x5x80xi32, #tpu.memory_space<vmem>> -> memref<1x1x80xi32, #tpu.memory_space<vmem>>
      %dma_wait3A_589 = tpu.memref_squeeze %dma_wait3A_588 : memref<1x1x80xi32, #tpu.memory_space<vmem>> -> memref<80xi32, #tpu.memory_space<vmem>>
      %dma_wait3A_590 = arith.constant 0 : i32
      %dma_wait3A_591 = arith.constant 0 : i32
      %dma_wait3A_592 = tpu.memref_slice %arg2[%dma_wait3A_590, %dma_wait3A_591] : memref<10000x128xf32, #tpu.memory_space<hbm>> -> memref<10000x128xf32, #tpu.memory_space<hbm>>
      tpu.wait_indirect_dma semaphore(%arg22 : memref<!tpu.dma_semaphore, #tpu.memory_space<semaphore_mem>>) src(%dma_wait3A_592 : memref<10000x128xf32, #tpu.memory_space<hbm>>) dst(%dma_wait3A_586 : memref<80x128xf32, #tpu.memory_space<vmem>>)
      %parallel_loop3A = arith.constant 0 : i32
      %parallel_loop3A_593 = arith.constant 80 : i32
      %parallel_loop3A_594 = arith.constant 1 : i32
      scf.for %parallel_loop3A_1546 = %parallel_loop3A to %parallel_loop3A_593 step %parallel_loop3A_594  : i32 {
        %parallel_loop3A_1547 = vector.broadcast %parallel_loop3A_1546 : i32 to vector<16xi32>
        %parallel_loop3A_1548 = arith.constant 0 : i32
        %parallel_loop3A_1549 = arith.constant 0 : i32
        %parallel_loop3A_1550 = tpu.memref_slice %arg13[%parallel_loop3A_1548, %parallel_loop3A_1549] : memref<2x80xf32, #tpu.memory_space<vmem>> -> memref<1x80xf32, #tpu.memory_space<vmem>>
        %parallel_loop3A_1551 = tpu.memref_squeeze %parallel_loop3A_1550 : memref<1x80xf32, #tpu.memory_space<vmem>> -> memref<80xf32, #tpu.memory_space<vmem>>
        %parallel_loop3A_1552 = tpu.vector_load_idx %parallel_loop3A_1551[%parallel_loop3A_1547] : memref<80xf32, #tpu.memory_space<vmem>>[vector<16xi32>], vector<16xf32>,
        %parallel_loop3A_1553 = arith.constant 0 : i32
        %parallel_loop3A_1554 = arith.index_cast %parallel_loop3A_1553 : i32 to index
        %parallel_loop3A_1555 = arith.index_cast %parallel_loop3A_1546 : i32 to index
        %parallel_loop3A_1556 = arith.constant 0 : index
        %parallel_loop3A_1557 = tpu.vector_load %arg17[%parallel_loop3A_1554, %parallel_loop3A_1555, %parallel_loop3A_1556] {strides = array<i32>} : memref<3x80x128xf32, #tpu.memory_space<vmem>>, vector<16xf32>,
        %parallel_loop3A_1558 = arith.mulf %parallel_loop3A_1557, %parallel_loop3A_1552 : vector<16xf32>
        %parallel_loop3A_1559 = arith.constant 0 : i32
        %parallel_loop3A_1560 = arith.index_cast %parallel_loop3A_1559 : i32 to index
        %parallel_loop3A_1561 = arith.index_cast %parallel_loop3A_1546 : i32 to index
        %parallel_loop3A_1562 = arith.constant 0 : index
        %parallel_loop3A_1563 = tpu.vector_load %arg17[%parallel_loop3A_1560, %parallel_loop3A_1561, %parallel_loop3A_1562] {strides = array<i32>} : memref<3x80x128xf32, #tpu.memory_space<vmem>>, vector<16xf32>,
        tpu.vector_store %arg17[%parallel_loop3A_1560, %parallel_loop3A_1561, %parallel_loop3A_1562], %parallel_loop3A_1558 {strides = array<i32>} : memref<3x80x128xf32, #tpu.memory_space<vmem>>, vector<16xf32>,
        %parallel_loop3A_1564 = arith.constant 0 : i32
        %parallel_loop3A_1565 = arith.index_cast %parallel_loop3A_1564 : i32 to index
        %parallel_loop3A_1566 = arith.index_cast %parallel_loop3A_1546 : i32 to index
        %parallel_loop3A_1567 = arith.constant 16 : index
        %parallel_loop3A_1568 = tpu.vector_load %arg17[%parallel_loop3A_1565, %parallel_loop3A_1566, %parallel_loop3A_1567] {strides = array<i32>} : memref<3x80x128xf32, #tpu.memory_space<vmem>>, vector<16xf32>,
        %parallel_loop3A_1569 = arith.mulf %parallel_loop3A_1568, %parallel_loop3A_1552 : vector<16xf32>
        %parallel_loop3A_1570 = arith.constant 0 : i32
        %parallel_loop3A_1571 = arith.index_cast %parallel_loop3A_1570 : i32 to index
        %parallel_loop3A_1572 = arith.index_cast %parallel_loop3A_1546 : i32 to index
        %parallel_loop3A_1573 = arith.constant 16 : index
        %parallel_loop3A_1574 = tpu.vector_load %arg17[%parallel_loop3A_1571, %parallel_loop3A_1572, %parallel_loop3A_1573] {strides = array<i32>} : memref<3x80x128xf32, #tpu.memory_space<vmem>>, vector<16xf32>,
        tpu.vector_store %arg17[%parallel_loop3A_1571, %parallel_loop3A_1572, %parallel_loop3A_1573], %parallel_loop3A_1569 {strides = array<i32>} : memref<3x80x128xf32, #tpu.memory_space<vmem>>, vector<16xf32>,
        %parallel_loop3A_1575 = arith.constant 0 : i32
        %parallel_loop3A_1576 = arith.index_cast %parallel_loop3A_1575 : i32 to index
        %parallel_loop3A_1577 = arith.index_cast %parallel_loop3A_1546 : i32 to index
        %parallel_loop3A_1578 = arith.constant 32 : index
        %parallel_loop3A_1579 = tpu.vector_load %arg17[%parallel_loop3A_1576, %parallel_loop3A_1577, %parallel_loop3A_1578] {strides = array<i32>} : memref<3x80x128xf32, #tpu.memory_space<vmem>>, vector<16xf32>,
        %parallel_loop3A_1580 = arith.mulf %parallel_loop3A_1579, %parallel_loop3A_1552 : vector<16xf32>
        %parallel_loop3A_1581 = arith.constant 0 : i32
        %parallel_loop3A_1582 = arith.index_cast %parallel_loop3A_1581 : i32 to index
        %parallel_loop3A_1583 = arith.index_cast %parallel_loop3A_1546 : i32 to index
        %parallel_loop3A_1584 = arith.constant 32 : index
        %parallel_loop3A_1585 = tpu.vector_load %arg17[%parallel_loop3A_1582, %parallel_loop3A_1583, %parallel_loop3A_1584] {strides = array<i32>} : memref<3x80x128xf32, #tpu.memory_space<vmem>>, vector<16xf32>,
        tpu.vector_store %arg17[%parallel_loop3A_1582, %parallel_loop3A_1583, %parallel_loop3A_1584], %parallel_loop3A_1580 {strides = array<i32>} : memref<3x80x128xf32, #tpu.memory_space<vmem>>, vector<16xf32>,
        %parallel_loop3A_1586 = arith.constant 0 : i32
        %parallel_loop3A_1587 = arith.index_cast %parallel_loop3A_1586 : i32 to index
        %parallel_loop3A_1588 = arith.index_cast %parallel_loop3A_1546 : i32 to index
        %parallel_loop3A_1589 = arith.constant 48 : index
        %parallel_loop3A_1590 = tpu.vector_load %arg17[%parallel_loop3A_1587, %parallel_loop3A_1588, %parallel_loop3A_1589] {strides = array<i32>} : memref<3x80x128xf32, #tpu.memory_space<vmem>>, vector<16xf32>,
        %parallel_loop3A_1591 = arith.mulf %parallel_loop3A_1590, %parallel_loop3A_1552 : vector<16xf32>
        %parallel_loop3A_1592 = arith.constant 0 : i32
        %parallel_loop3A_1593 = arith.index_cast %parallel_loop3A_1592 : i32 to index
        %parallel_loop3A_1594 = arith.index_cast %parallel_loop3A_1546 : i32 to index
        %parallel_loop3A_1595 = arith.constant 48 : index
        %parallel_loop3A_1596 = tpu.vector_load %arg17[%parallel_loop3A_1593, %parallel_loop3A_1594, %parallel_loop3A_1595] {strides = array<i32>} : memref<3x80x128xf32, #tpu.memory_space<vmem>>, vector<16xf32>,
        tpu.vector_store %arg17[%parallel_loop3A_1593, %parallel_loop3A_1594, %parallel_loop3A_1595], %parallel_loop3A_1591 {strides = array<i32>} : memref<3x80x128xf32, #tpu.memory_space<vmem>>, vector<16xf32>,
        %parallel_loop3A_1597 = arith.constant 0 : i32
        %parallel_loop3A_1598 = arith.index_cast %parallel_loop3A_1597 : i32 to index
        %parallel_loop3A_1599 = arith.index_cast %parallel_loop3A_1546 : i32 to index
        %parallel_loop3A_1600 = arith.constant 64 : index
        %parallel_loop3A_1601 = tpu.vector_load %arg17[%parallel_loop3A_1598, %parallel_loop3A_1599, %parallel_loop3A_1600] {strides = array<i32>} : memref<3x80x128xf32, #tpu.memory_space<vmem>>, vector<16xf32>,
        %parallel_loop3A_1602 = arith.mulf %parallel_loop3A_1601, %parallel_loop3A_1552 : vector<16xf32>
        %parallel_loop3A_1603 = arith.constant 0 : i32
        %parallel_loop3A_1604 = arith.index_cast %parallel_loop3A_1603 : i32 to index
        %parallel_loop3A_1605 = arith.index_cast %parallel_loop3A_1546 : i32 to index
        %parallel_loop3A_1606 = arith.constant 64 : index
        %parallel_loop3A_1607 = tpu.vector_load %arg17[%parallel_loop3A_1604, %parallel_loop3A_1605, %parallel_loop3A_1606] {strides = array<i32>} : memref<3x80x128xf32, #tpu.memory_space<vmem>>, vector<16xf32>,
        tpu.vector_store %arg17[%parallel_loop3A_1604, %parallel_loop3A_1605, %parallel_loop3A_1606], %parallel_loop3A_1602 {strides = array<i32>} : memref<3x80x128xf32, #tpu.memory_space<vmem>>, vector<16xf32>,
        %parallel_loop3A_1608 = arith.constant 0 : i32
        %parallel_loop3A_1609 = arith.index_cast %parallel_loop3A_1608 : i32 to index
        %parallel_loop3A_1610 = arith.index_cast %parallel_loop3A_1546 : i32 to index
        %parallel_loop3A_1611 = arith.constant 80 : index
        %parallel_loop3A_1612 = tpu.vector_load %arg17[%parallel_loop3A_1609, %parallel_loop3A_1610, %parallel_loop3A_1611] {strides = array<i32>} : memref<3x80x128xf32, #tpu.memory_space<vmem>>, vector<16xf32>,
        %parallel_loop3A_1613 = arith.mulf %parallel_loop3A_1612, %parallel_loop3A_1552 : vector<16xf32>
        %parallel_loop3A_1614 = arith.constant 0 : i32
        %parallel_loop3A_1615 = arith.index_cast %parallel_loop3A_1614 : i32 to index
        %parallel_loop3A_1616 = arith.index_cast %parallel_loop3A_1546 : i32 to index
        %parallel_loop3A_1617 = arith.constant 80 : index
        %parallel_loop3A_1618 = tpu.vector_load %arg17[%parallel_loop3A_1615, %parallel_loop3A_1616, %parallel_loop3A_1617] {strides = array<i32>} : memref<3x80x128xf32, #tpu.memory_space<vmem>>, vector<16xf32>,
        tpu.vector_store %arg17[%parallel_loop3A_1615, %parallel_loop3A_1616, %parallel_loop3A_1617], %parallel_loop3A_1613 {strides = array<i32>} : memref<3x80x128xf32, #tpu.memory_space<vmem>>, vector<16xf32>,
        %parallel_loop3A_1619 = arith.constant 0 : i32
        %parallel_loop3A_1620 = arith.index_cast %parallel_loop3A_1619 : i32 to index
        %parallel_loop3A_1621 = arith.index_cast %parallel_loop3A_1546 : i32 to index
        %parallel_loop3A_1622 = arith.constant 96 : index
        %parallel_loop3A_1623 = tpu.vector_load %arg17[%parallel_loop3A_1620, %parallel_loop3A_1621, %parallel_loop3A_1622] {strides = array<i32>} : memref<3x80x128xf32, #tpu.memory_space<vmem>>, vector<16xf32>,
        %parallel_loop3A_1624 = arith.mulf %parallel_loop3A_1623, %parallel_loop3A_1552 : vector<16xf32>
        %parallel_loop3A_1625 = arith.constant 0 : i32
        %parallel_loop3A_1626 = arith.index_cast %parallel_loop3A_1625 : i32 to index
        %parallel_loop3A_1627 = arith.index_cast %parallel_loop3A_1546 : i32 to index
        %parallel_loop3A_1628 = arith.constant 96 : index
        %parallel_loop3A_1629 = tpu.vector_load %arg17[%parallel_loop3A_1626, %parallel_loop3A_1627, %parallel_loop3A_1628] {strides = array<i32>} : memref<3x80x128xf32, #tpu.memory_space<vmem>>, vector<16xf32>,
        tpu.vector_store %arg17[%parallel_loop3A_1626, %parallel_loop3A_1627, %parallel_loop3A_1628], %parallel_loop3A_1624 {strides = array<i32>} : memref<3x80x128xf32, #tpu.memory_space<vmem>>, vector<16xf32>,
        %parallel_loop3A_1630 = arith.constant 0 : i32
        %parallel_loop3A_1631 = arith.index_cast %parallel_loop3A_1630 : i32 to index
        %parallel_loop3A_1632 = arith.index_cast %parallel_loop3A_1546 : i32 to index
        %parallel_loop3A_1633 = arith.constant 112 : index
        %parallel_loop3A_1634 = tpu.vector_load %arg17[%parallel_loop3A_1631, %parallel_loop3A_1632, %parallel_loop3A_1633] {strides = array<i32>} : memref<3x80x128xf32, #tpu.memory_space<vmem>>, vector<16xf32>,
        %parallel_loop3A_1635 = arith.mulf %parallel_loop3A_1634, %parallel_loop3A_1552 : vector<16xf32>
        %parallel_loop3A_1636 = arith.constant 0 : i32
        %parallel_loop3A_1637 = arith.index_cast %parallel_loop3A_1636 : i32 to index
        %parallel_loop3A_1638 = arith.index_cast %parallel_loop3A_1546 : i32 to index
        %parallel_loop3A_1639 = arith.constant 112 : index
        %parallel_loop3A_1640 = tpu.vector_load %arg17[%parallel_loop3A_1637, %parallel_loop3A_1638, %parallel_loop3A_1639] {strides = array<i32>} : memref<3x80x128xf32, #tpu.memory_space<vmem>>, vector<16xf32>,
        tpu.vector_store %arg17[%parallel_loop3A_1637, %parallel_loop3A_1638, %parallel_loop3A_1639], %parallel_loop3A_1635 {strides = array<i32>} : memref<3x80x128xf32, #tpu.memory_space<vmem>>, vector<16xf32>,
      } {sc.loop_unroll_factor = 8 : i64, sc.parallel_access}
      %dma_start3A_595 = arith.constant 0 : i32
      %dma_start3A_596 = arith.constant 0 : i32
      %dma_start3A_597 = arith.constant 0 : i32
      %dma_start3A_598 = arith.constant 0 : i32
      %dma_start3A_599 = tpu.memref_slice %arg17[%dma_start3A_595, %dma_start3A_597, %dma_start3A_598] : memref<3x80x128xf32, #tpu.memory_space<vmem>> -> memref<1x80x128xf32, #tpu.memory_space<vmem>>
      %dma_start3A_600 = tpu.memref_squeeze %dma_start3A_599 : memref<1x80x128xf32, #tpu.memory_space<vmem>> -> memref<80x128xf32, #tpu.memory_space<vmem>>
      %dma_start3A_601 = arith.constant 0 : i32
      %dma_start3A_602 = tpu.memref_slice %arg11[%select_n3A_245, %dma_start3A_596, %dma_start3A_601] : memref<2x5x80xi32, #tpu.memory_space<vmem>> -> memref<1x1x80xi32, #tpu.memory_space<vmem>>
      %dma_start3A_603 = tpu.memref_squeeze %dma_start3A_602 : memref<1x1x80xi32, #tpu.memory_space<vmem>> -> memref<80xi32, #tpu.memory_space<vmem>>
      %dma_start3A_604 = arith.constant 0 : i32
      %dma_start3A_605 = arith.constant 0 : i32
      %dma_start3A_606 = tpu.memref_slice %arg18[%dma_start3A_604, %dma_start3A_605] : memref<10000x128xf32, #tpu.memory_space<vmem_shared>> -> memref<10000x128xf32, #tpu.memory_space<vmem_shared>>
      tpu.enqueue_indirect_dma source(%dma_start3A_600 : memref<80x128xf32, #tpu.memory_space<vmem>>) target(%dma_start3A_606 : memref<10000x128xf32, #tpu.memory_space<vmem_shared>>) offsets(%dma_start3A_603 : memref<80xi32, #tpu.memory_space<vmem>>) semaphore(%arg25 : memref<!tpu.dma_semaphore, #tpu.memory_space<semaphore_mem>>) {add = true}
      %dma_wait3A_607 = arith.constant 0 : i32
      %dma_wait3A_608 = arith.constant 0 : i32
      %dma_wait3A_609 = arith.constant 0 : i32
      %dma_wait3A_610 = tpu.memref_slice %arg17[%dma_wait3A_607, %dma_wait3A_608, %dma_wait3A_609] : memref<3x80x128xf32, #tpu.memory_space<vmem>> -> memref<1x80x128xf32, #tpu.memory_space<vmem>>
      %dma_wait3A_611 = tpu.memref_squeeze %dma_wait3A_610 : memref<1x80x128xf32, #tpu.memory_space<vmem>> -> memref<80x128xf32, #tpu.memory_space<vmem>>
      %dma_wait3A_612 = arith.constant 0 : i32
      %dma_wait3A_613 = arith.constant 0 : i32
      %dma_wait3A_614 = tpu.memref_slice %arg18[%dma_wait3A_612, %dma_wait3A_613] : memref<10000x128xf32, #tpu.memory_space<vmem_shared>> -> memref<10000x128xf32, #tpu.memory_space<vmem_shared>>
      tpu.wait_indirect_dma semaphore(%arg25 : memref<!tpu.dma_semaphore, #tpu.memory_space<semaphore_mem>>) src(%dma_wait3A_611 : memref<80x128xf32, #tpu.memory_space<vmem>>) dst(%dma_wait3A_614 : memref<10000x128xf32, #tpu.memory_space<vmem_shared>>)
      %dma_start3A_615 = arith.constant 3 : i32
      %dma_start3A_616 = arith.constant 0 : i32
      %dma_start3A_617 = arith.constant 0 : i32
      %dma_start3A_618 = tpu.memref_slice %arg15[%dma_start3A_616, %dma_start3A_617] : memref<3x80xf32, #tpu.memory_space<vmem>> -> memref<1x80xf32, #tpu.memory_space<vmem>>
      %dma_start3A_619 = tpu.memref_squeeze %dma_start3A_618 : memref<1x80xf32, #tpu.memory_space<vmem>> -> memref<80xf32, #tpu.memory_space<vmem>>
      %dma_start3A_620 = arith.constant 0 : i32
      %dma_start3A_621 = tpu.memref_slice %arg11[%select_n3A_245, %dma_start3A_615, %dma_start3A_620] : memref<2x5x80xi32, #tpu.memory_space<vmem>> -> memref<1x1x80xi32, #tpu.memory_space<vmem>>
      %dma_start3A_622 = tpu.memref_squeeze %dma_start3A_621 : memref<1x1x80xi32, #tpu.memory_space<vmem>> -> memref<80xi32, #tpu.memory_space<vmem>>
      %dma_start3A_623 = arith.constant 0 : i32
      %dma_start3A_624 = tpu.memref_slice %arg20[%dma_start3A_623] : memref<10000xf32, #tpu.memory_space<vmem_shared>> -> memref<10000xf32, #tpu.memory_space<vmem_shared>>
      tpu.enqueue_indirect_dma source(%dma_start3A_624 : memref<10000xf32, #tpu.memory_space<vmem_shared>>) target(%dma_start3A_619 : memref<80xf32, #tpu.memory_space<vmem>>) offsets(%dma_start3A_622 : memref<80xi32, #tpu.memory_space<vmem>>) semaphore(%arg28 : memref<!tpu.dma_semaphore, #tpu.memory_space<semaphore_mem>>)
      %dma_start3A_625 = arith.constant 3 : i32
      %dma_start3A_626 = arith.constant 0 : i32
      %dma_start3A_627 = arith.constant 0 : i32
      %dma_start3A_628 = tpu.memref_slice %arg16[%dma_start3A_626, %dma_start3A_627] : memref<3x80xf32, #tpu.memory_space<vmem>> -> memref<1x80xf32, #tpu.memory_space<vmem>>
      %dma_start3A_629 = tpu.memref_squeeze %dma_start3A_628 : memref<1x80xf32, #tpu.memory_space<vmem>> -> memref<80xf32, #tpu.memory_space<vmem>>
      %dma_start3A_630 = arith.constant 0 : i32
      %dma_start3A_631 = tpu.memref_slice %arg12[%select_n3A_245, %dma_start3A_625, %dma_start3A_630] : memref<2x5x80xi32, #tpu.memory_space<vmem>> -> memref<1x1x80xi32, #tpu.memory_space<vmem>>
      %dma_start3A_632 = tpu.memref_squeeze %dma_start3A_631 : memref<1x1x80xi32, #tpu.memory_space<vmem>> -> memref<80xi32, #tpu.memory_space<vmem>>
      %dma_start3A_633 = arith.constant 0 : i32
      %dma_start3A_634 = tpu.memref_slice %arg21[%dma_start3A_633] : memref<10000xf32, #tpu.memory_space<vmem_shared>> -> memref<10000xf32, #tpu.memory_space<vmem_shared>>
      tpu.enqueue_indirect_dma source(%dma_start3A_634 : memref<10000xf32, #tpu.memory_space<vmem_shared>>) target(%dma_start3A_629 : memref<80xf32, #tpu.memory_space<vmem>>) offsets(%dma_start3A_632 : memref<80xi32, #tpu.memory_space<vmem>>) semaphore(%arg31 : memref<!tpu.dma_semaphore, #tpu.memory_space<semaphore_mem>>)
      %dma_start3A_635 = arith.constant 3 : i32
      %dma_start3A_636 = arith.constant 0 : i32
      %dma_start3A_637 = arith.constant 0 : i32
      %dma_start3A_638 = arith.constant 0 : i32
      %dma_start3A_639 = tpu.memref_slice %arg17[%dma_start3A_636, %dma_start3A_637, %dma_start3A_638] : memref<3x80x128xf32, #tpu.memory_space<vmem>> -> memref<1x80x128xf32, #tpu.memory_space<vmem>>
      %dma_start3A_640 = tpu.memref_squeeze %dma_start3A_639 : memref<1x80x128xf32, #tpu.memory_space<vmem>> -> memref<80x128xf32, #tpu.memory_space<vmem>>
      %dma_start3A_641 = arith.constant 0 : i32
      %dma_start3A_642 = tpu.memref_slice %arg12[%select_n3A_245, %dma_start3A_635, %dma_start3A_641] : memref<2x5x80xi32, #tpu.memory_space<vmem>> -> memref<1x1x80xi32, #tpu.memory_space<vmem>>
      %dma_start3A_643 = tpu.memref_squeeze %dma_start3A_642 : memref<1x1x80xi32, #tpu.memory_space<vmem>> -> memref<80xi32, #tpu.memory_space<vmem>>
      %dma_start3A_644 = arith.constant 0 : i32
      %dma_start3A_645 = arith.constant 0 : i32
      %dma_start3A_646 = tpu.memref_slice %arg2[%dma_start3A_644, %dma_start3A_645] : memref<10000x128xf32, #tpu.memory_space<hbm>> -> memref<10000x128xf32, #tpu.memory_space<hbm>>
      tpu.enqueue_indirect_dma source(%dma_start3A_646 : memref<10000x128xf32, #tpu.memory_space<hbm>>) target(%dma_start3A_640 : memref<80x128xf32, #tpu.memory_space<vmem>>) offsets(%dma_start3A_643 : memref<80xi32, #tpu.memory_space<vmem>>) semaphore(%arg22 : memref<!tpu.dma_semaphore, #tpu.memory_space<semaphore_mem>>)
      %dma_wait3A_647 = arith.constant 1 : i32
      %dma_wait3A_648 = arith.constant 1 : i32
      %dma_wait3A_649 = arith.constant 0 : i32
      %dma_wait3A_650 = tpu.memref_slice %arg15[%dma_wait3A_648, %dma_wait3A_649] : memref<3x80xf32, #tpu.memory_space<vmem>> -> memref<1x80xf32, #tpu.memory_space<vmem>>
      %dma_wait3A_651 = tpu.memref_squeeze %dma_wait3A_650 : memref<1x80xf32, #tpu.memory_space<vmem>> -> memref<80xf32, #tpu.memory_space<vmem>>
      %dma_wait3A_652 = arith.constant 0 : i32
      %dma_wait3A_653 = tpu.memref_slice %arg11[%select_n3A_245, %dma_wait3A_647, %dma_wait3A_652] : memref<2x5x80xi32, #tpu.memory_space<vmem>> -> memref<1x1x80xi32, #tpu.memory_space<vmem>>
      %dma_wait3A_654 = tpu.memref_squeeze %dma_wait3A_653 : memref<1x1x80xi32, #tpu.memory_space<vmem>> -> memref<80xi32, #tpu.memory_space<vmem>>
      %dma_wait3A_655 = arith.constant 0 : i32
      %dma_wait3A_656 = tpu.memref_slice %arg20[%dma_wait3A_655] : memref<10000xf32, #tpu.memory_space<vmem_shared>> -> memref<10000xf32, #tpu.memory_space<vmem_shared>>
      tpu.wait_indirect_dma semaphore(%arg29 : memref<!tpu.dma_semaphore, #tpu.memory_space<semaphore_mem>>) src(%dma_wait3A_656 : memref<10000xf32, #tpu.memory_space<vmem_shared>>) dst(%dma_wait3A_651 : memref<80xf32, #tpu.memory_space<vmem>>)
      %dma_wait3A_657 = arith.constant 1 : i32
      %dma_wait3A_658 = arith.constant 1 : i32
      %dma_wait3A_659 = arith.constant 0 : i32
      %dma_wait3A_660 = tpu.memref_slice %arg16[%dma_wait3A_658, %dma_wait3A_659] : memref<3x80xf32, #tpu.memory_space<vmem>> -> memref<1x80xf32, #tpu.memory_space<vmem>>
      %dma_wait3A_661 = tpu.memref_squeeze %dma_wait3A_660 : memref<1x80xf32, #tpu.memory_space<vmem>> -> memref<80xf32, #tpu.memory_space<vmem>>
      %dma_wait3A_662 = arith.constant 0 : i32
      %dma_wait3A_663 = tpu.memref_slice %arg12[%select_n3A_245, %dma_wait3A_657, %dma_wait3A_662] : memref<2x5x80xi32, #tpu.memory_space<vmem>> -> memref<1x1x80xi32, #tpu.memory_space<vmem>>
      %dma_wait3A_664 = tpu.memref_squeeze %dma_wait3A_663 : memref<1x1x80xi32, #tpu.memory_space<vmem>> -> memref<80xi32, #tpu.memory_space<vmem>>
      %dma_wait3A_665 = arith.constant 0 : i32
      %dma_wait3A_666 = tpu.memref_slice %arg21[%dma_wait3A_665] : memref<10000xf32, #tpu.memory_space<vmem_shared>> -> memref<10000xf32, #tpu.memory_space<vmem_shared>>
      tpu.wait_indirect_dma semaphore(%arg32 : memref<!tpu.dma_semaphore, #tpu.memory_space<semaphore_mem>>) src(%dma_wait3A_666 : memref<10000xf32, #tpu.memory_space<vmem_shared>>) dst(%dma_wait3A_661 : memref<80xf32, #tpu.memory_space<vmem>>)
      %dma_wait3A_667 = arith.constant 1 : i32
      %dma_wait3A_668 = arith.constant 0 : i32
      %dma_wait3A_669 = tpu.memref_slice %arg13[%dma_wait3A_667, %dma_wait3A_668] : memref<2x80xf32, #tpu.memory_space<vmem>> -> memref<1x80xf32, #tpu.memory_space<vmem>>
      %dma_wait3A_670 = tpu.memref_squeeze %dma_wait3A_669 : memref<1x80xf32, #tpu.memory_space<vmem>> -> memref<80xf32, #tpu.memory_space<vmem>>
      %dma_wait3A_671 = arith.constant 0 : i32
      %dma_wait3A_672 = tpu.memref_slice %arg19[%dma_wait3A_671] : memref<10000xf32, #tpu.memory_space<vmem_shared>> -> memref<10000xf32, #tpu.memory_space<vmem_shared>>
      tpu.wait_indirect_dma semaphore(%arg36 : memref<!tpu.dma_semaphore, #tpu.memory_space<semaphore_mem>>) src(%dma_wait3A_670 : memref<80xf32, #tpu.memory_space<vmem>>) dst(%dma_wait3A_672 : memref<10000xf32, #tpu.memory_space<vmem_shared>>)
      %get3A_673 = arith.constant 1 : i32
      %get3A_674 = arith.index_cast %get3A_673 : i32 to index
      %get3A_675 = arith.constant 0 : index
      %get3A_676 = tpu.vector_load %arg15[%get3A_674, %get3A_675] {strides = array<i32>} : memref<3x80xf32, #tpu.memory_space<vmem>>, vector<16xf32>,
      %get3A_677 = arith.constant 1 : i32
      %get3A_678 = arith.index_cast %get3A_677 : i32 to index
      %get3A_679 = arith.constant 0 : index
      %get3A_680 = tpu.vector_load %arg16[%get3A_678, %get3A_679] {strides = array<i32>} : memref<3x80xf32, #tpu.memory_space<vmem>>, vector<16xf32>,
      %add3A_681 = arith.addf %get3A_676, %get3A_680 : vector<16xf32>
      %ge3A_682 = arith.constant 0.000000e+00 : f32
      %ge3A_683 = vector.broadcast %ge3A_682 : f32 to vector<16xf32>
      %ge3A_684 = arith.cmpf oge, %add3A_681, %ge3A_683 : vector<16xf32>
      %mul3A_685 = arith.constant 2.000000e-01 : f32
      %mul3A_686 = vector.broadcast %mul3A_685 : f32 to vector<16xf32>
      %mul3A_687 = arith.mulf %add3A_681, %mul3A_686 : vector<16xf32>
      %select_n3A_688 = arith.select %ge3A_684, %add3A_681, %mul3A_687 : vector<16xi1>, vector<16xf32>
      %add3A_689 = arith.addf %get3A_676, %get3A_187 : vector<16xf32>
      %ge3A_690 = arith.constant 0.000000e+00 : f32
      %ge3A_691 = vector.broadcast %ge3A_690 : f32 to vector<16xf32>
      %ge3A_692 = arith.cmpf oge, %add3A_689, %ge3A_691 : vector<16xf32>
      %mul3A_693 = arith.constant 2.000000e-01 : f32
      %mul3A_694 = vector.broadcast %mul3A_693 : f32 to vector<16xf32>
      %mul3A_695 = arith.mulf %add3A_689, %mul3A_694 : vector<16xf32>
      %select_n3A_696 = arith.select %ge3A_692, %add3A_689, %mul3A_695 : vector<16xi1>, vector<16xf32>
      %sub3A_697 = arith.subf %select_n3A_688, %select_n3A_696 : vector<16xf32>
      %exp3A_698 = math.exp %sub3A_697 : vector<16xf32>
      %swap3A_699 = arith.constant 1 : i32
      %swap3A_700 = arith.index_cast %swap3A_699 : i32 to index
      %swap3A_701 = arith.constant 0 : index
      %swap3A_702 = tpu.vector_load %arg13[%swap3A_700, %swap3A_701] {strides = array<i32>} : memref<2x80xf32, #tpu.memory_space<vmem>>, vector<16xf32>,
      tpu.vector_store %arg13[%swap3A_700, %swap3A_701], %exp3A_698 {strides = array<i32>} : memref<2x80xf32, #tpu.memory_space<vmem>>, vector<16xf32>,
      %get3A_703 = arith.constant 1 : i32
      %get3A_704 = arith.index_cast %get3A_703 : i32 to index
      %get3A_705 = arith.constant 16 : index
      %get3A_706 = tpu.vector_load %arg15[%get3A_704, %get3A_705] {strides = array<i32>} : memref<3x80xf32, #tpu.memory_space<vmem>>, vector<16xf32>,
      %get3A_707 = arith.constant 1 : i32
      %get3A_708 = arith.index_cast %get3A_707 : i32 to index
      %get3A_709 = arith.constant 16 : index
      %get3A_710 = tpu.vector_load %arg16[%get3A_708, %get3A_709] {strides = array<i32>} : memref<3x80xf32, #tpu.memory_space<vmem>>, vector<16xf32>,
      %add3A_711 = arith.addf %get3A_706, %get3A_710 : vector<16xf32>
      %ge3A_712 = arith.constant 0.000000e+00 : f32
      %ge3A_713 = vector.broadcast %ge3A_712 : f32 to vector<16xf32>
      %ge3A_714 = arith.cmpf oge, %add3A_711, %ge3A_713 : vector<16xf32>
      %mul3A_715 = arith.constant 2.000000e-01 : f32
      %mul3A_716 = vector.broadcast %mul3A_715 : f32 to vector<16xf32>
      %mul3A_717 = arith.mulf %add3A_711, %mul3A_716 : vector<16xf32>
      %select_n3A_718 = arith.select %ge3A_714, %add3A_711, %mul3A_717 : vector<16xi1>, vector<16xf32>
      %add3A_719 = arith.addf %get3A_706, %get3A_187 : vector<16xf32>
      %ge3A_720 = arith.constant 0.000000e+00 : f32
      %ge3A_721 = vector.broadcast %ge3A_720 : f32 to vector<16xf32>
      %ge3A_722 = arith.cmpf oge, %add3A_719, %ge3A_721 : vector<16xf32>
      %mul3A_723 = arith.constant 2.000000e-01 : f32
      %mul3A_724 = vector.broadcast %mul3A_723 : f32 to vector<16xf32>
      %mul3A_725 = arith.mulf %add3A_719, %mul3A_724 : vector<16xf32>
      %select_n3A_726 = arith.select %ge3A_722, %add3A_719, %mul3A_725 : vector<16xi1>, vector<16xf32>
      %sub3A_727 = arith.subf %select_n3A_718, %select_n3A_726 : vector<16xf32>
      %exp3A_728 = math.exp %sub3A_727 : vector<16xf32>
      %swap3A_729 = arith.constant 1 : i32
      %swap3A_730 = arith.index_cast %swap3A_729 : i32 to index
      %swap3A_731 = arith.constant 16 : index
      %swap3A_732 = tpu.vector_load %arg13[%swap3A_730, %swap3A_731] {strides = array<i32>} : memref<2x80xf32, #tpu.memory_space<vmem>>, vector<16xf32>,
      tpu.vector_store %arg13[%swap3A_730, %swap3A_731], %exp3A_728 {strides = array<i32>} : memref<2x80xf32, #tpu.memory_space<vmem>>, vector<16xf32>,
      %get3A_733 = arith.constant 1 : i32
      %get3A_734 = arith.index_cast %get3A_733 : i32 to index
      %get3A_735 = arith.constant 32 : index
      %get3A_736 = tpu.vector_load %arg15[%get3A_734, %get3A_735] {strides = array<i32>} : memref<3x80xf32, #tpu.memory_space<vmem>>, vector<16xf32>,
      %get3A_737 = arith.constant 1 : i32
      %get3A_738 = arith.index_cast %get3A_737 : i32 to index
      %get3A_739 = arith.constant 32 : index
      %get3A_740 = tpu.vector_load %arg16[%get3A_738, %get3A_739] {strides = array<i32>} : memref<3x80xf32, #tpu.memory_space<vmem>>, vector<16xf32>,
      %add3A_741 = arith.addf %get3A_736, %get3A_740 : vector<16xf32>
      %ge3A_742 = arith.constant 0.000000e+00 : f32
      %ge3A_743 = vector.broadcast %ge3A_742 : f32 to vector<16xf32>
      %ge3A_744 = arith.cmpf oge, %add3A_741, %ge3A_743 : vector<16xf32>
      %mul3A_745 = arith.constant 2.000000e-01 : f32
      %mul3A_746 = vector.broadcast %mul3A_745 : f32 to vector<16xf32>
      %mul3A_747 = arith.mulf %add3A_741, %mul3A_746 : vector<16xf32>
      %select_n3A_748 = arith.select %ge3A_744, %add3A_741, %mul3A_747 : vector<16xi1>, vector<16xf32>
      %add3A_749 = arith.addf %get3A_736, %get3A_187 : vector<16xf32>
      %ge3A_750 = arith.constant 0.000000e+00 : f32
      %ge3A_751 = vector.broadcast %ge3A_750 : f32 to vector<16xf32>
      %ge3A_752 = arith.cmpf oge, %add3A_749, %ge3A_751 : vector<16xf32>
      %mul3A_753 = arith.constant 2.000000e-01 : f32
      %mul3A_754 = vector.broadcast %mul3A_753 : f32 to vector<16xf32>
      %mul3A_755 = arith.mulf %add3A_749, %mul3A_754 : vector<16xf32>
      %select_n3A_756 = arith.select %ge3A_752, %add3A_749, %mul3A_755 : vector<16xi1>, vector<16xf32>
      %sub3A_757 = arith.subf %select_n3A_748, %select_n3A_756 : vector<16xf32>
      %exp3A_758 = math.exp %sub3A_757 : vector<16xf32>
      %swap3A_759 = arith.constant 1 : i32
      %swap3A_760 = arith.index_cast %swap3A_759 : i32 to index
      %swap3A_761 = arith.constant 32 : index
      %swap3A_762 = tpu.vector_load %arg13[%swap3A_760, %swap3A_761] {strides = array<i32>} : memref<2x80xf32, #tpu.memory_space<vmem>>, vector<16xf32>,
      tpu.vector_store %arg13[%swap3A_760, %swap3A_761], %exp3A_758 {strides = array<i32>} : memref<2x80xf32, #tpu.memory_space<vmem>>, vector<16xf32>,
      %get3A_763 = arith.constant 1 : i32
      %get3A_764 = arith.index_cast %get3A_763 : i32 to index
      %get3A_765 = arith.constant 48 : index
      %get3A_766 = tpu.vector_load %arg15[%get3A_764, %get3A_765] {strides = array<i32>} : memref<3x80xf32, #tpu.memory_space<vmem>>, vector<16xf32>,
      %get3A_767 = arith.constant 1 : i32
      %get3A_768 = arith.index_cast %get3A_767 : i32 to index
      %get3A_769 = arith.constant 48 : index
      %get3A_770 = tpu.vector_load %arg16[%get3A_768, %get3A_769] {strides = array<i32>} : memref<3x80xf32, #tpu.memory_space<vmem>>, vector<16xf32>,
      %add3A_771 = arith.addf %get3A_766, %get3A_770 : vector<16xf32>
      %ge3A_772 = arith.constant 0.000000e+00 : f32
      %ge3A_773 = vector.broadcast %ge3A_772 : f32 to vector<16xf32>
      %ge3A_774 = arith.cmpf oge, %add3A_771, %ge3A_773 : vector<16xf32>
      %mul3A_775 = arith.constant 2.000000e-01 : f32
      %mul3A_776 = vector.broadcast %mul3A_775 : f32 to vector<16xf32>
      %mul3A_777 = arith.mulf %add3A_771, %mul3A_776 : vector<16xf32>
      %select_n3A_778 = arith.select %ge3A_774, %add3A_771, %mul3A_777 : vector<16xi1>, vector<16xf32>
      %add3A_779 = arith.addf %get3A_766, %get3A_187 : vector<16xf32>
      %ge3A_780 = arith.constant 0.000000e+00 : f32
      %ge3A_781 = vector.broadcast %ge3A_780 : f32 to vector<16xf32>
      %ge3A_782 = arith.cmpf oge, %add3A_779, %ge3A_781 : vector<16xf32>
      %mul3A_783 = arith.constant 2.000000e-01 : f32
      %mul3A_784 = vector.broadcast %mul3A_783 : f32 to vector<16xf32>
      %mul3A_785 = arith.mulf %add3A_779, %mul3A_784 : vector<16xf32>
      %select_n3A_786 = arith.select %ge3A_782, %add3A_779, %mul3A_785 : vector<16xi1>, vector<16xf32>
      %sub3A_787 = arith.subf %select_n3A_778, %select_n3A_786 : vector<16xf32>
      %exp3A_788 = math.exp %sub3A_787 : vector<16xf32>
      %swap3A_789 = arith.constant 1 : i32
      %swap3A_790 = arith.index_cast %swap3A_789 : i32 to index
      %swap3A_791 = arith.constant 48 : index
      %swap3A_792 = tpu.vector_load %arg13[%swap3A_790, %swap3A_791] {strides = array<i32>} : memref<2x80xf32, #tpu.memory_space<vmem>>, vector<16xf32>,
      tpu.vector_store %arg13[%swap3A_790, %swap3A_791], %exp3A_788 {strides = array<i32>} : memref<2x80xf32, #tpu.memory_space<vmem>>, vector<16xf32>,
      %get3A_793 = arith.constant 1 : i32
      %get3A_794 = arith.index_cast %get3A_793 : i32 to index
      %get3A_795 = arith.constant 64 : index
      %get3A_796 = tpu.vector_load %arg15[%get3A_794, %get3A_795] {strides = array<i32>} : memref<3x80xf32, #tpu.memory_space<vmem>>, vector<16xf32>,
      %get3A_797 = arith.constant 1 : i32
      %get3A_798 = arith.index_cast %get3A_797 : i32 to index
      %get3A_799 = arith.constant 64 : index
      %get3A_800 = tpu.vector_load %arg16[%get3A_798, %get3A_799] {strides = array<i32>} : memref<3x80xf32, #tpu.memory_space<vmem>>, vector<16xf32>,
      %add3A_801 = arith.addf %get3A_796, %get3A_800 : vector<16xf32>
      %ge3A_802 = arith.constant 0.000000e+00 : f32
      %ge3A_803 = vector.broadcast %ge3A_802 : f32 to vector<16xf32>
      %ge3A_804 = arith.cmpf oge, %add3A_801, %ge3A_803 : vector<16xf32>
      %mul3A_805 = arith.constant 2.000000e-01 : f32
      %mul3A_806 = vector.broadcast %mul3A_805 : f32 to vector<16xf32>
      %mul3A_807 = arith.mulf %add3A_801, %mul3A_806 : vector<16xf32>
      %select_n3A_808 = arith.select %ge3A_804, %add3A_801, %mul3A_807 : vector<16xi1>, vector<16xf32>
      %add3A_809 = arith.addf %get3A_796, %get3A_187 : vector<16xf32>
      %ge3A_810 = arith.constant 0.000000e+00 : f32
      %ge3A_811 = vector.broadcast %ge3A_810 : f32 to vector<16xf32>
      %ge3A_812 = arith.cmpf oge, %add3A_809, %ge3A_811 : vector<16xf32>
      %mul3A_813 = arith.constant 2.000000e-01 : f32
      %mul3A_814 = vector.broadcast %mul3A_813 : f32 to vector<16xf32>
      %mul3A_815 = arith.mulf %add3A_809, %mul3A_814 : vector<16xf32>
      %select_n3A_816 = arith.select %ge3A_812, %add3A_809, %mul3A_815 : vector<16xi1>, vector<16xf32>
      %sub3A_817 = arith.subf %select_n3A_808, %select_n3A_816 : vector<16xf32>
      %exp3A_818 = math.exp %sub3A_817 : vector<16xf32>
      %swap3A_819 = arith.constant 1 : i32
      %swap3A_820 = arith.index_cast %swap3A_819 : i32 to index
      %swap3A_821 = arith.constant 64 : index
      %swap3A_822 = tpu.vector_load %arg13[%swap3A_820, %swap3A_821] {strides = array<i32>} : memref<2x80xf32, #tpu.memory_space<vmem>>, vector<16xf32>,
      tpu.vector_store %arg13[%swap3A_820, %swap3A_821], %exp3A_818 {strides = array<i32>} : memref<2x80xf32, #tpu.memory_space<vmem>>, vector<16xf32>,
      %dma_start3A_823 = arith.constant 1 : i32
      %dma_start3A_824 = arith.constant 1 : i32
      %dma_start3A_825 = arith.constant 0 : i32
      %dma_start3A_826 = tpu.memref_slice %arg13[%dma_start3A_823, %dma_start3A_825] : memref<2x80xf32, #tpu.memory_space<vmem>> -> memref<1x80xf32, #tpu.memory_space<vmem>>
      %dma_start3A_827 = tpu.memref_squeeze %dma_start3A_826 : memref<1x80xf32, #tpu.memory_space<vmem>> -> memref<80xf32, #tpu.memory_space<vmem>>
      %dma_start3A_828 = arith.constant 0 : i32
      %dma_start3A_829 = tpu.memref_slice %arg11[%select_n3A_245, %dma_start3A_824, %dma_start3A_828] : memref<2x5x80xi32, #tpu.memory_space<vmem>> -> memref<1x1x80xi32, #tpu.memory_space<vmem>>
      %dma_start3A_830 = tpu.memref_squeeze %dma_start3A_829 : memref<1x1x80xi32, #tpu.memory_space<vmem>> -> memref<80xi32, #tpu.memory_space<vmem>>
      %dma_start3A_831 = arith.constant 0 : i32
      %dma_start3A_832 = tpu.memref_slice %arg19[%dma_start3A_831] : memref<10000xf32, #tpu.memory_space<vmem_shared>> -> memref<10000xf32, #tpu.memory_space<vmem_shared>>
      tpu.enqueue_indirect_dma source(%dma_start3A_827 : memref<80xf32, #tpu.memory_space<vmem>>) target(%dma_start3A_832 : memref<10000xf32, #tpu.memory_space<vmem_shared>>) offsets(%dma_start3A_830 : memref<80xi32, #tpu.memory_space<vmem>>) semaphore(%arg36 : memref<!tpu.dma_semaphore, #tpu.memory_space<semaphore_mem>>) {add = true}
      %add3A_833 = arith.constant 1 : i32
      %add3A_834 = arith.addi %scan3A_235, %add3A_833 : i32
      %lt3A_835 = arith.constant 25 : i32
      %lt3A_836 = arith.cmpi slt, %add3A_834, %lt3A_835 : i32
      %convert_element_type3A_837 = arith.extui %lt3A_836 : i1 to i32
      %cond3A_838 = arith.constant 0 : i32
      %cond3A_839 = arith.cmpi ne, %convert_element_type3A_837, %cond3A_838 : i32
      scf.if %cond3A_839 {
        %add3A_1546 = arith.constant 1 : i32
        %add3A_1547 = arith.addi %scan3A_235, %add3A_1546 : i32
        %sub3A_1548 = arith.constant 1 : i32
        %sub3A_1549 = arith.subi %sub3A_1548, %select_n3A_245 : i32
        %dma_start3A_1550 = arith.constant 0 : i32
        %dma_start3A_1551 = arith.constant 0 : i32
        %dma_start3A_1552 = tpu.memref_slice %arg11[%sub3A_1549, %dma_start3A_1550, %dma_start3A_1551] : memref<2x5x80xi32, #tpu.memory_space<vmem>> -> memref<1x5x80xi32, #tpu.memory_space<vmem>>
        %dma_start3A_1553 = tpu.memref_squeeze %dma_start3A_1552 : memref<1x5x80xi32, #tpu.memory_space<vmem>> -> memref<5x80xi32, #tpu.memory_space<vmem>>
        %dma_start3A_1554 = arith.constant 0 : i32
        %dma_start3A_1555 = arith.constant 0 : i32
        %dma_start3A_1556 = tpu.memref_slice %arg3[%add3A, %add3A_1547, %dma_start3A_1554, %dma_start3A_1555] : memref<32x25x5x80xi32, #tpu.memory_space<hbm>> -> memref<1x1x5x80xi32, #tpu.memory_space<hbm>>
        %dma_start3A_1557 = tpu.memref_squeeze %dma_start3A_1556 : memref<1x1x5x80xi32, #tpu.memory_space<hbm>> -> memref<5x80xi32, #tpu.memory_space<hbm>>
        %dma_start3A_1558 = arith.constant 0 : i32
        %dma_start3A_1559 = arith.constant 0 : i32
        %dma_start3A_1560 = tpu.memref_slice %arg11[%sub3A_1549, %dma_start3A_1558, %dma_start3A_1559] : memref<2x5x80xi32, #tpu.memory_space<vmem>> -> memref<1x5x80xi32, #tpu.memory_space<vmem>>
        %dma_start3A_1561 = tpu.memref_squeeze %dma_start3A_1560 : memref<1x5x80xi32, #tpu.memory_space<vmem>> -> memref<5x80xi32, #tpu.memory_space<vmem>>
        %dma_start3A_1562 = arith.constant 0 : i32
        %dma_start3A_1563 = arith.constant 0 : i32
        %dma_start3A_1564 = tpu.memref_slice %arg3[%add3A, %add3A_1547, %dma_start3A_1562, %dma_start3A_1563] : memref<32x25x5x80xi32, #tpu.memory_space<hbm>> -> memref<1x1x5x80xi32, #tpu.memory_space<hbm>>
        %dma_start3A_1565 = tpu.memref_squeeze %dma_start3A_1564 : memref<1x1x5x80xi32, #tpu.memory_space<hbm>> -> memref<5x80xi32, #tpu.memory_space<hbm>>
        tpu.enqueue_dma source(%dma_start3A_1565 : memref<5x80xi32, #tpu.memory_space<hbm>>) target(%dma_start3A_1561 : memref<5x80xi32, #tpu.memory_space<vmem>>) target_semaphore(%arg34 : memref<!tpu.dma_semaphore, #tpu.memory_space<semaphore_mem>>)
        %add3A_1566 = arith.constant 1 : i32
        %add3A_1567 = arith.addi %scan3A_235, %add3A_1566 : i32
        %sub3A_1568 = arith.constant 1 : i32
        %sub3A_1569 = arith.subi %sub3A_1568, %select_n3A_245 : i32
        %dma_start3A_1570 = arith.constant 0 : i32
        %dma_start3A_1571 = arith.constant 0 : i32
        %dma_start3A_1572 = tpu.memref_slice %arg12[%sub3A_1569, %dma_start3A_1570, %dma_start3A_1571] : memref<2x5x80xi32, #tpu.memory_space<vmem>> -> memref<1x5x80xi32, #tpu.memory_space<vmem>>
        %dma_start3A_1573 = tpu.memref_squeeze %dma_start3A_1572 : memref<1x5x80xi32, #tpu.memory_space<vmem>> -> memref<5x80xi32, #tpu.memory_space<vmem>>
        %dma_start3A_1574 = arith.constant 0 : i32
        %dma_start3A_1575 = arith.constant 0 : i32
        %dma_start3A_1576 = tpu.memref_slice %arg4[%add3A, %add3A_1567, %dma_start3A_1574, %dma_start3A_1575] : memref<32x25x5x80xi32, #tpu.memory_space<hbm>> -> memref<1x1x5x80xi32, #tpu.memory_space<hbm>>
        %dma_start3A_1577 = tpu.memref_squeeze %dma_start3A_1576 : memref<1x1x5x80xi32, #tpu.memory_space<hbm>> -> memref<5x80xi32, #tpu.memory_space<hbm>>
        %dma_start3A_1578 = arith.constant 0 : i32
        %dma_start3A_1579 = arith.constant 0 : i32
        %dma_start3A_1580 = tpu.memref_slice %arg12[%sub3A_1569, %dma_start3A_1578, %dma_start3A_1579] : memref<2x5x80xi32, #tpu.memory_space<vmem>> -> memref<1x5x80xi32, #tpu.memory_space<vmem>>
        %dma_start3A_1581 = tpu.memref_squeeze %dma_start3A_1580 : memref<1x5x80xi32, #tpu.memory_space<vmem>> -> memref<5x80xi32, #tpu.memory_space<vmem>>
        %dma_start3A_1582 = arith.constant 0 : i32
        %dma_start3A_1583 = arith.constant 0 : i32
        %dma_start3A_1584 = tpu.memref_slice %arg4[%add3A, %add3A_1567, %dma_start3A_1582, %dma_start3A_1583] : memref<32x25x5x80xi32, #tpu.memory_space<hbm>> -> memref<1x1x5x80xi32, #tpu.memory_space<hbm>>
        %dma_start3A_1585 = tpu.memref_squeeze %dma_start3A_1584 : memref<1x1x5x80xi32, #tpu.memory_space<hbm>> -> memref<5x80xi32, #tpu.memory_space<hbm>>
        tpu.enqueue_dma source(%dma_start3A_1585 : memref<5x80xi32, #tpu.memory_space<hbm>>) target(%dma_start3A_1581 : memref<5x80xi32, #tpu.memory_space<vmem>>) target_semaphore(%arg34 : memref<!tpu.dma_semaphore, #tpu.memory_space<semaphore_mem>>)
      } else {
      }
      %dma_wait3A_840 = arith.constant 1 : i32
      %dma_wait3A_841 = arith.constant 1 : i32
      %dma_wait3A_842 = arith.constant 0 : i32
      %dma_wait3A_843 = arith.constant 0 : i32
      %dma_wait3A_844 = tpu.memref_slice %arg17[%dma_wait3A_841, %dma_wait3A_842, %dma_wait3A_843] : memref<3x80x128xf32, #tpu.memory_space<vmem>> -> memref<1x80x128xf32, #tpu.memory_space<vmem>>
      %dma_wait3A_845 = tpu.memref_squeeze %dma_wait3A_844 : memref<1x80x128xf32, #tpu.memory_space<vmem>> -> memref<80x128xf32, #tpu.memory_space<vmem>>
      %dma_wait3A_846 = arith.constant 0 : i32
      %dma_wait3A_847 = tpu.memref_slice %arg12[%select_n3A_245, %dma_wait3A_840, %dma_wait3A_846] : memref<2x5x80xi32, #tpu.memory_space<vmem>> -> memref<1x1x80xi32, #tpu.memory_space<vmem>>
      %dma_wait3A_848 = tpu.memref_squeeze %dma_wait3A_847 : memref<1x1x80xi32, #tpu.memory_space<vmem>> -> memref<80xi32, #tpu.memory_space<vmem>>
      %dma_wait3A_849 = arith.constant 0 : i32
      %dma_wait3A_850 = arith.constant 0 : i32
      %dma_wait3A_851 = tpu.memref_slice %arg2[%dma_wait3A_849, %dma_wait3A_850] : memref<10000x128xf32, #tpu.memory_space<hbm>> -> memref<10000x128xf32, #tpu.memory_space<hbm>>
      tpu.wait_indirect_dma semaphore(%arg23 : memref<!tpu.dma_semaphore, #tpu.memory_space<semaphore_mem>>) src(%dma_wait3A_851 : memref<10000x128xf32, #tpu.memory_space<hbm>>) dst(%dma_wait3A_845 : memref<80x128xf32, #tpu.memory_space<vmem>>)
      %parallel_loop3A_852 = arith.constant 0 : i32
      %parallel_loop3A_853 = arith.constant 80 : i32
      %parallel_loop3A_854 = arith.constant 1 : i32
      scf.for %parallel_loop3A_1546 = %parallel_loop3A_852 to %parallel_loop3A_853 step %parallel_loop3A_854  : i32 {
        %parallel_loop3A_1547 = vector.broadcast %parallel_loop3A_1546 : i32 to vector<16xi32>
        %parallel_loop3A_1548 = arith.constant 1 : i32
        %parallel_loop3A_1549 = arith.constant 0 : i32
        %parallel_loop3A_1550 = tpu.memref_slice %arg13[%parallel_loop3A_1548, %parallel_loop3A_1549] : memref<2x80xf32, #tpu.memory_space<vmem>> -> memref<1x80xf32, #tpu.memory_space<vmem>>
        %parallel_loop3A_1551 = tpu.memref_squeeze %parallel_loop3A_1550 : memref<1x80xf32, #tpu.memory_space<vmem>> -> memref<80xf32, #tpu.memory_space<vmem>>
        %parallel_loop3A_1552 = tpu.vector_load_idx %parallel_loop3A_1551[%parallel_loop3A_1547] : memref<80xf32, #tpu.memory_space<vmem>>[vector<16xi32>], vector<16xf32>,
        %parallel_loop3A_1553 = arith.constant 1 : i32
        %parallel_loop3A_1554 = arith.index_cast %parallel_loop3A_1553 : i32 to index
        %parallel_loop3A_1555 = arith.index_cast %parallel_loop3A_1546 : i32 to index
        %parallel_loop3A_1556 = arith.constant 0 : index
        %parallel_loop3A_1557 = tpu.vector_load %arg17[%parallel_loop3A_1554, %parallel_loop3A_1555, %parallel_loop3A_1556] {strides = array<i32>} : memref<3x80x128xf32, #tpu.memory_space<vmem>>, vector<16xf32>,
        %parallel_loop3A_1558 = arith.mulf %parallel_loop3A_1557, %parallel_loop3A_1552 : vector<16xf32>
        %parallel_loop3A_1559 = arith.constant 1 : i32
        %parallel_loop3A_1560 = arith.index_cast %parallel_loop3A_1559 : i32 to index
        %parallel_loop3A_1561 = arith.index_cast %parallel_loop3A_1546 : i32 to index
        %parallel_loop3A_1562 = arith.constant 0 : index
        %parallel_loop3A_1563 = tpu.vector_load %arg17[%parallel_loop3A_1560, %parallel_loop3A_1561, %parallel_loop3A_1562] {strides = array<i32>} : memref<3x80x128xf32, #tpu.memory_space<vmem>>, vector<16xf32>,
        tpu.vector_store %arg17[%parallel_loop3A_1560, %parallel_loop3A_1561, %parallel_loop3A_1562], %parallel_loop3A_1558 {strides = array<i32>} : memref<3x80x128xf32, #tpu.memory_space<vmem>>, vector<16xf32>,
        %parallel_loop3A_1564 = arith.constant 1 : i32
        %parallel_loop3A_1565 = arith.index_cast %parallel_loop3A_1564 : i32 to index
        %parallel_loop3A_1566 = arith.index_cast %parallel_loop3A_1546 : i32 to index
        %parallel_loop3A_1567 = arith.constant 16 : index
        %parallel_loop3A_1568 = tpu.vector_load %arg17[%parallel_loop3A_1565, %parallel_loop3A_1566, %parallel_loop3A_1567] {strides = array<i32>} : memref<3x80x128xf32, #tpu.memory_space<vmem>>, vector<16xf32>,
        %parallel_loop3A_1569 = arith.mulf %parallel_loop3A_1568, %parallel_loop3A_1552 : vector<16xf32>
        %parallel_loop3A_1570 = arith.constant 1 : i32
        %parallel_loop3A_1571 = arith.index_cast %parallel_loop3A_1570 : i32 to index
        %parallel_loop3A_1572 = arith.index_cast %parallel_loop3A_1546 : i32 to index
        %parallel_loop3A_1573 = arith.constant 16 : index
        %parallel_loop3A_1574 = tpu.vector_load %arg17[%parallel_loop3A_1571, %parallel_loop3A_1572, %parallel_loop3A_1573] {strides = array<i32>} : memref<3x80x128xf32, #tpu.memory_space<vmem>>, vector<16xf32>,
        tpu.vector_store %arg17[%parallel_loop3A_1571, %parallel_loop3A_1572, %parallel_loop3A_1573], %parallel_loop3A_1569 {strides = array<i32>} : memref<3x80x128xf32, #tpu.memory_space<vmem>>, vector<16xf32>,
        %parallel_loop3A_1575 = arith.constant 1 : i32
        %parallel_loop3A_1576 = arith.index_cast %parallel_loop3A_1575 : i32 to index
        %parallel_loop3A_1577 = arith.index_cast %parallel_loop3A_1546 : i32 to index
        %parallel_loop3A_1578 = arith.constant 32 : index
        %parallel_loop3A_1579 = tpu.vector_load %arg17[%parallel_loop3A_1576, %parallel_loop3A_1577, %parallel_loop3A_1578] {strides = array<i32>} : memref<3x80x128xf32, #tpu.memory_space<vmem>>, vector<16xf32>,
        %parallel_loop3A_1580 = arith.mulf %parallel_loop3A_1579, %parallel_loop3A_1552 : vector<16xf32>
        %parallel_loop3A_1581 = arith.constant 1 : i32
        %parallel_loop3A_1582 = arith.index_cast %parallel_loop3A_1581 : i32 to index
        %parallel_loop3A_1583 = arith.index_cast %parallel_loop3A_1546 : i32 to index
        %parallel_loop3A_1584 = arith.constant 32 : index
        %parallel_loop3A_1585 = tpu.vector_load %arg17[%parallel_loop3A_1582, %parallel_loop3A_1583, %parallel_loop3A_1584] {strides = array<i32>} : memref<3x80x128xf32, #tpu.memory_space<vmem>>, vector<16xf32>,
        tpu.vector_store %arg17[%parallel_loop3A_1582, %parallel_loop3A_1583, %parallel_loop3A_1584], %parallel_loop3A_1580 {strides = array<i32>} : memref<3x80x128xf32, #tpu.memory_space<vmem>>, vector<16xf32>,
        %parallel_loop3A_1586 = arith.constant 1 : i32
        %parallel_loop3A_1587 = arith.index_cast %parallel_loop3A_1586 : i32 to index
        %parallel_loop3A_1588 = arith.index_cast %parallel_loop3A_1546 : i32 to index
        %parallel_loop3A_1589 = arith.constant 48 : index
        %parallel_loop3A_1590 = tpu.vector_load %arg17[%parallel_loop3A_1587, %parallel_loop3A_1588, %parallel_loop3A_1589] {strides = array<i32>} : memref<3x80x128xf32, #tpu.memory_space<vmem>>, vector<16xf32>,
        %parallel_loop3A_1591 = arith.mulf %parallel_loop3A_1590, %parallel_loop3A_1552 : vector<16xf32>
        %parallel_loop3A_1592 = arith.constant 1 : i32
        %parallel_loop3A_1593 = arith.index_cast %parallel_loop3A_1592 : i32 to index
        %parallel_loop3A_1594 = arith.index_cast %parallel_loop3A_1546 : i32 to index
        %parallel_loop3A_1595 = arith.constant 48 : index
        %parallel_loop3A_1596 = tpu.vector_load %arg17[%parallel_loop3A_1593, %parallel_loop3A_1594, %parallel_loop3A_1595] {strides = array<i32>} : memref<3x80x128xf32, #tpu.memory_space<vmem>>, vector<16xf32>,
        tpu.vector_store %arg17[%parallel_loop3A_1593, %parallel_loop3A_1594, %parallel_loop3A_1595], %parallel_loop3A_1591 {strides = array<i32>} : memref<3x80x128xf32, #tpu.memory_space<vmem>>, vector<16xf32>,
        %parallel_loop3A_1597 = arith.constant 1 : i32
        %parallel_loop3A_1598 = arith.index_cast %parallel_loop3A_1597 : i32 to index
        %parallel_loop3A_1599 = arith.index_cast %parallel_loop3A_1546 : i32 to index
        %parallel_loop3A_1600 = arith.constant 64 : index
        %parallel_loop3A_1601 = tpu.vector_load %arg17[%parallel_loop3A_1598, %parallel_loop3A_1599, %parallel_loop3A_1600] {strides = array<i32>} : memref<3x80x128xf32, #tpu.memory_space<vmem>>, vector<16xf32>,
        %parallel_loop3A_1602 = arith.mulf %parallel_loop3A_1601, %parallel_loop3A_1552 : vector<16xf32>
        %parallel_loop3A_1603 = arith.constant 1 : i32
        %parallel_loop3A_1604 = arith.index_cast %parallel_loop3A_1603 : i32 to index
        %parallel_loop3A_1605 = arith.index_cast %parallel_loop3A_1546 : i32 to index
        %parallel_loop3A_1606 = arith.constant 64 : index
        %parallel_loop3A_1607 = tpu.vector_load %arg17[%parallel_loop3A_1604, %parallel_loop3A_1605, %parallel_loop3A_1606] {strides = array<i32>} : memref<3x80x128xf32, #tpu.memory_space<vmem>>, vector<16xf32>,
        tpu.vector_store %arg17[%parallel_loop3A_1604, %parallel_loop3A_1605, %parallel_loop3A_1606], %parallel_loop3A_1602 {strides = array<i32>} : memref<3x80x128xf32, #tpu.memory_space<vmem>>, vector<16xf32>,
        %parallel_loop3A_1608 = arith.constant 1 : i32
        %parallel_loop3A_1609 = arith.index_cast %parallel_loop3A_1608 : i32 to index
        %parallel_loop3A_1610 = arith.index_cast %parallel_loop3A_1546 : i32 to index
        %parallel_loop3A_1611 = arith.constant 80 : index
        %parallel_loop3A_1612 = tpu.vector_load %arg17[%parallel_loop3A_1609, %parallel_loop3A_1610, %parallel_loop3A_1611] {strides = array<i32>} : memref<3x80x128xf32, #tpu.memory_space<vmem>>, vector<16xf32>,
        %parallel_loop3A_1613 = arith.mulf %parallel_loop3A_1612, %parallel_loop3A_1552 : vector<16xf32>
        %parallel_loop3A_1614 = arith.constant 1 : i32
        %parallel_loop3A_1615 = arith.index_cast %parallel_loop3A_1614 : i32 to index
        %parallel_loop3A_1616 = arith.index_cast %parallel_loop3A_1546 : i32 to index
        %parallel_loop3A_1617 = arith.constant 80 : index
        %parallel_loop3A_1618 = tpu.vector_load %arg17[%parallel_loop3A_1615, %parallel_loop3A_1616, %parallel_loop3A_1617] {strides = array<i32>} : memref<3x80x128xf32, #tpu.memory_space<vmem>>, vector<16xf32>,
        tpu.vector_store %arg17[%parallel_loop3A_1615, %parallel_loop3A_1616, %parallel_loop3A_1617], %parallel_loop3A_1613 {strides = array<i32>} : memref<3x80x128xf32, #tpu.memory_space<vmem>>, vector<16xf32>,
        %parallel_loop3A_1619 = arith.constant 1 : i32
        %parallel_loop3A_1620 = arith.index_cast %parallel_loop3A_1619 : i32 to index
        %parallel_loop3A_1621 = arith.index_cast %parallel_loop3A_1546 : i32 to index
        %parallel_loop3A_1622 = arith.constant 96 : index
        %parallel_loop3A_1623 = tpu.vector_load %arg17[%parallel_loop3A_1620, %parallel_loop3A_1621, %parallel_loop3A_1622] {strides = array<i32>} : memref<3x80x128xf32, #tpu.memory_space<vmem>>, vector<16xf32>,
        %parallel_loop3A_1624 = arith.mulf %parallel_loop3A_1623, %parallel_loop3A_1552 : vector<16xf32>
        %parallel_loop3A_1625 = arith.constant 1 : i32
        %parallel_loop3A_1626 = arith.index_cast %parallel_loop3A_1625 : i32 to index
        %parallel_loop3A_1627 = arith.index_cast %parallel_loop3A_1546 : i32 to index
        %parallel_loop3A_1628 = arith.constant 96 : index
        %parallel_loop3A_1629 = tpu.vector_load %arg17[%parallel_loop3A_1626, %parallel_loop3A_1627, %parallel_loop3A_1628] {strides = array<i32>} : memref<3x80x128xf32, #tpu.memory_space<vmem>>, vector<16xf32>,
        tpu.vector_store %arg17[%parallel_loop3A_1626, %parallel_loop3A_1627, %parallel_loop3A_1628], %parallel_loop3A_1624 {strides = array<i32>} : memref<3x80x128xf32, #tpu.memory_space<vmem>>, vector<16xf32>,
        %parallel_loop3A_1630 = arith.constant 1 : i32
        %parallel_loop3A_1631 = arith.index_cast %parallel_loop3A_1630 : i32 to index
        %parallel_loop3A_1632 = arith.index_cast %parallel_loop3A_1546 : i32 to index
        %parallel_loop3A_1633 = arith.constant 112 : index
        %parallel_loop3A_1634 = tpu.vector_load %arg17[%parallel_loop3A_1631, %parallel_loop3A_1632, %parallel_loop3A_1633] {strides = array<i32>} : memref<3x80x128xf32, #tpu.memory_space<vmem>>, vector<16xf32>,
        %parallel_loop3A_1635 = arith.mulf %parallel_loop3A_1634, %parallel_loop3A_1552 : vector<16xf32>
        %parallel_loop3A_1636 = arith.constant 1 : i32
        %parallel_loop3A_1637 = arith.index_cast %parallel_loop3A_1636 : i32 to index
        %parallel_loop3A_1638 = arith.index_cast %parallel_loop3A_1546 : i32 to index
        %parallel_loop3A_1639 = arith.constant 112 : index
        %parallel_loop3A_1640 = tpu.vector_load %arg17[%parallel_loop3A_1637, %parallel_loop3A_1638, %parallel_loop3A_1639] {strides = array<i32>} : memref<3x80x128xf32, #tpu.memory_space<vmem>>, vector<16xf32>,
        tpu.vector_store %arg17[%parallel_loop3A_1637, %parallel_loop3A_1638, %parallel_loop3A_1639], %parallel_loop3A_1635 {strides = array<i32>} : memref<3x80x128xf32, #tpu.memory_space<vmem>>, vector<16xf32>,
      } {sc.loop_unroll_factor = 8 : i64, sc.parallel_access}
      %dma_start3A_855 = arith.constant 1 : i32
      %dma_start3A_856 = arith.constant 1 : i32
      %dma_start3A_857 = arith.constant 0 : i32
      %dma_start3A_858 = arith.constant 0 : i32
      %dma_start3A_859 = tpu.memref_slice %arg17[%dma_start3A_855, %dma_start3A_857, %dma_start3A_858] : memref<3x80x128xf32, #tpu.memory_space<vmem>> -> memref<1x80x128xf32, #tpu.memory_space<vmem>>
      %dma_start3A_860 = tpu.memref_squeeze %dma_start3A_859 : memref<1x80x128xf32, #tpu.memory_space<vmem>> -> memref<80x128xf32, #tpu.memory_space<vmem>>
      %dma_start3A_861 = arith.constant 0 : i32
      %dma_start3A_862 = tpu.memref_slice %arg11[%select_n3A_245, %dma_start3A_856, %dma_start3A_861] : memref<2x5x80xi32, #tpu.memory_space<vmem>> -> memref<1x1x80xi32, #tpu.memory_space<vmem>>
      %dma_start3A_863 = tpu.memref_squeeze %dma_start3A_862 : memref<1x1x80xi32, #tpu.memory_space<vmem>> -> memref<80xi32, #tpu.memory_space<vmem>>
      %dma_start3A_864 = arith.constant 0 : i32
      %dma_start3A_865 = arith.constant 0 : i32
      %dma_start3A_866 = tpu.memref_slice %arg18[%dma_start3A_864, %dma_start3A_865] : memref<10000x128xf32, #tpu.memory_space<vmem_shared>> -> memref<10000x128xf32, #tpu.memory_space<vmem_shared>>
      tpu.enqueue_indirect_dma source(%dma_start3A_860 : memref<80x128xf32, #tpu.memory_space<vmem>>) target(%dma_start3A_866 : memref<10000x128xf32, #tpu.memory_space<vmem_shared>>) offsets(%dma_start3A_863 : memref<80xi32, #tpu.memory_space<vmem>>) semaphore(%arg26 : memref<!tpu.dma_semaphore, #tpu.memory_space<semaphore_mem>>) {add = true}
      %dma_wait3A_867 = arith.constant 1 : i32
      %dma_wait3A_868 = arith.constant 0 : i32
      %dma_wait3A_869 = arith.constant 0 : i32
      %dma_wait3A_870 = tpu.memref_slice %arg17[%dma_wait3A_867, %dma_wait3A_868, %dma_wait3A_869] : memref<3x80x128xf32, #tpu.memory_space<vmem>> -> memref<1x80x128xf32, #tpu.memory_space<vmem>>
      %dma_wait3A_871 = tpu.memref_squeeze %dma_wait3A_870 : memref<1x80x128xf32, #tpu.memory_space<vmem>> -> memref<80x128xf32, #tpu.memory_space<vmem>>
      %dma_wait3A_872 = arith.constant 0 : i32
      %dma_wait3A_873 = arith.constant 0 : i32
      %dma_wait3A_874 = tpu.memref_slice %arg18[%dma_wait3A_872, %dma_wait3A_873] : memref<10000x128xf32, #tpu.memory_space<vmem_shared>> -> memref<10000x128xf32, #tpu.memory_space<vmem_shared>>
      tpu.wait_indirect_dma semaphore(%arg26 : memref<!tpu.dma_semaphore, #tpu.memory_space<semaphore_mem>>) src(%dma_wait3A_871 : memref<80x128xf32, #tpu.memory_space<vmem>>) dst(%dma_wait3A_874 : memref<10000x128xf32, #tpu.memory_space<vmem_shared>>)
      %dma_start3A_875 = arith.constant 4 : i32
      %dma_start3A_876 = arith.constant 1 : i32
      %dma_start3A_877 = arith.constant 0 : i32
      %dma_start3A_878 = tpu.memref_slice %arg15[%dma_start3A_876, %dma_start3A_877] : memref<3x80xf32, #tpu.memory_space<vmem>> -> memref<1x80xf32, #tpu.memory_space<vmem>>
      %dma_start3A_879 = tpu.memref_squeeze %dma_start3A_878 : memref<1x80xf32, #tpu.memory_space<vmem>> -> memref<80xf32, #tpu.memory_space<vmem>>
      %dma_start3A_880 = arith.constant 0 : i32
      %dma_start3A_881 = tpu.memref_slice %arg11[%select_n3A_245, %dma_start3A_875, %dma_start3A_880] : memref<2x5x80xi32, #tpu.memory_space<vmem>> -> memref<1x1x80xi32, #tpu.memory_space<vmem>>
      %dma_start3A_882 = tpu.memref_squeeze %dma_start3A_881 : memref<1x1x80xi32, #tpu.memory_space<vmem>> -> memref<80xi32, #tpu.memory_space<vmem>>
      %dma_start3A_883 = arith.constant 0 : i32
      %dma_start3A_884 = tpu.memref_slice %arg20[%dma_start3A_883] : memref<10000xf32, #tpu.memory_space<vmem_shared>> -> memref<10000xf32, #tpu.memory_space<vmem_shared>>
      tpu.enqueue_indirect_dma source(%dma_start3A_884 : memref<10000xf32, #tpu.memory_space<vmem_shared>>) target(%dma_start3A_879 : memref<80xf32, #tpu.memory_space<vmem>>) offsets(%dma_start3A_882 : memref<80xi32, #tpu.memory_space<vmem>>) semaphore(%arg29 : memref<!tpu.dma_semaphore, #tpu.memory_space<semaphore_mem>>)
      %dma_start3A_885 = arith.constant 4 : i32
      %dma_start3A_886 = arith.constant 1 : i32
      %dma_start3A_887 = arith.constant 0 : i32
      %dma_start3A_888 = tpu.memref_slice %arg16[%dma_start3A_886, %dma_start3A_887] : memref<3x80xf32, #tpu.memory_space<vmem>> -> memref<1x80xf32, #tpu.memory_space<vmem>>
      %dma_start3A_889 = tpu.memref_squeeze %dma_start3A_888 : memref<1x80xf32, #tpu.memory_space<vmem>> -> memref<80xf32, #tpu.memory_space<vmem>>
      %dma_start3A_890 = arith.constant 0 : i32
      %dma_start3A_891 = tpu.memref_slice %arg12[%select_n3A_245, %dma_start3A_885, %dma_start3A_890] : memref<2x5x80xi32, #tpu.memory_space<vmem>> -> memref<1x1x80xi32, #tpu.memory_space<vmem>>
      %dma_start3A_892 = tpu.memref_squeeze %dma_start3A_891 : memref<1x1x80xi32, #tpu.memory_space<vmem>> -> memref<80xi32, #tpu.memory_space<vmem>>
      %dma_start3A_893 = arith.constant 0 : i32
      %dma_start3A_894 = tpu.memref_slice %arg21[%dma_start3A_893] : memref<10000xf32, #tpu.memory_space<vmem_shared>> -> memref<10000xf32, #tpu.memory_space<vmem_shared>>
      tpu.enqueue_indirect_dma source(%dma_start3A_894 : memref<10000xf32, #tpu.memory_space<vmem_shared>>) target(%dma_start3A_889 : memref<80xf32, #tpu.memory_space<vmem>>) offsets(%dma_start3A_892 : memref<80xi32, #tpu.memory_space<vmem>>) semaphore(%arg32 : memref<!tpu.dma_semaphore, #tpu.memory_space<semaphore_mem>>)
      %dma_start3A_895 = arith.constant 4 : i32
      %dma_start3A_896 = arith.constant 1 : i32
      %dma_start3A_897 = arith.constant 0 : i32
      %dma_start3A_898 = arith.constant 0 : i32
      %dma_start3A_899 = tpu.memref_slice %arg17[%dma_start3A_896, %dma_start3A_897, %dma_start3A_898] : memref<3x80x128xf32, #tpu.memory_space<vmem>> -> memref<1x80x128xf32, #tpu.memory_space<vmem>>
      %dma_start3A_900 = tpu.memref_squeeze %dma_start3A_899 : memref<1x80x128xf32, #tpu.memory_space<vmem>> -> memref<80x128xf32, #tpu.memory_space<vmem>>
      %dma_start3A_901 = arith.constant 0 : i32
      %dma_start3A_902 = tpu.memref_slice %arg12[%select_n3A_245, %dma_start3A_895, %dma_start3A_901] : memref<2x5x80xi32, #tpu.memory_space<vmem>> -> memref<1x1x80xi32, #tpu.memory_space<vmem>>
      %dma_start3A_903 = tpu.memref_squeeze %dma_start3A_902 : memref<1x1x80xi32, #tpu.memory_space<vmem>> -> memref<80xi32, #tpu.memory_space<vmem>>
      %dma_start3A_904 = arith.constant 0 : i32
      %dma_start3A_905 = arith.constant 0 : i32
      %dma_start3A_906 = tpu.memref_slice %arg2[%dma_start3A_904, %dma_start3A_905] : memref<10000x128xf32, #tpu.memory_space<hbm>> -> memref<10000x128xf32, #tpu.memory_space<hbm>>
      tpu.enqueue_indirect_dma source(%dma_start3A_906 : memref<10000x128xf32, #tpu.memory_space<hbm>>) target(%dma_start3A_900 : memref<80x128xf32, #tpu.memory_space<vmem>>) offsets(%dma_start3A_903 : memref<80xi32, #tpu.memory_space<vmem>>) semaphore(%arg23 : memref<!tpu.dma_semaphore, #tpu.memory_space<semaphore_mem>>)
      %dma_wait3A_907 = arith.constant 2 : i32
      %dma_wait3A_908 = arith.constant 2 : i32
      %dma_wait3A_909 = arith.constant 0 : i32
      %dma_wait3A_910 = tpu.memref_slice %arg15[%dma_wait3A_908, %dma_wait3A_909] : memref<3x80xf32, #tpu.memory_space<vmem>> -> memref<1x80xf32, #tpu.memory_space<vmem>>
      %dma_wait3A_911 = tpu.memref_squeeze %dma_wait3A_910 : memref<1x80xf32, #tpu.memory_space<vmem>> -> memref<80xf32, #tpu.memory_space<vmem>>
      %dma_wait3A_912 = arith.constant 0 : i32
      %dma_wait3A_913 = tpu.memref_slice %arg11[%select_n3A_245, %dma_wait3A_907, %dma_wait3A_912] : memref<2x5x80xi32, #tpu.memory_space<vmem>> -> memref<1x1x80xi32, #tpu.memory_space<vmem>>
      %dma_wait3A_914 = tpu.memref_squeeze %dma_wait3A_913 : memref<1x1x80xi32, #tpu.memory_space<vmem>> -> memref<80xi32, #tpu.memory_space<vmem>>
      %dma_wait3A_915 = arith.constant 0 : i32
      %dma_wait3A_916 = tpu.memref_slice %arg20[%dma_wait3A_915] : memref<10000xf32, #tpu.memory_space<vmem_shared>> -> memref<10000xf32, #tpu.memory_space<vmem_shared>>
      tpu.wait_indirect_dma semaphore(%arg30 : memref<!tpu.dma_semaphore, #tpu.memory_space<semaphore_mem>>) src(%dma_wait3A_916 : memref<10000xf32, #tpu.memory_space<vmem_shared>>) dst(%dma_wait3A_911 : memref<80xf32, #tpu.memory_space<vmem>>)
      %dma_wait3A_917 = arith.constant 2 : i32
      %dma_wait3A_918 = arith.constant 2 : i32
      %dma_wait3A_919 = arith.constant 0 : i32
      %dma_wait3A_920 = tpu.memref_slice %arg16[%dma_wait3A_918, %dma_wait3A_919] : memref<3x80xf32, #tpu.memory_space<vmem>> -> memref<1x80xf32, #tpu.memory_space<vmem>>
      %dma_wait3A_921 = tpu.memref_squeeze %dma_wait3A_920 : memref<1x80xf32, #tpu.memory_space<vmem>> -> memref<80xf32, #tpu.memory_space<vmem>>
      %dma_wait3A_922 = arith.constant 0 : i32
      %dma_wait3A_923 = tpu.memref_slice %arg12[%select_n3A_245, %dma_wait3A_917, %dma_wait3A_922] : memref<2x5x80xi32, #tpu.memory_space<vmem>> -> memref<1x1x80xi32, #tpu.memory_space<vmem>>
      %dma_wait3A_924 = tpu.memref_squeeze %dma_wait3A_923 : memref<1x1x80xi32, #tpu.memory_space<vmem>> -> memref<80xi32, #tpu.memory_space<vmem>>
      %dma_wait3A_925 = arith.constant 0 : i32
      %dma_wait3A_926 = tpu.memref_slice %arg21[%dma_wait3A_925] : memref<10000xf32, #tpu.memory_space<vmem_shared>> -> memref<10000xf32, #tpu.memory_space<vmem_shared>>
      tpu.wait_indirect_dma semaphore(%arg33 : memref<!tpu.dma_semaphore, #tpu.memory_space<semaphore_mem>>) src(%dma_wait3A_926 : memref<10000xf32, #tpu.memory_space<vmem_shared>>) dst(%dma_wait3A_921 : memref<80xf32, #tpu.memory_space<vmem>>)
      %dma_wait3A_927 = arith.constant 0 : i32
      %dma_wait3A_928 = arith.constant 0 : i32
      %dma_wait3A_929 = tpu.memref_slice %arg13[%dma_wait3A_927, %dma_wait3A_928] : memref<2x80xf32, #tpu.memory_space<vmem>> -> memref<1x80xf32, #tpu.memory_space<vmem>>
      %dma_wait3A_930 = tpu.memref_squeeze %dma_wait3A_929 : memref<1x80xf32, #tpu.memory_space<vmem>> -> memref<80xf32, #tpu.memory_space<vmem>>
      %dma_wait3A_931 = arith.constant 0 : i32
      %dma_wait3A_932 = tpu.memref_slice %arg19[%dma_wait3A_931] : memref<10000xf32, #tpu.memory_space<vmem_shared>> -> memref<10000xf32, #tpu.memory_space<vmem_shared>>
      tpu.wait_indirect_dma semaphore(%arg35 : memref<!tpu.dma_semaphore, #tpu.memory_space<semaphore_mem>>) src(%dma_wait3A_930 : memref<80xf32, #tpu.memory_space<vmem>>) dst(%dma_wait3A_932 : memref<10000xf32, #tpu.memory_space<vmem_shared>>)
      %get3A_933 = arith.constant 2 : i32
      %get3A_934 = arith.index_cast %get3A_933 : i32 to index
      %get3A_935 = arith.constant 0 : index
      %get3A_936 = tpu.vector_load %arg15[%get3A_934, %get3A_935] {strides = array<i32>} : memref<3x80xf32, #tpu.memory_space<vmem>>, vector<16xf32>,
      %get3A_937 = arith.constant 2 : i32
      %get3A_938 = arith.index_cast %get3A_937 : i32 to index
      %get3A_939 = arith.constant 0 : index
      %get3A_940 = tpu.vector_load %arg16[%get3A_938, %get3A_939] {strides = array<i32>} : memref<3x80xf32, #tpu.memory_space<vmem>>, vector<16xf32>,
      %add3A_941 = arith.addf %get3A_936, %get3A_940 : vector<16xf32>
      %ge3A_942 = arith.constant 0.000000e+00 : f32
      %ge3A_943 = vector.broadcast %ge3A_942 : f32 to vector<16xf32>
      %ge3A_944 = arith.cmpf oge, %add3A_941, %ge3A_943 : vector<16xf32>
      %mul3A_945 = arith.constant 2.000000e-01 : f32
      %mul3A_946 = vector.broadcast %mul3A_945 : f32 to vector<16xf32>
      %mul3A_947 = arith.mulf %add3A_941, %mul3A_946 : vector<16xf32>
      %select_n3A_948 = arith.select %ge3A_944, %add3A_941, %mul3A_947 : vector<16xi1>, vector<16xf32>
      %add3A_949 = arith.addf %get3A_936, %get3A_187 : vector<16xf32>
      %ge3A_950 = arith.constant 0.000000e+00 : f32
      %ge3A_951 = vector.broadcast %ge3A_950 : f32 to vector<16xf32>
      %ge3A_952 = arith.cmpf oge, %add3A_949, %ge3A_951 : vector<16xf32>
      %mul3A_953 = arith.constant 2.000000e-01 : f32
      %mul3A_954 = vector.broadcast %mul3A_953 : f32 to vector<16xf32>
      %mul3A_955 = arith.mulf %add3A_949, %mul3A_954 : vector<16xf32>
      %select_n3A_956 = arith.select %ge3A_952, %add3A_949, %mul3A_955 : vector<16xi1>, vector<16xf32>
      %sub3A_957 = arith.subf %select_n3A_948, %select_n3A_956 : vector<16xf32>
      %exp3A_958 = math.exp %sub3A_957 : vector<16xf32>
      %swap3A_959 = arith.constant 0 : i32
      %swap3A_960 = arith.index_cast %swap3A_959 : i32 to index
      %swap3A_961 = arith.constant 0 : index
      %swap3A_962 = tpu.vector_load %arg13[%swap3A_960, %swap3A_961] {strides = array<i32>} : memref<2x80xf32, #tpu.memory_space<vmem>>, vector<16xf32>,
      tpu.vector_store %arg13[%swap3A_960, %swap3A_961], %exp3A_958 {strides = array<i32>} : memref<2x80xf32, #tpu.memory_space<vmem>>, vector<16xf32>,
      %get3A_963 = arith.constant 2 : i32
      %get3A_964 = arith.index_cast %get3A_963 : i32 to index
      %get3A_965 = arith.constant 16 : index
      %get3A_966 = tpu.vector_load %arg15[%get3A_964, %get3A_965] {strides = array<i32>} : memref<3x80xf32, #tpu.memory_space<vmem>>, vector<16xf32>,
      %get3A_967 = arith.constant 2 : i32
      %get3A_968 = arith.index_cast %get3A_967 : i32 to index
      %get3A_969 = arith.constant 16 : index
      %get3A_970 = tpu.vector_load %arg16[%get3A_968, %get3A_969] {strides = array<i32>} : memref<3x80xf32, #tpu.memory_space<vmem>>, vector<16xf32>,
      %add3A_971 = arith.addf %get3A_966, %get3A_970 : vector<16xf32>
      %ge3A_972 = arith.constant 0.000000e+00 : f32
      %ge3A_973 = vector.broadcast %ge3A_972 : f32 to vector<16xf32>
      %ge3A_974 = arith.cmpf oge, %add3A_971, %ge3A_973 : vector<16xf32>
      %mul3A_975 = arith.constant 2.000000e-01 : f32
      %mul3A_976 = vector.broadcast %mul3A_975 : f32 to vector<16xf32>
      %mul3A_977 = arith.mulf %add3A_971, %mul3A_976 : vector<16xf32>
      %select_n3A_978 = arith.select %ge3A_974, %add3A_971, %mul3A_977 : vector<16xi1>, vector<16xf32>
      %add3A_979 = arith.addf %get3A_966, %get3A_187 : vector<16xf32>
      %ge3A_980 = arith.constant 0.000000e+00 : f32
      %ge3A_981 = vector.broadcast %ge3A_980 : f32 to vector<16xf32>
      %ge3A_982 = arith.cmpf oge, %add3A_979, %ge3A_981 : vector<16xf32>
      %mul3A_983 = arith.constant 2.000000e-01 : f32
      %mul3A_984 = vector.broadcast %mul3A_983 : f32 to vector<16xf32>
      %mul3A_985 = arith.mulf %add3A_979, %mul3A_984 : vector<16xf32>
      %select_n3A_986 = arith.select %ge3A_982, %add3A_979, %mul3A_985 : vector<16xi1>, vector<16xf32>
      %sub3A_987 = arith.subf %select_n3A_978, %select_n3A_986 : vector<16xf32>
      %exp3A_988 = math.exp %sub3A_987 : vector<16xf32>
      %swap3A_989 = arith.constant 0 : i32
      %swap3A_990 = arith.index_cast %swap3A_989 : i32 to index
      %swap3A_991 = arith.constant 16 : index
      %swap3A_992 = tpu.vector_load %arg13[%swap3A_990, %swap3A_991] {strides = array<i32>} : memref<2x80xf32, #tpu.memory_space<vmem>>, vector<16xf32>,
      tpu.vector_store %arg13[%swap3A_990, %swap3A_991], %exp3A_988 {strides = array<i32>} : memref<2x80xf32, #tpu.memory_space<vmem>>, vector<16xf32>,
      %get3A_993 = arith.constant 2 : i32
      %get3A_994 = arith.index_cast %get3A_993 : i32 to index
      %get3A_995 = arith.constant 32 : index
      %get3A_996 = tpu.vector_load %arg15[%get3A_994, %get3A_995] {strides = array<i32>} : memref<3x80xf32, #tpu.memory_space<vmem>>, vector<16xf32>,
      %get3A_997 = arith.constant 2 : i32
      %get3A_998 = arith.index_cast %get3A_997 : i32 to index
      %get3A_999 = arith.constant 32 : index
      %get3A_1000 = tpu.vector_load %arg16[%get3A_998, %get3A_999] {strides = array<i32>} : memref<3x80xf32, #tpu.memory_space<vmem>>, vector<16xf32>,
      %add3A_1001 = arith.addf %get3A_996, %get3A_1000 : vector<16xf32>
      %ge3A_1002 = arith.constant 0.000000e+00 : f32
      %ge3A_1003 = vector.broadcast %ge3A_1002 : f32 to vector<16xf32>
      %ge3A_1004 = arith.cmpf oge, %add3A_1001, %ge3A_1003 : vector<16xf32>
      %mul3A_1005 = arith.constant 2.000000e-01 : f32
      %mul3A_1006 = vector.broadcast %mul3A_1005 : f32 to vector<16xf32>
      %mul3A_1007 = arith.mulf %add3A_1001, %mul3A_1006 : vector<16xf32>
      %select_n3A_1008 = arith.select %ge3A_1004, %add3A_1001, %mul3A_1007 : vector<16xi1>, vector<16xf32>
      %add3A_1009 = arith.addf %get3A_996, %get3A_187 : vector<16xf32>
      %ge3A_1010 = arith.constant 0.000000e+00 : f32
      %ge3A_1011 = vector.broadcast %ge3A_1010 : f32 to vector<16xf32>
      %ge3A_1012 = arith.cmpf oge, %add3A_1009, %ge3A_1011 : vector<16xf32>
      %mul3A_1013 = arith.constant 2.000000e-01 : f32
      %mul3A_1014 = vector.broadcast %mul3A_1013 : f32 to vector<16xf32>
      %mul3A_1015 = arith.mulf %add3A_1009, %mul3A_1014 : vector<16xf32>
      %select_n3A_1016 = arith.select %ge3A_1012, %add3A_1009, %mul3A_1015 : vector<16xi1>, vector<16xf32>
      %sub3A_1017 = arith.subf %select_n3A_1008, %select_n3A_1016 : vector<16xf32>
      %exp3A_1018 = math.exp %sub3A_1017 : vector<16xf32>
      %swap3A_1019 = arith.constant 0 : i32
      %swap3A_1020 = arith.index_cast %swap3A_1019 : i32 to index
      %swap3A_1021 = arith.constant 32 : index
      %swap3A_1022 = tpu.vector_load %arg13[%swap3A_1020, %swap3A_1021] {strides = array<i32>} : memref<2x80xf32, #tpu.memory_space<vmem>>, vector<16xf32>,
      tpu.vector_store %arg13[%swap3A_1020, %swap3A_1021], %exp3A_1018 {strides = array<i32>} : memref<2x80xf32, #tpu.memory_space<vmem>>, vector<16xf32>,
      %get3A_1023 = arith.constant 2 : i32
      %get3A_1024 = arith.index_cast %get3A_1023 : i32 to index
      %get3A_1025 = arith.constant 48 : index
      %get3A_1026 = tpu.vector_load %arg15[%get3A_1024, %get3A_1025] {strides = array<i32>} : memref<3x80xf32, #tpu.memory_space<vmem>>, vector<16xf32>,
      %get3A_1027 = arith.constant 2 : i32
      %get3A_1028 = arith.index_cast %get3A_1027 : i32 to index
      %get3A_1029 = arith.constant 48 : index
      %get3A_1030 = tpu.vector_load %arg16[%get3A_1028, %get3A_1029] {strides = array<i32>} : memref<3x80xf32, #tpu.memory_space<vmem>>, vector<16xf32>,
      %add3A_1031 = arith.addf %get3A_1026, %get3A_1030 : vector<16xf32>
      %ge3A_1032 = arith.constant 0.000000e+00 : f32
      %ge3A_1033 = vector.broadcast %ge3A_1032 : f32 to vector<16xf32>
      %ge3A_1034 = arith.cmpf oge, %add3A_1031, %ge3A_1033 : vector<16xf32>
      %mul3A_1035 = arith.constant 2.000000e-01 : f32
      %mul3A_1036 = vector.broadcast %mul3A_1035 : f32 to vector<16xf32>
      %mul3A_1037 = arith.mulf %add3A_1031, %mul3A_1036 : vector<16xf32>
      %select_n3A_1038 = arith.select %ge3A_1034, %add3A_1031, %mul3A_1037 : vector<16xi1>, vector<16xf32>
      %add3A_1039 = arith.addf %get3A_1026, %get3A_187 : vector<16xf32>
      %ge3A_1040 = arith.constant 0.000000e+00 : f32
      %ge3A_1041 = vector.broadcast %ge3A_1040 : f32 to vector<16xf32>
      %ge3A_1042 = arith.cmpf oge, %add3A_1039, %ge3A_1041 : vector<16xf32>
      %mul3A_1043 = arith.constant 2.000000e-01 : f32
      %mul3A_1044 = vector.broadcast %mul3A_1043 : f32 to vector<16xf32>
      %mul3A_1045 = arith.mulf %add3A_1039, %mul3A_1044 : vector<16xf32>
      %select_n3A_1046 = arith.select %ge3A_1042, %add3A_1039, %mul3A_1045 : vector<16xi1>, vector<16xf32>
      %sub3A_1047 = arith.subf %select_n3A_1038, %select_n3A_1046 : vector<16xf32>
      %exp3A_1048 = math.exp %sub3A_1047 : vector<16xf32>
      %swap3A_1049 = arith.constant 0 : i32
      %swap3A_1050 = arith.index_cast %swap3A_1049 : i32 to index
      %swap3A_1051 = arith.constant 48 : index
      %swap3A_1052 = tpu.vector_load %arg13[%swap3A_1050, %swap3A_1051] {strides = array<i32>} : memref<2x80xf32, #tpu.memory_space<vmem>>, vector<16xf32>,
      tpu.vector_store %arg13[%swap3A_1050, %swap3A_1051], %exp3A_1048 {strides = array<i32>} : memref<2x80xf32, #tpu.memory_space<vmem>>, vector<16xf32>,
      %get3A_1053 = arith.constant 2 : i32
      %get3A_1054 = arith.index_cast %get3A_1053 : i32 to index
      %get3A_1055 = arith.constant 64 : index
      %get3A_1056 = tpu.vector_load %arg15[%get3A_1054, %get3A_1055] {strides = array<i32>} : memref<3x80xf32, #tpu.memory_space<vmem>>, vector<16xf32>,
      %get3A_1057 = arith.constant 2 : i32
      %get3A_1058 = arith.index_cast %get3A_1057 : i32 to index
      %get3A_1059 = arith.constant 64 : index
      %get3A_1060 = tpu.vector_load %arg16[%get3A_1058, %get3A_1059] {strides = array<i32>} : memref<3x80xf32, #tpu.memory_space<vmem>>, vector<16xf32>,
      %add3A_1061 = arith.addf %get3A_1056, %get3A_1060 : vector<16xf32>
      %ge3A_1062 = arith.constant 0.000000e+00 : f32
      %ge3A_1063 = vector.broadcast %ge3A_1062 : f32 to vector<16xf32>
      %ge3A_1064 = arith.cmpf oge, %add3A_1061, %ge3A_1063 : vector<16xf32>
      %mul3A_1065 = arith.constant 2.000000e-01 : f32
      %mul3A_1066 = vector.broadcast %mul3A_1065 : f32 to vector<16xf32>
      %mul3A_1067 = arith.mulf %add3A_1061, %mul3A_1066 : vector<16xf32>
      %select_n3A_1068 = arith.select %ge3A_1064, %add3A_1061, %mul3A_1067 : vector<16xi1>, vector<16xf32>
      %add3A_1069 = arith.addf %get3A_1056, %get3A_187 : vector<16xf32>
      %ge3A_1070 = arith.constant 0.000000e+00 : f32
      %ge3A_1071 = vector.broadcast %ge3A_1070 : f32 to vector<16xf32>
      %ge3A_1072 = arith.cmpf oge, %add3A_1069, %ge3A_1071 : vector<16xf32>
      %mul3A_1073 = arith.constant 2.000000e-01 : f32
      %mul3A_1074 = vector.broadcast %mul3A_1073 : f32 to vector<16xf32>
      %mul3A_1075 = arith.mulf %add3A_1069, %mul3A_1074 : vector<16xf32>
      %select_n3A_1076 = arith.select %ge3A_1072, %add3A_1069, %mul3A_1075 : vector<16xi1>, vector<16xf32>
      %sub3A_1077 = arith.subf %select_n3A_1068, %select_n3A_1076 : vector<16xf32>
      %exp3A_1078 = math.exp %sub3A_1077 : vector<16xf32>
      %swap3A_1079 = arith.constant 0 : i32
      %swap3A_1080 = arith.index_cast %swap3A_1079 : i32 to index
      %swap3A_1081 = arith.constant 64 : index
      %swap3A_1082 = tpu.vector_load %arg13[%swap3A_1080, %swap3A_1081] {strides = array<i32>} : memref<2x80xf32, #tpu.memory_space<vmem>>, vector<16xf32>,
      tpu.vector_store %arg13[%swap3A_1080, %swap3A_1081], %exp3A_1078 {strides = array<i32>} : memref<2x80xf32, #tpu.memory_space<vmem>>, vector<16xf32>,
      %dma_start3A_1083 = arith.constant 0 : i32
      %dma_start3A_1084 = arith.constant 2 : i32
      %dma_start3A_1085 = arith.constant 0 : i32
      %dma_start3A_1086 = tpu.memref_slice %arg13[%dma_start3A_1083, %dma_start3A_1085] : memref<2x80xf32, #tpu.memory_space<vmem>> -> memref<1x80xf32, #tpu.memory_space<vmem>>
      %dma_start3A_1087 = tpu.memref_squeeze %dma_start3A_1086 : memref<1x80xf32, #tpu.memory_space<vmem>> -> memref<80xf32, #tpu.memory_space<vmem>>
      %dma_start3A_1088 = arith.constant 0 : i32
      %dma_start3A_1089 = tpu.memref_slice %arg11[%select_n3A_245, %dma_start3A_1084, %dma_start3A_1088] : memref<2x5x80xi32, #tpu.memory_space<vmem>> -> memref<1x1x80xi32, #tpu.memory_space<vmem>>
      %dma_start3A_1090 = tpu.memref_squeeze %dma_start3A_1089 : memref<1x1x80xi32, #tpu.memory_space<vmem>> -> memref<80xi32, #tpu.memory_space<vmem>>
      %dma_start3A_1091 = arith.constant 0 : i32
      %dma_start3A_1092 = tpu.memref_slice %arg19[%dma_start3A_1091] : memref<10000xf32, #tpu.memory_space<vmem_shared>> -> memref<10000xf32, #tpu.memory_space<vmem_shared>>
      tpu.enqueue_indirect_dma source(%dma_start3A_1087 : memref<80xf32, #tpu.memory_space<vmem>>) target(%dma_start3A_1092 : memref<10000xf32, #tpu.memory_space<vmem_shared>>) offsets(%dma_start3A_1090 : memref<80xi32, #tpu.memory_space<vmem>>) semaphore(%arg35 : memref<!tpu.dma_semaphore, #tpu.memory_space<semaphore_mem>>) {add = true}
      %dma_wait3A_1093 = arith.constant 2 : i32
      %dma_wait3A_1094 = arith.constant 2 : i32
      %dma_wait3A_1095 = arith.constant 0 : i32
      %dma_wait3A_1096 = arith.constant 0 : i32
      %dma_wait3A_1097 = tpu.memref_slice %arg17[%dma_wait3A_1094, %dma_wait3A_1095, %dma_wait3A_1096] : memref<3x80x128xf32, #tpu.memory_space<vmem>> -> memref<1x80x128xf32, #tpu.memory_space<vmem>>
      %dma_wait3A_1098 = tpu.memref_squeeze %dma_wait3A_1097 : memref<1x80x128xf32, #tpu.memory_space<vmem>> -> memref<80x128xf32, #tpu.memory_space<vmem>>
      %dma_wait3A_1099 = arith.constant 0 : i32
      %dma_wait3A_1100 = tpu.memref_slice %arg12[%select_n3A_245, %dma_wait3A_1093, %dma_wait3A_1099] : memref<2x5x80xi32, #tpu.memory_space<vmem>> -> memref<1x1x80xi32, #tpu.memory_space<vmem>>
      %dma_wait3A_1101 = tpu.memref_squeeze %dma_wait3A_1100 : memref<1x1x80xi32, #tpu.memory_space<vmem>> -> memref<80xi32, #tpu.memory_space<vmem>>
      %dma_wait3A_1102 = arith.constant 0 : i32
      %dma_wait3A_1103 = arith.constant 0 : i32
      %dma_wait3A_1104 = tpu.memref_slice %arg2[%dma_wait3A_1102, %dma_wait3A_1103] : memref<10000x128xf32, #tpu.memory_space<hbm>> -> memref<10000x128xf32, #tpu.memory_space<hbm>>
      tpu.wait_indirect_dma semaphore(%arg24 : memref<!tpu.dma_semaphore, #tpu.memory_space<semaphore_mem>>) src(%dma_wait3A_1104 : memref<10000x128xf32, #tpu.memory_space<hbm>>) dst(%dma_wait3A_1098 : memref<80x128xf32, #tpu.memory_space<vmem>>)
      %parallel_loop3A_1105 = arith.constant 0 : i32
      %parallel_loop3A_1106 = arith.constant 80 : i32
      %parallel_loop3A_1107 = arith.constant 1 : i32
      scf.for %parallel_loop3A_1546 = %parallel_loop3A_1105 to %parallel_loop3A_1106 step %parallel_loop3A_1107  : i32 {
        %parallel_loop3A_1547 = vector.broadcast %parallel_loop3A_1546 : i32 to vector<16xi32>
        %parallel_loop3A_1548 = arith.constant 0 : i32
        %parallel_loop3A_1549 = arith.constant 0 : i32
        %parallel_loop3A_1550 = tpu.memref_slice %arg13[%parallel_loop3A_1548, %parallel_loop3A_1549] : memref<2x80xf32, #tpu.memory_space<vmem>> -> memref<1x80xf32, #tpu.memory_space<vmem>>
        %parallel_loop3A_1551 = tpu.memref_squeeze %parallel_loop3A_1550 : memref<1x80xf32, #tpu.memory_space<vmem>> -> memref<80xf32, #tpu.memory_space<vmem>>
        %parallel_loop3A_1552 = tpu.vector_load_idx %parallel_loop3A_1551[%parallel_loop3A_1547] : memref<80xf32, #tpu.memory_space<vmem>>[vector<16xi32>], vector<16xf32>,
        %parallel_loop3A_1553 = arith.constant 2 : i32
        %parallel_loop3A_1554 = arith.index_cast %parallel_loop3A_1553 : i32 to index
        %parallel_loop3A_1555 = arith.index_cast %parallel_loop3A_1546 : i32 to index
        %parallel_loop3A_1556 = arith.constant 0 : index
        %parallel_loop3A_1557 = tpu.vector_load %arg17[%parallel_loop3A_1554, %parallel_loop3A_1555, %parallel_loop3A_1556] {strides = array<i32>} : memref<3x80x128xf32, #tpu.memory_space<vmem>>, vector<16xf32>,
        %parallel_loop3A_1558 = arith.mulf %parallel_loop3A_1557, %parallel_loop3A_1552 : vector<16xf32>
        %parallel_loop3A_1559 = arith.constant 2 : i32
        %parallel_loop3A_1560 = arith.index_cast %parallel_loop3A_1559 : i32 to index
        %parallel_loop3A_1561 = arith.index_cast %parallel_loop3A_1546 : i32 to index
        %parallel_loop3A_1562 = arith.constant 0 : index
        %parallel_loop3A_1563 = tpu.vector_load %arg17[%parallel_loop3A_1560, %parallel_loop3A_1561, %parallel_loop3A_1562] {strides = array<i32>} : memref<3x80x128xf32, #tpu.memory_space<vmem>>, vector<16xf32>,
        tpu.vector_store %arg17[%parallel_loop3A_1560, %parallel_loop3A_1561, %parallel_loop3A_1562], %parallel_loop3A_1558 {strides = array<i32>} : memref<3x80x128xf32, #tpu.memory_space<vmem>>, vector<16xf32>,
        %parallel_loop3A_1564 = arith.constant 2 : i32
        %parallel_loop3A_1565 = arith.index_cast %parallel_loop3A_1564 : i32 to index
        %parallel_loop3A_1566 = arith.index_cast %parallel_loop3A_1546 : i32 to index
        %parallel_loop3A_1567 = arith.constant 16 : index
        %parallel_loop3A_1568 = tpu.vector_load %arg17[%parallel_loop3A_1565, %parallel_loop3A_1566, %parallel_loop3A_1567] {strides = array<i32>} : memref<3x80x128xf32, #tpu.memory_space<vmem>>, vector<16xf32>,
        %parallel_loop3A_1569 = arith.mulf %parallel_loop3A_1568, %parallel_loop3A_1552 : vector<16xf32>
        %parallel_loop3A_1570 = arith.constant 2 : i32
        %parallel_loop3A_1571 = arith.index_cast %parallel_loop3A_1570 : i32 to index
        %parallel_loop3A_1572 = arith.index_cast %parallel_loop3A_1546 : i32 to index
        %parallel_loop3A_1573 = arith.constant 16 : index
        %parallel_loop3A_1574 = tpu.vector_load %arg17[%parallel_loop3A_1571, %parallel_loop3A_1572, %parallel_loop3A_1573] {strides = array<i32>} : memref<3x80x128xf32, #tpu.memory_space<vmem>>, vector<16xf32>,
        tpu.vector_store %arg17[%parallel_loop3A_1571, %parallel_loop3A_1572, %parallel_loop3A_1573], %parallel_loop3A_1569 {strides = array<i32>} : memref<3x80x128xf32, #tpu.memory_space<vmem>>, vector<16xf32>,
        %parallel_loop3A_1575 = arith.constant 2 : i32
        %parallel_loop3A_1576 = arith.index_cast %parallel_loop3A_1575 : i32 to index
        %parallel_loop3A_1577 = arith.index_cast %parallel_loop3A_1546 : i32 to index
        %parallel_loop3A_1578 = arith.constant 32 : index
        %parallel_loop3A_1579 = tpu.vector_load %arg17[%parallel_loop3A_1576, %parallel_loop3A_1577, %parallel_loop3A_1578] {strides = array<i32>} : memref<3x80x128xf32, #tpu.memory_space<vmem>>, vector<16xf32>,
        %parallel_loop3A_1580 = arith.mulf %parallel_loop3A_1579, %parallel_loop3A_1552 : vector<16xf32>
        %parallel_loop3A_1581 = arith.constant 2 : i32
        %parallel_loop3A_1582 = arith.index_cast %parallel_loop3A_1581 : i32 to index
        %parallel_loop3A_1583 = arith.index_cast %parallel_loop3A_1546 : i32 to index
        %parallel_loop3A_1584 = arith.constant 32 : index
        %parallel_loop3A_1585 = tpu.vector_load %arg17[%parallel_loop3A_1582, %parallel_loop3A_1583, %parallel_loop3A_1584] {strides = array<i32>} : memref<3x80x128xf32, #tpu.memory_space<vmem>>, vector<16xf32>,
        tpu.vector_store %arg17[%parallel_loop3A_1582, %parallel_loop3A_1583, %parallel_loop3A_1584], %parallel_loop3A_1580 {strides = array<i32>} : memref<3x80x128xf32, #tpu.memory_space<vmem>>, vector<16xf32>,
        %parallel_loop3A_1586 = arith.constant 2 : i32
        %parallel_loop3A_1587 = arith.index_cast %parallel_loop3A_1586 : i32 to index
        %parallel_loop3A_1588 = arith.index_cast %parallel_loop3A_1546 : i32 to index
        %parallel_loop3A_1589 = arith.constant 48 : index
        %parallel_loop3A_1590 = tpu.vector_load %arg17[%parallel_loop3A_1587, %parallel_loop3A_1588, %parallel_loop3A_1589] {strides = array<i32>} : memref<3x80x128xf32, #tpu.memory_space<vmem>>, vector<16xf32>,
        %parallel_loop3A_1591 = arith.mulf %parallel_loop3A_1590, %parallel_loop3A_1552 : vector<16xf32>
        %parallel_loop3A_1592 = arith.constant 2 : i32
        %parallel_loop3A_1593 = arith.index_cast %parallel_loop3A_1592 : i32 to index
        %parallel_loop3A_1594 = arith.index_cast %parallel_loop3A_1546 : i32 to index
        %parallel_loop3A_1595 = arith.constant 48 : index
        %parallel_loop3A_1596 = tpu.vector_load %arg17[%parallel_loop3A_1593, %parallel_loop3A_1594, %parallel_loop3A_1595] {strides = array<i32>} : memref<3x80x128xf32, #tpu.memory_space<vmem>>, vector<16xf32>,
        tpu.vector_store %arg17[%parallel_loop3A_1593, %parallel_loop3A_1594, %parallel_loop3A_1595], %parallel_loop3A_1591 {strides = array<i32>} : memref<3x80x128xf32, #tpu.memory_space<vmem>>, vector<16xf32>,
        %parallel_loop3A_1597 = arith.constant 2 : i32
        %parallel_loop3A_1598 = arith.index_cast %parallel_loop3A_1597 : i32 to index
        %parallel_loop3A_1599 = arith.index_cast %parallel_loop3A_1546 : i32 to index
        %parallel_loop3A_1600 = arith.constant 64 : index
        %parallel_loop3A_1601 = tpu.vector_load %arg17[%parallel_loop3A_1598, %parallel_loop3A_1599, %parallel_loop3A_1600] {strides = array<i32>} : memref<3x80x128xf32, #tpu.memory_space<vmem>>, vector<16xf32>,
        %parallel_loop3A_1602 = arith.mulf %parallel_loop3A_1601, %parallel_loop3A_1552 : vector<16xf32>
        %parallel_loop3A_1603 = arith.constant 2 : i32
        %parallel_loop3A_1604 = arith.index_cast %parallel_loop3A_1603 : i32 to index
        %parallel_loop3A_1605 = arith.index_cast %parallel_loop3A_1546 : i32 to index
        %parallel_loop3A_1606 = arith.constant 64 : index
        %parallel_loop3A_1607 = tpu.vector_load %arg17[%parallel_loop3A_1604, %parallel_loop3A_1605, %parallel_loop3A_1606] {strides = array<i32>} : memref<3x80x128xf32, #tpu.memory_space<vmem>>, vector<16xf32>,
        tpu.vector_store %arg17[%parallel_loop3A_1604, %parallel_loop3A_1605, %parallel_loop3A_1606], %parallel_loop3A_1602 {strides = array<i32>} : memref<3x80x128xf32, #tpu.memory_space<vmem>>, vector<16xf32>,
        %parallel_loop3A_1608 = arith.constant 2 : i32
        %parallel_loop3A_1609 = arith.index_cast %parallel_loop3A_1608 : i32 to index
        %parallel_loop3A_1610 = arith.index_cast %parallel_loop3A_1546 : i32 to index
        %parallel_loop3A_1611 = arith.constant 80 : index
        %parallel_loop3A_1612 = tpu.vector_load %arg17[%parallel_loop3A_1609, %parallel_loop3A_1610, %parallel_loop3A_1611] {strides = array<i32>} : memref<3x80x128xf32, #tpu.memory_space<vmem>>, vector<16xf32>,
        %parallel_loop3A_1613 = arith.mulf %parallel_loop3A_1612, %parallel_loop3A_1552 : vector<16xf32>
        %parallel_loop3A_1614 = arith.constant 2 : i32
        %parallel_loop3A_1615 = arith.index_cast %parallel_loop3A_1614 : i32 to index
        %parallel_loop3A_1616 = arith.index_cast %parallel_loop3A_1546 : i32 to index
        %parallel_loop3A_1617 = arith.constant 80 : index
        %parallel_loop3A_1618 = tpu.vector_load %arg17[%parallel_loop3A_1615, %parallel_loop3A_1616, %parallel_loop3A_1617] {strides = array<i32>} : memref<3x80x128xf32, #tpu.memory_space<vmem>>, vector<16xf32>,
        tpu.vector_store %arg17[%parallel_loop3A_1615, %parallel_loop3A_1616, %parallel_loop3A_1617], %parallel_loop3A_1613 {strides = array<i32>} : memref<3x80x128xf32, #tpu.memory_space<vmem>>, vector<16xf32>,
        %parallel_loop3A_1619 = arith.constant 2 : i32
        %parallel_loop3A_1620 = arith.index_cast %parallel_loop3A_1619 : i32 to index
        %parallel_loop3A_1621 = arith.index_cast %parallel_loop3A_1546 : i32 to index
        %parallel_loop3A_1622 = arith.constant 96 : index
        %parallel_loop3A_1623 = tpu.vector_load %arg17[%parallel_loop3A_1620, %parallel_loop3A_1621, %parallel_loop3A_1622] {strides = array<i32>} : memref<3x80x128xf32, #tpu.memory_space<vmem>>, vector<16xf32>,
        %parallel_loop3A_1624 = arith.mulf %parallel_loop3A_1623, %parallel_loop3A_1552 : vector<16xf32>
        %parallel_loop3A_1625 = arith.constant 2 : i32
        %parallel_loop3A_1626 = arith.index_cast %parallel_loop3A_1625 : i32 to index
        %parallel_loop3A_1627 = arith.index_cast %parallel_loop3A_1546 : i32 to index
        %parallel_loop3A_1628 = arith.constant 96 : index
        %parallel_loop3A_1629 = tpu.vector_load %arg17[%parallel_loop3A_1626, %parallel_loop3A_1627, %parallel_loop3A_1628] {strides = array<i32>} : memref<3x80x128xf32, #tpu.memory_space<vmem>>, vector<16xf32>,
        tpu.vector_store %arg17[%parallel_loop3A_1626, %parallel_loop3A_1627, %parallel_loop3A_1628], %parallel_loop3A_1624 {strides = array<i32>} : memref<3x80x128xf32, #tpu.memory_space<vmem>>, vector<16xf32>,
        %parallel_loop3A_1630 = arith.constant 2 : i32
        %parallel_loop3A_1631 = arith.index_cast %parallel_loop3A_1630 : i32 to index
        %parallel_loop3A_1632 = arith.index_cast %parallel_loop3A_1546 : i32 to index
        %parallel_loop3A_1633 = arith.constant 112 : index
        %parallel_loop3A_1634 = tpu.vector_load %arg17[%parallel_loop3A_1631, %parallel_loop3A_1632, %parallel_loop3A_1633] {strides = array<i32>} : memref<3x80x128xf32, #tpu.memory_space<vmem>>, vector<16xf32>,
        %parallel_loop3A_1635 = arith.mulf %parallel_loop3A_1634, %parallel_loop3A_1552 : vector<16xf32>
        %parallel_loop3A_1636 = arith.constant 2 : i32
        %parallel_loop3A_1637 = arith.index_cast %parallel_loop3A_1636 : i32 to index
        %parallel_loop3A_1638 = arith.index_cast %parallel_loop3A_1546 : i32 to index
        %parallel_loop3A_1639 = arith.constant 112 : index
        %parallel_loop3A_1640 = tpu.vector_load %arg17[%parallel_loop3A_1637, %parallel_loop3A_1638, %parallel_loop3A_1639] {strides = array<i32>} : memref<3x80x128xf32, #tpu.memory_space<vmem>>, vector<16xf32>,
        tpu.vector_store %arg17[%parallel_loop3A_1637, %parallel_loop3A_1638, %parallel_loop3A_1639], %parallel_loop3A_1635 {strides = array<i32>} : memref<3x80x128xf32, #tpu.memory_space<vmem>>, vector<16xf32>,
      } {sc.loop_unroll_factor = 8 : i64, sc.parallel_access}
      %dma_start3A_1108 = arith.constant 2 : i32
      %dma_start3A_1109 = arith.constant 2 : i32
      %dma_start3A_1110 = arith.constant 0 : i32
      %dma_start3A_1111 = arith.constant 0 : i32
      %dma_start3A_1112 = tpu.memref_slice %arg17[%dma_start3A_1108, %dma_start3A_1110, %dma_start3A_1111] : memref<3x80x128xf32, #tpu.memory_space<vmem>> -> memref<1x80x128xf32, #tpu.memory_space<vmem>>
      %dma_start3A_1113 = tpu.memref_squeeze %dma_start3A_1112 : memref<1x80x128xf32, #tpu.memory_space<vmem>> -> memref<80x128xf32, #tpu.memory_space<vmem>>
      %dma_start3A_1114 = arith.constant 0 : i32
      %dma_start3A_1115 = tpu.memref_slice %arg11[%select_n3A_245, %dma_start3A_1109, %dma_start3A_1114] : memref<2x5x80xi32, #tpu.memory_space<vmem>> -> memref<1x1x80xi32, #tpu.memory_space<vmem>>
      %dma_start3A_1116 = tpu.memref_squeeze %dma_start3A_1115 : memref<1x1x80xi32, #tpu.memory_space<vmem>> -> memref<80xi32, #tpu.memory_space<vmem>>
      %dma_start3A_1117 = arith.constant 0 : i32
      %dma_start3A_1118 = arith.constant 0 : i32
      %dma_start3A_1119 = tpu.memref_slice %arg18[%dma_start3A_1117, %dma_start3A_1118] : memref<10000x128xf32, #tpu.memory_space<vmem_shared>> -> memref<10000x128xf32, #tpu.memory_space<vmem_shared>>
      tpu.enqueue_indirect_dma source(%dma_start3A_1113 : memref<80x128xf32, #tpu.memory_space<vmem>>) target(%dma_start3A_1119 : memref<10000x128xf32, #tpu.memory_space<vmem_shared>>) offsets(%dma_start3A_1116 : memref<80xi32, #tpu.memory_space<vmem>>) semaphore(%arg27 : memref<!tpu.dma_semaphore, #tpu.memory_space<semaphore_mem>>) {add = true}
      %dma_wait3A_1120 = arith.constant 3 : i32
      %dma_wait3A_1121 = arith.constant 0 : i32
      %dma_wait3A_1122 = arith.constant 0 : i32
      %dma_wait3A_1123 = tpu.memref_slice %arg15[%dma_wait3A_1121, %dma_wait3A_1122] : memref<3x80xf32, #tpu.memory_space<vmem>> -> memref<1x80xf32, #tpu.memory_space<vmem>>
      %dma_wait3A_1124 = tpu.memref_squeeze %dma_wait3A_1123 : memref<1x80xf32, #tpu.memory_space<vmem>> -> memref<80xf32, #tpu.memory_space<vmem>>
      %dma_wait3A_1125 = arith.constant 0 : i32
      %dma_wait3A_1126 = tpu.memref_slice %arg11[%select_n3A_245, %dma_wait3A_1120, %dma_wait3A_1125] : memref<2x5x80xi32, #tpu.memory_space<vmem>> -> memref<1x1x80xi32, #tpu.memory_space<vmem>>
      %dma_wait3A_1127 = tpu.memref_squeeze %dma_wait3A_1126 : memref<1x1x80xi32, #tpu.memory_space<vmem>> -> memref<80xi32, #tpu.memory_space<vmem>>
      %dma_wait3A_1128 = arith.constant 0 : i32
      %dma_wait3A_1129 = tpu.memref_slice %arg20[%dma_wait3A_1128] : memref<10000xf32, #tpu.memory_space<vmem_shared>> -> memref<10000xf32, #tpu.memory_space<vmem_shared>>
      tpu.wait_indirect_dma semaphore(%arg28 : memref<!tpu.dma_semaphore, #tpu.memory_space<semaphore_mem>>) src(%dma_wait3A_1129 : memref<10000xf32, #tpu.memory_space<vmem_shared>>) dst(%dma_wait3A_1124 : memref<80xf32, #tpu.memory_space<vmem>>)
      %dma_wait3A_1130 = arith.constant 3 : i32
      %dma_wait3A_1131 = arith.constant 0 : i32
      %dma_wait3A_1132 = arith.constant 0 : i32
      %dma_wait3A_1133 = tpu.memref_slice %arg16[%dma_wait3A_1131, %dma_wait3A_1132] : memref<3x80xf32, #tpu.memory_space<vmem>> -> memref<1x80xf32, #tpu.memory_space<vmem>>
      %dma_wait3A_1134 = tpu.memref_squeeze %dma_wait3A_1133 : memref<1x80xf32, #tpu.memory_space<vmem>> -> memref<80xf32, #tpu.memory_space<vmem>>
      %dma_wait3A_1135 = arith.constant 0 : i32
      %dma_wait3A_1136 = tpu.memref_slice %arg12[%select_n3A_245, %dma_wait3A_1130, %dma_wait3A_1135] : memref<2x5x80xi32, #tpu.memory_space<vmem>> -> memref<1x1x80xi32, #tpu.memory_space<vmem>>
      %dma_wait3A_1137 = tpu.memref_squeeze %dma_wait3A_1136 : memref<1x1x80xi32, #tpu.memory_space<vmem>> -> memref<80xi32, #tpu.memory_space<vmem>>
      %dma_wait3A_1138 = arith.constant 0 : i32
      %dma_wait3A_1139 = tpu.memref_slice %arg21[%dma_wait3A_1138] : memref<10000xf32, #tpu.memory_space<vmem_shared>> -> memref<10000xf32, #tpu.memory_space<vmem_shared>>
      tpu.wait_indirect_dma semaphore(%arg31 : memref<!tpu.dma_semaphore, #tpu.memory_space<semaphore_mem>>) src(%dma_wait3A_1139 : memref<10000xf32, #tpu.memory_space<vmem_shared>>) dst(%dma_wait3A_1134 : memref<80xf32, #tpu.memory_space<vmem>>)
      %dma_wait3A_1140 = arith.constant 1 : i32
      %dma_wait3A_1141 = arith.constant 0 : i32
      %dma_wait3A_1142 = tpu.memref_slice %arg13[%dma_wait3A_1140, %dma_wait3A_1141] : memref<2x80xf32, #tpu.memory_space<vmem>> -> memref<1x80xf32, #tpu.memory_space<vmem>>
      %dma_wait3A_1143 = tpu.memref_squeeze %dma_wait3A_1142 : memref<1x80xf32, #tpu.memory_space<vmem>> -> memref<80xf32, #tpu.memory_space<vmem>>
      %dma_wait3A_1144 = arith.constant 0 : i32
      %dma_wait3A_1145 = tpu.memref_slice %arg19[%dma_wait3A_1144] : memref<10000xf32, #tpu.memory_space<vmem_shared>> -> memref<10000xf32, #tpu.memory_space<vmem_shared>>
      tpu.wait_indirect_dma semaphore(%arg36 : memref<!tpu.dma_semaphore, #tpu.memory_space<semaphore_mem>>) src(%dma_wait3A_1143 : memref<80xf32, #tpu.memory_space<vmem>>) dst(%dma_wait3A_1145 : memref<10000xf32, #tpu.memory_space<vmem_shared>>)
      %get3A_1146 = arith.constant 0 : i32
      %get3A_1147 = arith.index_cast %get3A_1146 : i32 to index
      %get3A_1148 = arith.constant 0 : index
      %get3A_1149 = tpu.vector_load %arg15[%get3A_1147, %get3A_1148] {strides = array<i32>} : memref<3x80xf32, #tpu.memory_space<vmem>>, vector<16xf32>,
      %get3A_1150 = arith.constant 0 : i32
      %get3A_1151 = arith.index_cast %get3A_1150 : i32 to index
      %get3A_1152 = arith.constant 0 : index
      %get3A_1153 = tpu.vector_load %arg16[%get3A_1151, %get3A_1152] {strides = array<i32>} : memref<3x80xf32, #tpu.memory_space<vmem>>, vector<16xf32>,
      %add3A_1154 = arith.addf %get3A_1149, %get3A_1153 : vector<16xf32>
      %ge3A_1155 = arith.constant 0.000000e+00 : f32
      %ge3A_1156 = vector.broadcast %ge3A_1155 : f32 to vector<16xf32>
      %ge3A_1157 = arith.cmpf oge, %add3A_1154, %ge3A_1156 : vector<16xf32>
      %mul3A_1158 = arith.constant 2.000000e-01 : f32
      %mul3A_1159 = vector.broadcast %mul3A_1158 : f32 to vector<16xf32>
      %mul3A_1160 = arith.mulf %add3A_1154, %mul3A_1159 : vector<16xf32>
      %select_n3A_1161 = arith.select %ge3A_1157, %add3A_1154, %mul3A_1160 : vector<16xi1>, vector<16xf32>
      %add3A_1162 = arith.addf %get3A_1149, %get3A_187 : vector<16xf32>
      %ge3A_1163 = arith.constant 0.000000e+00 : f32
      %ge3A_1164 = vector.broadcast %ge3A_1163 : f32 to vector<16xf32>
      %ge3A_1165 = arith.cmpf oge, %add3A_1162, %ge3A_1164 : vector<16xf32>
      %mul3A_1166 = arith.constant 2.000000e-01 : f32
      %mul3A_1167 = vector.broadcast %mul3A_1166 : f32 to vector<16xf32>
      %mul3A_1168 = arith.mulf %add3A_1162, %mul3A_1167 : vector<16xf32>
      %select_n3A_1169 = arith.select %ge3A_1165, %add3A_1162, %mul3A_1168 : vector<16xi1>, vector<16xf32>
      %sub3A_1170 = arith.subf %select_n3A_1161, %select_n3A_1169 : vector<16xf32>
      %exp3A_1171 = math.exp %sub3A_1170 : vector<16xf32>
      %swap3A_1172 = arith.constant 1 : i32
      %swap3A_1173 = arith.index_cast %swap3A_1172 : i32 to index
      %swap3A_1174 = arith.constant 0 : index
      %swap3A_1175 = tpu.vector_load %arg13[%swap3A_1173, %swap3A_1174] {strides = array<i32>} : memref<2x80xf32, #tpu.memory_space<vmem>>, vector<16xf32>,
      tpu.vector_store %arg13[%swap3A_1173, %swap3A_1174], %exp3A_1171 {strides = array<i32>} : memref<2x80xf32, #tpu.memory_space<vmem>>, vector<16xf32>,
      %get3A_1176 = arith.constant 0 : i32
      %get3A_1177 = arith.index_cast %get3A_1176 : i32 to index
      %get3A_1178 = arith.constant 16 : index
      %get3A_1179 = tpu.vector_load %arg15[%get3A_1177, %get3A_1178] {strides = array<i32>} : memref<3x80xf32, #tpu.memory_space<vmem>>, vector<16xf32>,
      %get3A_1180 = arith.constant 0 : i32
      %get3A_1181 = arith.index_cast %get3A_1180 : i32 to index
      %get3A_1182 = arith.constant 16 : index
      %get3A_1183 = tpu.vector_load %arg16[%get3A_1181, %get3A_1182] {strides = array<i32>} : memref<3x80xf32, #tpu.memory_space<vmem>>, vector<16xf32>,
      %add3A_1184 = arith.addf %get3A_1179, %get3A_1183 : vector<16xf32>
      %ge3A_1185 = arith.constant 0.000000e+00 : f32
      %ge3A_1186 = vector.broadcast %ge3A_1185 : f32 to vector<16xf32>
      %ge3A_1187 = arith.cmpf oge, %add3A_1184, %ge3A_1186 : vector<16xf32>
      %mul3A_1188 = arith.constant 2.000000e-01 : f32
      %mul3A_1189 = vector.broadcast %mul3A_1188 : f32 to vector<16xf32>
      %mul3A_1190 = arith.mulf %add3A_1184, %mul3A_1189 : vector<16xf32>
      %select_n3A_1191 = arith.select %ge3A_1187, %add3A_1184, %mul3A_1190 : vector<16xi1>, vector<16xf32>
      %add3A_1192 = arith.addf %get3A_1179, %get3A_187 : vector<16xf32>
      %ge3A_1193 = arith.constant 0.000000e+00 : f32
      %ge3A_1194 = vector.broadcast %ge3A_1193 : f32 to vector<16xf32>
      %ge3A_1195 = arith.cmpf oge, %add3A_1192, %ge3A_1194 : vector<16xf32>
      %mul3A_1196 = arith.constant 2.000000e-01 : f32
      %mul3A_1197 = vector.broadcast %mul3A_1196 : f32 to vector<16xf32>
      %mul3A_1198 = arith.mulf %add3A_1192, %mul3A_1197 : vector<16xf32>
      %select_n3A_1199 = arith.select %ge3A_1195, %add3A_1192, %mul3A_1198 : vector<16xi1>, vector<16xf32>
      %sub3A_1200 = arith.subf %select_n3A_1191, %select_n3A_1199 : vector<16xf32>
      %exp3A_1201 = math.exp %sub3A_1200 : vector<16xf32>
      %swap3A_1202 = arith.constant 1 : i32
      %swap3A_1203 = arith.index_cast %swap3A_1202 : i32 to index
      %swap3A_1204 = arith.constant 16 : index
      %swap3A_1205 = tpu.vector_load %arg13[%swap3A_1203, %swap3A_1204] {strides = array<i32>} : memref<2x80xf32, #tpu.memory_space<vmem>>, vector<16xf32>,
      tpu.vector_store %arg13[%swap3A_1203, %swap3A_1204], %exp3A_1201 {strides = array<i32>} : memref<2x80xf32, #tpu.memory_space<vmem>>, vector<16xf32>,
      %get3A_1206 = arith.constant 0 : i32
      %get3A_1207 = arith.index_cast %get3A_1206 : i32 to index
      %get3A_1208 = arith.constant 32 : index
      %get3A_1209 = tpu.vector_load %arg15[%get3A_1207, %get3A_1208] {strides = array<i32>} : memref<3x80xf32, #tpu.memory_space<vmem>>, vector<16xf32>,
      %get3A_1210 = arith.constant 0 : i32
      %get3A_1211 = arith.index_cast %get3A_1210 : i32 to index
      %get3A_1212 = arith.constant 32 : index
      %get3A_1213 = tpu.vector_load %arg16[%get3A_1211, %get3A_1212] {strides = array<i32>} : memref<3x80xf32, #tpu.memory_space<vmem>>, vector<16xf32>,
      %add3A_1214 = arith.addf %get3A_1209, %get3A_1213 : vector<16xf32>
      %ge3A_1215 = arith.constant 0.000000e+00 : f32
      %ge3A_1216 = vector.broadcast %ge3A_1215 : f32 to vector<16xf32>
      %ge3A_1217 = arith.cmpf oge, %add3A_1214, %ge3A_1216 : vector<16xf32>
      %mul3A_1218 = arith.constant 2.000000e-01 : f32
      %mul3A_1219 = vector.broadcast %mul3A_1218 : f32 to vector<16xf32>
      %mul3A_1220 = arith.mulf %add3A_1214, %mul3A_1219 : vector<16xf32>
      %select_n3A_1221 = arith.select %ge3A_1217, %add3A_1214, %mul3A_1220 : vector<16xi1>, vector<16xf32>
      %add3A_1222 = arith.addf %get3A_1209, %get3A_187 : vector<16xf32>
      %ge3A_1223 = arith.constant 0.000000e+00 : f32
      %ge3A_1224 = vector.broadcast %ge3A_1223 : f32 to vector<16xf32>
      %ge3A_1225 = arith.cmpf oge, %add3A_1222, %ge3A_1224 : vector<16xf32>
      %mul3A_1226 = arith.constant 2.000000e-01 : f32
      %mul3A_1227 = vector.broadcast %mul3A_1226 : f32 to vector<16xf32>
      %mul3A_1228 = arith.mulf %add3A_1222, %mul3A_1227 : vector<16xf32>
      %select_n3A_1229 = arith.select %ge3A_1225, %add3A_1222, %mul3A_1228 : vector<16xi1>, vector<16xf32>
      %sub3A_1230 = arith.subf %select_n3A_1221, %select_n3A_1229 : vector<16xf32>
      %exp3A_1231 = math.exp %sub3A_1230 : vector<16xf32>
      %swap3A_1232 = arith.constant 1 : i32
      %swap3A_1233 = arith.index_cast %swap3A_1232 : i32 to index
      %swap3A_1234 = arith.constant 32 : index
      %swap3A_1235 = tpu.vector_load %arg13[%swap3A_1233, %swap3A_1234] {strides = array<i32>} : memref<2x80xf32, #tpu.memory_space<vmem>>, vector<16xf32>,
      tpu.vector_store %arg13[%swap3A_1233, %swap3A_1234], %exp3A_1231 {strides = array<i32>} : memref<2x80xf32, #tpu.memory_space<vmem>>, vector<16xf32>,
      %get3A_1236 = arith.constant 0 : i32
      %get3A_1237 = arith.index_cast %get3A_1236 : i32 to index
      %get3A_1238 = arith.constant 48 : index
      %get3A_1239 = tpu.vector_load %arg15[%get3A_1237, %get3A_1238] {strides = array<i32>} : memref<3x80xf32, #tpu.memory_space<vmem>>, vector<16xf32>,
      %get3A_1240 = arith.constant 0 : i32
      %get3A_1241 = arith.index_cast %get3A_1240 : i32 to index
      %get3A_1242 = arith.constant 48 : index
      %get3A_1243 = tpu.vector_load %arg16[%get3A_1241, %get3A_1242] {strides = array<i32>} : memref<3x80xf32, #tpu.memory_space<vmem>>, vector<16xf32>,
      %add3A_1244 = arith.addf %get3A_1239, %get3A_1243 : vector<16xf32>
      %ge3A_1245 = arith.constant 0.000000e+00 : f32
      %ge3A_1246 = vector.broadcast %ge3A_1245 : f32 to vector<16xf32>
      %ge3A_1247 = arith.cmpf oge, %add3A_1244, %ge3A_1246 : vector<16xf32>
      %mul3A_1248 = arith.constant 2.000000e-01 : f32
      %mul3A_1249 = vector.broadcast %mul3A_1248 : f32 to vector<16xf32>
      %mul3A_1250 = arith.mulf %add3A_1244, %mul3A_1249 : vector<16xf32>
      %select_n3A_1251 = arith.select %ge3A_1247, %add3A_1244, %mul3A_1250 : vector<16xi1>, vector<16xf32>
      %add3A_1252 = arith.addf %get3A_1239, %get3A_187 : vector<16xf32>
      %ge3A_1253 = arith.constant 0.000000e+00 : f32
      %ge3A_1254 = vector.broadcast %ge3A_1253 : f32 to vector<16xf32>
      %ge3A_1255 = arith.cmpf oge, %add3A_1252, %ge3A_1254 : vector<16xf32>
      %mul3A_1256 = arith.constant 2.000000e-01 : f32
      %mul3A_1257 = vector.broadcast %mul3A_1256 : f32 to vector<16xf32>
      %mul3A_1258 = arith.mulf %add3A_1252, %mul3A_1257 : vector<16xf32>
      %select_n3A_1259 = arith.select %ge3A_1255, %add3A_1252, %mul3A_1258 : vector<16xi1>, vector<16xf32>
      %sub3A_1260 = arith.subf %select_n3A_1251, %select_n3A_1259 : vector<16xf32>
      %exp3A_1261 = math.exp %sub3A_1260 : vector<16xf32>
      %swap3A_1262 = arith.constant 1 : i32
      %swap3A_1263 = arith.index_cast %swap3A_1262 : i32 to index
      %swap3A_1264 = arith.constant 48 : index
      %swap3A_1265 = tpu.vector_load %arg13[%swap3A_1263, %swap3A_1264] {strides = array<i32>} : memref<2x80xf32, #tpu.memory_space<vmem>>, vector<16xf32>,
      tpu.vector_store %arg13[%swap3A_1263, %swap3A_1264], %exp3A_1261 {strides = array<i32>} : memref<2x80xf32, #tpu.memory_space<vmem>>, vector<16xf32>,
      %get3A_1266 = arith.constant 0 : i32
      %get3A_1267 = arith.index_cast %get3A_1266 : i32 to index
      %get3A_1268 = arith.constant 64 : index
      %get3A_1269 = tpu.vector_load %arg15[%get3A_1267, %get3A_1268] {strides = array<i32>} : memref<3x80xf32, #tpu.memory_space<vmem>>, vector<16xf32>,
      %get3A_1270 = arith.constant 0 : i32
      %get3A_1271 = arith.index_cast %get3A_1270 : i32 to index
      %get3A_1272 = arith.constant 64 : index
      %get3A_1273 = tpu.vector_load %arg16[%get3A_1271, %get3A_1272] {strides = array<i32>} : memref<3x80xf32, #tpu.memory_space<vmem>>, vector<16xf32>,
      %add3A_1274 = arith.addf %get3A_1269, %get3A_1273 : vector<16xf32>
      %ge3A_1275 = arith.constant 0.000000e+00 : f32
      %ge3A_1276 = vector.broadcast %ge3A_1275 : f32 to vector<16xf32>
      %ge3A_1277 = arith.cmpf oge, %add3A_1274, %ge3A_1276 : vector<16xf32>
      %mul3A_1278 = arith.constant 2.000000e-01 : f32
      %mul3A_1279 = vector.broadcast %mul3A_1278 : f32 to vector<16xf32>
      %mul3A_1280 = arith.mulf %add3A_1274, %mul3A_1279 : vector<16xf32>
      %select_n3A_1281 = arith.select %ge3A_1277, %add3A_1274, %mul3A_1280 : vector<16xi1>, vector<16xf32>
      %add3A_1282 = arith.addf %get3A_1269, %get3A_187 : vector<16xf32>
      %ge3A_1283 = arith.constant 0.000000e+00 : f32
      %ge3A_1284 = vector.broadcast %ge3A_1283 : f32 to vector<16xf32>
      %ge3A_1285 = arith.cmpf oge, %add3A_1282, %ge3A_1284 : vector<16xf32>
      %mul3A_1286 = arith.constant 2.000000e-01 : f32
      %mul3A_1287 = vector.broadcast %mul3A_1286 : f32 to vector<16xf32>
      %mul3A_1288 = arith.mulf %add3A_1282, %mul3A_1287 : vector<16xf32>
      %select_n3A_1289 = arith.select %ge3A_1285, %add3A_1282, %mul3A_1288 : vector<16xi1>, vector<16xf32>
      %sub3A_1290 = arith.subf %select_n3A_1281, %select_n3A_1289 : vector<16xf32>
      %exp3A_1291 = math.exp %sub3A_1290 : vector<16xf32>
      %swap3A_1292 = arith.constant 1 : i32
      %swap3A_1293 = arith.index_cast %swap3A_1292 : i32 to index
      %swap3A_1294 = arith.constant 64 : index
      %swap3A_1295 = tpu.vector_load %arg13[%swap3A_1293, %swap3A_1294] {strides = array<i32>} : memref<2x80xf32, #tpu.memory_space<vmem>>, vector<16xf32>,
      tpu.vector_store %arg13[%swap3A_1293, %swap3A_1294], %exp3A_1291 {strides = array<i32>} : memref<2x80xf32, #tpu.memory_space<vmem>>, vector<16xf32>,
      %dma_start3A_1296 = arith.constant 1 : i32
      %dma_start3A_1297 = arith.constant 3 : i32
      %dma_start3A_1298 = arith.constant 0 : i32
      %dma_start3A_1299 = tpu.memref_slice %arg13[%dma_start3A_1296, %dma_start3A_1298] : memref<2x80xf32, #tpu.memory_space<vmem>> -> memref<1x80xf32, #tpu.memory_space<vmem>>
      %dma_start3A_1300 = tpu.memref_squeeze %dma_start3A_1299 : memref<1x80xf32, #tpu.memory_space<vmem>> -> memref<80xf32, #tpu.memory_space<vmem>>
      %dma_start3A_1301 = arith.constant 0 : i32
      %dma_start3A_1302 = tpu.memref_slice %arg11[%select_n3A_245, %dma_start3A_1297, %dma_start3A_1301] : memref<2x5x80xi32, #tpu.memory_space<vmem>> -> memref<1x1x80xi32, #tpu.memory_space<vmem>>
      %dma_start3A_1303 = tpu.memref_squeeze %dma_start3A_1302 : memref<1x1x80xi32, #tpu.memory_space<vmem>> -> memref<80xi32, #tpu.memory_space<vmem>>
      %dma_start3A_1304 = arith.constant 0 : i32
      %dma_start3A_1305 = tpu.memref_slice %arg19[%dma_start3A_1304] : memref<10000xf32, #tpu.memory_space<vmem_shared>> -> memref<10000xf32, #tpu.memory_space<vmem_shared>>
      tpu.enqueue_indirect_dma source(%dma_start3A_1300 : memref<80xf32, #tpu.memory_space<vmem>>) target(%dma_start3A_1305 : memref<10000xf32, #tpu.memory_space<vmem_shared>>) offsets(%dma_start3A_1303 : memref<80xi32, #tpu.memory_space<vmem>>) semaphore(%arg36 : memref<!tpu.dma_semaphore, #tpu.memory_space<semaphore_mem>>) {add = true}
      %dma_wait3A_1306 = arith.constant 3 : i32
      %dma_wait3A_1307 = arith.constant 0 : i32
      %dma_wait3A_1308 = arith.constant 0 : i32
      %dma_wait3A_1309 = arith.constant 0 : i32
      %dma_wait3A_1310 = tpu.memref_slice %arg17[%dma_wait3A_1307, %dma_wait3A_1308, %dma_wait3A_1309] : memref<3x80x128xf32, #tpu.memory_space<vmem>> -> memref<1x80x128xf32, #tpu.memory_space<vmem>>
      %dma_wait3A_1311 = tpu.memref_squeeze %dma_wait3A_1310 : memref<1x80x128xf32, #tpu.memory_space<vmem>> -> memref<80x128xf32, #tpu.memory_space<vmem>>
      %dma_wait3A_1312 = arith.constant 0 : i32
      %dma_wait3A_1313 = tpu.memref_slice %arg12[%select_n3A_245, %dma_wait3A_1306, %dma_wait3A_1312] : memref<2x5x80xi32, #tpu.memory_space<vmem>> -> memref<1x1x80xi32, #tpu.memory_space<vmem>>
      %dma_wait3A_1314 = tpu.memref_squeeze %dma_wait3A_1313 : memref<1x1x80xi32, #tpu.memory_space<vmem>> -> memref<80xi32, #tpu.memory_space<vmem>>
      %dma_wait3A_1315 = arith.constant 0 : i32
      %dma_wait3A_1316 = arith.constant 0 : i32
      %dma_wait3A_1317 = tpu.memref_slice %arg2[%dma_wait3A_1315, %dma_wait3A_1316] : memref<10000x128xf32, #tpu.memory_space<hbm>> -> memref<10000x128xf32, #tpu.memory_space<hbm>>
      tpu.wait_indirect_dma semaphore(%arg22 : memref<!tpu.dma_semaphore, #tpu.memory_space<semaphore_mem>>) src(%dma_wait3A_1317 : memref<10000x128xf32, #tpu.memory_space<hbm>>) dst(%dma_wait3A_1311 : memref<80x128xf32, #tpu.memory_space<vmem>>)
      %parallel_loop3A_1318 = arith.constant 0 : i32
      %parallel_loop3A_1319 = arith.constant 80 : i32
      %parallel_loop3A_1320 = arith.constant 1 : i32
      scf.for %parallel_loop3A_1546 = %parallel_loop3A_1318 to %parallel_loop3A_1319 step %parallel_loop3A_1320  : i32 {
        %parallel_loop3A_1547 = vector.broadcast %parallel_loop3A_1546 : i32 to vector<16xi32>
        %parallel_loop3A_1548 = arith.constant 1 : i32
        %parallel_loop3A_1549 = arith.constant 0 : i32
        %parallel_loop3A_1550 = tpu.memref_slice %arg13[%parallel_loop3A_1548, %parallel_loop3A_1549] : memref<2x80xf32, #tpu.memory_space<vmem>> -> memref<1x80xf32, #tpu.memory_space<vmem>>
        %parallel_loop3A_1551 = tpu.memref_squeeze %parallel_loop3A_1550 : memref<1x80xf32, #tpu.memory_space<vmem>> -> memref<80xf32, #tpu.memory_space<vmem>>
        %parallel_loop3A_1552 = tpu.vector_load_idx %parallel_loop3A_1551[%parallel_loop3A_1547] : memref<80xf32, #tpu.memory_space<vmem>>[vector<16xi32>], vector<16xf32>,
        %parallel_loop3A_1553 = arith.constant 0 : i32
        %parallel_loop3A_1554 = arith.index_cast %parallel_loop3A_1553 : i32 to index
        %parallel_loop3A_1555 = arith.index_cast %parallel_loop3A_1546 : i32 to index
        %parallel_loop3A_1556 = arith.constant 0 : index
        %parallel_loop3A_1557 = tpu.vector_load %arg17[%parallel_loop3A_1554, %parallel_loop3A_1555, %parallel_loop3A_1556] {strides = array<i32>} : memref<3x80x128xf32, #tpu.memory_space<vmem>>, vector<16xf32>,
        %parallel_loop3A_1558 = arith.mulf %parallel_loop3A_1557, %parallel_loop3A_1552 : vector<16xf32>
        %parallel_loop3A_1559 = arith.constant 0 : i32
        %parallel_loop3A_1560 = arith.index_cast %parallel_loop3A_1559 : i32 to index
        %parallel_loop3A_1561 = arith.index_cast %parallel_loop3A_1546 : i32 to index
        %parallel_loop3A_1562 = arith.constant 0 : index
        %parallel_loop3A_1563 = tpu.vector_load %arg17[%parallel_loop3A_1560, %parallel_loop3A_1561, %parallel_loop3A_1562] {strides = array<i32>} : memref<3x80x128xf32, #tpu.memory_space<vmem>>, vector<16xf32>,
        tpu.vector_store %arg17[%parallel_loop3A_1560, %parallel_loop3A_1561, %parallel_loop3A_1562], %parallel_loop3A_1558 {strides = array<i32>} : memref<3x80x128xf32, #tpu.memory_space<vmem>>, vector<16xf32>,
        %parallel_loop3A_1564 = arith.constant 0 : i32
        %parallel_loop3A_1565 = arith.index_cast %parallel_loop3A_1564 : i32 to index
        %parallel_loop3A_1566 = arith.index_cast %parallel_loop3A_1546 : i32 to index
        %parallel_loop3A_1567 = arith.constant 16 : index
        %parallel_loop3A_1568 = tpu.vector_load %arg17[%parallel_loop3A_1565, %parallel_loop3A_1566, %parallel_loop3A_1567] {strides = array<i32>} : memref<3x80x128xf32, #tpu.memory_space<vmem>>, vector<16xf32>,
        %parallel_loop3A_1569 = arith.mulf %parallel_loop3A_1568, %parallel_loop3A_1552 : vector<16xf32>
        %parallel_loop3A_1570 = arith.constant 0 : i32
        %parallel_loop3A_1571 = arith.index_cast %parallel_loop3A_1570 : i32 to index
        %parallel_loop3A_1572 = arith.index_cast %parallel_loop3A_1546 : i32 to index
        %parallel_loop3A_1573 = arith.constant 16 : index
        %parallel_loop3A_1574 = tpu.vector_load %arg17[%parallel_loop3A_1571, %parallel_loop3A_1572, %parallel_loop3A_1573] {strides = array<i32>} : memref<3x80x128xf32, #tpu.memory_space<vmem>>, vector<16xf32>,
        tpu.vector_store %arg17[%parallel_loop3A_1571, %parallel_loop3A_1572, %parallel_loop3A_1573], %parallel_loop3A_1569 {strides = array<i32>} : memref<3x80x128xf32, #tpu.memory_space<vmem>>, vector<16xf32>,
        %parallel_loop3A_1575 = arith.constant 0 : i32
        %parallel_loop3A_1576 = arith.index_cast %parallel_loop3A_1575 : i32 to index
        %parallel_loop3A_1577 = arith.index_cast %parallel_loop3A_1546 : i32 to index
        %parallel_loop3A_1578 = arith.constant 32 : index
        %parallel_loop3A_1579 = tpu.vector_load %arg17[%parallel_loop3A_1576, %parallel_loop3A_1577, %parallel_loop3A_1578] {strides = array<i32>} : memref<3x80x128xf32, #tpu.memory_space<vmem>>, vector<16xf32>,
        %parallel_loop3A_1580 = arith.mulf %parallel_loop3A_1579, %parallel_loop3A_1552 : vector<16xf32>
        %parallel_loop3A_1581 = arith.constant 0 : i32
        %parallel_loop3A_1582 = arith.index_cast %parallel_loop3A_1581 : i32 to index
        %parallel_loop3A_1583 = arith.index_cast %parallel_loop3A_1546 : i32 to index
        %parallel_loop3A_1584 = arith.constant 32 : index
        %parallel_loop3A_1585 = tpu.vector_load %arg17[%parallel_loop3A_1582, %parallel_loop3A_1583, %parallel_loop3A_1584] {strides = array<i32>} : memref<3x80x128xf32, #tpu.memory_space<vmem>>, vector<16xf32>,
        tpu.vector_store %arg17[%parallel_loop3A_1582, %parallel_loop3A_1583, %parallel_loop3A_1584], %parallel_loop3A_1580 {strides = array<i32>} : memref<3x80x128xf32, #tpu.memory_space<vmem>>, vector<16xf32>,
        %parallel_loop3A_1586 = arith.constant 0 : i32
        %parallel_loop3A_1587 = arith.index_cast %parallel_loop3A_1586 : i32 to index
        %parallel_loop3A_1588 = arith.index_cast %parallel_loop3A_1546 : i32 to index
        %parallel_loop3A_1589 = arith.constant 48 : index
        %parallel_loop3A_1590 = tpu.vector_load %arg17[%parallel_loop3A_1587, %parallel_loop3A_1588, %parallel_loop3A_1589] {strides = array<i32>} : memref<3x80x128xf32, #tpu.memory_space<vmem>>, vector<16xf32>,
        %parallel_loop3A_1591 = arith.mulf %parallel_loop3A_1590, %parallel_loop3A_1552 : vector<16xf32>
        %parallel_loop3A_1592 = arith.constant 0 : i32
        %parallel_loop3A_1593 = arith.index_cast %parallel_loop3A_1592 : i32 to index
        %parallel_loop3A_1594 = arith.index_cast %parallel_loop3A_1546 : i32 to index
        %parallel_loop3A_1595 = arith.constant 48 : index
        %parallel_loop3A_1596 = tpu.vector_load %arg17[%parallel_loop3A_1593, %parallel_loop3A_1594, %parallel_loop3A_1595] {strides = array<i32>} : memref<3x80x128xf32, #tpu.memory_space<vmem>>, vector<16xf32>,
        tpu.vector_store %arg17[%parallel_loop3A_1593, %parallel_loop3A_1594, %parallel_loop3A_1595], %parallel_loop3A_1591 {strides = array<i32>} : memref<3x80x128xf32, #tpu.memory_space<vmem>>, vector<16xf32>,
        %parallel_loop3A_1597 = arith.constant 0 : i32
        %parallel_loop3A_1598 = arith.index_cast %parallel_loop3A_1597 : i32 to index
        %parallel_loop3A_1599 = arith.index_cast %parallel_loop3A_1546 : i32 to index
        %parallel_loop3A_1600 = arith.constant 64 : index
        %parallel_loop3A_1601 = tpu.vector_load %arg17[%parallel_loop3A_1598, %parallel_loop3A_1599, %parallel_loop3A_1600] {strides = array<i32>} : memref<3x80x128xf32, #tpu.memory_space<vmem>>, vector<16xf32>,
        %parallel_loop3A_1602 = arith.mulf %parallel_loop3A_1601, %parallel_loop3A_1552 : vector<16xf32>
        %parallel_loop3A_1603 = arith.constant 0 : i32
        %parallel_loop3A_1604 = arith.index_cast %parallel_loop3A_1603 : i32 to index
        %parallel_loop3A_1605 = arith.index_cast %parallel_loop3A_1546 : i32 to index
        %parallel_loop3A_1606 = arith.constant 64 : index
        %parallel_loop3A_1607 = tpu.vector_load %arg17[%parallel_loop3A_1604, %parallel_loop3A_1605, %parallel_loop3A_1606] {strides = array<i32>} : memref<3x80x128xf32, #tpu.memory_space<vmem>>, vector<16xf32>,
        tpu.vector_store %arg17[%parallel_loop3A_1604, %parallel_loop3A_1605, %parallel_loop3A_1606], %parallel_loop3A_1602 {strides = array<i32>} : memref<3x80x128xf32, #tpu.memory_space<vmem>>, vector<16xf32>,
        %parallel_loop3A_1608 = arith.constant 0 : i32
        %parallel_loop3A_1609 = arith.index_cast %parallel_loop3A_1608 : i32 to index
        %parallel_loop3A_1610 = arith.index_cast %parallel_loop3A_1546 : i32 to index
        %parallel_loop3A_1611 = arith.constant 80 : index
        %parallel_loop3A_1612 = tpu.vector_load %arg17[%parallel_loop3A_1609, %parallel_loop3A_1610, %parallel_loop3A_1611] {strides = array<i32>} : memref<3x80x128xf32, #tpu.memory_space<vmem>>, vector<16xf32>,
        %parallel_loop3A_1613 = arith.mulf %parallel_loop3A_1612, %parallel_loop3A_1552 : vector<16xf32>
        %parallel_loop3A_1614 = arith.constant 0 : i32
        %parallel_loop3A_1615 = arith.index_cast %parallel_loop3A_1614 : i32 to index
        %parallel_loop3A_1616 = arith.index_cast %parallel_loop3A_1546 : i32 to index
        %parallel_loop3A_1617 = arith.constant 80 : index
        %parallel_loop3A_1618 = tpu.vector_load %arg17[%parallel_loop3A_1615, %parallel_loop3A_1616, %parallel_loop3A_1617] {strides = array<i32>} : memref<3x80x128xf32, #tpu.memory_space<vmem>>, vector<16xf32>,
        tpu.vector_store %arg17[%parallel_loop3A_1615, %parallel_loop3A_1616, %parallel_loop3A_1617], %parallel_loop3A_1613 {strides = array<i32>} : memref<3x80x128xf32, #tpu.memory_space<vmem>>, vector<16xf32>,
        %parallel_loop3A_1619 = arith.constant 0 : i32
        %parallel_loop3A_1620 = arith.index_cast %parallel_loop3A_1619 : i32 to index
        %parallel_loop3A_1621 = arith.index_cast %parallel_loop3A_1546 : i32 to index
        %parallel_loop3A_1622 = arith.constant 96 : index
        %parallel_loop3A_1623 = tpu.vector_load %arg17[%parallel_loop3A_1620, %parallel_loop3A_1621, %parallel_loop3A_1622] {strides = array<i32>} : memref<3x80x128xf32, #tpu.memory_space<vmem>>, vector<16xf32>,
        %parallel_loop3A_1624 = arith.mulf %parallel_loop3A_1623, %parallel_loop3A_1552 : vector<16xf32>
        %parallel_loop3A_1625 = arith.constant 0 : i32
        %parallel_loop3A_1626 = arith.index_cast %parallel_loop3A_1625 : i32 to index
        %parallel_loop3A_1627 = arith.index_cast %parallel_loop3A_1546 : i32 to index
        %parallel_loop3A_1628 = arith.constant 96 : index
        %parallel_loop3A_1629 = tpu.vector_load %arg17[%parallel_loop3A_1626, %parallel_loop3A_1627, %parallel_loop3A_1628] {strides = array<i32>} : memref<3x80x128xf32, #tpu.memory_space<vmem>>, vector<16xf32>,
        tpu.vector_store %arg17[%parallel_loop3A_1626, %parallel_loop3A_1627, %parallel_loop3A_1628], %parallel_loop3A_1624 {strides = array<i32>} : memref<3x80x128xf32, #tpu.memory_space<vmem>>, vector<16xf32>,
        %parallel_loop3A_1630 = arith.constant 0 : i32
        %parallel_loop3A_1631 = arith.index_cast %parallel_loop3A_1630 : i32 to index
        %parallel_loop3A_1632 = arith.index_cast %parallel_loop3A_1546 : i32 to index
        %parallel_loop3A_1633 = arith.constant 112 : index
        %parallel_loop3A_1634 = tpu.vector_load %arg17[%parallel_loop3A_1631, %parallel_loop3A_1632, %parallel_loop3A_1633] {strides = array<i32>} : memref<3x80x128xf32, #tpu.memory_space<vmem>>, vector<16xf32>,
        %parallel_loop3A_1635 = arith.mulf %parallel_loop3A_1634, %parallel_loop3A_1552 : vector<16xf32>
        %parallel_loop3A_1636 = arith.constant 0 : i32
        %parallel_loop3A_1637 = arith.index_cast %parallel_loop3A_1636 : i32 to index
        %parallel_loop3A_1638 = arith.index_cast %parallel_loop3A_1546 : i32 to index
        %parallel_loop3A_1639 = arith.constant 112 : index
        %parallel_loop3A_1640 = tpu.vector_load %arg17[%parallel_loop3A_1637, %parallel_loop3A_1638, %parallel_loop3A_1639] {strides = array<i32>} : memref<3x80x128xf32, #tpu.memory_space<vmem>>, vector<16xf32>,
        tpu.vector_store %arg17[%parallel_loop3A_1637, %parallel_loop3A_1638, %parallel_loop3A_1639], %parallel_loop3A_1635 {strides = array<i32>} : memref<3x80x128xf32, #tpu.memory_space<vmem>>, vector<16xf32>,
      } {sc.loop_unroll_factor = 8 : i64, sc.parallel_access}
      %dma_start3A_1321 = arith.constant 0 : i32
      %dma_start3A_1322 = arith.constant 3 : i32
      %dma_start3A_1323 = arith.constant 0 : i32
      %dma_start3A_1324 = arith.constant 0 : i32
      %dma_start3A_1325 = tpu.memref_slice %arg17[%dma_start3A_1321, %dma_start3A_1323, %dma_start3A_1324] : memref<3x80x128xf32, #tpu.memory_space<vmem>> -> memref<1x80x128xf32, #tpu.memory_space<vmem>>
      %dma_start3A_1326 = tpu.memref_squeeze %dma_start3A_1325 : memref<1x80x128xf32, #tpu.memory_space<vmem>> -> memref<80x128xf32, #tpu.memory_space<vmem>>
      %dma_start3A_1327 = arith.constant 0 : i32
      %dma_start3A_1328 = tpu.memref_slice %arg11[%select_n3A_245, %dma_start3A_1322, %dma_start3A_1327] : memref<2x5x80xi32, #tpu.memory_space<vmem>> -> memref<1x1x80xi32, #tpu.memory_space<vmem>>
      %dma_start3A_1329 = tpu.memref_squeeze %dma_start3A_1328 : memref<1x1x80xi32, #tpu.memory_space<vmem>> -> memref<80xi32, #tpu.memory_space<vmem>>
      %dma_start3A_1330 = arith.constant 0 : i32
      %dma_start3A_1331 = arith.constant 0 : i32
      %dma_start3A_1332 = tpu.memref_slice %arg18[%dma_start3A_1330, %dma_start3A_1331] : memref<10000x128xf32, #tpu.memory_space<vmem_shared>> -> memref<10000x128xf32, #tpu.memory_space<vmem_shared>>
      tpu.enqueue_indirect_dma source(%dma_start3A_1326 : memref<80x128xf32, #tpu.memory_space<vmem>>) target(%dma_start3A_1332 : memref<10000x128xf32, #tpu.memory_space<vmem_shared>>) offsets(%dma_start3A_1329 : memref<80xi32, #tpu.memory_space<vmem>>) semaphore(%arg25 : memref<!tpu.dma_semaphore, #tpu.memory_space<semaphore_mem>>) {add = true}
      %dma_wait3A_1333 = arith.constant 4 : i32
      %dma_wait3A_1334 = arith.constant 1 : i32
      %dma_wait3A_1335 = arith.constant 0 : i32
      %dma_wait3A_1336 = tpu.memref_slice %arg15[%dma_wait3A_1334, %dma_wait3A_1335] : memref<3x80xf32, #tpu.memory_space<vmem>> -> memref<1x80xf32, #tpu.memory_space<vmem>>
      %dma_wait3A_1337 = tpu.memref_squeeze %dma_wait3A_1336 : memref<1x80xf32, #tpu.memory_space<vmem>> -> memref<80xf32, #tpu.memory_space<vmem>>
      %dma_wait3A_1338 = arith.constant 0 : i32
      %dma_wait3A_1339 = tpu.memref_slice %arg11[%select_n3A_245, %dma_wait3A_1333, %dma_wait3A_1338] : memref<2x5x80xi32, #tpu.memory_space<vmem>> -> memref<1x1x80xi32, #tpu.memory_space<vmem>>
      %dma_wait3A_1340 = tpu.memref_squeeze %dma_wait3A_1339 : memref<1x1x80xi32, #tpu.memory_space<vmem>> -> memref<80xi32, #tpu.memory_space<vmem>>
      %dma_wait3A_1341 = arith.constant 0 : i32
      %dma_wait3A_1342 = tpu.memref_slice %arg20[%dma_wait3A_1341] : memref<10000xf32, #tpu.memory_space<vmem_shared>> -> memref<10000xf32, #tpu.memory_space<vmem_shared>>
      tpu.wait_indirect_dma semaphore(%arg29 : memref<!tpu.dma_semaphore, #tpu.memory_space<semaphore_mem>>) src(%dma_wait3A_1342 : memref<10000xf32, #tpu.memory_space<vmem_shared>>) dst(%dma_wait3A_1337 : memref<80xf32, #tpu.memory_space<vmem>>)
      %dma_wait3A_1343 = arith.constant 4 : i32
      %dma_wait3A_1344 = arith.constant 1 : i32
      %dma_wait3A_1345 = arith.constant 0 : i32
      %dma_wait3A_1346 = tpu.memref_slice %arg16[%dma_wait3A_1344, %dma_wait3A_1345] : memref<3x80xf32, #tpu.memory_space<vmem>> -> memref<1x80xf32, #tpu.memory_space<vmem>>
      %dma_wait3A_1347 = tpu.memref_squeeze %dma_wait3A_1346 : memref<1x80xf32, #tpu.memory_space<vmem>> -> memref<80xf32, #tpu.memory_space<vmem>>
      %dma_wait3A_1348 = arith.constant 0 : i32
      %dma_wait3A_1349 = tpu.memref_slice %arg12[%select_n3A_245, %dma_wait3A_1343, %dma_wait3A_1348] : memref<2x5x80xi32, #tpu.memory_space<vmem>> -> memref<1x1x80xi32, #tpu.memory_space<vmem>>
      %dma_wait3A_1350 = tpu.memref_squeeze %dma_wait3A_1349 : memref<1x1x80xi32, #tpu.memory_space<vmem>> -> memref<80xi32, #tpu.memory_space<vmem>>
      %dma_wait3A_1351 = arith.constant 0 : i32
      %dma_wait3A_1352 = tpu.memref_slice %arg21[%dma_wait3A_1351] : memref<10000xf32, #tpu.memory_space<vmem_shared>> -> memref<10000xf32, #tpu.memory_space<vmem_shared>>
      tpu.wait_indirect_dma semaphore(%arg32 : memref<!tpu.dma_semaphore, #tpu.memory_space<semaphore_mem>>) src(%dma_wait3A_1352 : memref<10000xf32, #tpu.memory_space<vmem_shared>>) dst(%dma_wait3A_1347 : memref<80xf32, #tpu.memory_space<vmem>>)
      %dma_wait3A_1353 = arith.constant 0 : i32
      %dma_wait3A_1354 = arith.constant 0 : i32
      %dma_wait3A_1355 = tpu.memref_slice %arg13[%dma_wait3A_1353, %dma_wait3A_1354] : memref<2x80xf32, #tpu.memory_space<vmem>> -> memref<1x80xf32, #tpu.memory_space<vmem>>
      %dma_wait3A_1356 = tpu.memref_squeeze %dma_wait3A_1355 : memref<1x80xf32, #tpu.memory_space<vmem>> -> memref<80xf32, #tpu.memory_space<vmem>>
      %dma_wait3A_1357 = arith.constant 0 : i32
      %dma_wait3A_1358 = tpu.memref_slice %arg19[%dma_wait3A_1357] : memref<10000xf32, #tpu.memory_space<vmem_shared>> -> memref<10000xf32, #tpu.memory_space<vmem_shared>>
      tpu.wait_indirect_dma semaphore(%arg35 : memref<!tpu.dma_semaphore, #tpu.memory_space<semaphore_mem>>) src(%dma_wait3A_1356 : memref<80xf32, #tpu.memory_space<vmem>>) dst(%dma_wait3A_1358 : memref<10000xf32, #tpu.memory_space<vmem_shared>>)
      %get3A_1359 = arith.constant 1 : i32
      %get3A_1360 = arith.index_cast %get3A_1359 : i32 to index
      %get3A_1361 = arith.constant 0 : index
      %get3A_1362 = tpu.vector_load %arg15[%get3A_1360, %get3A_1361] {strides = array<i32>} : memref<3x80xf32, #tpu.memory_space<vmem>>, vector<16xf32>,
      %get3A_1363 = arith.constant 1 : i32
      %get3A_1364 = arith.index_cast %get3A_1363 : i32 to index
      %get3A_1365 = arith.constant 0 : index
      %get3A_1366 = tpu.vector_load %arg16[%get3A_1364, %get3A_1365] {strides = array<i32>} : memref<3x80xf32, #tpu.memory_space<vmem>>, vector<16xf32>,
      %add3A_1367 = arith.addf %get3A_1362, %get3A_1366 : vector<16xf32>
      %ge3A_1368 = arith.constant 0.000000e+00 : f32
      %ge3A_1369 = vector.broadcast %ge3A_1368 : f32 to vector<16xf32>
      %ge3A_1370 = arith.cmpf oge, %add3A_1367, %ge3A_1369 : vector<16xf32>
      %mul3A_1371 = arith.constant 2.000000e-01 : f32
      %mul3A_1372 = vector.broadcast %mul3A_1371 : f32 to vector<16xf32>
      %mul3A_1373 = arith.mulf %add3A_1367, %mul3A_1372 : vector<16xf32>
      %select_n3A_1374 = arith.select %ge3A_1370, %add3A_1367, %mul3A_1373 : vector<16xi1>, vector<16xf32>
      %add3A_1375 = arith.addf %get3A_1362, %get3A_187 : vector<16xf32>
      %ge3A_1376 = arith.constant 0.000000e+00 : f32
      %ge3A_1377 = vector.broadcast %ge3A_1376 : f32 to vector<16xf32>
      %ge3A_1378 = arith.cmpf oge, %add3A_1375, %ge3A_1377 : vector<16xf32>
      %mul3A_1379 = arith.constant 2.000000e-01 : f32
      %mul3A_1380 = vector.broadcast %mul3A_1379 : f32 to vector<16xf32>
      %mul3A_1381 = arith.mulf %add3A_1375, %mul3A_1380 : vector<16xf32>
      %select_n3A_1382 = arith.select %ge3A_1378, %add3A_1375, %mul3A_1381 : vector<16xi1>, vector<16xf32>
      %sub3A_1383 = arith.subf %select_n3A_1374, %select_n3A_1382 : vector<16xf32>
      %exp3A_1384 = math.exp %sub3A_1383 : vector<16xf32>
      %swap3A_1385 = arith.constant 0 : i32
      %swap3A_1386 = arith.index_cast %swap3A_1385 : i32 to index
      %swap3A_1387 = arith.constant 0 : index
      %swap3A_1388 = tpu.vector_load %arg13[%swap3A_1386, %swap3A_1387] {strides = array<i32>} : memref<2x80xf32, #tpu.memory_space<vmem>>, vector<16xf32>,
      tpu.vector_store %arg13[%swap3A_1386, %swap3A_1387], %exp3A_1384 {strides = array<i32>} : memref<2x80xf32, #tpu.memory_space<vmem>>, vector<16xf32>,
      %get3A_1389 = arith.constant 1 : i32
      %get3A_1390 = arith.index_cast %get3A_1389 : i32 to index
      %get3A_1391 = arith.constant 16 : index
      %get3A_1392 = tpu.vector_load %arg15[%get3A_1390, %get3A_1391] {strides = array<i32>} : memref<3x80xf32, #tpu.memory_space<vmem>>, vector<16xf32>,
      %get3A_1393 = arith.constant 1 : i32
      %get3A_1394 = arith.index_cast %get3A_1393 : i32 to index
      %get3A_1395 = arith.constant 16 : index
      %get3A_1396 = tpu.vector_load %arg16[%get3A_1394, %get3A_1395] {strides = array<i32>} : memref<3x80xf32, #tpu.memory_space<vmem>>, vector<16xf32>,
      %add3A_1397 = arith.addf %get3A_1392, %get3A_1396 : vector<16xf32>
      %ge3A_1398 = arith.constant 0.000000e+00 : f32
      %ge3A_1399 = vector.broadcast %ge3A_1398 : f32 to vector<16xf32>
      %ge3A_1400 = arith.cmpf oge, %add3A_1397, %ge3A_1399 : vector<16xf32>
      %mul3A_1401 = arith.constant 2.000000e-01 : f32
      %mul3A_1402 = vector.broadcast %mul3A_1401 : f32 to vector<16xf32>
      %mul3A_1403 = arith.mulf %add3A_1397, %mul3A_1402 : vector<16xf32>
      %select_n3A_1404 = arith.select %ge3A_1400, %add3A_1397, %mul3A_1403 : vector<16xi1>, vector<16xf32>
      %add3A_1405 = arith.addf %get3A_1392, %get3A_187 : vector<16xf32>
      %ge3A_1406 = arith.constant 0.000000e+00 : f32
      %ge3A_1407 = vector.broadcast %ge3A_1406 : f32 to vector<16xf32>
      %ge3A_1408 = arith.cmpf oge, %add3A_1405, %ge3A_1407 : vector<16xf32>
      %mul3A_1409 = arith.constant 2.000000e-01 : f32
      %mul3A_1410 = vector.broadcast %mul3A_1409 : f32 to vector<16xf32>
      %mul3A_1411 = arith.mulf %add3A_1405, %mul3A_1410 : vector<16xf32>
      %select_n3A_1412 = arith.select %ge3A_1408, %add3A_1405, %mul3A_1411 : vector<16xi1>, vector<16xf32>
      %sub3A_1413 = arith.subf %select_n3A_1404, %select_n3A_1412 : vector<16xf32>
      %exp3A_1414 = math.exp %sub3A_1413 : vector<16xf32>
      %swap3A_1415 = arith.constant 0 : i32
      %swap3A_1416 = arith.index_cast %swap3A_1415 : i32 to index
      %swap3A_1417 = arith.constant 16 : index
      %swap3A_1418 = tpu.vector_load %arg13[%swap3A_1416, %swap3A_1417] {strides = array<i32>} : memref<2x80xf32, #tpu.memory_space<vmem>>, vector<16xf32>,
      tpu.vector_store %arg13[%swap3A_1416, %swap3A_1417], %exp3A_1414 {strides = array<i32>} : memref<2x80xf32, #tpu.memory_space<vmem>>, vector<16xf32>,
      %get3A_1419 = arith.constant 1 : i32
      %get3A_1420 = arith.index_cast %get3A_1419 : i32 to index
      %get3A_1421 = arith.constant 32 : index
      %get3A_1422 = tpu.vector_load %arg15[%get3A_1420, %get3A_1421] {strides = array<i32>} : memref<3x80xf32, #tpu.memory_space<vmem>>, vector<16xf32>,
      %get3A_1423 = arith.constant 1 : i32
      %get3A_1424 = arith.index_cast %get3A_1423 : i32 to index
      %get3A_1425 = arith.constant 32 : index
      %get3A_1426 = tpu.vector_load %arg16[%get3A_1424, %get3A_1425] {strides = array<i32>} : memref<3x80xf32, #tpu.memory_space<vmem>>, vector<16xf32>,
      %add3A_1427 = arith.addf %get3A_1422, %get3A_1426 : vector<16xf32>
      %ge3A_1428 = arith.constant 0.000000e+00 : f32
      %ge3A_1429 = vector.broadcast %ge3A_1428 : f32 to vector<16xf32>
      %ge3A_1430 = arith.cmpf oge, %add3A_1427, %ge3A_1429 : vector<16xf32>
      %mul3A_1431 = arith.constant 2.000000e-01 : f32
      %mul3A_1432 = vector.broadcast %mul3A_1431 : f32 to vector<16xf32>
      %mul3A_1433 = arith.mulf %add3A_1427, %mul3A_1432 : vector<16xf32>
      %select_n3A_1434 = arith.select %ge3A_1430, %add3A_1427, %mul3A_1433 : vector<16xi1>, vector<16xf32>
      %add3A_1435 = arith.addf %get3A_1422, %get3A_187 : vector<16xf32>
      %ge3A_1436 = arith.constant 0.000000e+00 : f32
      %ge3A_1437 = vector.broadcast %ge3A_1436 : f32 to vector<16xf32>
      %ge3A_1438 = arith.cmpf oge, %add3A_1435, %ge3A_1437 : vector<16xf32>
      %mul3A_1439 = arith.constant 2.000000e-01 : f32
      %mul3A_1440 = vector.broadcast %mul3A_1439 : f32 to vector<16xf32>
      %mul3A_1441 = arith.mulf %add3A_1435, %mul3A_1440 : vector<16xf32>
      %select_n3A_1442 = arith.select %ge3A_1438, %add3A_1435, %mul3A_1441 : vector<16xi1>, vector<16xf32>
      %sub3A_1443 = arith.subf %select_n3A_1434, %select_n3A_1442 : vector<16xf32>
      %exp3A_1444 = math.exp %sub3A_1443 : vector<16xf32>
      %swap3A_1445 = arith.constant 0 : i32
      %swap3A_1446 = arith.index_cast %swap3A_1445 : i32 to index
      %swap3A_1447 = arith.constant 32 : index
      %swap3A_1448 = tpu.vector_load %arg13[%swap3A_1446, %swap3A_1447] {strides = array<i32>} : memref<2x80xf32, #tpu.memory_space<vmem>>, vector<16xf32>,
      tpu.vector_store %arg13[%swap3A_1446, %swap3A_1447], %exp3A_1444 {strides = array<i32>} : memref<2x80xf32, #tpu.memory_space<vmem>>, vector<16xf32>,
      %get3A_1449 = arith.constant 1 : i32
      %get3A_1450 = arith.index_cast %get3A_1449 : i32 to index
      %get3A_1451 = arith.constant 48 : index
      %get3A_1452 = tpu.vector_load %arg15[%get3A_1450, %get3A_1451] {strides = array<i32>} : memref<3x80xf32, #tpu.memory_space<vmem>>, vector<16xf32>,
      %get3A_1453 = arith.constant 1 : i32
      %get3A_1454 = arith.index_cast %get3A_1453 : i32 to index
      %get3A_1455 = arith.constant 48 : index
      %get3A_1456 = tpu.vector_load %arg16[%get3A_1454, %get3A_1455] {strides = array<i32>} : memref<3x80xf32, #tpu.memory_space<vmem>>, vector<16xf32>,
      %add3A_1457 = arith.addf %get3A_1452, %get3A_1456 : vector<16xf32>
      %ge3A_1458 = arith.constant 0.000000e+00 : f32
      %ge3A_1459 = vector.broadcast %ge3A_1458 : f32 to vector<16xf32>
      %ge3A_1460 = arith.cmpf oge, %add3A_1457, %ge3A_1459 : vector<16xf32>
      %mul3A_1461 = arith.constant 2.000000e-01 : f32
      %mul3A_1462 = vector.broadcast %mul3A_1461 : f32 to vector<16xf32>
      %mul3A_1463 = arith.mulf %add3A_1457, %mul3A_1462 : vector<16xf32>
      %select_n3A_1464 = arith.select %ge3A_1460, %add3A_1457, %mul3A_1463 : vector<16xi1>, vector<16xf32>
      %add3A_1465 = arith.addf %get3A_1452, %get3A_187 : vector<16xf32>
      %ge3A_1466 = arith.constant 0.000000e+00 : f32
      %ge3A_1467 = vector.broadcast %ge3A_1466 : f32 to vector<16xf32>
      %ge3A_1468 = arith.cmpf oge, %add3A_1465, %ge3A_1467 : vector<16xf32>
      %mul3A_1469 = arith.constant 2.000000e-01 : f32
      %mul3A_1470 = vector.broadcast %mul3A_1469 : f32 to vector<16xf32>
      %mul3A_1471 = arith.mulf %add3A_1465, %mul3A_1470 : vector<16xf32>
      %select_n3A_1472 = arith.select %ge3A_1468, %add3A_1465, %mul3A_1471 : vector<16xi1>, vector<16xf32>
      %sub3A_1473 = arith.subf %select_n3A_1464, %select_n3A_1472 : vector<16xf32>
      %exp3A_1474 = math.exp %sub3A_1473 : vector<16xf32>
      %swap3A_1475 = arith.constant 0 : i32
      %swap3A_1476 = arith.index_cast %swap3A_1475 : i32 to index
      %swap3A_1477 = arith.constant 48 : index
      %swap3A_1478 = tpu.vector_load %arg13[%swap3A_1476, %swap3A_1477] {strides = array<i32>} : memref<2x80xf32, #tpu.memory_space<vmem>>, vector<16xf32>,
      tpu.vector_store %arg13[%swap3A_1476, %swap3A_1477], %exp3A_1474 {strides = array<i32>} : memref<2x80xf32, #tpu.memory_space<vmem>>, vector<16xf32>,
      %get3A_1479 = arith.constant 1 : i32
      %get3A_1480 = arith.index_cast %get3A_1479 : i32 to index
      %get3A_1481 = arith.constant 64 : index
      %get3A_1482 = tpu.vector_load %arg15[%get3A_1480, %get3A_1481] {strides = array<i32>} : memref<3x80xf32, #tpu.memory_space<vmem>>, vector<16xf32>,
      %get3A_1483 = arith.constant 1 : i32
      %get3A_1484 = arith.index_cast %get3A_1483 : i32 to index
      %get3A_1485 = arith.constant 64 : index
      %get3A_1486 = tpu.vector_load %arg16[%get3A_1484, %get3A_1485] {strides = array<i32>} : memref<3x80xf32, #tpu.memory_space<vmem>>, vector<16xf32>,
      %add3A_1487 = arith.addf %get3A_1482, %get3A_1486 : vector<16xf32>
      %ge3A_1488 = arith.constant 0.000000e+00 : f32
      %ge3A_1489 = vector.broadcast %ge3A_1488 : f32 to vector<16xf32>
      %ge3A_1490 = arith.cmpf oge, %add3A_1487, %ge3A_1489 : vector<16xf32>
      %mul3A_1491 = arith.constant 2.000000e-01 : f32
      %mul3A_1492 = vector.broadcast %mul3A_1491 : f32 to vector<16xf32>
      %mul3A_1493 = arith.mulf %add3A_1487, %mul3A_1492 : vector<16xf32>
      %select_n3A_1494 = arith.select %ge3A_1490, %add3A_1487, %mul3A_1493 : vector<16xi1>, vector<16xf32>
      %add3A_1495 = arith.addf %get3A_1482, %get3A_187 : vector<16xf32>
      %ge3A_1496 = arith.constant 0.000000e+00 : f32
      %ge3A_1497 = vector.broadcast %ge3A_1496 : f32 to vector<16xf32>
      %ge3A_1498 = arith.cmpf oge, %add3A_1495, %ge3A_1497 : vector<16xf32>
      %mul3A_1499 = arith.constant 2.000000e-01 : f32
      %mul3A_1500 = vector.broadcast %mul3A_1499 : f32 to vector<16xf32>
      %mul3A_1501 = arith.mulf %add3A_1495, %mul3A_1500 : vector<16xf32>
      %select_n3A_1502 = arith.select %ge3A_1498, %add3A_1495, %mul3A_1501 : vector<16xi1>, vector<16xf32>
      %sub3A_1503 = arith.subf %select_n3A_1494, %select_n3A_1502 : vector<16xf32>
      %exp3A_1504 = math.exp %sub3A_1503 : vector<16xf32>
      %swap3A_1505 = arith.constant 0 : i32
      %swap3A_1506 = arith.index_cast %swap3A_1505 : i32 to index
      %swap3A_1507 = arith.constant 64 : index
      %swap3A_1508 = tpu.vector_load %arg13[%swap3A_1506, %swap3A_1507] {strides = array<i32>} : memref<2x80xf32, #tpu.memory_space<vmem>>, vector<16xf32>,
      tpu.vector_store %arg13[%swap3A_1506, %swap3A_1507], %exp3A_1504 {strides = array<i32>} : memref<2x80xf32, #tpu.memory_space<vmem>>, vector<16xf32>,
      %dma_start3A_1509 = arith.constant 0 : i32
      %dma_start3A_1510 = arith.constant 4 : i32
      %dma_start3A_1511 = arith.constant 0 : i32
      %dma_start3A_1512 = tpu.memref_slice %arg13[%dma_start3A_1509, %dma_start3A_1511] : memref<2x80xf32, #tpu.memory_space<vmem>> -> memref<1x80xf32, #tpu.memory_space<vmem>>
      %dma_start3A_1513 = tpu.memref_squeeze %dma_start3A_1512 : memref<1x80xf32, #tpu.memory_space<vmem>> -> memref<80xf32, #tpu.memory_space<vmem>>
      %dma_start3A_1514 = arith.constant 0 : i32
      %dma_start3A_1515 = tpu.memref_slice %arg11[%select_n3A_245, %dma_start3A_1510, %dma_start3A_1514] : memref<2x5x80xi32, #tpu.memory_space<vmem>> -> memref<1x1x80xi32, #tpu.memory_space<vmem>>
      %dma_start3A_1516 = tpu.memref_squeeze %dma_start3A_1515 : memref<1x1x80xi32, #tpu.memory_space<vmem>> -> memref<80xi32, #tpu.memory_space<vmem>>
      %dma_start3A_1517 = arith.constant 0 : i32
      %dma_start3A_1518 = tpu.memref_slice %arg19[%dma_start3A_1517] : memref<10000xf32, #tpu.memory_space<vmem_shared>> -> memref<10000xf32, #tpu.memory_space<vmem_shared>>
      tpu.enqueue_indirect_dma source(%dma_start3A_1513 : memref<80xf32, #tpu.memory_space<vmem>>) target(%dma_start3A_1518 : memref<10000xf32, #tpu.memory_space<vmem_shared>>) offsets(%dma_start3A_1516 : memref<80xi32, #tpu.memory_space<vmem>>) semaphore(%arg35 : memref<!tpu.dma_semaphore, #tpu.memory_space<semaphore_mem>>) {add = true}
      %dma_wait3A_1519 = arith.constant 4 : i32
      %dma_wait3A_1520 = arith.constant 1 : i32
      %dma_wait3A_1521 = arith.constant 0 : i32
      %dma_wait3A_1522 = arith.constant 0 : i32
      %dma_wait3A_1523 = tpu.memref_slice %arg17[%dma_wait3A_1520, %dma_wait3A_1521, %dma_wait3A_1522] : memref<3x80x128xf32, #tpu.memory_space<vmem>> -> memref<1x80x128xf32, #tpu.memory_space<vmem>>
      %dma_wait3A_1524 = tpu.memref_squeeze %dma_wait3A_1523 : memref<1x80x128xf32, #tpu.memory_space<vmem>> -> memref<80x128xf32, #tpu.memory_space<vmem>>
      %dma_wait3A_1525 = arith.constant 0 : i32
      %dma_wait3A_1526 = tpu.memref_slice %arg12[%select_n3A_245, %dma_wait3A_1519, %dma_wait3A_1525] : memref<2x5x80xi32, #tpu.memory_space<vmem>> -> memref<1x1x80xi32, #tpu.memory_space<vmem>>
      %dma_wait3A_1527 = tpu.memref_squeeze %dma_wait3A_1526 : memref<1x1x80xi32, #tpu.memory_space<vmem>> -> memref<80xi32, #tpu.memory_space<vmem>>
      %dma_wait3A_1528 = arith.constant 0 : i32
      %dma_wait3A_1529 = arith.constant 0 : i32
      %dma_wait3A_1530 = tpu.memref_slice %arg2[%dma_wait3A_1528, %dma_wait3A_1529] : memref<10000x128xf32, #tpu.memory_space<hbm>> -> memref<10000x128xf32, #tpu.memory_space<hbm>>
      tpu.wait_indirect_dma semaphore(%arg23 : memref<!tpu.dma_semaphore, #tpu.memory_space<semaphore_mem>>) src(%dma_wait3A_1530 : memref<10000x128xf32, #tpu.memory_space<hbm>>) dst(%dma_wait3A_1524 : memref<80x128xf32, #tpu.memory_space<vmem>>)
      %parallel_loop3A_1531 = arith.constant 0 : i32
      %parallel_loop3A_1532 = arith.constant 80 : i32
      %parallel_loop3A_1533 = arith.constant 1 : i32
      scf.for %parallel_loop3A_1546 = %parallel_loop3A_1531 to %parallel_loop3A_1532 step %parallel_loop3A_1533  : i32 {
        %parallel_loop3A_1547 = vector.broadcast %parallel_loop3A_1546 : i32 to vector<16xi32>
        %parallel_loop3A_1548 = arith.constant 0 : i32
        %parallel_loop3A_1549 = arith.constant 0 : i32
        %parallel_loop3A_1550 = tpu.memref_slice %arg13[%parallel_loop3A_1548, %parallel_loop3A_1549] : memref<2x80xf32, #tpu.memory_space<vmem>> -> memref<1x80xf32, #tpu.memory_space<vmem>>
        %parallel_loop3A_1551 = tpu.memref_squeeze %parallel_loop3A_1550 : memref<1x80xf32, #tpu.memory_space<vmem>> -> memref<80xf32, #tpu.memory_space<vmem>>
        %parallel_loop3A_1552 = tpu.vector_load_idx %parallel_loop3A_1551[%parallel_loop3A_1547] : memref<80xf32, #tpu.memory_space<vmem>>[vector<16xi32>], vector<16xf32>,
        %parallel_loop3A_1553 = arith.constant 1 : i32
        %parallel_loop3A_1554 = arith.index_cast %parallel_loop3A_1553 : i32 to index
        %parallel_loop3A_1555 = arith.index_cast %parallel_loop3A_1546 : i32 to index
        %parallel_loop3A_1556 = arith.constant 0 : index
        %parallel_loop3A_1557 = tpu.vector_load %arg17[%parallel_loop3A_1554, %parallel_loop3A_1555, %parallel_loop3A_1556] {strides = array<i32>} : memref<3x80x128xf32, #tpu.memory_space<vmem>>, vector<16xf32>,
        %parallel_loop3A_1558 = arith.mulf %parallel_loop3A_1557, %parallel_loop3A_1552 : vector<16xf32>
        %parallel_loop3A_1559 = arith.constant 1 : i32
        %parallel_loop3A_1560 = arith.index_cast %parallel_loop3A_1559 : i32 to index
        %parallel_loop3A_1561 = arith.index_cast %parallel_loop3A_1546 : i32 to index
        %parallel_loop3A_1562 = arith.constant 0 : index
        %parallel_loop3A_1563 = tpu.vector_load %arg17[%parallel_loop3A_1560, %parallel_loop3A_1561, %parallel_loop3A_1562] {strides = array<i32>} : memref<3x80x128xf32, #tpu.memory_space<vmem>>, vector<16xf32>,
        tpu.vector_store %arg17[%parallel_loop3A_1560, %parallel_loop3A_1561, %parallel_loop3A_1562], %parallel_loop3A_1558 {strides = array<i32>} : memref<3x80x128xf32, #tpu.memory_space<vmem>>, vector<16xf32>,
        %parallel_loop3A_1564 = arith.constant 1 : i32
        %parallel_loop3A_1565 = arith.index_cast %parallel_loop3A_1564 : i32 to index
        %parallel_loop3A_1566 = arith.index_cast %parallel_loop3A_1546 : i32 to index
        %parallel_loop3A_1567 = arith.constant 16 : index
        %parallel_loop3A_1568 = tpu.vector_load %arg17[%parallel_loop3A_1565, %parallel_loop3A_1566, %parallel_loop3A_1567] {strides = array<i32>} : memref<3x80x128xf32, #tpu.memory_space<vmem>>, vector<16xf32>,
        %parallel_loop3A_1569 = arith.mulf %parallel_loop3A_1568, %parallel_loop3A_1552 : vector<16xf32>
        %parallel_loop3A_1570 = arith.constant 1 : i32
        %parallel_loop3A_1571 = arith.index_cast %parallel_loop3A_1570 : i32 to index
        %parallel_loop3A_1572 = arith.index_cast %parallel_loop3A_1546 : i32 to index
        %parallel_loop3A_1573 = arith.constant 16 : index
        %parallel_loop3A_1574 = tpu.vector_load %arg17[%parallel_loop3A_1571, %parallel_loop3A_1572, %parallel_loop3A_1573] {strides = array<i32>} : memref<3x80x128xf32, #tpu.memory_space<vmem>>, vector<16xf32>,
        tpu.vector_store %arg17[%parallel_loop3A_1571, %parallel_loop3A_1572, %parallel_loop3A_1573], %parallel_loop3A_1569 {strides = array<i32>} : memref<3x80x128xf32, #tpu.memory_space<vmem>>, vector<16xf32>,
        %parallel_loop3A_1575 = arith.constant 1 : i32
        %parallel_loop3A_1576 = arith.index_cast %parallel_loop3A_1575 : i32 to index
        %parallel_loop3A_1577 = arith.index_cast %parallel_loop3A_1546 : i32 to index
        %parallel_loop3A_1578 = arith.constant 32 : index
        %parallel_loop3A_1579 = tpu.vector_load %arg17[%parallel_loop3A_1576, %parallel_loop3A_1577, %parallel_loop3A_1578] {strides = array<i32>} : memref<3x80x128xf32, #tpu.memory_space<vmem>>, vector<16xf32>,
        %parallel_loop3A_1580 = arith.mulf %parallel_loop3A_1579, %parallel_loop3A_1552 : vector<16xf32>
        %parallel_loop3A_1581 = arith.constant 1 : i32
        %parallel_loop3A_1582 = arith.index_cast %parallel_loop3A_1581 : i32 to index
        %parallel_loop3A_1583 = arith.index_cast %parallel_loop3A_1546 : i32 to index
        %parallel_loop3A_1584 = arith.constant 32 : index
        %parallel_loop3A_1585 = tpu.vector_load %arg17[%parallel_loop3A_1582, %parallel_loop3A_1583, %parallel_loop3A_1584] {strides = array<i32>} : memref<3x80x128xf32, #tpu.memory_space<vmem>>, vector<16xf32>,
        tpu.vector_store %arg17[%parallel_loop3A_1582, %parallel_loop3A_1583, %parallel_loop3A_1584], %parallel_loop3A_1580 {strides = array<i32>} : memref<3x80x128xf32, #tpu.memory_space<vmem>>, vector<16xf32>,
        %parallel_loop3A_1586 = arith.constant 1 : i32
        %parallel_loop3A_1587 = arith.index_cast %parallel_loop3A_1586 : i32 to index
        %parallel_loop3A_1588 = arith.index_cast %parallel_loop3A_1546 : i32 to index
        %parallel_loop3A_1589 = arith.constant 48 : index
        %parallel_loop3A_1590 = tpu.vector_load %arg17[%parallel_loop3A_1587, %parallel_loop3A_1588, %parallel_loop3A_1589] {strides = array<i32>} : memref<3x80x128xf32, #tpu.memory_space<vmem>>, vector<16xf32>,
        %parallel_loop3A_1591 = arith.mulf %parallel_loop3A_1590, %parallel_loop3A_1552 : vector<16xf32>
        %parallel_loop3A_1592 = arith.constant 1 : i32
        %parallel_loop3A_1593 = arith.index_cast %parallel_loop3A_1592 : i32 to index
        %parallel_loop3A_1594 = arith.index_cast %parallel_loop3A_1546 : i32 to index
        %parallel_loop3A_1595 = arith.constant 48 : index
        %parallel_loop3A_1596 = tpu.vector_load %arg17[%parallel_loop3A_1593, %parallel_loop3A_1594, %parallel_loop3A_1595] {strides = array<i32>} : memref<3x80x128xf32, #tpu.memory_space<vmem>>, vector<16xf32>,
        tpu.vector_store %arg17[%parallel_loop3A_1593, %parallel_loop3A_1594, %parallel_loop3A_1595], %parallel_loop3A_1591 {strides = array<i32>} : memref<3x80x128xf32, #tpu.memory_space<vmem>>, vector<16xf32>,
        %parallel_loop3A_1597 = arith.constant 1 : i32
        %parallel_loop3A_1598 = arith.index_cast %parallel_loop3A_1597 : i32 to index
        %parallel_loop3A_1599 = arith.index_cast %parallel_loop3A_1546 : i32 to index
        %parallel_loop3A_1600 = arith.constant 64 : index
        %parallel_loop3A_1601 = tpu.vector_load %arg17[%parallel_loop3A_1598, %parallel_loop3A_1599, %parallel_loop3A_1600] {strides = array<i32>} : memref<3x80x128xf32, #tpu.memory_space<vmem>>, vector<16xf32>,
        %parallel_loop3A_1602 = arith.mulf %parallel_loop3A_1601, %parallel_loop3A_1552 : vector<16xf32>
        %parallel_loop3A_1603 = arith.constant 1 : i32
        %parallel_loop3A_1604 = arith.index_cast %parallel_loop3A_1603 : i32 to index
        %parallel_loop3A_1605 = arith.index_cast %parallel_loop3A_1546 : i32 to index
        %parallel_loop3A_1606 = arith.constant 64 : index
        %parallel_loop3A_1607 = tpu.vector_load %arg17[%parallel_loop3A_1604, %parallel_loop3A_1605, %parallel_loop3A_1606] {strides = array<i32>} : memref<3x80x128xf32, #tpu.memory_space<vmem>>, vector<16xf32>,
        tpu.vector_store %arg17[%parallel_loop3A_1604, %parallel_loop3A_1605, %parallel_loop3A_1606], %parallel_loop3A_1602 {strides = array<i32>} : memref<3x80x128xf32, #tpu.memory_space<vmem>>, vector<16xf32>,
        %parallel_loop3A_1608 = arith.constant 1 : i32
        %parallel_loop3A_1609 = arith.index_cast %parallel_loop3A_1608 : i32 to index
        %parallel_loop3A_1610 = arith.index_cast %parallel_loop3A_1546 : i32 to index
        %parallel_loop3A_1611 = arith.constant 80 : index
        %parallel_loop3A_1612 = tpu.vector_load %arg17[%parallel_loop3A_1609, %parallel_loop3A_1610, %parallel_loop3A_1611] {strides = array<i32>} : memref<3x80x128xf32, #tpu.memory_space<vmem>>, vector<16xf32>,
        %parallel_loop3A_1613 = arith.mulf %parallel_loop3A_1612, %parallel_loop3A_1552 : vector<16xf32>
        %parallel_loop3A_1614 = arith.constant 1 : i32
        %parallel_loop3A_1615 = arith.index_cast %parallel_loop3A_1614 : i32 to index
        %parallel_loop3A_1616 = arith.index_cast %parallel_loop3A_1546 : i32 to index
        %parallel_loop3A_1617 = arith.constant 80 : index
        %parallel_loop3A_1618 = tpu.vector_load %arg17[%parallel_loop3A_1615, %parallel_loop3A_1616, %parallel_loop3A_1617] {strides = array<i32>} : memref<3x80x128xf32, #tpu.memory_space<vmem>>, vector<16xf32>,
        tpu.vector_store %arg17[%parallel_loop3A_1615, %parallel_loop3A_1616, %parallel_loop3A_1617], %parallel_loop3A_1613 {strides = array<i32>} : memref<3x80x128xf32, #tpu.memory_space<vmem>>, vector<16xf32>,
        %parallel_loop3A_1619 = arith.constant 1 : i32
        %parallel_loop3A_1620 = arith.index_cast %parallel_loop3A_1619 : i32 to index
        %parallel_loop3A_1621 = arith.index_cast %parallel_loop3A_1546 : i32 to index
        %parallel_loop3A_1622 = arith.constant 96 : index
        %parallel_loop3A_1623 = tpu.vector_load %arg17[%parallel_loop3A_1620, %parallel_loop3A_1621, %parallel_loop3A_1622] {strides = array<i32>} : memref<3x80x128xf32, #tpu.memory_space<vmem>>, vector<16xf32>,
        %parallel_loop3A_1624 = arith.mulf %parallel_loop3A_1623, %parallel_loop3A_1552 : vector<16xf32>
        %parallel_loop3A_1625 = arith.constant 1 : i32
        %parallel_loop3A_1626 = arith.index_cast %parallel_loop3A_1625 : i32 to index
        %parallel_loop3A_1627 = arith.index_cast %parallel_loop3A_1546 : i32 to index
        %parallel_loop3A_1628 = arith.constant 96 : index
        %parallel_loop3A_1629 = tpu.vector_load %arg17[%parallel_loop3A_1626, %parallel_loop3A_1627, %parallel_loop3A_1628] {strides = array<i32>} : memref<3x80x128xf32, #tpu.memory_space<vmem>>, vector<16xf32>,
        tpu.vector_store %arg17[%parallel_loop3A_1626, %parallel_loop3A_1627, %parallel_loop3A_1628], %parallel_loop3A_1624 {strides = array<i32>} : memref<3x80x128xf32, #tpu.memory_space<vmem>>, vector<16xf32>,
        %parallel_loop3A_1630 = arith.constant 1 : i32
        %parallel_loop3A_1631 = arith.index_cast %parallel_loop3A_1630 : i32 to index
        %parallel_loop3A_1632 = arith.index_cast %parallel_loop3A_1546 : i32 to index
        %parallel_loop3A_1633 = arith.constant 112 : index
        %parallel_loop3A_1634 = tpu.vector_load %arg17[%parallel_loop3A_1631, %parallel_loop3A_1632, %parallel_loop3A_1633] {strides = array<i32>} : memref<3x80x128xf32, #tpu.memory_space<vmem>>, vector<16xf32>,
        %parallel_loop3A_1635 = arith.mulf %parallel_loop3A_1634, %parallel_loop3A_1552 : vector<16xf32>
        %parallel_loop3A_1636 = arith.constant 1 : i32
        %parallel_loop3A_1637 = arith.index_cast %parallel_loop3A_1636 : i32 to index
        %parallel_loop3A_1638 = arith.index_cast %parallel_loop3A_1546 : i32 to index
        %parallel_loop3A_1639 = arith.constant 112 : index
        %parallel_loop3A_1640 = tpu.vector_load %arg17[%parallel_loop3A_1637, %parallel_loop3A_1638, %parallel_loop3A_1639] {strides = array<i32>} : memref<3x80x128xf32, #tpu.memory_space<vmem>>, vector<16xf32>,
        tpu.vector_store %arg17[%parallel_loop3A_1637, %parallel_loop3A_1638, %parallel_loop3A_1639], %parallel_loop3A_1635 {strides = array<i32>} : memref<3x80x128xf32, #tpu.memory_space<vmem>>, vector<16xf32>,
      } {sc.loop_unroll_factor = 8 : i64, sc.parallel_access}
      %dma_start3A_1534 = arith.constant 1 : i32
      %dma_start3A_1535 = arith.constant 4 : i32
      %dma_start3A_1536 = arith.constant 0 : i32
      %dma_start3A_1537 = arith.constant 0 : i32
      %dma_start3A_1538 = tpu.memref_slice %arg17[%dma_start3A_1534, %dma_start3A_1536, %dma_start3A_1537] : memref<3x80x128xf32, #tpu.memory_space<vmem>> -> memref<1x80x128xf32, #tpu.memory_space<vmem>>
      %dma_start3A_1539 = tpu.memref_squeeze %dma_start3A_1538 : memref<1x80x128xf32, #tpu.memory_space<vmem>> -> memref<80x128xf32, #tpu.memory_space<vmem>>
      %dma_start3A_1540 = arith.constant 0 : i32
      %dma_start3A_1541 = tpu.memref_slice %arg11[%select_n3A_245, %dma_start3A_1535, %dma_start3A_1540] : memref<2x5x80xi32, #tpu.memory_space<vmem>> -> memref<1x1x80xi32, #tpu.memory_space<vmem>>
      %dma_start3A_1542 = tpu.memref_squeeze %dma_start3A_1541 : memref<1x1x80xi32, #tpu.memory_space<vmem>> -> memref<80xi32, #tpu.memory_space<vmem>>
      %dma_start3A_1543 = arith.constant 0 : i32
      %dma_start3A_1544 = arith.constant 0 : i32
      %dma_start3A_1545 = tpu.memref_slice %arg18[%dma_start3A_1543, %dma_start3A_1544] : memref<10000x128xf32, #tpu.memory_space<vmem_shared>> -> memref<10000x128xf32, #tpu.memory_space<vmem_shared>>
      tpu.enqueue_indirect_dma source(%dma_start3A_1539 : memref<80x128xf32, #tpu.memory_space<vmem>>) target(%dma_start3A_1545 : memref<10000x128xf32, #tpu.memory_space<vmem_shared>>) offsets(%dma_start3A_1542 : memref<80xi32, #tpu.memory_space<vmem>>) semaphore(%arg26 : memref<!tpu.dma_semaphore, #tpu.memory_space<semaphore_mem>>) {add = true}
    }
    %scan3A_193 = arith.constant 25 : i32
    %dma_wait3A = arith.constant 0 : i32
    %dma_wait3A_194 = arith.constant 0 : i32
    %dma_wait3A_195 = arith.constant 0 : i32
    %dma_wait3A_196 = tpu.memref_slice %arg17[%dma_wait3A, %dma_wait3A_194, %dma_wait3A_195] : memref<3x80x128xf32, #tpu.memory_space<vmem>> -> memref<1x80x128xf32, #tpu.memory_space<vmem>>
    %dma_wait3A_197 = tpu.memref_squeeze %dma_wait3A_196 : memref<1x80x128xf32, #tpu.memory_space<vmem>> -> memref<80x128xf32, #tpu.memory_space<vmem>>
    %dma_wait3A_198 = arith.constant 0 : i32
    %dma_wait3A_199 = arith.constant 0 : i32
    %dma_wait3A_200 = tpu.memref_slice %arg18[%dma_wait3A_198, %dma_wait3A_199] : memref<10000x128xf32, #tpu.memory_space<vmem_shared>> -> memref<10000x128xf32, #tpu.memory_space<vmem_shared>>
    tpu.wait_indirect_dma semaphore(%arg25 : memref<!tpu.dma_semaphore, #tpu.memory_space<semaphore_mem>>) src(%dma_wait3A_197 : memref<80x128xf32, #tpu.memory_space<vmem>>) dst(%dma_wait3A_200 : memref<10000x128xf32, #tpu.memory_space<vmem_shared>>)
    %dma_wait3A_201 = arith.constant 1 : i32
    %dma_wait3A_202 = arith.constant 0 : i32
    %dma_wait3A_203 = arith.constant 0 : i32
    %dma_wait3A_204 = tpu.memref_slice %arg17[%dma_wait3A_201, %dma_wait3A_202, %dma_wait3A_203] : memref<3x80x128xf32, #tpu.memory_space<vmem>> -> memref<1x80x128xf32, #tpu.memory_space<vmem>>
    %dma_wait3A_205 = tpu.memref_squeeze %dma_wait3A_204 : memref<1x80x128xf32, #tpu.memory_space<vmem>> -> memref<80x128xf32, #tpu.memory_space<vmem>>
    %dma_wait3A_206 = arith.constant 0 : i32
    %dma_wait3A_207 = arith.constant 0 : i32
    %dma_wait3A_208 = tpu.memref_slice %arg18[%dma_wait3A_206, %dma_wait3A_207] : memref<10000x128xf32, #tpu.memory_space<vmem_shared>> -> memref<10000x128xf32, #tpu.memory_space<vmem_shared>>
    tpu.wait_indirect_dma semaphore(%arg26 : memref<!tpu.dma_semaphore, #tpu.memory_space<semaphore_mem>>) src(%dma_wait3A_205 : memref<80x128xf32, #tpu.memory_space<vmem>>) dst(%dma_wait3A_208 : memref<10000x128xf32, #tpu.memory_space<vmem_shared>>)
    %dma_wait3A_209 = arith.constant 2 : i32
    %dma_wait3A_210 = arith.constant 0 : i32
    %dma_wait3A_211 = arith.constant 0 : i32
    %dma_wait3A_212 = tpu.memref_slice %arg17[%dma_wait3A_209, %dma_wait3A_210, %dma_wait3A_211] : memref<3x80x128xf32, #tpu.memory_space<vmem>> -> memref<1x80x128xf32, #tpu.memory_space<vmem>>
    %dma_wait3A_213 = tpu.memref_squeeze %dma_wait3A_212 : memref<1x80x128xf32, #tpu.memory_space<vmem>> -> memref<80x128xf32, #tpu.memory_space<vmem>>
    %dma_wait3A_214 = arith.constant 0 : i32
    %dma_wait3A_215 = arith.constant 0 : i32
    %dma_wait3A_216 = tpu.memref_slice %arg18[%dma_wait3A_214, %dma_wait3A_215] : memref<10000x128xf32, #tpu.memory_space<vmem_shared>> -> memref<10000x128xf32, #tpu.memory_space<vmem_shared>>
    tpu.wait_indirect_dma semaphore(%arg27 : memref<!tpu.dma_semaphore, #tpu.memory_space<semaphore_mem>>) src(%dma_wait3A_213 : memref<80x128xf32, #tpu.memory_space<vmem>>) dst(%dma_wait3A_216 : memref<10000x128xf32, #tpu.memory_space<vmem_shared>>)
    %dma_wait3A_217 = arith.constant 0 : i32
    %dma_wait3A_218 = arith.constant 0 : i32
    %dma_wait3A_219 = tpu.memref_slice %arg13[%dma_wait3A_217, %dma_wait3A_218] : memref<2x80xf32, #tpu.memory_space<vmem>> -> memref<1x80xf32, #tpu.memory_space<vmem>>
    %dma_wait3A_220 = tpu.memref_squeeze %dma_wait3A_219 : memref<1x80xf32, #tpu.memory_space<vmem>> -> memref<80xf32, #tpu.memory_space<vmem>>
    %dma_wait3A_221 = arith.constant 0 : i32
    %dma_wait3A_222 = tpu.memref_slice %arg19[%dma_wait3A_221] : memref<10000xf32, #tpu.memory_space<vmem_shared>> -> memref<10000xf32, #tpu.memory_space<vmem_shared>>
    tpu.wait_indirect_dma semaphore(%arg35 : memref<!tpu.dma_semaphore, #tpu.memory_space<semaphore_mem>>) src(%dma_wait3A_220 : memref<80xf32, #tpu.memory_space<vmem>>) dst(%dma_wait3A_222 : memref<10000xf32, #tpu.memory_space<vmem_shared>>)
    %dma_wait3A_223 = arith.constant 1 : i32
    %dma_wait3A_224 = arith.constant 0 : i32
    %dma_wait3A_225 = tpu.memref_slice %arg13[%dma_wait3A_223, %dma_wait3A_224] : memref<2x80xf32, #tpu.memory_space<vmem>> -> memref<1x80xf32, #tpu.memory_space<vmem>>
    %dma_wait3A_226 = tpu.memref_squeeze %dma_wait3A_225 : memref<1x80xf32, #tpu.memory_space<vmem>> -> memref<80xf32, #tpu.memory_space<vmem>>
    %dma_wait3A_227 = arith.constant 0 : i32
    %dma_wait3A_228 = tpu.memref_slice %arg19[%dma_wait3A_227] : memref<10000xf32, #tpu.memory_space<vmem_shared>> -> memref<10000xf32, #tpu.memory_space<vmem_shared>>
    tpu.wait_indirect_dma semaphore(%arg36 : memref<!tpu.dma_semaphore, #tpu.memory_space<semaphore_mem>>) src(%dma_wait3A_226 : memref<80xf32, #tpu.memory_space<vmem>>) dst(%dma_wait3A_228 : memref<10000xf32, #tpu.memory_space<vmem_shared>>)
    %barrier3A_229 = arith.constant 0 : index
    tpu.barrier barrier_id(%barrier3A_229)
    "tpu.region"() ({
      %run_scoped3A_235 = tpu.sem_alloc : memref<!tpu.dma_semaphore, #tpu.memory_space<semaphore_mem>>
      %dma_start3A_236 = arith.constant 0 : i32
      %dma_start3A_237 = arith.constant 0 : i32
      %dma_start3A_238 = tpu.memref_slice %arg8[%arg0, %arg1, %dma_start3A_236, %dma_start3A_237] : memref<2x16x625x128xf32, #tpu.memory_space<hbm>> -> memref<1x1x625x128xf32, #tpu.memory_space<hbm>>
      %dma_start3A_239 = tpu.memref_squeeze %dma_start3A_238 : memref<1x1x625x128xf32, #tpu.memory_space<hbm>> -> memref<625x128xf32, #tpu.memory_space<hbm>>
      %dma_start3A_240 = arith.constant 0 : i32
      %dma_start3A_241 = tpu.memref_slice %arg18[%mul3A_87, %dma_start3A_240] : memref<10000x128xf32, #tpu.memory_space<vmem_shared>> -> memref<625x128xf32, #tpu.memory_space<vmem_shared>>
      tpu.enqueue_dma source(%dma_start3A_241 : memref<625x128xf32, #tpu.memory_space<vmem_shared>>) target(%dma_start3A_239 : memref<625x128xf32, #tpu.memory_space<hbm>>) target_semaphore(%run_scoped3A_235 : memref<!tpu.dma_semaphore, #tpu.memory_space<semaphore_mem>>)
      %dma_wait3A_242 = arith.constant 0 : i32
      %dma_wait3A_243 = arith.constant 0 : i32
      %dma_wait3A_244 = tpu.memref_slice %arg8[%arg0, %arg1, %dma_wait3A_242, %dma_wait3A_243] : memref<2x16x625x128xf32, #tpu.memory_space<hbm>> -> memref<1x1x625x128xf32, #tpu.memory_space<hbm>>
      %dma_wait3A_245 = tpu.memref_squeeze %dma_wait3A_244 : memref<1x1x625x128xf32, #tpu.memory_space<hbm>> -> memref<625x128xf32, #tpu.memory_space<hbm>>
      %dma_wait3A_246 = arith.constant 0 : i32
      %dma_wait3A_247 = tpu.memref_slice %arg18[%mul3A_87, %dma_wait3A_246] : memref<10000x128xf32, #tpu.memory_space<vmem_shared>> -> memref<625x128xf32, #tpu.memory_space<vmem_shared>>
      tpu.wait_dma2 semaphore(%run_scoped3A_235 : memref<!tpu.dma_semaphore, #tpu.memory_space<semaphore_mem>>) src(%dma_wait3A_247 : memref<625x128xf32, #tpu.memory_space<vmem_shared>>) dst(%dma_wait3A_245 : memref<625x128xf32, #tpu.memory_space<hbm>>)
      tpu.yield
    }) : () -> ()
    %eq3A_230 = arith.constant 0 : i32
    %eq3A_231 = arith.cmpi eq, %arg1, %eq3A_230 : i32
    %convert_element_type3A_232 = arith.extui %eq3A_231 : i1 to i32
    %cond3A_233 = arith.constant 0 : i32
    %cond3A_234 = arith.cmpi ne, %convert_element_type3A_232, %cond3A_233 : i32
    scf.if %cond3A_234 {
      "tpu.region"() ({
        %run_scoped3A_235 = tpu.sem_alloc : memref<!tpu.dma_semaphore, #tpu.memory_space<semaphore_mem>>
        %dma_start3A_236 = arith.constant 0 : i32
        %dma_start3A_237 = tpu.memref_slice %arg9[%arg0, %dma_start3A_236] : memref<2x10000xf32, #tpu.memory_space<hbm>> -> memref<1x10000xf32, #tpu.memory_space<hbm>>
        %dma_start3A_238 = tpu.memref_squeeze %dma_start3A_237 : memref<1x10000xf32, #tpu.memory_space<hbm>> -> memref<10000xf32, #tpu.memory_space<hbm>>
        tpu.enqueue_dma source(%arg19 : memref<10000xf32, #tpu.memory_space<vmem_shared>>) target(%dma_start3A_238 : memref<10000xf32, #tpu.memory_space<hbm>>) target_semaphore(%run_scoped3A_235 : memref<!tpu.dma_semaphore, #tpu.memory_space<semaphore_mem>>)
        %dma_wait3A_239 = arith.constant 0 : i32
        %dma_wait3A_240 = tpu.memref_slice %arg9[%arg0, %dma_wait3A_239] : memref<2x10000xf32, #tpu.memory_space<hbm>> -> memref<1x10000xf32, #tpu.memory_space<hbm>>
        %dma_wait3A_241 = tpu.memref_squeeze %dma_wait3A_240 : memref<1x10000xf32, #tpu.memory_space<hbm>> -> memref<10000xf32, #tpu.memory_space<hbm>>
        tpu.wait_dma2 semaphore(%run_scoped3A_235 : memref<!tpu.dma_semaphore, #tpu.memory_space<semaphore_mem>>) src(%arg19 : memref<10000xf32, #tpu.memory_space<vmem_shared>>) dst(%dma_wait3A_241 : memref<10000xf32, #tpu.memory_space<hbm>>)
        tpu.yield
      }) : () -> ()
    } else {
    }
    return
  }
}

module attributes {stable_mosaic.version = 14 : i64} {
  func.func @_pre_body(%arg0: memref<10000x128xf32, #tpu.memory_space<vmem>>, %arg1: memref<128x128xf32, #tpu.memory_space<vmem>>, %arg2: memref<128xf32, #tpu.memory_space<vmem>>, %arg3: memref<128xf32, #tpu.memory_space<vmem>>, %arg4: memref<10000x128xf32, #tpu.memory_space<vmem>>, %arg5: memref<10000xf32, #tpu.memory_space<vmem>>, %arg6: memref<10000xf32, #tpu.memory_space<vmem>>, %arg7: memref<16xf32, #tpu.memory_space<vmem>>) attributes {dimension_semantics = [], scalar_prefetch = 0 : i64, scratch_operands = 0 : i64, tpu.core_type = #tpu.core_type<tc>} {
    %get3A = arith.constant 0 : index
    %get3A_0 = arith.constant 0 : index
    %get3A_1 = vector.load %arg0[%get3A, %get3A_0] : memref<10000x128xf32, #tpu.memory_space<vmem>>, vector<10000x128xf32>
    %get3A_2 = arith.constant 0 : index
    %get3A_3 = arith.constant 0 : index
    %get3A_4 = vector.load %arg1[%get3A_2, %get3A_3] : memref<128x128xf32, #tpu.memory_space<vmem>>, vector<128x128xf32>
    %dot_general3A = arith.constant dense<0.000000e+00> : vector<10000x128xf32>
    %dot_general3A_5 = tpu.matmul %get3A_1, %get3A_4, %dot_general3A {dimension_numbers = #tpu.dot_dimension_numbers<[1], [0], [0], [1], [0, 0, 1, 1], [], []>, transpose_lhs_hint = false} : vector<10000x128xf32>, vector<128x128xf32>, vector<10000x128xf32> -> vector<10000x128xf32>
    %ne3A = arith.cmpf one, %dot_general3A_5, %dot_general3A_5 : vector<10000x128xf32>
    %jit3A = arith.constant 0.000000e+00 : f32
    %broadcast_in_dim3A = vector.broadcast %jit3A : f32 to vector<10000x128xf32>
    %select_n3A = arith.select %ne3A, %broadcast_in_dim3A, %dot_general3A_5 : vector<10000x128xi1>, vector<10000x128xf32>
    %swap3A = arith.constant 0 : index
    %swap3A_6 = arith.constant 0 : index
    %swap3A_7 = vector.load %arg4[%swap3A, %swap3A_6] : memref<10000x128xf32, #tpu.memory_space<vmem>>, vector<10000x128xf32>
    tpu.vector_store %arg4[%swap3A, %swap3A_6], %select_n3A {strides = array<i32>} : memref<10000x128xf32, #tpu.memory_space<vmem>>, vector<10000x128xf32>,
    %get3A_8 = arith.constant 0 : index
    %get3A_9 = vector.load %arg2[%get3A_8] : memref<128xf32, #tpu.memory_space<vmem>>, vector<128xf32>
    %broadcast_in_dim3A_10 = vector.shape_cast %get3A_9 : vector<128xf32> to vector<1x128xf32>
    %mul3A = vector.broadcast %broadcast_in_dim3A_10 : vector<1x128xf32> to vector<10000x128xf32>
    %mul3A_11 = arith.mulf %select_n3A, %mul3A : vector<10000x128xf32>
    %reduce_sum3A = arith.constant dense<0.000000e+00> : vector<10000xf32>
    %reduce_sum3A_12 = vector.multi_reduction <add>, %mul3A_11, %reduce_sum3A [1] : vector<10000x128xf32> to vector<10000xf32>
    %get3A_13 = arith.constant 0 : index
    %get3A_14 = vector.load %arg3[%get3A_13] : memref<128xf32, #tpu.memory_space<vmem>>, vector<128xf32>
    %broadcast_in_dim3A_15 = vector.shape_cast %get3A_14 : vector<128xf32> to vector<1x128xf32>
    %mul3A_16 = vector.broadcast %broadcast_in_dim3A_15 : vector<1x128xf32> to vector<10000x128xf32>
    %mul3A_17 = arith.mulf %select_n3A, %mul3A_16 : vector<10000x128xf32>
    %reduce_sum3A_18 = arith.constant dense<0.000000e+00> : vector<10000xf32>
    %reduce_sum3A_19 = vector.multi_reduction <add>, %mul3A_17, %reduce_sum3A_18 [1] : vector<10000x128xf32> to vector<10000xf32>
    %swap3A_20 = arith.constant 0 : index
    %swap3A_21 = vector.load %arg5[%swap3A_20] : memref<10000xf32, #tpu.memory_space<vmem>>, vector<10000xf32>
    tpu.vector_store %arg5[%swap3A_20], %reduce_sum3A_12 {strides = array<i32>} : memref<10000xf32, #tpu.memory_space<vmem>>, vector<10000xf32>,
    %swap3A_22 = arith.constant 0 : index
    %swap3A_23 = vector.load %arg6[%swap3A_22] : memref<10000xf32, #tpu.memory_space<vmem>>, vector<10000xf32>
    tpu.vector_store %arg6[%swap3A_22], %reduce_sum3A_19 {strides = array<i32>} : memref<10000xf32, #tpu.memory_space<vmem>>, vector<10000xf32>,
    %reduce_max3A = vector.shape_cast %reduce_sum3A_19 : vector<10000xf32> to vector<1x10000xf32>
    %reduce_max3A_24 = arith.constant dense<0xFF800000> : vector<1xf32>
    %reduce_max3A_25 = vector.multi_reduction <maximumf>, %reduce_max3A, %reduce_max3A_24 [1] : vector<1x10000xf32> to vector<1xf32>
    %reduce_max3A_26 = vector.shape_cast %reduce_max3A_25 : vector<1xf32> to vector<1x1xf32>
    %reduce_max3A_27 = vector.extract %reduce_max3A_26[0, 0] : f32 from vector<1x1xf32>
    %broadcast_in_dim3A_28 = vector.broadcast %reduce_max3A_27 : f32 to vector<16xf32>
    %swap3A_29 = arith.constant 0 : index
    %swap3A_30 = vector.load %arg7[%swap3A_29] : memref<16xf32, #tpu.memory_space<vmem>>, vector<16xf32>
    tpu.vector_store %arg7[%swap3A_29], %broadcast_in_dim3A_28 {strides = array<i32>} : memref<16xf32, #tpu.memory_space<vmem>>, vector<16xf32>,
    return
  }
}

module attributes {stable_mosaic.version = 14 : i64} {
  func.func @_comb_body(%arg0: memref<2x10000x128xf32, #tpu.memory_space<vmem>>, %arg1: memref<2x10000xf32, #tpu.memory_space<vmem>>, %arg2: memref<10000x128xf32, #tpu.memory_space<vmem>>) attributes {dimension_semantics = [], scalar_prefetch = 0 : i64, scratch_operands = 0 : i64, tpu.core_type = #tpu.core_type<tc>} {
    %get3A = arith.constant 0 : index
    %get3A_0 = arith.constant 0 : index
    %get3A_1 = arith.constant 0 : index
    %get3A_2 = vector.load %arg0[%get3A, %get3A_0, %get3A_1] : memref<2x10000x128xf32, #tpu.memory_space<vmem>>, vector<1x10000x128xf32>
    %get3A_3 = vector.shape_cast %get3A_2 : vector<1x10000x128xf32> to vector<10000x128xf32>
    %get3A_4 = arith.constant 1 : index
    %get3A_5 = arith.constant 0 : index
    %get3A_6 = arith.constant 0 : index
    %get3A_7 = vector.load %arg0[%get3A_4, %get3A_5, %get3A_6] : memref<2x10000x128xf32, #tpu.memory_space<vmem>>, vector<1x10000x128xf32>
    %get3A_8 = vector.shape_cast %get3A_7 : vector<1x10000x128xf32> to vector<10000x128xf32>
    %add3A = arith.addf %get3A_3, %get3A_8 : vector<10000x128xf32>
    %get3A_9 = arith.constant 0 : index
    %get3A_10 = arith.constant 0 : index
    %get3A_11 = vector.load %arg1[%get3A_9, %get3A_10] : memref<2x10000xf32, #tpu.memory_space<vmem>>, vector<1x10000xf32>
    %get3A_12 = vector.shape_cast %get3A_11 : vector<1x10000xf32> to vector<10000xf32>
    %get3A_13 = arith.constant 1 : index
    %get3A_14 = arith.constant 0 : index
    %get3A_15 = vector.load %arg1[%get3A_13, %get3A_14] : memref<2x10000xf32, #tpu.memory_space<vmem>>, vector<1x10000xf32>
    %get3A_16 = vector.shape_cast %get3A_15 : vector<1x10000xf32> to vector<10000xf32>
    %add3A_17 = arith.addf %get3A_12, %get3A_16 : vector<10000xf32>
    %broadcast_in_dim3A = vector.shape_cast %add3A_17 : vector<10000xf32> to vector<10000x1xf32>
    %add3A_18 = arith.constant 1.000000e-16 : f32
    %add3A_19 = vector.broadcast %add3A_18 : f32 to vector<10000x1xf32>
    %add3A_20 = arith.addf %broadcast_in_dim3A, %add3A_19 : vector<10000x1xf32>
    %div3A = vector.broadcast %add3A_20 : vector<10000x1xf32> to vector<10000x128xf32>
    %div3A_21 = arith.divf %add3A, %div3A : vector<10000x128xf32>
    %swap3A = arith.constant 0 : index
    %swap3A_22 = arith.constant 0 : index
    %swap3A_23 = vector.load %arg2[%swap3A, %swap3A_22] : memref<10000x128xf32, #tpu.memory_space<vmem>>, vector<10000x128xf32>
    tpu.vector_store %arg2[%swap3A, %swap3A_22], %div3A_21 {strides = array<i32>} : memref<10000x128xf32, #tpu.memory_space<vmem>>, vector<10000x128xf32>,
    return
  }
}

</mosaic_0001>

<sc_bundles>
// kernel: kernel.5.cloned.1.call-start
scs
__scs_entry_jumppad:
0x0: {  	(pc) =	sbr.rel $0x88, $3  }
0x1: {  	(tag) =	ssettag $0x0;
	lr =	simm.s32 $0x1  }
0x2: {  	[smem:$0x3F9C] =	sst lr;
	_ =	strace $0xD0000000  }
0x3: {  	_ = 	snop  }
0x4: {  	_ = 	snop  }
0x5: {  	_ = 	snop  }
0x6: {  	_ = 	snop  }
0x7: {  	_ = 	snop  }
__scs_overlays_trampoline_lowered:
0x8: {  	[smem:$0x3FAB] =	sst s0  }
0x9: {  	[smem:$0x3FAC] =	sst s1  }
0xa: {  	[smem:$0x3FAD] =	sst s2  }
0xb: {  	[smem:$0x3FAE] =	sst s3  }
0xc: {  	[smem:$0x3FAF] =	sst s4  }
0xd: {  	[smem:$0x3FB0] =	sst s5  }
0xe: {  	[smem:$0x3FB1] =	sst s6  }
0xf: {  	[smem:$0x3FB2] =	sst s7  }
0x10: {  	[smem:$0x3FB3] =	sst s8  }
0x11: {  	[smem:$0x3FB4] =	sst s9;
	s0 =	simm.s32 @!p0 $0x0  }
0x12: {  	s1 =	sld [smem:$0x3F9A];
	s0 =	simm.s32 @p0 $0x1  }
0x13: {  	[smem:$0x3FB5] =	sst s0;
	s0 =	simm.s32 @!p1 $0x0  }
0x14: {  	s2 =	sld [smem:$0x3F99];
	s0 =	simm.s32 @p1 $0x1  }
0x15: {  	[smem:$0x3FB6] =	sst s0;
	s0 =	simm.s32 @!p2 $0x0  }
0x16: {  	s3 =	sld [smem:$0x3FDB];
	s0 =	simm.s32 @p2 $0x1  }
0x17: {  	s4 =	simm.s32 $0x1BF5;
	[smem:$0x3FB8] =	sst s0  }
0x18: {  	s0 =	sld [smem:$0x3F9B];
	_ =	swait.ge [sflag:s4], $0x0  }
0x19: {  	s7 =	sld [smem:$0x3F9C]  }
0x1a: {  	s8 =	sadd.s32 $0xFFFFE003, lr  }
0x1b: {  	s9 =	sadd.s32 $0xFFFFFEF7, lr;
	s5 =	simm.s32 $0xFFFFFFFF;
	p2 =	slt.u32 s8, $0xFFFFF086  }
0x1c: {  	p1 =	slt.u32 s9, $0xF7A;
	s5 =	simm.s32 @!p2 $0x0  }
0x1d: {  	s5 =	simm.s32 @p1 $0x1;
	p0 =	seq.s32 s7, s2  }
0x1e: {  	s7 =	smul.u32 @!p0 $0xF7A, s2;
	p2 =	seq.s32 @!p0 s5, $0x0  }
0x1f: {  	s9 =	smul.u32 $0xF7A, s1;
	s8 =	simm.s32 @!p0 $0x1BF5;
	p2 =	por !p2, p0  }
0x20: {  	[sflag:s8] =	ssyncset.s32 @!p0 $0xFFFFF086;
	s6 =	sadd.s32 @!p0 s3, s7;
	s7 =	simm.s32 @!p0 $0x108  }
0x21: {  	s3 =	sadd.s32 s3, s9;
	s6 =	sadd.s32 @!p0 $0x88, s6;
	s7 =	simm.s32 @p2 $0x1082  }
0x22: {  	[simem:s7], [sflag:s8] =	dma.local @!p0 [hbm:s6], $0xF7A  }
0x23: {  	s9 =	sor.u32 $0xD0000000, s2;
	s6 =	simm.s32 $0x108;
	_ =	swait.ge @!p0 [sflag:s8], $0x0  }
0x24: {  	s3 =	sadd.s32 $0x88, s3;
	s6 =	simm.s32 @!p1 $0x1082;
	[sflag:s4] =	ssyncset.s32 $0xFFFFF086  }
0x25: {  	[simem:s6], [sflag:s4] =	dma.local [hbm:s3], $0xF7A  }
0x26: {  	[smem:$0x3F9C] =	sst s1;
	(tag) =	ssettag s2;
	_ =	strace s9  }
0x27: {  	s1 =	sld [smem:$0x3FAC]  }
0x28: {  	s2 =	sld [smem:$0x3FAD]  }
0x29: {  	s4 =	sld [smem:$0x3FAF]  }
0x2a: {  	p0 =	seq.s32 s5, $0x0;
	s5 =	sld [smem:$0x3FB0]  }
0x2b: {  	s6 =	sld [smem:$0x3FB1]  }
0x2c: {  	s7 =	sld [smem:$0x3FB2]  }
0x2d: {  	s3 =	simm.s32 $0x108;
	s8 =	sld [smem:$0x3FB3]  }
0x2e: {  	s3 =	simm.s32 @!p0 $0x1082;
	s9 =	sld [smem:$0x3FB4]  }
0x2f: {  	lr =	sadd.s32 s0, s3;
	s0 =	sld [smem:$0x3FAB]  }
0x30: {  	s3 =	sld [smem:$0x3FAE]  }
0x31: {  	[smem:$0x3FB7] =	sst s10  }
0x32: {  	s10 =	sld [smem:$0x3FB5];
	_ =	sdelay $0x3  }
0x33: {  	p0 =	seq.s32 s10, $0x1;
	s10 =	sld [smem:$0x3FB7];
	_ =	sdelay $0x3  }
0x34: {  	[smem:$0x3FB7] =	sst s10  }
0x35: {  	s10 =	sld [smem:$0x3FB6];
	_ =	sdelay $0x3  }
0x36: {  	p1 =	seq.s32 s10, $0x1;
	s10 =	sld [smem:$0x3FB7];
	_ =	sdelay $0x3  }
0x37: {  	[smem:$0x3FB7] =	sst s10  }
0x38: {  	s10 =	sld [smem:$0x3FB8]  }
0x39: {  	_ = 	snop;
	(pc) =	sbr.ind lr, $3  }
0x3a: {  	_ = 	snop  }
0x3b: {  	_ = 	snop  }
0x3c: {  	p2 =	seq.s32 s10, $0x1;
	s10 =	sld [smem:$0x3FB7]  }
0x3d: {  	_ =	shalt  }
0x3e: {  	_ =	shalt  }
0x3f: {  	_ =	shalt  }
0x40: {  	_ =	shalt  }
0x41: {  	_ =	shalt  }
0x42: {  	_ =	shalt  }
0x43: {  	_ =	shalt  }
0x44: {  	_ =	shalt  }
0x45: {  	_ =	shalt  }
0x46: {  	_ =	shalt  }
0x47: {  	_ =	shalt  }
0x48: {  	_ =	shalt  }
0x49: {  	_ =	shalt  }
0x4a: {  	_ =	shalt  }
0x4b: {  	_ =	shalt  }
0x4c: {  	_ =	shalt  }
0x4d: {  	_ =	shalt  }
0x4e: {  	_ =	shalt  }
0x4f: {  	_ =	shalt  }
0x50: {  	_ =	shalt  }
0x51: {  	_ =	shalt  }
0x52: {  	_ =	shalt  }
0x53: {  	_ =	shalt  }
0x54: {  	_ =	shalt  }
0x55: {  	_ =	shalt  }
0x56: {  	_ =	shalt  }
0x57: {  	_ =	shalt  }
0x58: {  	_ =	shalt  }
0x59: {  	_ =	shalt  }
0x5a: {  	_ =	shalt  }
0x5b: {  	_ =	shalt  }
0x5c: {  	_ =	shalt  }
0x5d: {  	_ =	shalt  }
0x5e: {  	_ =	shalt  }
0x5f: {  	_ =	shalt  }
0x60: {  	_ =	shalt  }
0x61: {  	_ =	shalt  }
0x62: {  	_ =	shalt  }
0x63: {  	_ =	shalt  }
0x64: {  	_ =	shalt  }
0x65: {  	_ =	shalt  }
0x66: {  	_ =	shalt  }
0x67: {  	_ =	shalt  }
0x68: {  	_ =	shalt  }
0x69: {  	_ =	shalt  }
0x6a: {  	_ =	shalt  }
0x6b: {  	_ =	shalt  }
0x6c: {  	_ =	shalt  }
0x6d: {  	_ =	shalt  }
0x6e: {  	_ =	shalt  }
0x6f: {  	_ =	shalt  }
0x70: {  	_ =	shalt  }
0x71: {  	_ =	shalt  }
0x72: {  	_ =	shalt  }
0x73: {  	_ =	shalt  }
0x74: {  	_ =	shalt  }
0x75: {  	_ =	shalt  }
0x76: {  	_ =	shalt  }
0x77: {  	_ =	shalt  }
0x78: {  	_ =	shalt  }
0x79: {  	_ =	shalt  }
0x7a: {  	_ =	shalt  }
0x7b: {  	_ =	shalt  }
0x7c: {  	_ =	shalt  }
0x7d: {  	_ =	shalt  }
0x7e: {  	_ =	shalt  }
0x7f: {  	_ =	shalt  }
0x80: {  	_ =	shalt  }
0x81: {  	_ =	shalt  }
0x82: {  	_ =	shalt  }
0x83: {  	_ =	shalt  }
0x84: {  	_ =	shalt  }
0x85: {  	_ =	shalt  }
0x86: {  	_ =	shalt  }
0x87: {  	_ =	shalt  }
.Lfunc_end0:
.L_simem_size_0:
called_computation_lowered:
.L_overlay_start_0:
0x88: {  	s2 =	sld [smem:$0x3FD9]  }
0x89: {  	s3 =	sld [smem:$0x3FFE];
	_ =	sdelay $0x1  }
0x8a: {  	s1 =	srdreg.scid  }
0x8b: {  	s0 =	sand.u32 $0x1, s1  }
0x8c: {  	s17 =	sshll.u32 s0, $0xA;
	s2 =	sadd.s32 s3, s2  }
0x8d: {  	s2 =	sadd.s32 s2, s17  }
0x8e: {  	[smem:$0x3FC3] =	sst s2  }
0x8f: {  	_ = 	snop  }
0x90: {  	s2 =	sld [smem:$0x3FD0];
	(tm) =	ssettm $0x1  }
0x91: {  	s18 =	sld [smem:$0x3FFB];
	_ =	sdelay $0x3  }
0x92: {  	_ =	strace s18  }
0x93: {  	s3 =	sld [smem:$0x3FFC];
	_ =	sdelay $0x3  }
0x94: {  	_ =	strace s3  }
0x95: {  	s3 =	sld [smem:$0x3FFD];
	_ =	sdelay $0x3  }
0x96: {  	_ =	strace s3  }
0x97: {  	_ =	strace $0x8FFFFFFF  }
0x98: {  	s19 =	sld [smem:$0x3FDB];
	_ =	sdelay $0x1  }
0x99: {  	s4 =	simm.s32 $_scs_section_size  }
0x9a: {  	s5 =	simm.s32 $_size__tile_overlayer_lowered;
	s6 =	simm.s32 $_tile_overlayer_lowered  }
0x9b: {  	s22 =	simm.s32 $0x1BFF;
	s21 =	sshll.u32 s6, $0x1;
	s3 =	sadd.s32 s4, s19  }
0x9c: {  	s7 =	simm.s32 $0x0;
	s20 =	sshll.u32 s5, $0x1;
	s5 =	sadd.s32 s21, s3  }
0x9d: {  	[timem:s7], [sflag:s22] =	dma.local [hbm:s5], s20  }
0x9e: {  	_ =	swait.ge [sflag:s22], s20  }
0x9f: {  	s4 =	ssub.s32 $0x0, s20;
	[sflag:s22] =	ssyncset.done $0x0  }
0xa0: {  	[sflag:s22] =	ssyncadd.s32 s4;
	_ =	sdelay $0x1  }
0xa1: {  	s23 =	simm.s32 $0x1B8B  }
0xa2: {  	_ =	swait.ge [sflag:s23], $0x1  }
0xa3: {  	[sflag:s23] =	ssyncset.done $0x0  }
0xa4: {  	s25 =	simm.s32 $0x1B8E;
	s24 =	sld [smem:$0x3FFE];
	[sflag:s23] =	ssyncadd.s32 $0xFFFFFFFF  }
0xa5: {  	s26 =	simm.s32 $execute0_lowered;
	[smem:$0x3FD2] =	sst s25  }
0xa6: {  	s5 =	sshll.u32 s26, $0x1;
	_ =	strace $0x80000046;
	[dreg:$0x1] =	wrdreg $0xFFFFFFFF  }
0xa7: {  	s28 =	simm.s32 $_size_execute0_lowered;
	s3 =	sadd.s32 s3, s5;
	[dreg:$0x0] =	wrdreg $0x0  }
0xa8: {  	s5 =	sshll.u32 s28, $0x1;
	[dreg:$0x2] =	wrdreg s3  }
0xa9: {  	[dreg:$0x3] =	wrdreg s5  }
0xaa: {  	[dreg:$0x4] =	wrdreg $0xC0  }
0xab: {  	_ =	task [dreg:s7], $0x5FFFF  }
0xac: {  	[dreg:$0x1] =	wrdreg $0xFFFFFFFF  }
0xad: {  	[dreg:$0x0] =	wrdreg $0x60  }
0xae: {  	[dreg:$0x2] =	wrdreg s2  }
0xaf: {  	[dreg:$0x3] =	wrdreg s24  }
0xb0: {  	[dreg:$0x4] =	wrdreg $0x8E000  }
0xb1: {  	[dreg:$0x5] =	wrdreg $0x1C8F80  }
0xb2: {  	[dreg:$0x6] =	wrdreg $0x1CB700  }
0xb3: {  	[dreg:$0x7] =	wrdreg $0x1C6800  }
0xb4: {  	[dreg:$0x8] =	wrdreg $0x9  }
0xb5: {  	_ =	task.clear_ibuf [dreg:s7], $0x9FFFF;
	_ =	strace $0x90000046  }
0xb6: {  	s29 =	simm.s32 $0x9;
	_ =	strace $0x80000048  }
0xb7: {  	_ =	swait.ge [sflag:s29], $0x1  }
0xb8: {  	[sflag:s29] =	ssyncadd.s32 $0xFFFFFFFF  }
0xb9: {  	_ =	strace $0x90000048  }
0xba: {  	_ =	sfence  }
0xbb: {  	s30 =	sld [smem:$0x0];
	_ =	sdelay $0x2  }
0xbc: {  	s31 =	sshll.u32 s1, $0xD;
	s1 =	sshrl.u32 s1, $0x2  }
0xbd: {  	s3 =	sand.u32 $0x4000, s31;
	s1 =	sadd.s32 s1, s30  }
0xbe: {  	s0 =	sor.u32 s3, s0;
	s1 =	sshll.u32 s1, $0x11  }
0xbf: {  	s0 =	sor.u32 s1, s0  }
0xc0: {  	s0 =	sadd.s32 $0x8F2B, s0  }
0xc1: {  	[sflag:s0] =	ssyncadd.remote.s32 $0x1  }
0xc2: {  	_ =	sfence.sel $0xFFFF  }
0xc3: {  	[dreg:$0x0] =	wrdreg $0xFFFFFFFF;
	(pc) =	sbr.abs _section_cstart, $3  }
0xc4: {  	[dreg:$0x1] =	wrdreg $0xFFFFFFFF  }
0xc5: {  	_ =	task.clear_ibuf [dreg:s7], $0x2FFFF;
	_ =	strace $0x9FFFFFFF  }
0xc6: {  	(tm) =	ssettm $0x7FFFFFFF  }
0xc7: {  	_ =	shalt  }
tec
execute0_lowered:
.L_overlay_start_1:
0x0: {  	(tag) =	ssettag $0x1  }
0x1: {  	s0 =	rddreg [dreg:$0x0]  }
0x2: {  	s1 =	rddreg [dreg:$0x1]  }
0x3: {  	s2 =	rddreg [dreg:$0x2]  }
0x4: {  	s3 =	rddreg [dreg:$0x3]  }
0x5: {  	s4 =	rddreg [dreg:$0x4]  }
0x6: {  	s5 =	rddreg [dreg:$0x5];
	s6 =	srdreg.scid  }
0x7: {  	s8 =	simm.s32 $0x0;
	s12 =	stileid.u32;
	s29 =	simm.s32 $0x10  }
0x8: {  	s30 =	simm.s32 $0x1600;
	s31 =	simm.s32 $0x50;
	s28 =	simm.s32 $0x3E00  }
0x9: {  	s6 =	sand.u32 $0x1, s6;
	[smem:$0x7FF] =	sst s8;
	s26 =	smul.u32 $0x13C00, s12  }
0xa: {  	s13 =	sadd.s32 $0x1AA00, s1;
	s14 =	sadd.s32 $0x1A00, s1;
	s9 =	sadd.s32 $0x33A00, s1  }
0xb: {  	s10 =	sadd.s32 $0x34600, s1;
	s15 =	smul.u32 $0x4E200, s12;
	p1 =	sne.s32 s12, $0x1  }
0xc: {  	p0 =	sne.s32 s12, $0x0;
	_ =	strace $0x80000047;
	[dreg:$0x9] =	wrdreg s9  }
0xd: {  	s7 =	smul.u32 $0x13C000, s6;
	s9 =	sadd.s32 $0x34000, s1;
	[dreg:$0xb] =	wrdreg s10  }
0xe: {  	s11 =	sshll.u32 s6, $0x4;
	s10 =	sshll.u32 s12, $0x1;
	[dreg:$0x7] =	wrdreg s13  }
0xf: {  	s16 =	ssub.s32 $0x2, s6;
	[dreg:$0x8] =	wrdreg s14;
	s6 =	sor.u32 s6, s10  }
0x10: {  	s12 =	simm.s32 $0x4;
	[dreg:$0xa] =	wrdreg s9;
	s6 =	smul.u32 $0x6400, s6  }
0x11: {  	s9 =	sshrl.u32 s15, $0x2;
	s10 =	simm.s32 $0x1100;
	s7 =	sadd.s32 s26, s7  }
0x12: {  	s26 =	sadd.s32 $0x2700, s5;
	[dreg:$0xd] =	wrdreg s6;
	s6 =	sshrl.u32 s6, $0x3  }
0x13: {  	s7 =	sshrl.u32 s7, $0x3;
	[dreg:$0x1a] =	wrdreg s26;
	s22 =	sadd.s32 s13, s6  }
0x14: {  	s7 =	sadd.s32 s7, s1;
	s6 =	sadd.s32 s14, s6;
	[dreg:$0x14] =	wrdreg s22  }
0x15: {  	s1 =	sadd.s32 s11, s1;
	s23 =	sadd.s32 $0x34800, s7;
	[dreg:$0x15] =	wrdreg s6  }
0x16: {  	s11 =	sshrl.u32 s16, $0x1;
	s1 =	sadd.s32 $0x83800, s1;
	[dreg:$0x16] =	wrdreg s23  }
0x17: {  	s8 =	ssub.s32 s16, s11;
	s16 =	sadd.s32 s9, s2;
	[dreg:$0x17] =	wrdreg s1  }
0x18: {  	s26 =	simm.s32 $0x1;
	s9 =	sadd.s32 $0x2800, s16;
	[dreg:$0xc] =	wrdreg s16  }
0x19: {  	s7 =	simm.s32 $0x1080;
	s17 =	sadd.s32 $0x5000, s16;
	[dreg:$0xe] =	wrdreg s9  }
0x1a: {  	s11 =	simm.s32 $0xD;
	s18 =	sadd.s32 $0x7800, s16;
	[dreg:$0xf] =	wrdreg s17  }
0x1b: {  	s13 =	simm.s32 $0x8;
	s19 =	sadd.s32 $0xA000, s16;
	[dreg:$0x10] =	wrdreg s18  }
0x1c: {  	s20 =	sadd.s32 $0xC800, s16;
	s21 =	sadd.s32 $0xF000, s16;
	[dreg:$0x11] =	wrdreg s19  }
0x1d: {  	s24 =	smax.u32 s8, $0x1;
	s25 =	sadd.s32 $0x11800, s16;
	[dreg:$0x12] =	wrdreg s20  }
0x1e: {  	s23 =	simm.s32 $0x7;
	s1 =	simm.s32 $0xB;
	[dreg:$0x13] =	wrdreg s21  }
0x1f: {  	s22 =	simm.s32 $0x2;
	s8 =	simm.s32 $0x0;
	[dreg:$0x18] =	wrdreg s24  }
0x20: {  	[dreg:$0x19] =	wrdreg s25;
	s20 =	simm.s32 $0x6600;
	s17 =	simm.s32 $0x5  }
0x21: {  	v0 =	vimm.f32 $0.0e+00;
	v1 =	vimm.s32 $0x0;
	s24 =	simm.s32 $0xA;
	s25 =	simm.s32 $0xE;
	s21 =	simm.s32 $0xF  }
.LBB2_1:
0x22: {  	[dreg:$0x1b] =	wrdreg s8  }
0x23: {  	s6 =	simm.s32 $0x0;
	s19 =	rddreg [dreg:$0xb]  }
0x24: {  	[tilespmem:s6], [sflag:$0x10] =	stream.linear.gather [hbm4b:s19+s6], $0x80, $0x38;
	[tilespmem:$0x1CDE8] =	vst v63  }
0x25: {  	_ =	swait.ge [sflag:s29], $0x80  }
0x26: {  	s8 =	simm.s32 @!p1 $0x1C50;
	[sflag:s29] =	ssyncset.done $0x0  }
0x27: {  	s6 =	sshrl.u32 @!p1 s3, $0x3;
	s9 =	rddreg [dreg:$0x9];
	[sflag:s29] =	ssyncadd.s32 $0xFFFFFF80  }
0x28: {  	[spmem:s6], [sflag:s8] =	dma.local @!p1 [hbm:s9], $0x4F0  }
0x29: {  	s6 =	simm.s32 @!p1 $0x10  }
0x2a: {  	_ =	swait.ge @!p1 [sflag:s6], $0x4F0  }
0x2b: {  	[sflag:s6] =	ssyncset.done @!p1 $0x0  }
0x2c: {  	s9 =	sshrl.u32 @!p1 s4, $0x3;
	s14 =	rddreg [dreg:$0xa];
	[sflag:s6] =	ssyncadd.s32 @!p1 $0xFFFFFB10  }
0x2d: {  	[spmem:s9], [sflag:s8] =	dma.local @!p1 [hbm:s14], $0x4F0  }
0x2e: {  	_ =	swait.ge @!p1 [sflag:s6], $0x4F0  }
0x2f: {  	[sflag:s6] =	ssyncset.done @!p1 $0x0  }
0x30: {  	s8 =	simm.s32 $0x200;
	[sflag:s6] =	ssyncadd.s32 @!p1 $0xFFFFFB10;
	s6 =	simm.s32 $0x0  }
.LBB2_2:
0x31: {  	p2 =	sne.s32 s8, $0x9E00;
	[tilespmem:s6+$0x6670] =	vst v0  }
0x32: {  	[tilespmem:s6+$0x1600] =	vst v0  }
0x33: {  	[tilespmem:s6+$0x1610] =	vst v0  }
0x34: {  	[tilespmem:s6+$0x1620] =	vst v0  }
0x35: {  	[tilespmem:s6+$0x1630] =	vst v0  }
0x36: {  	[tilespmem:s6+$0x1640] =	vst v0  }
0x37: {  	[tilespmem:s6+$0x1650] =	vst v0  }
0x38: {  	[tilespmem:s6+$0x1660] =	vst v0  }
0x39: {  	[tilespmem:s6+$0x1670] =	vst v0  }
0x3a: {  	[tilespmem:s6+$0x3E00] =	vst v0  }
0x3b: {  	[tilespmem:s6+$0x3E10] =	vst v0  }
0x3c: {  	[tilespmem:s6+$0x3E20] =	vst v0  }
0x3d: {  	[tilespmem:s6+$0x3E30] =	vst v0  }
0x3e: {  	[tilespmem:s6+$0x3E40] =	vst v0  }
0x3f: {  	[tilespmem:s6+$0x3E50] =	vst v0  }
0x40: {  	[tilespmem:s6+$0x3E60] =	vst v0  }
0x41: {  	[tilespmem:s6+$0x3E70] =	vst v0  }
0x42: {  	[tilespmem:s6+$0x6600] =	vst v0  }
0x43: {  	[tilespmem:s6+$0x6610] =	vst v0  }
.Ltmp0:
0x44: {  	[tilespmem:s6+$0x6620] =	vst v0;
	(pc) =	sbr.rel @p2 .LBB2_2-.Ltmp0, $4  }
0x45: {  	[tilespmem:s6+$0x6630] =	vst v0  }
0x46: {  	[tilespmem:s6+$0x6640] =	vst v0  }
0x47: {  	[tilespmem:s6+$0x6650] =	vst v0  }
0x48: {  	[tilespmem:s6+$0x6660] =	vst v0;
	s6 =	sshra.s32 s8, $0x2;
	s8 =	sadd.s32 $0x200, s8  }
0x49: {  	[tilespmem:s6+$0x6670] =	vst v0  }
0x4a: {  	[tilespmem:s6+$0x1600] =	vst v0  }
0x4b: {  	[tilespmem:s6+$0x1610] =	vst v0  }
0x4c: {  	[tilespmem:s6+$0x1620] =	vst v0  }
0x4d: {  	[tilespmem:s6+$0x1630] =	vst v0  }
0x4e: {  	[tilespmem:s6+$0x1640] =	vst v0  }
0x4f: {  	[tilespmem:s6+$0x1650] =	vst v0  }
0x50: {  	[tilespmem:s6+$0x1660] =	vst v0  }
0x51: {  	[tilespmem:s6+$0x1670] =	vst v0  }
0x52: {  	[tilespmem:s6+$0x3E00] =	vst v0  }
0x53: {  	[tilespmem:s6+$0x3E10] =	vst v0  }
0x54: {  	[tilespmem:s6+$0x3E20] =	vst v0  }
0x55: {  	[tilespmem:s6+$0x3E30] =	vst v0  }
0x56: {  	[tilespmem:s6+$0x3E40] =	vst v0  }
0x57: {  	[tilespmem:s6+$0x3E50] =	vst v0  }
0x58: {  	[tilespmem:s6+$0x3E60] =	vst v0  }
0x59: {  	[tilespmem:s6+$0x3E70] =	vst v0  }
0x5a: {  	[tilespmem:s6+$0x6600] =	vst v0  }
0x5b: {  	[tilespmem:s6+$0x6610] =	vst v0  }
0x5c: {  	[tilespmem:s6+$0x6620] =	vst v0  }
0x5d: {  	[tilespmem:s6+$0x6630] =	vst v0  }
0x5e: {  	[tilespmem:s6+$0x6640] =	vst v0  }
0x5f: {  	[tilespmem:s6+$0x6650] =	vst v0  }
0x60: {  	[tilespmem:s6+$0x6660] =	vst v0  }
0x61: {  	[tilespmem:$0x1180] =	vst v1  }
0x62: {  	[tilespmem:$0x1080] =	vst v0  }
0x63: {  	[tilespmem:$0x1100] =	vst v0  }
0x64: {  	[tilespmem:$0x1190] =	vst v1  }
0x65: {  	[tilespmem:$0x1090] =	vst v0  }
0x66: {  	[tilespmem:$0x1110] =	vst v0  }
0x67: {  	[tilespmem:$0x11A0] =	vst v1  }
0x68: {  	[tilespmem:$0x10A0] =	vst v0  }
0x69: {  	[tilespmem:$0x1120] =	vst v0  }
0x6a: {  	[tilespmem:$0x11B0] =	vst v1  }
0x6b: {  	[tilespmem:$0x10B0] =	vst v0  }
0x6c: {  	[tilespmem:$0x1130] =	vst v0  }
0x6d: {  	[tilespmem:$0x11C0] =	vst v1  }
0x6e: {  	[tilespmem:$0x10C0] =	vst v0  }
0x6f: {  	[tilespmem:$0x1140] =	vst v0  }
0x70: {  	[spmem:s16] =	stream.linear.scatter [tilespmem:s30], [sflag:$0x10], $0x2800, $0x38;
	[tilespmem:$0x1CDE8] =	vst v63  }
0x71: {  	_ =	swait.ge [sflag:s29], $0x2800  }
0x72: {  	[sflag:s29] =	ssyncset.done $0x0  }
0x73: {  	s8 =	rddreg [dreg:$0xe];
	[sflag:s29] =	ssyncadd.s32 $0xFFFFD800  }
0x74: {  	[spmem:s8] =	stream.linear.scatter [tilespmem:s30], [sflag:$0x10], $0x2800, $0x38;
	[tilespmem:$0x1CDE8] =	vst v63  }
0x75: {  	_ =	swait.ge [sflag:s29], $0x2800  }
0x76: {  	[sflag:s29] =	ssyncset.done $0x0  }
0x77: {  	s9 =	rddreg [dreg:$0xf];
	[sflag:s29] =	ssyncadd.s32 $0xFFFFD800  }
0x78: {  	[spmem:s9] =	stream.linear.scatter [tilespmem:s30], [sflag:$0x10], $0x2800, $0x38;
	[tilespmem:$0x1CDE8] =	vst v63  }
0x79: {  	_ =	swait.ge [sflag:s29], $0x2800  }
0x7a: {  	[sflag:s29] =	ssyncset.done $0x0  }
0x7b: {  	s14 =	rddreg [dreg:$0x10];
	[sflag:s29] =	ssyncadd.s32 $0xFFFFD800  }
0x7c: {  	[spmem:s14] =	stream.linear.scatter [tilespmem:s30], [sflag:$0x10], $0x2800, $0x38;
	[tilespmem:$0x1CDE8] =	vst v63  }
0x7d: {  	_ =	swait.ge [sflag:s29], $0x2800  }
0x7e: {  	[sflag:s29] =	ssyncset.done $0x0  }
0x7f: {  	s15 =	rddreg [dreg:$0x11];
	[sflag:s29] =	ssyncadd.s32 $0xFFFFD800  }
0x80: {  	[spmem:s15] =	stream.linear.scatter [tilespmem:s30], [sflag:$0x10], $0x2800, $0x38;
	[tilespmem:$0x1CDE8] =	vst v63  }
0x81: {  	_ =	swait.ge [sflag:s29], $0x2800  }
0x82: {  	[sflag:s29] =	ssyncset.done $0x0  }
0x83: {  	s16 =	rddreg [dreg:$0x12];
	[sflag:s29] =	ssyncadd.s32 $0xFFFFD800  }
0x84: {  	[spmem:s16] =	stream.linear.scatter [tilespmem:s30], [sflag:$0x10], $0x2800, $0x38;
	[tilespmem:$0x1CDE8] =	vst v63  }
0x85: {  	_ =	swait.ge [sflag:s29], $0x2800  }
0x86: {  	[sflag:s29] =	ssyncset.done $0x0  }
0x87: {  	s18 =	rddreg [dreg:$0x13];
	[sflag:s29] =	ssyncadd.s32 $0xFFFFD800  }
0x88: {  	[spmem:s18] =	stream.linear.scatter [tilespmem:s30], [sflag:$0x10], $0x2800, $0x38;
	[tilespmem:$0x1CDE8] =	vst v63  }
0x89: {  	_ =	swait.ge [sflag:s29], $0x2800  }
0x8a: {  	[sflag:s29] =	ssyncset.done $0x0  }
.Ltmp1:
0x8b: {  	s19 =	rddreg [dreg:$0x19];
	[sflag:s29] =	ssyncadd.s32 $0xFFFFD800;
	(pc) =	sbr.rel @p0 .LBB2_7-.Ltmp1, $4  }
0x8c: {  	[spmem:s19] =	stream.linear.scatter [tilespmem:s30], [sflag:$0x10], $0x2080, $0x38;
	[tilespmem:$0x1CDE8] =	vst v63  }
0x8d: {  	_ =	swait.ge [sflag:s29], $0x2080  }
0x8e: {  	[sflag:s29] =	ssyncset.done $0x0  }
0x8f: {  	[sflag:s29] =	ssyncadd.s32 $0xFFFFDF80  }
0x90: {  	s6 =	sadd.s32 $0x0, s5  }
0x91: {  	[spmem:s6] =	stream.linear.scatter [tilespmem:s30], [sflag:$0x10], $0x80, $0x38;
	[tilespmem:$0x1CDE8] =	vst v63  }
0x92: {  	s6 =	simm.s32 $0x200;
	_ =	swait.ge [sflag:s29], $0x80  }
.LBB2_5:
0x93: {  	s8 =	sshra.s32 s6, $0x2;
	[sflag:s29] =	ssyncset.done $0x0;
	p2 =	sne.s32 s6, $0x9A00  }
.Ltmp2:
0x94: {  	s8 =	sadd.s32 s8, s5;
	[sflag:s29] =	ssyncadd.s32 $0xFFFFFF80;
	(pc) =	sbr.rel @p2 .LBB2_5-.Ltmp2, $3  }
0x95: {  	[spmem:s8] =	stream.linear.scatter [tilespmem:s30], [sflag:$0x10], $0x80, $0x38;
	[tilespmem:$0x1CDE8] =	vst v63  }
0x96: {  	s6 =	sadd.s32 $0x200, s6;
	_ =	sdelay $0x1  }
0x97: {  	_ =	swait.ge [sflag:s29], $0x80  }
0x98: {  	[sflag:s29] =	ssyncset.done $0x0  }
0x99: {  	s6 =	rddreg [dreg:$0x1a];
	[sflag:s29] =	ssyncadd.s32 $0xFFFFFF80  }
0x9a: {  	[spmem:s6] =	stream.linear.scatter [tilespmem:s30], [sflag:$0x10], $0x10, $0x38;
	[tilespmem:$0x1CDE8] =	vst v63  }
0x9b: {  	_ =	swait.ge [sflag:s29], $0x10  }
0x9c: {  	[sflag:s29] =	ssyncset.done $0x0  }
0x9d: {  	[sflag:s29] =	ssyncadd.s32 $0xFFFFFFF0  }
.LBB2_7:
0x9e: {  	[bflag:$0x0] =	sbarrier.arrive $0xFFFF;
	s6 =	simm.s32 $0x1180  }
0x9f: {  	[spmem:s2] =	stream.indirect.scatter.add.f32 [tilespmem:s30], [sflag:$0x4], $0x80, s6, s31, $0xb8;
	[tilespmem:$0x1CDE8] =	vst v63  }
0xa0: {  	_ = 	snop  }
0xa1: {  	[spmem:s2] =	stream.indirect.scatter.add.f32 [tilespmem:s28], [sflag:$0x5], $0x80, s6, s31, $0xb8;
	[tilespmem:$0x1CDE8] =	vst v63  }
0xa2: {  	_ = 	snop  }
0xa3: {  	[spmem:s2] =	stream.indirect.scatter.add.f32 [tilespmem:s20], [sflag:$0x6], $0x80, s6, s31, $0xb8;
	[tilespmem:$0x1CDE8] =	vst v63  }
0xa4: {  	_ = 	snop  }
0xa5: {  	[spmem:s5] =	stream.indirect.scatter.add.f32 [tilespmem:s7], [sflag:$0xE], $0x1, s6, s31, $0xb8;
	[tilespmem:$0x1CDE8] =	vst v63  }
0xa6: {  	_ = 	snop  }
0xa7: {  	[spmem:s5] =	stream.indirect.scatter.add.f32 [tilespmem:s10], [sflag:$0xF], $0x1, s6, s31, $0xb8;
	[tilespmem:$0x1CDE8] =	vst v63  }
0xa8: {  	s9 =	simm.s32 $0x0;
	s8 =	simm.s32 $0x80;
	s16 =	rddreg [dreg:$0x14]  }
0xa9: {  	[tilespmem:s8], [sflag:$0xD] =	stream.linear.gather [hbm4b:s16+s9], $0x280, $0x38;
	[tilespmem:$0x1CDE8] =	vst v63  }
0xaa: {  	s19 =	simm.s32 $0x880;
	s18 =	rddreg [dreg:$0x15]  }
0xab: {  	[tilespmem:s19], [sflag:$0xD] =	stream.linear.gather [hbm4b:s18+s9], $0x280, $0x38;
	[tilespmem:$0x1CDE8] =	vst v63  }
0xac: {  	s15 =	simm.s32 $0x0;
	v2 =	vld [tilespmem:$0x0]  }
.LBB2_8:
0xad: {  	_ =	swait.ge [sflag:s11], $0x280  }
0xae: {  	[sflag:s11] =	ssyncset.done $0x0  }
0xaf: {  	[sflag:s11] =	ssyncadd.s32 $0xFFFFFD80  }
0xb0: {  	_ =	swait.ge [sflag:s11], $0x280  }
0xb1: {  	[sflag:s11] =	ssyncset.done $0x0  }
0xb2: {  	[sflag:s11] =	ssyncadd.s32 $0xFFFFFD80  }
0xb3: {  	s6 =	sshll.u32 s15, $0xA;
	_ =	swait.ge [sflag:s12], $0x2800  }
0xb4: {  	s6 =	sand.u32 $0x400, s6;
	[sflag:s12] =	ssyncset.done $0x0  }
0xb5: {  	s9 =	simm.s32 $0x1200;
	s8 =	sor.u32 $0x80, s6;
	[sflag:s12] =	ssyncadd.s32 $0xFFFFD800  }
0xb6: {  	[tilespmem:s9], [sflag:$0x7] =	stream.indirect.gather [spmem:s3], $0x1, s8, s31, $0xb8;
	[tilespmem:$0x1CDE8] =	vst v63  }
0xb7: {  	s14 =	simm.s32 $0x1400;
	s19 =	sor.u32 $0x880, s6  }
0xb8: {  	[tilespmem:s14], [sflag:$0xA] =	stream.indirect.gather [spmem:s4], $0x1, s19, s31, $0xb8;
	[tilespmem:$0x1CDE8] =	vst v63  }
0xb9: {  	_ = 	snop  }
0xba: {  	[tilespmem:s30], [sflag:$0x1] =	stream.indirect.gather [hbm4b:s0+s31], $0x80, s19, s31, $0xb8;
	[tilespmem:$0x1CDE8] =	vst v63  }
0xbb: {  	_ =	swait.ge [sflag:s17], $0x2800  }
0xbc: {  	[sflag:s17] =	ssyncset.done $0x0  }
0xbd: {  	s14 =	simm.s32 $0x1280;
	s19 =	sor.u32 $0x100, s6;
	[sflag:s17] =	ssyncadd.s32 $0xFFFFD800  }
0xbe: {  	[tilespmem:s14], [sflag:$0x8] =	stream.indirect.gather [spmem:s3], $0x1, s19, s31, $0xb8;
	[tilespmem:$0x1CDE8] =	vst v63  }
0xbf: {  	s18 =	simm.s32 $0x1480;
	s16 =	sor.u32 $0x900, s6  }
0xc0: {  	[tilespmem:s18], [sflag:$0xB] =	stream.indirect.gather [spmem:s4], $0x1, s16, s31, $0xb8;
	[tilespmem:$0x1CDE8] =	vst v63  }
0xc1: {  	_ = 	snop  }
0xc2: {  	[tilespmem:s28], [sflag:$0x2] =	stream.indirect.gather [hbm4b:s0+s31], $0x80, s16, s31, $0xb8;
	[tilespmem:$0x1CDE8] =	vst v63  }
0xc3: {  	s28 =	simm.s32 $0x6  }
0xc4: {  	_ =	swait.ge [sflag:s28], $0x2800  }
0xc5: {  	[sflag:s28] =	ssyncset.done $0x0  }
0xc6: {  	s14 =	simm.s32 $0x1300;
	s16 =	sor.u32 $0x180, s6;
	[sflag:s28] =	ssyncadd.s32 $0xFFFFD800  }
0xc7: {  	[tilespmem:s14], [sflag:$0x9] =	stream.indirect.gather [spmem:s3], $0x1, s16, s31, $0xb8;
	[tilespmem:$0x1CDE8] =	vst v63  }
0xc8: {  	s18 =	sor.u32 $0x980, s6;
	s28 =	simm.s32 $0x1500  }
0xc9: {  	[tilespmem:s28], [sflag:$0xC] =	stream.indirect.gather [spmem:s4], $0x1, s18, s31, $0xb8;
	[tilespmem:$0x1CDE8] =	vst v63  }
0xca: {  	_ = 	snop  }
0xcb: {  	[tilespmem:s20], [sflag:$0x3] =	stream.indirect.gather [hbm4b:s0+s31], $0x80, s18, s31, $0xb8;
	[tilespmem:$0x1CDE8] =	vst v63  }
0xcc: {  	_ =	swait.ge [sflag:s23], $0x50  }
0xcd: {  	[sflag:s23] =	ssyncset.done $0x0  }
0xce: {  	[sflag:s23] =	ssyncadd.s32 $0xFFFFFFB0  }
0xcf: {  	_ =	swait.ge [sflag:s24], $0x50  }
0xd0: {  	[sflag:s24] =	ssyncset.done $0x0  }
0xd1: {  	[sflag:s24] =	ssyncadd.s32 $0xFFFFFFB0  }
0xd2: {  	_ =	swait.ge [sflag:s25], $0x50  }
0xd3: {  	[sflag:s25] =	ssyncset.done $0x0  }
0xd4: {  	[sflag:s25] =	ssyncadd.s32 $0xFFFFFFB0  }
0xd5: {  	v3 =	vld [tilespmem:$0x1200]  }
0xd6: {  	v4 =	vld [tilespmem:$0x1400]  }
0xd7: {  	v5 =	vld [tilespmem:$0x1210]  }
0xd8: {  	v6 =	vld [tilespmem:$0x1410];
	_ =	sdelay $0x1  }
0xd9: {  	v7 =	vld [tilespmem:$0x1220]  }
0xda: {  	v8 =	vld [tilespmem:$0x1420];
	v4 =	vadd.f32 v4, v3;
	v3 =	vadd.f32 v3, v2  }
0xdb: {  	v11 =	vld [tilespmem:$0x1230]  }
0xdc: {  	v12 =	vld [tilespmem:$0x1240];
	v6 =	vadd.f32 v6, v5;
	v9 =	vmul.f32 $2.000000030e-01, v4;
	v10 =	vmul.f32 $2.000000030e-01, v3  }
0xdd: {  	v13 =	vld [tilespmem:$0x1440];
	v5 =	vadd.f32 v5, v2;
	vm0 =	vge.f32 v4, $0.0e+00;
	vm1 =	vge.f32 v3, $0.0e+00  }
0xde: {  	v4 =	vsel vm0, v4, v9;
	v3 =	vsel vm1, v3, v10;
	v9 =	vld [tilespmem:$0x1430]  }
0xdf: {  	v10 =	vmul.f32 $2.000000030e-01, v5;
	v3 =	vsub.f32 v4, v3;
	v4 =	vmul.f32 $2.000000030e-01, v6  }
0xe0: {  	v8 =	vadd.f32 v8, v7;
	vm8 =	vge.f32 v6, $0.0e+00;
	vm9 =	vge.f32 v5, $0.0e+00  }
0xe1: {  	v5 =	vsel vm9, v5, v10;
	v4 =	vsel vm8, v6, v4;
	v6 =	vadd.f32 v7, v2  }
0xe2: {  	vm10 =	vge.f32 v8, $0.0e+00;
	v4 =	vsub.f32 v4, v5;
	v5 =	vmul.f32 $2.000000030e-01, v8  }
0xe3: {  	v10 =	vadd.f32 v13, v12;
	v7 =	vmul.f32 $2.000000030e-01, v6;
	v9 =	vadd.f32 v9, v11  }
0xe4: {  	vm11 =	vge.f32 v6, $0.0e+00;
	v5 =	vsel vm10, v8, v5;
	v8 =	vadd.f32 v11, v2  }
0xe5: {  	v12 =	vadd.f32 v12, v2;
	v6 =	vsel vm11, v6, v7;
	v7 =	vmul.f32 $2.000000030e-01, v9  }
0xe6: {  	v3 =	vmul.f32 $1.442695020e+00, v3;
	vm12 =	vge.f32 v9, $0.0e+00;
	v11 =	vmul.f32 $2.000000030e-01, v8  }
0xe7: {  	vm14 =	vge.f32 v10, $0.0e+00;
	vm13 =	vge.f32 v8, $0.0e+00;
	v7 =	vsel vm12, v9, v7  }
0xe8: {  	v9 =	vmul.f32 $2.000000030e-01, v10;
	v8 =	vsel vm13, v8, v11;
	v11 =	vmul.f32 $2.000000030e-01, v12  }
0xe9: {  	vm15 =	vge.f32 v12, $0.0e+00;
	v4 =	vmul.f32 $1.442695020e+00, v4;
	v5 =	vsub.f32 v5, v6  }
0xea: {  	v6 =	vsel vm14, v10, v9;
	v7 =	vsub.f32 v7, v8;
	v8 =	vsel vm15, v12, v11  }
0xeb: {  	(erf) = vpow2.f32 v3;
	v3 =	vmul.f32 $1.442695020e+00, v5;
	v5 =	vsub.f32 v6, v8  }
0xec: {  	(erf) = vpow2.f32 v4;
	v4 =	vmul.f32 $1.442695020e+00, v7  }
0xed: {  	(erf) = vpow2.f32 v3;
	v3 =	vmul.f32 $1.442695020e+00, v5  }
0xee: {  	(erf) = vpow2.f32 v4  }
0xef: {  	(erf) = vpow2.f32 v3;
	_ =	sdelay $0x4  }
0xf0: {  	v3 =	vpop (erf)  }
0xf1: {  	s18 =	simm.s32 $0x0;
	v4 =	vpop (erf);
	[tilespmem:$0x1080] =	vst v3  }
0xf2: {  	s20 =	simm.s32 $0x6;
	v3 =	vpop (erf);
	[tilespmem:$0x1090] =	vst v4;
	v4 =	vmov s18  }
0xf3: {  	[tilespmem:$0x10A0] =	vst v3;
	v3 =	vand.u32 $0xFFFFFFF8, v4;
	v4 =	vmov s20;
	v5 =	vpop (erf)  }
0xf4: {  	v3 =	vbroadcast v3, $0x0;
	v4 =	vand.u32 $0xFFFFFFFE, v4;
	[tilespmem:$0x10B0] =	vst v5;
	v5 =	vpop (erf)  }
0xf5: {  	v4 =	vbroadcast v4, $0x0;
	[tilespmem:$0x10C0] =	vst v5  }
0xf6: {  	[spmem:s5] =	stream.indirect.scatter.add.f32 [tilespmem:s7], [sflag:$0xE], $0x1, s8, s31, $0xb8;
	[tilespmem:$0x1CDE8] =	vst v63  }
0xf7: {  	_ =	swait.ge [sflag:s26], $0x2800  }
0xf8: {  	[sflag:s26] =	ssyncset.done $0x0  }
0xf9: {  	[sflag:s26] =	ssyncadd.s32 $0xFFFFD800  }
0xfa: {  	v3 =	vld.idx.msk [tilespmem:v3+s7+$0x0], $0xffff  }
0xfb: {  	s18 =	simm.s32 $0x1800;
	v4 =	vld.idx.msk [tilespmem:v4+s7+$0x0], $0xffff  }
0xfc: {  	v6 =	vld [tilespmem:s18+$0x170]  }
0xfd: {  	v7 =	vld [tilespmem:s18+$0xFFFFFE00]  }
0xfe: {  	v8 =	vld [tilespmem:s18+$0xFFFFFE10]  }
0xff: {  	v9 =	vld [tilespmem:s18+$0xFFFFFE20]  }
0x100: {  	s28 =	simm.s32 $0x1;
	v10 =	vld [tilespmem:s18+$0xFFFFFE30]  }
0x101: {  	v5 =	vmov s28;
	v11 =	vld [tilespmem:s18+$0xFFFFFE40]  }
0x102: {  	v5 =	vand.u32 $0xFFFFFFF9, v5;
	v12 =	vld [tilespmem:s18+$0xFFFFFE50]  }
0x103: {  	v5 =	vbroadcast v5, $0x0;
	v13 =	vld [tilespmem:s18+$0xFFFFFE60]  }
0x104: {  	v14 =	vld [tilespmem:s18+$0xFFFFFE70]  }
0x105: {  	v15 =	vld [tilespmem:s18+$0xFFFFFE80]  }
0x106: {  	v16 =	vld [tilespmem:s18+$0xFFFFFE90];
	v7 =	vmul.f32 v7, v3  }
0x107: {  	v17 =	vld [tilespmem:s18+$0xFFFFFEA0];
	v6 =	vmul.f32 v6, v4  }
0x108: {  	v18 =	vld [tilespmem:s18+$0xFFFFFEB0];
	v8 =	vmul.f32 v8, v3;
	[tilespmem:s18+$0xFFFFFE00] =	vst v7  }
0x109: {  	s14 =	simm.s32 $0x2;
	v5 =	vld.idx.msk [tilespmem:v5+s7+$0x0], $0xffff;
	v10 =	vmul.f32 v10, v3;
	[tilespmem:s18+$0x170] =	vst v6  }
0x10a: {  	v11 =	vmul.f32 v11, v3;
	v7 =	vmov s14;
	v6 =	vmul.f32 v9, v3;
	v9 =	vld [tilespmem:s18+$0xFFFFFEC0];
	[tilespmem:s18+$0xFFFFFE10] =	vst v8  }
0x10b: {  	[tilespmem:s18+$0xFFFFFE30] =	vst v10;
	v10 =	vmul.f32 v12, v3;
	v12 =	vld [tilespmem:s18+$0xFFFFFEF0];
	v7 =	vand.u32 $0xFFFFFFFA, v7  }
0x10c: {  	[tilespmem:s18+$0xFFFFFE40] =	vst v11;
	v11 =	vmul.f32 v13, v3;
	v13 =	vld [tilespmem:s18+$0xFFFFFF00];
	v7 =	vbroadcast v7, $0x0  }
0x10d: {  	v3 =	vmul.f32 v14, v3;
	v14 =	vld [tilespmem:s18+$0xFFFFFF20];
	[tilespmem:s18+$0xFFFFFE20] =	vst v6  }
0x10e: {  	v8 =	vmul.f32 v15, v5;
	v15 =	vld [tilespmem:s18+$0xFFFFFED0];
	[tilespmem:s18+$0xFFFFFE50] =	vst v10  }
0x10f: {  	s20 =	simm.s32 $0x3;
	v6 =	vld [tilespmem:s18+$0xFFFFFEE0];
	[tilespmem:s18+$0xFFFFFE60] =	vst v11  }
0x110: {  	v10 =	vld [tilespmem:s18+$0xFFFFFF10];
	v11 =	vmul.f32 v16, v5;
	[tilespmem:s18+$0xFFFFFE80] =	vst v8;
	v8 =	vmov s20  }
0x111: {  	[tilespmem:s18+$0xFFFFFE70] =	vst v3;
	v3 =	vmul.f32 v17, v5;
	v16 =	vld [tilespmem:s18+$0xFFFFFF30];
	v8 =	vand.u32 $0xFFFFFFFB, v8  }
0x112: {  	[tilespmem:s18+$0xFFFFFE90] =	vst v11;
	v11 =	vmul.f32 v18, v5;
	v8 =	vbroadcast v8, $0x0;
	v7 =	vld.idx.msk [tilespmem:v7+s7+$0x0], $0xffff  }
0x113: {  	v17 =	vld [tilespmem:s18+$0xFFFFFF40];
	[tilespmem:s18+$0xFFFFFEA0] =	vst v3;
	v9 =	vmul.f32 v9, v5  }
0x114: {  	[tilespmem:s18+$0xFFFFFEB0] =	vst v11;
	v11 =	vld [tilespmem:s18+$0xFFFFFF60];
	v15 =	vmul.f32 v15, v5  }
0x115: {  	[tilespmem:s18+$0xFFFFFEC0] =	vst v9;
	v6 =	vmul.f32 v6, v5;
	v9 =	vld [tilespmem:s18+$0xFFFFFF70]  }
0x116: {  	v5 =	vmul.f32 v12, v5;
	v12 =	vld [tilespmem:s18+$0xFFFFFF80];
	[tilespmem:s18+$0xFFFFFED0] =	vst v15  }
0x117: {  	v15 =	vld [tilespmem:s18+$0xFFFFFFB0];
	[tilespmem:s18+$0xFFFFFEE0] =	vst v6;
	v3 =	vmul.f32 v13, v7  }
0x118: {  	[tilespmem:s18+$0xFFFFFEF0] =	vst v5;
	v8 =	vld.idx.msk [tilespmem:v8+s7+$0x0], $0xffff;
	v6 =	vmul.f32 v10, v7  }
0x119: {  	s28 =	simm.s32 $0x4;
	v13 =	vld [tilespmem:s18+$0xFFFFFF50];
	v5 =	vmul.f32 v14, v7;
	[tilespmem:s18+$0xFFFFFF00] =	vst v3  }
0x11a: {  	v10 =	vld [tilespmem:s18+$0xFFFFFF90];
	v11 =	vmul.f32 v11, v7;
	v3 =	vmov s28;
	[tilespmem:s18+$0xFFFFFF10] =	vst v6  }
0x11b: {  	v14 =	vld [tilespmem:s18+$0xFFFFFFA0];
	v6 =	vmul.f32 v16, v7;
	[tilespmem:s18+$0xFFFFFF20] =	vst v5;
	v3 =	vand.u32 $0xFFFFFFFC, v3  }
0x11c: {  	v5 =	vmul.f32 v17, v7;
	v16 =	vld [tilespmem:s18+$0xFFFFFFC0];
	[tilespmem:s18+$0xFFFFFF60] =	vst v11;
	v3 =	vbroadcast v3, $0x0  }
0x11d: {  	v11 =	vld [tilespmem:s18+$0x0];
	[tilespmem:s18+$0xFFFFFF30] =	vst v6;
	v6 =	vmul.f32 v12, v8  }
0x11e: {  	s14 =	simm.s32 $0x5;
	v12 =	vld [tilespmem:s18+$0xFFFFFFD0];
	[tilespmem:s18+$0xFFFFFF40] =	vst v5;
	v13 =	vmul.f32 v13, v7  }
0x11f: {  	v5 =	vld [tilespmem:s18+$0xFFFFFFE0];
	v7 =	vmul.f32 v9, v7;
	[tilespmem:s18+$0xFFFFFF80] =	vst v6;
	v6 =	vmov s14  }
0x120: {  	v9 =	vld [tilespmem:s18+$0xFFFFFFF0];
	v10 =	vmul.f32 v10, v8;
	[tilespmem:s18+$0xFFFFFF50] =	vst v13;
	v6 =	vand.u32 $0xFFFFFFFD, v6  }
0x121: {  	[tilespmem:s18+$0xFFFFFF70] =	vst v7;
	v7 =	vmul.f32 v14, v8;
	v13 =	vld [tilespmem:s18+$0x10];
	v6 =	vbroadcast v6, $0x0  }
0x122: {  	[tilespmem:s18+$0xFFFFFF90] =	vst v10;
	v10 =	vmul.f32 v15, v8;
	v3 =	vld.idx.msk [tilespmem:v3+s7+$0x0], $0xffff  }
0x123: {  	v14 =	vld [tilespmem:s18+$0x20];
	[tilespmem:s18+$0xFFFFFFA0] =	vst v7;
	v7 =	vmul.f32 v16, v8  }
0x124: {  	v15 =	vld [tilespmem:s18+$0x30];
	[tilespmem:s18+$0xFFFFFFB0] =	vst v10;
	v10 =	vmul.f32 v12, v8  }
0x125: {  	v12 =	vld [tilespmem:s18+$0x40];
	v5 =	vmul.f32 v5, v8;
	[tilespmem:s18+$0xFFFFFFC0] =	vst v7  }
0x126: {  	v8 =	vmul.f32 v9, v8;
	[tilespmem:s18+$0xFFFFFFD0] =	vst v10;
	v10 =	vld [tilespmem:s18+$0x60]  }
0x127: {  	[tilespmem:s18+$0xFFFFFFE0] =	vst v5;
	v6 =	vld.idx.msk [tilespmem:v6+s7+$0x0], $0xffff;
	v7 =	vmul.f32 v11, v3  }
0x128: {  	[tilespmem:s18+$0xFFFFFFF0] =	vst v8;
	v11 =	vld [tilespmem:s18+$0x50];
	v8 =	vmul.f32 v14, v3  }
0x129: {  	v5 =	vmul.f32 v13, v3;
	v13 =	vld [tilespmem:s18+$0x90];
	[tilespmem:s18+$0x0] =	vst v7  }
0x12a: {  	v9 =	vld [tilespmem:s18+$0x80];
	[tilespmem:s18+$0x20] =	vst v8;
	v8 =	vmul.f32 v12, v3  }
0x12b: {  	v7 =	vld [tilespmem:s18+$0x70];
	[tilespmem:s18+$0x10] =	vst v5;
	v5 =	vmul.f32 v15, v3  }
0x12c: {  	v12 =	vld [tilespmem:s18+$0xA0];
	[tilespmem:s18+$0x40] =	vst v8;
	v8 =	vmul.f32 v10, v3  }
0x12d: {  	[tilespmem:s18+$0x30] =	vst v5;
	v10 =	vld [tilespmem:s18+$0xC0];
	v5 =	vmul.f32 v11, v3  }
0x12e: {  	v11 =	vld [tilespmem:s18+$0xB0];
	v13 =	vmul.f32 v13, v6;
	[tilespmem:s18+$0x60] =	vst v8  }
0x12f: {  	s20 =	simm.s32 $0x7;
	v8 =	vld [tilespmem:s18+$0xE0];
	[tilespmem:s18+$0x50] =	vst v5;
	v5 =	vmul.f32 v9, v6  }
0x130: {  	v14 =	vmov s20;
	v9 =	vld [tilespmem:s18+$0xD0];
	v7 =	vmul.f32 v7, v3;
	[tilespmem:s18+$0x90] =	vst v13  }
0x131: {  	v13 =	vld [tilespmem:s18+$0x150];
	[tilespmem:s18+$0x80] =	vst v5  }
0x132: {  	[tilespmem:s18+$0x70] =	vst v7;
	v5 =	vmul.f32 v12, v6;
	v7 =	vld [tilespmem:s18+$0xF0]  }
0x133: {  	v12 =	vld [tilespmem:s18+$0x100];
	v11 =	vmul.f32 v11, v6  }
0x134: {  	[tilespmem:s18+$0xA0] =	vst v5;
	v5 =	vmul.f32 v10, v6;
	v10 =	vld [tilespmem:s18+$0x110]  }
0x135: {  	v3 =	vld.idx.msk [tilespmem:v14+s7+$0x0], $0xffff;
	[tilespmem:s18+$0xB0] =	vst v11;
	v9 =	vmul.f32 v9, v6  }
0x136: {  	v11 =	vld [tilespmem:s18+$0x120];
	v13 =	vmul.f32 v13, v4;
	[tilespmem:s18+$0xC0] =	vst v5  }
0x137: {  	s20 =	simm.s32 $0x9;
	v5 =	vmul.f32 v8, v6;
	v8 =	vld [tilespmem:s18+$0x130];
	[tilespmem:s18+$0xD0] =	vst v9;
	v6 =	vmul.f32 v7, v6  }
0x138: {  	s28 =	simm.s32 $0x8;
	v14 =	vmov s20;
	v7 =	vld [tilespmem:s18+$0x140];
	[tilespmem:s18+$0x150] =	vst v13  }
0x139: {  	s14 =	simm.s32 $0xF;
	s20 =	simm.s32 $0xC;
	v9 =	vmov s28;
	v12 =	vmul.f32 v12, v4;
	[tilespmem:s18+$0xF0] =	vst v6;
	v6 =	vmul.f32 v10, v4;
	v10 =	vld [tilespmem:s18+$0x160]  }
0x13a: {  	v16 =	vld [tilespmem:s18+$0x180];
	v17 =	vmov s20;
	s28 =	simm.s32 $0xA;
	[tilespmem:s18+$0xE0] =	vst v5;
	v9 =	vand.u32 $0xFFFFFFF8, v9;
	v5 =	vmov s14;
	s14 =	simm.s32 $0xB  }
0x13b: {  	v19 =	vld [tilespmem:s18+$0x190];
	v15 =	vmov s28;
	s28 =	simm.s32 $0xD;
	[tilespmem:s18+$0x100] =	vst v12;
	v12 =	vmov s14;
	v11 =	vmul.f32 v11, v4  }
0x13c: {  	v20 =	vmov s28;
	[tilespmem:s18+$0x110] =	vst v6;
	v18 =	vmul.f32 v8, v4;
	v6 =	vbroadcast v9, $0x0;
	v8 =	vld [tilespmem:s18+$0x1A0]  }
0x13d: {  	v9 =	vld [tilespmem:s18+$0x1B0];
	[tilespmem:s18+$0x120] =	vst v11;
	v11 =	vmul.f32 v7, v4;
	v7 =	vand.u32 $0xFFFFFFF9, v14;
	v14 =	vand.u32 $0xFFFFFFFA, v15  }
0x13e: {  	v15 =	vand.u32 $0xFFFFFFFB, v12;
	[tilespmem:s18+$0x130] =	vst v18;
	v7 =	vbroadcast v7, $0x0;
	v18 =	vmul.f32 v10, v4;
	v10 =	vld [tilespmem:s18+$0x1C0]  }
0x13f: {  	v12 =	vbroadcast v14, $0x0;
	[tilespmem:s18+$0x140] =	vst v11;
	v4 =	vand.u32 $0xFFFFFFFC, v17;
	v17 =	vmul.f32 v16, v3;
	v11 =	vld [tilespmem:s18+$0x1D0]  }
0x140: {  	s9 =	simm.s32 $0x10;
	v13 =	vld [tilespmem:s18+$0x1E0];
	s14 =	simm.s32 $0xE;
	v14 =	vbroadcast v15, $0x0;
	v15 =	vmul.f32 v19, v3;
	v16 =	vand.u32 $0xFFFFFFFD, v20;
	[tilespmem:s18+$0x160] =	vst v18  }
.LBB2_9:
0x141: {  	p2 =	slt.u32 s9, $0x48;
	v4 =	vbroadcast v4, $0x0;
	v18 =	vmov s14;
	[tilespmem:s18+$0x180] =	vst v17;
	v8 =	vmul.f32 v8, v3;
	v17 =	vld [tilespmem:s18+$0x1F0]  }
0x142: {  	v16 =	vbroadcast v16, $0x0;
	v18 =	vand.u32 $0xFFFFFFFE, v18;
	v19 =	vld.idx.msk [tilespmem:v5+s7+$0x0], $0xffff;
	[tilespmem:s18+$0x190] =	vst v15;
	v5 =	vmul.f32 v9, v3  }
0x143: {  	v9 =	vld.idx.msk [tilespmem:v6+s7+$0x0], $0xffff;
	v15 =	vbroadcast v18, $0x0;
	[tilespmem:s18+$0x1A0] =	vst v8;
	v6 =	vmul.f32 v10, v3  }
0x144: {  	v8 =	vld.idx.msk [tilespmem:v7+s7+$0x0], $0xffff;
	[tilespmem:s18+$0x1B0] =	vst v5;
	v5 =	vmul.f32 v11, v3  }
0x145: {  	v10 =	vld.idx.msk [tilespmem:v12+s7+$0x0], $0xffff;
	[tilespmem:s18+$0x1C0] =	vst v6;
	v11 =	vmul.f32 v13, v3  }
0x146: {  	v7 =	vld.idx.msk [tilespmem:v14+s7+$0x0], $0xffff;
	[tilespmem:s18+$0x1D0] =	vst v5;
	v12 =	vmul.f32 v17, v3  }
0x147: {  	v6 =	vld.idx.msk [tilespmem:v4+s7+$0x0], $0xffff;
	[tilespmem:s18+$0x1E0] =	vst v11  }
0x148: {  	v3 =	vmov v19;
	v5 =	vld.idx.msk [tilespmem:v16+s7+$0x0], $0xffff;
	[tilespmem:s18+$0x1F0] =	vst v12  }
0x149: {  	s18 =	sadd.s32 $0x400, s18;
	v4 =	vld.idx.msk [tilespmem:v15+s7+$0x0], $0xffff  }
0x14a: {  	v11 =	vld [tilespmem:s18+$0x170]  }
0x14b: {  	v12 =	vld [tilespmem:s18+$0xFFFFFE00]  }
0x14c: {  	v13 =	vld [tilespmem:s18+$0xFFFFFE10]  }
0x14d: {  	v14 =	vld [tilespmem:s18+$0xFFFFFE20]  }
0x14e: {  	v15 =	vld [tilespmem:s18+$0xFFFFFE30]  }
0x14f: {  	v16 =	vld [tilespmem:s18+$0xFFFFFE40];
	v11 =	vmul.f32 v11, v4  }
0x150: {  	v12 =	vmul.f32 v12, v9;
	v17 =	vld [tilespmem:s18+$0xFFFFFE50]  }
0x151: {  	v13 =	vmul.f32 v13, v9;
	v18 =	vld [tilespmem:s18+$0xFFFFFE60];
	[tilespmem:s18+$0x170] =	vst v11  }
0x152: {  	[tilespmem:s18+$0xFFFFFE00] =	vst v12;
	v11 =	vmul.f32 v14, v9;
	v12 =	vld [tilespmem:s18+$0xFFFFFE70]  }
0x153: {  	[tilespmem:s18+$0xFFFFFE10] =	vst v13;
	v13 =	vmul.f32 v15, v9;
	v14 =	vld [tilespmem:s18+$0xFFFFFE80]  }
0x154: {  	[tilespmem:s18+$0xFFFFFE20] =	vst v11;
	v11 =	vmul.f32 v16, v9;
	v15 =	vld [tilespmem:s18+$0xFFFFFE90]  }
0x155: {  	[tilespmem:s18+$0xFFFFFE30] =	vst v13;
	v13 =	vmul.f32 v17, v9;
	v16 =	vld [tilespmem:s18+$0xFFFFFEA0]  }
0x156: {  	[tilespmem:s18+$0xFFFFFE40] =	vst v11;
	v11 =	vmul.f32 v18, v9;
	v17 =	vld [tilespmem:s18+$0xFFFFFEB0]  }
0x157: {  	[tilespmem:s18+$0xFFFFFE50] =	vst v13;
	v9 =	vmul.f32 v12, v9;
	v12 =	vld [tilespmem:s18+$0xFFFFFEC0]  }
0x158: {  	[tilespmem:s18+$0xFFFFFE60] =	vst v11;
	v11 =	vmul.f32 v14, v8;
	v13 =	vld [tilespmem:s18+$0xFFFFFED0]  }
0x159: {  	[tilespmem:s18+$0xFFFFFE70] =	vst v9;
	v9 =	vmul.f32 v15, v8;
	v14 =	vld [tilespmem:s18+$0xFFFFFEE0]  }
0x15a: {  	[tilespmem:s18+$0xFFFFFE80] =	vst v11;
	v11 =	vmul.f32 v16, v8;
	v15 =	vld [tilespmem:s18+$0xFFFFFEF0]  }
0x15b: {  	[tilespmem:s18+$0xFFFFFE90] =	vst v9;
	v9 =	vmul.f32 v17, v8;
	v16 =	vld [tilespmem:s18+$0xFFFFFF00]  }
0x15c: {  	[tilespmem:s18+$0xFFFFFEA0] =	vst v11;
	v11 =	vmul.f32 v12, v8;
	v12 =	vld [tilespmem:s18+$0xFFFFFF10]  }
0x15d: {  	[tilespmem:s18+$0xFFFFFEB0] =	vst v9;
	v9 =	vmul.f32 v13, v8;
	v13 =	vld [tilespmem:s18+$0xFFFFFF20]  }
0x15e: {  	[tilespmem:s18+$0xFFFFFEC0] =	vst v11;
	v11 =	vmul.f32 v14, v8;
	v14 =	vld [tilespmem:s18+$0xFFFFFF30]  }
0x15f: {  	[tilespmem:s18+$0xFFFFFED0] =	vst v9;
	v8 =	vmul.f32 v15, v8;
	v9 =	vld [tilespmem:s18+$0xFFFFFF40]  }
0x160: {  	[tilespmem:s18+$0xFFFFFEE0] =	vst v11;
	v11 =	vmul.f32 v16, v10;
	v15 =	vld [tilespmem:s18+$0xFFFFFF50]  }
0x161: {  	[tilespmem:s18+$0xFFFFFEF0] =	vst v8;
	v8 =	vmul.f32 v12, v10;
	v12 =	vld [tilespmem:s18+$0xFFFFFF60]  }
0x162: {  	[tilespmem:s18+$0xFFFFFF00] =	vst v11;
	v11 =	vmul.f32 v13, v10;
	v13 =	vld [tilespmem:s18+$0xFFFFFF70]  }
0x163: {  	[tilespmem:s18+$0xFFFFFF10] =	vst v8;
	v8 =	vmul.f32 v14, v10;
	v14 =	vld [tilespmem:s18+$0xFFFFFF80]  }
0x164: {  	[tilespmem:s18+$0xFFFFFF20] =	vst v11;
	v9 =	vmul.f32 v9, v10;
	v11 =	vld [tilespmem:s18+$0xFFFFFF90]  }
0x165: {  	[tilespmem:s18+$0xFFFFFF30] =	vst v8;
	v8 =	vmul.f32 v15, v10;
	v15 =	vld [tilespmem:s18+$0xFFFFFFA0]  }
0x166: {  	[tilespmem:s18+$0xFFFFFF40] =	vst v9;
	v9 =	vmul.f32 v12, v10;
	v12 =	vld [tilespmem:s18+$0xFFFFFFB0]  }
0x167: {  	[tilespmem:s18+$0xFFFFFF50] =	vst v8;
	v8 =	vmul.f32 v13, v10;
	v10 =	vld [tilespmem:s18+$0xFFFFFFC0]  }
0x168: {  	[tilespmem:s18+$0xFFFFFF60] =	vst v9;
	v9 =	vmul.f32 v14, v7;
	v13 =	vld [tilespmem:s18+$0xFFFFFFD0]  }
0x169: {  	[tilespmem:s18+$0xFFFFFF70] =	vst v8;
	v8 =	vmul.f32 v11, v7;
	v11 =	vld [tilespmem:s18+$0xFFFFFFE0]  }
0x16a: {  	[tilespmem:s18+$0xFFFFFF80] =	vst v9;
	v9 =	vmul.f32 v15, v7;
	v14 =	vld [tilespmem:s18+$0xFFFFFFF0]  }
0x16b: {  	[tilespmem:s18+$0xFFFFFF90] =	vst v8;
	v8 =	vmul.f32 v12, v7;
	v12 =	vld [tilespmem:s18+$0x0]  }
0x16c: {  	[tilespmem:s18+$0xFFFFFFA0] =	vst v9;
	v9 =	vmul.f32 v10, v7;
	v10 =	vld [tilespmem:s18+$0x10]  }
0x16d: {  	[tilespmem:s18+$0xFFFFFFB0] =	vst v8;
	v8 =	vmul.f32 v13, v7;
	v13 =	vld [tilespmem:s18+$0x20]  }
0x16e: {  	[tilespmem:s18+$0xFFFFFFC0] =	vst v9;
	v9 =	vmul.f32 v11, v7;
	v11 =	vld [tilespmem:s18+$0x30]  }
0x16f: {  	[tilespmem:s18+$0xFFFFFFD0] =	vst v8;
	v7 =	vmul.f32 v14, v7;
	v8 =	vld [tilespmem:s18+$0x40]  }
0x170: {  	[tilespmem:s18+$0xFFFFFFE0] =	vst v9;
	v9 =	vmul.f32 v12, v6;
	v12 =	vld [tilespmem:s18+$0x50]  }
0x171: {  	[tilespmem:s18+$0xFFFFFFF0] =	vst v7;
	v7 =	vmul.f32 v10, v6;
	v10 =	vld [tilespmem:s18+$0x60]  }
0x172: {  	[tilespmem:s18+$0x0] =	vst v9;
	v9 =	vmul.f32 v13, v6;
	v13 =	vld [tilespmem:s18+$0x70]  }
0x173: {  	[tilespmem:s18+$0x10] =	vst v7;
	v7 =	vmul.f32 v11, v6;
	v11 =	vld [tilespmem:s18+$0x80]  }
0x174: {  	[tilespmem:s18+$0x20] =	vst v9;
	v8 =	vmul.f32 v8, v6;
	v9 =	vld [tilespmem:s18+$0x90]  }
0x175: {  	[tilespmem:s18+$0x30] =	vst v7;
	v7 =	vmul.f32 v12, v6;
	v12 =	vld [tilespmem:s18+$0xA0]  }
0x176: {  	[tilespmem:s18+$0x40] =	vst v8;
	v8 =	vmul.f32 v10, v6;
	v10 =	vld [tilespmem:s18+$0xB0]  }
0x177: {  	[tilespmem:s18+$0x50] =	vst v7;
	v6 =	vmul.f32 v13, v6;
	v7 =	vld [tilespmem:s18+$0xC0]  }
0x178: {  	[tilespmem:s18+$0x60] =	vst v8;
	v8 =	vmul.f32 v11, v5;
	v11 =	vld [tilespmem:s18+$0xD0]  }
0x179: {  	[tilespmem:s18+$0x70] =	vst v6;
	v6 =	vmul.f32 v9, v5;
	v9 =	vld [tilespmem:s18+$0xE0]  }
0x17a: {  	[tilespmem:s18+$0x80] =	vst v8;
	v8 =	vmul.f32 v12, v5;
	v12 =	vld [tilespmem:s18+$0xF0]  }
0x17b: {  	[tilespmem:s18+$0x90] =	vst v6;
	v6 =	vmul.f32 v10, v5;
	v10 =	vld [tilespmem:s18+$0x100]  }
0x17c: {  	[tilespmem:s18+$0xA0] =	vst v8;
	v7 =	vmul.f32 v7, v5;
	v8 =	vld [tilespmem:s18+$0x110]  }
0x17d: {  	[tilespmem:s18+$0xB0] =	vst v6;
	v6 =	vmul.f32 v11, v5;
	v11 =	vld [tilespmem:s18+$0x120]  }
0x17e: {  	[tilespmem:s18+$0xC0] =	vst v7;
	v7 =	vmul.f32 v9, v5;
	v9 =	vld [tilespmem:s18+$0x130]  }
0x17f: {  	[tilespmem:s18+$0xD0] =	vst v6;
	v6 =	vmul.f32 v12, v5;
	v12 =	vld [tilespmem:s18+$0x140]  }
0x180: {  	s14 =	sadd.s32 $0x7, s9;
	v5 =	vmov s9;
	[tilespmem:s18+$0xE0] =	vst v7;
	v7 =	vmul.f32 v10, v4;
	v10 =	vld [tilespmem:s18+$0x150]  }
0x181: {  	s20 =	sadd.s32 $0x1, s9;
	s28 =	sadd.s32 $0x2, s9;
	v13 =	vand.u32 $0xFFFFFFF8, v5;
	v5 =	vmov s14;
	[tilespmem:s18+$0xF0] =	vst v6;
	v6 =	vmul.f32 v8, v4;
	v14 =	vld [tilespmem:s18+$0x160]  }
0x182: {  	v16 =	vmov s28;
	v15 =	vmov s20;
	s20 =	sadd.s32 $0x4, s9;
	s14 =	sadd.s32 $0x3, s9;
	[tilespmem:s18+$0x100] =	vst v7;
	v7 =	vmul.f32 v11, v4;
	v11 =	vld [tilespmem:s18+$0x180]  }
0x183: {  	v18 =	vmov s20;
	v17 =	vmov s14;
	s14 =	sadd.s32 $0x5, s9;
	[tilespmem:s18+$0x110] =	vst v6;
	v9 =	vmul.f32 v9, v4;
	v19 =	vld [tilespmem:s18+$0x190]  }
.Ltmp3:
0x184: {  	v6 =	vbroadcast v13, $0x0;
	v13 =	vmov s14;
	[tilespmem:s18+$0x120] =	vst v7;
	v12 =	vmul.f32 v12, v4;
	v8 =	vld [tilespmem:s18+$0x1A0];
	(pc) =	sbr.rel @p2 .LBB2_9-.Ltmp3, $4  }
0x185: {  	v7 =	vand.u32 $0xFFFFFFF9, v15;
	v15 =	vand.u32 $0xFFFFFFFA, v16;
	[tilespmem:s18+$0x130] =	vst v9;
	v16 =	vmul.f32 v10, v4;
	v9 =	vld [tilespmem:s18+$0x1B0]  }
0x186: {  	v20 =	vand.u32 $0xFFFFFFFB, v17;
	v7 =	vbroadcast v7, $0x0;
	[tilespmem:s18+$0x140] =	vst v12;
	v21 =	vmul.f32 v14, v4;
	v10 =	vld [tilespmem:s18+$0x1C0]  }
0x187: {  	v12 =	vbroadcast v15, $0x0;
	v4 =	vand.u32 $0xFFFFFFFC, v18;
	[tilespmem:s18+$0x150] =	vst v16;
	v17 =	vmul.f32 v11, v3;
	v11 =	vld [tilespmem:s18+$0x1D0]  }
0x188: {  	s14 =	sadd.s32 $0x6, s9;
	s9 =	sadd.s32 $0x8, s9;
	v14 =	vbroadcast v20, $0x0;
	v16 =	vand.u32 $0xFFFFFFFD, v13;
	[tilespmem:s18+$0x160] =	vst v21;
	v15 =	vmul.f32 v19, v3;
	v13 =	vld [tilespmem:s18+$0x1E0]  }
0x189: {  	_ =	sdelay $0x2  }
0x18a: {  	v18 =	vld [tilespmem:s18+$0x1F0]  }
0x18b: {  	v20 =	vld.idx.msk [tilespmem:v6+s7+$0x0], $0xffff  }
0x18c: {  	[tilespmem:s18+$0x180] =	vst v17;
	v17 =	vbroadcast v4, $0x0;
	v4 =	vmov s14;
	v12 =	vld.idx.msk [tilespmem:v12+s7+$0x0], $0xffff  }
0x18d: {  	v19 =	vand.u32 $0xFFFFFFFE, v4;
	v4 =	vld.idx.msk [tilespmem:v5+s7+$0x0], $0xffff  }
0x18e: {  	s9 =	sadd.s32 $0x400, s18;
	v14 =	vld.idx.msk [tilespmem:v14+s7+$0x0], $0xffff  }
0x18f: {  	v16 =	vbroadcast v16, $0x0;
	v8 =	vmul.f32 v8, v3;
	[tilespmem:s18+$0x190] =	vst v15;
	v15 =	vld [tilespmem:s9+$0x170]  }
0x190: {  	v9 =	vmul.f32 v9, v3;
	v5 =	vbroadcast v19, $0x0;
	v19 =	vld.idx.msk [tilespmem:v7+s7+$0x0], $0xffff  }
0x191: {  	[tilespmem:s18+$0x1A0] =	vst v8;
	v8 =	vmul.f32 v10, v3;
	v10 =	vld [tilespmem:s9+$0xFFFFFE00]  }
0x192: {  	[tilespmem:s18+$0x1B0] =	vst v9;
	v9 =	vmul.f32 v11, v3;
	v11 =	vld [tilespmem:s9+$0xFFFFFE10]  }
0x193: {  	[tilespmem:s18+$0x1C0] =	vst v8;
	v8 =	vmul.f32 v13, v3;
	v13 =	vld [tilespmem:s9+$0xFFFFFE20]  }
0x194: {  	[tilespmem:s18+$0x1D0] =	vst v9;
	v9 =	vld [tilespmem:s9+$0xFFFFFE30]  }
0x195: {  	v7 =	vld.idx.msk [tilespmem:v17+s7+$0x0], $0xffff  }
0x196: {  	v3 =	vmul.f32 v18, v3;
	v6 =	vld.idx.msk [tilespmem:v16+s7+$0x0], $0xffff  }
0x197: {  	[tilespmem:s18+$0x1E0] =	vst v8;
	v8 =	vld [tilespmem:s9+$0xFFFFFE40]  }
0x198: {  	[tilespmem:s18+$0x1F0] =	vst v3;
	v3 =	vmul.f32 v10, v20;
	v5 =	vld.idx.msk [tilespmem:v5+s7+$0x0], $0xffff  }
0x199: {  	v10 =	vld [tilespmem:s9+$0xFFFFFE50];
	v11 =	vmul.f32 v11, v20  }
0x19a: {  	v16 =	vld [tilespmem:s9+$0xFFFFFE60];
	[tilespmem:s9+$0xFFFFFE00] =	vst v3;
	v3 =	vmul.f32 v13, v20  }
0x19b: {  	v13 =	vld [tilespmem:s9+$0xFFFFFE70];
	[tilespmem:s9+$0xFFFFFE10] =	vst v11;
	v9 =	vmul.f32 v9, v20  }
0x19c: {  	v11 =	vld [tilespmem:s9+$0xFFFFFE80];
	[tilespmem:s9+$0xFFFFFE20] =	vst v3;
	v3 =	vmul.f32 v8, v20  }
0x19d: {  	v8 =	vld [tilespmem:s9+$0xFFFFFE90];
	[tilespmem:s9+$0xFFFFFE30] =	vst v9;
	v15 =	vmul.f32 v15, v5  }
0x19e: {  	v9 =	vmul.f32 v10, v20;
	v10 =	vld [tilespmem:s9+$0xFFFFFEA0];
	[tilespmem:s9+$0xFFFFFE40] =	vst v3  }
0x19f: {  	v3 =	vmul.f32 v16, v20;
	[tilespmem:s9+$0x170] =	vst v15;
	v15 =	vld [tilespmem:s9+$0xFFFFFEB0]  }
0x1a0: {  	[tilespmem:s9+$0xFFFFFE50] =	vst v9;
	v9 =	vmul.f32 v13, v20;
	v13 =	vld [tilespmem:s9+$0xFFFFFEC0]  }
0x1a1: {  	[tilespmem:s9+$0xFFFFFE60] =	vst v3;
	v3 =	vmul.f32 v11, v19;
	v11 =	vld [tilespmem:s9+$0xFFFFFED0]  }
0x1a2: {  	[tilespmem:s9+$0xFFFFFE70] =	vst v9;
	v8 =	vmul.f32 v8, v19;
	v9 =	vld [tilespmem:s9+$0xFFFFFEE0]  }
0x1a3: {  	[tilespmem:s9+$0xFFFFFE80] =	vst v3;
	v3 =	vmul.f32 v10, v19;
	v10 =	vld [tilespmem:s9+$0xFFFFFEF0]  }
0x1a4: {  	[tilespmem:s9+$0xFFFFFE90] =	vst v8;
	v8 =	vmul.f32 v15, v19;
	v15 =	vld [tilespmem:s9+$0xFFFFFF00]  }
0x1a5: {  	[tilespmem:s9+$0xFFFFFEA0] =	vst v3;
	v3 =	vmul.f32 v13, v19;
	v13 =	vld [tilespmem:s9+$0xFFFFFF10]  }
0x1a6: {  	[tilespmem:s9+$0xFFFFFEB0] =	vst v8;
	v8 =	vmul.f32 v11, v19;
	v11 =	vld [tilespmem:s9+$0xFFFFFF20]  }
0x1a7: {  	[tilespmem:s9+$0xFFFFFEC0] =	vst v3;
	v3 =	vmul.f32 v9, v19;
	v9 =	vld [tilespmem:s9+$0xFFFFFF30]  }
0x1a8: {  	[tilespmem:s9+$0xFFFFFED0] =	vst v8;
	v8 =	vmul.f32 v10, v19;
	v10 =	vld [tilespmem:s9+$0xFFFFFF40]  }
0x1a9: {  	[tilespmem:s9+$0xFFFFFEE0] =	vst v3;
	v3 =	vmul.f32 v15, v12;
	v15 =	vld [tilespmem:s9+$0xFFFFFF50]  }
0x1aa: {  	[tilespmem:s9+$0xFFFFFEF0] =	vst v8;
	v8 =	vmul.f32 v13, v12;
	v13 =	vld [tilespmem:s9+$0xFFFFFF60]  }
0x1ab: {  	[tilespmem:s9+$0xFFFFFF00] =	vst v3;
	v3 =	vmul.f32 v11, v12;
	v11 =	vld [tilespmem:s9+$0xFFFFFF70]  }
0x1ac: {  	[tilespmem:s9+$0xFFFFFF10] =	vst v8;
	v8 =	vmul.f32 v9, v12;
	v9 =	vld [tilespmem:s9+$0xFFFFFF80]  }
0x1ad: {  	[tilespmem:s9+$0xFFFFFF20] =	vst v3;
	v3 =	vmul.f32 v10, v12;
	v10 =	vld [tilespmem:s9+$0xFFFFFF90]  }
0x1ae: {  	[tilespmem:s9+$0xFFFFFF30] =	vst v8;
	v8 =	vmul.f32 v15, v12;
	v15 =	vld [tilespmem:s9+$0xFFFFFFA0]  }
0x1af: {  	[tilespmem:s9+$0xFFFFFF40] =	vst v3;
	v3 =	vmul.f32 v13, v12;
	v13 =	vld [tilespmem:s9+$0xFFFFFFB0]  }
0x1b0: {  	[tilespmem:s9+$0xFFFFFF50] =	vst v8;
	v8 =	vmul.f32 v11, v12;
	v11 =	vld [tilespmem:s9+$0xFFFFFFC0]  }
0x1b1: {  	[tilespmem:s9+$0xFFFFFF60] =	vst v3;
	v3 =	vmul.f32 v9, v14;
	v9 =	vld [tilespmem:s9+$0xFFFFFFD0]  }
0x1b2: {  	[tilespmem:s9+$0xFFFFFF70] =	vst v8;
	v8 =	vmul.f32 v10, v14;
	v10 =	vld [tilespmem:s9+$0xFFFFFFE0]  }
0x1b3: {  	v12 =	vld [tilespmem:s9+$0xFFFFFFF0];
	[tilespmem:s9+$0xFFFFFF80] =	vst v3;
	v3 =	vmul.f32 v15, v14  }
0x1b4: {  	[tilespmem:s9+$0xFFFFFF90] =	vst v8;
	v8 =	vmul.f32 v13, v14;
	v13 =	vld [tilespmem:s9+$0x0]  }
0x1b5: {  	[tilespmem:s9+$0xFFFFFFA0] =	vst v3;
	v3 =	vmul.f32 v11, v14;
	v11 =	vld [tilespmem:s9+$0x10]  }
0x1b6: {  	[tilespmem:s9+$0xFFFFFFB0] =	vst v8;
	v8 =	vmul.f32 v9, v14;
	v9 =	vld [tilespmem:s9+$0x20]  }
0x1b7: {  	[tilespmem:s9+$0xFFFFFFC0] =	vst v3;
	v3 =	vmul.f32 v10, v14;
	v10 =	vld [tilespmem:s9+$0x30]  }
0x1b8: {  	[tilespmem:s9+$0xFFFFFFD0] =	vst v8;
	v8 =	vmul.f32 v12, v14;
	v12 =	vld [tilespmem:s9+$0x40]  }
0x1b9: {  	[tilespmem:s9+$0xFFFFFFE0] =	vst v3;
	v3 =	vmul.f32 v13, v7;
	v13 =	vld [tilespmem:s9+$0x50]  }
0x1ba: {  	[tilespmem:s9+$0xFFFFFFF0] =	vst v8;
	v8 =	vmul.f32 v11, v7;
	v11 =	vld [tilespmem:s9+$0x60]  }
0x1bb: {  	[tilespmem:s9+$0x0] =	vst v3;
	v3 =	vmul.f32 v9, v7;
	v9 =	vld [tilespmem:s9+$0x70]  }
0x1bc: {  	[tilespmem:s9+$0x10] =	vst v8;
	v8 =	vmul.f32 v10, v7;
	v10 =	vld [tilespmem:s9+$0x80]  }
0x1bd: {  	[tilespmem:s9+$0x20] =	vst v3;
	v3 =	vmul.f32 v12, v7;
	v12 =	vld [tilespmem:s9+$0x90]  }
0x1be: {  	[tilespmem:s9+$0x30] =	vst v8;
	v8 =	vmul.f32 v13, v7;
	v13 =	vld [tilespmem:s9+$0xA0]  }
0x1bf: {  	[tilespmem:s9+$0x40] =	vst v3;
	v3 =	vmul.f32 v11, v7;
	v11 =	vld [tilespmem:s9+$0xB0]  }
0x1c0: {  	[tilespmem:s9+$0x50] =	vst v8;
	v7 =	vmul.f32 v9, v7;
	v8 =	vld [tilespmem:s9+$0xC0]  }
0x1c1: {  	v9 =	vld [tilespmem:s9+$0xD0];
	[tilespmem:s9+$0x60] =	vst v3;
	v3 =	vmul.f32 v10, v6  }
0x1c2: {  	v10 =	vld [tilespmem:s9+$0xE0];
	[tilespmem:s9+$0x70] =	vst v7;
	v7 =	vmul.f32 v12, v6  }
0x1c3: {  	v12 =	vld [tilespmem:s9+$0xF0];
	[tilespmem:s9+$0x80] =	vst v3;
	v3 =	vmul.f32 v13, v6  }
0x1c4: {  	[tilespmem:s9+$0x90] =	vst v7;
	v7 =	vmul.f32 v11, v6;
	v11 =	vld [tilespmem:s9+$0x100]  }
0x1c5: {  	[tilespmem:s9+$0xA0] =	vst v3;
	v3 =	vmul.f32 v8, v6;
	v8 =	vld [tilespmem:s9+$0x110]  }
0x1c6: {  	[tilespmem:s9+$0xB0] =	vst v7;
	v7 =	vmul.f32 v9, v6;
	v9 =	vld [tilespmem:s9+$0x120]  }
0x1c7: {  	[tilespmem:s9+$0xC0] =	vst v3;
	v3 =	vmul.f32 v10, v6;
	v10 =	vld [tilespmem:s9+$0x130]  }
0x1c8: {  	v6 =	vmul.f32 v12, v6;
	[tilespmem:s9+$0xD0] =	vst v7;
	v7 =	vld [tilespmem:s9+$0x140]  }
0x1c9: {  	[tilespmem:s9+$0xE0] =	vst v3;
	v3 =	vmul.f32 v11, v5;
	v11 =	vld [tilespmem:s9+$0x150]  }
0x1ca: {  	[tilespmem:s9+$0xF0] =	vst v6;
	v6 =	vmul.f32 v8, v5;
	v8 =	vld [tilespmem:s9+$0x160]  }
0x1cb: {  	[tilespmem:s9+$0x100] =	vst v3;
	v3 =	vmul.f32 v9, v5;
	v9 =	vld [tilespmem:s9+$0x180]  }
0x1cc: {  	[tilespmem:s9+$0x110] =	vst v6;
	v6 =	vmul.f32 v10, v5;
	v10 =	vld [tilespmem:s9+$0x190]  }
0x1cd: {  	[tilespmem:s9+$0x120] =	vst v3;
	v3 =	vmul.f32 v7, v5;
	v7 =	vld [tilespmem:s9+$0x1A0]  }
0x1ce: {  	[tilespmem:s9+$0x130] =	vst v6;
	v6 =	vmul.f32 v11, v5;
	v11 =	vld [tilespmem:s9+$0x1B0]  }
0x1cf: {  	[tilespmem:s9+$0x140] =	vst v3;
	v3 =	vmul.f32 v8, v5;
	v5 =	vld [tilespmem:s9+$0x1C0]  }
0x1d0: {  	v8 =	vld [tilespmem:s9+$0x1D0];
	[tilespmem:s9+$0x150] =	vst v6;
	v6 =	vmul.f32 v9, v4  }
0x1d1: {  	v9 =	vld [tilespmem:s9+$0x1E0];
	[tilespmem:s9+$0x160] =	vst v3;
	v3 =	vmul.f32 v10, v4  }
0x1d2: {  	[tilespmem:s9+$0x180] =	vst v6;
	v6 =	vmul.f32 v7, v4;
	v7 =	vld [tilespmem:s9+$0x1F0]  }
0x1d3: {  	[tilespmem:s9+$0x190] =	vst v3;
	v3 =	vmul.f32 v11, v4  }
0x1d4: {  	[tilespmem:s9+$0x1A0] =	vst v6;
	v5 =	vmul.f32 v5, v4  }
0x1d5: {  	[tilespmem:s9+$0x1B0] =	vst v3;
	v3 =	vmul.f32 v8, v4  }
0x1d6: {  	[tilespmem:s9+$0x1C0] =	vst v5;
	v5 =	vmul.f32 v9, v4  }
0x1d7: {  	[tilespmem:s9+$0x1D0] =	vst v3;
	v3 =	vmul.f32 v7, v4  }
0x1d8: {  	[tilespmem:s9+$0x1E0] =	vst v5  }
0x1d9: {  	[tilespmem:s9+$0x1F0] =	vst v3  }
0x1da: {  	[spmem:s2] =	stream.indirect.scatter.add.f32 [tilespmem:s30], [sflag:$0x4], $0x80, s8, s31, $0xb8;
	[tilespmem:$0x1CDE8] =	vst v63  }
0x1db: {  	_ =	swait.ge [sflag:s12], $0x2800  }
0x1dc: {  	[sflag:s12] =	ssyncset.done $0x0  }
0x1dd: {  	s20 =	simm.s32 $0x1200;
	s18 =	sadd.s32 $0x200, s6;
	[sflag:s12] =	ssyncadd.s32 $0xFFFFD800  }
0x1de: {  	[tilespmem:s20], [sflag:$0x7] =	stream.indirect.gather [spmem:s3], $0x1, s18, s31, $0xb8;
	[tilespmem:$0x1CDE8] =	vst v63  }
0x1df: {  	s28 =	sadd.s32 $0xA00, s6;
	s14 =	simm.s32 $0x1400  }
0x1e0: {  	[tilespmem:s14], [sflag:$0xA] =	stream.indirect.gather [spmem:s4], $0x1, s28, s31, $0xb8;
	[tilespmem:$0x1CDE8] =	vst v63  }
0x1e1: {  	_ = 	snop  }
0x1e2: {  	[tilespmem:s30], [sflag:$0x1] =	stream.indirect.gather [hbm4b:s0+s31], $0x80, s28, s31, $0xb8;
	[tilespmem:$0x1CDE8] =	vst v63  }
0x1e3: {  	_ =	swait.ge [sflag:s13], $0x50  }
0x1e4: {  	[sflag:s13] =	ssyncset.done $0x0  }
0x1e5: {  	[sflag:s13] =	ssyncadd.s32 $0xFFFFFFB0  }
0x1e6: {  	_ =	swait.ge [sflag:s1], $0x50  }
0x1e7: {  	[sflag:s1] =	ssyncset.done $0x0  }
0x1e8: {  	[sflag:s1] =	ssyncadd.s32 $0xFFFFFFB0  }
0x1e9: {  	_ =	swait.ge [sflag:s21], $0x50  }
0x1ea: {  	[sflag:s21] =	ssyncset.done $0x0  }
0x1eb: {  	[sflag:s21] =	ssyncadd.s32 $0xFFFFFFB0  }
0x1ec: {  	v3 =	vld [tilespmem:$0x1280]  }
0x1ed: {  	v4 =	vld [tilespmem:$0x1480]  }
0x1ee: {  	v5 =	vld [tilespmem:$0x1290]  }
0x1ef: {  	v6 =	vld [tilespmem:$0x1490];
	_ =	sdelay $0x1  }
0x1f0: {  	v7 =	vld [tilespmem:$0x12A0]  }
0x1f1: {  	v8 =	vld [tilespmem:$0x14A0];
	v4 =	vadd.f32 v4, v3;
	v3 =	vadd.f32 v3, v2  }
0x1f2: {  	v11 =	vld [tilespmem:$0x12B0]  }
0x1f3: {  	v12 =	vld [tilespmem:$0x12C0];
	v6 =	vadd.f32 v6, v5;
	v9 =	vmul.f32 $2.000000030e-01, v4;
	v10 =	vmul.f32 $2.000000030e-01, v3  }
0x1f4: {  	v13 =	vld [tilespmem:$0x14C0];
	v5 =	vadd.f32 v5, v2;
	vm0 =	vge.f32 v4, $0.0e+00;
	vm1 =	vge.f32 v3, $0.0e+00  }
0x1f5: {  	v4 =	vsel vm0, v4, v9;
	v3 =	vsel vm1, v3, v10;
	v9 =	vld [tilespmem:$0x14B0]  }
0x1f6: {  	v10 =	vmul.f32 $2.000000030e-01, v5;
	v3 =	vsub.f32 v4, v3;
	v4 =	vmul.f32 $2.000000030e-01, v6  }
0x1f7: {  	v8 =	vadd.f32 v8, v7;
	vm8 =	vge.f32 v6, $0.0e+00;
	vm9 =	vge.f32 v5, $0.0e+00  }
0x1f8: {  	v5 =	vsel vm9, v5, v10;
	v4 =	vsel vm8, v6, v4;
	v6 =	vadd.f32 v7, v2  }
0x1f9: {  	vm10 =	vge.f32 v8, $0.0e+00;
	v4 =	vsub.f32 v4, v5;
	v5 =	vmul.f32 $2.000000030e-01, v8  }
0x1fa: {  	v10 =	vadd.f32 v13, v12;
	v7 =	vmul.f32 $2.000000030e-01, v6;
	v9 =	vadd.f32 v9, v11  }
0x1fb: {  	vm11 =	vge.f32 v6, $0.0e+00;
	v5 =	vsel vm10, v8, v5;
	v8 =	vadd.f32 v11, v2  }
0x1fc: {  	v12 =	vadd.f32 v12, v2;
	v6 =	vsel vm11, v6, v7;
	v7 =	vmul.f32 $2.000000030e-01, v9  }
0x1fd: {  	v3 =	vmul.f32 $1.442695020e+00, v3;
	vm12 =	vge.f32 v9, $0.0e+00;
	v11 =	vmul.f32 $2.000000030e-01, v8  }
0x1fe: {  	vm14 =	vge.f32 v10, $0.0e+00;
	vm13 =	vge.f32 v8, $0.0e+00;
	v7 =	vsel vm12, v9, v7  }
0x1ff: {  	v9 =	vmul.f32 $2.000000030e-01, v10;
	v8 =	vsel vm13, v8, v11;
	v11 =	vmul.f32 $2.000000030e-01, v12  }
0x200: {  	vm15 =	vge.f32 v12, $0.0e+00;
	v4 =	vmul.f32 $1.442695020e+00, v4;
	v5 =	vsub.f32 v5, v6  }
0x201: {  	v6 =	vsel vm14, v10, v9;
	v7 =	vsub.f32 v7, v8;
	v8 =	vsel vm15, v12, v11  }
0x202: {  	(erf) = vpow2.f32 v3;
	v3 =	vmul.f32 $1.442695020e+00, v5;
	v5 =	vsub.f32 v6, v8  }
0x203: {  	(erf) = vpow2.f32 v4;
	v4 =	vmul.f32 $1.442695020e+00, v7  }
0x204: {  	(erf) = vpow2.f32 v3;
	v3 =	vmul.f32 $1.442695020e+00, v5  }
0x205: {  	(erf) = vpow2.f32 v4  }
0x206: {  	(erf) = vpow2.f32 v3;
	_ =	sdelay $0x4  }
0x207: {  	v3 =	vpop (erf)  }
0x208: {  	v4 =	vpop (erf);
	[tilespmem:$0x1100] =	vst v3  }
0x209: {  	p2 =	seq.s32 s15, $0x18;
	s8 =	sadd.s32 $0x1, s15;
	v3 =	vpop (erf);
	[tilespmem:$0x1110] =	vst v4  }
0x20a: {  	s9 =	sshll.u32 @!p2 s8, $0xA;
	s14 =	rddreg [dreg:$0xd];
	[tilespmem:$0x1120] =	vst v3;
	v4 =	vpop (erf)  }
0x20b: {  	s15 =	sxor.u32 @!p2 $0x400, s6;
	s20 =	simm.s32 $0x0;
	s9 =	sadd.s32 @!p2 s14, s9;
	[tilespmem:$0x1130] =	vst v4;
	v3 =	vpop (erf)  }
0x20c: {  	s28 =	rddreg [dreg:$0x7];
	s14 =	simm.s32 $0x6;
	s9 =	sshrl.u32 @!p2 s9, $0x3;
	[tilespmem:$0x1140] =	vst v3  }
0x20d: {  	[spmem:s5] =	stream.indirect.scatter.add.f32 [tilespmem:s10], [sflag:$0xF], $0x1, s19, s31, $0xb8;
	[tilespmem:$0x1CDE8] =	vst v63  }
0x20e: {  	s28 =	sadd.s32 @!p2 s28, s9;
	v4 =	vmov s14;
	s14 =	simm.s32 @!p2 $0x0;
	v3 =	vmov s20;
	s20 =	sadd.s32 @!p2 $0x80, s15  }
0x20f: {  	v3 =	vand.u32 $0xFFFFFFF8, v3;
	[tilespmem:s20], [sflag:$0xD] =	stream.linear.gather @!p2 [hbm4b:s28+s14], $0x280, $0x38;
	[tilespmem:$0x1CDE8] =	vst v63  }
0x210: {  	v4 =	vand.u32 $0xFFFFFFFE, v4;
	v3 =	vbroadcast v3, $0x0;
	s20 =	rddreg [dreg:$0x8]  }
0x211: {  	s15 =	sadd.s32 @!p2 $0x880, s15;
	v4 =	vbroadcast v4, $0x0;
	s9 =	sadd.s32 @!p2 s20, s9  }
0x212: {  	[tilespmem:s15], [sflag:$0xD] =	stream.linear.gather @!p2 [hbm4b:s9+s14], $0x280, $0x38;
	[tilespmem:$0x1CDE8] =	vst v63  }
0x213: {  	_ =	swait.ge [sflag:s22], $0x2800  }
0x214: {  	[sflag:s22] =	ssyncset.done $0x0  }
0x215: {  	[sflag:s22] =	ssyncadd.s32 $0xFFFFD800  }
0x216: {  	v3 =	vld.idx.msk [tilespmem:v3+s10+$0x0], $0xffff  }
0x217: {  	s15 =	simm.s32 $0x41F0;
	v4 =	vld.idx.msk [tilespmem:v4+s10+$0x0], $0xffff  }
0x218: {  	v6 =	vld [tilespmem:s15+$0xFFFFFF80]  }
0x219: {  	v7 =	vld [tilespmem:s15+$0xFFFFFC10]  }
0x21a: {  	v8 =	vld [tilespmem:s15+$0xFFFFFC20]  }
0x21b: {  	v9 =	vld [tilespmem:s15+$0xFFFFFC30]  }
0x21c: {  	s28 =	simm.s32 $0x1;
	v10 =	vld [tilespmem:s15+$0xFFFFFC40]  }
0x21d: {  	v5 =	vmov s28;
	v11 =	vld [tilespmem:s15+$0xFFFFFC50]  }
0x21e: {  	v5 =	vand.u32 $0xFFFFFFF9, v5;
	v12 =	vld [tilespmem:s15+$0xFFFFFC60]  }
0x21f: {  	v5 =	vbroadcast v5, $0x0;
	v13 =	vld [tilespmem:s15+$0xFFFFFC70]  }
0x220: {  	v14 =	vld [tilespmem:s15+$0xFFFFFC80]  }
0x221: {  	v15 =	vld [tilespmem:s15+$0xFFFFFC90]  }
0x222: {  	v16 =	vld [tilespmem:s15+$0xFFFFFCA0];
	v7 =	vmul.f32 v7, v3  }
0x223: {  	v17 =	vld [tilespmem:s15+$0xFFFFFCB0];
	v6 =	vmul.f32 v6, v4  }
0x224: {  	v18 =	vld [tilespmem:s15+$0xFFFFFCC0];
	v8 =	vmul.f32 v8, v3;
	[tilespmem:s15+$0xFFFFFC10] =	vst v7  }
0x225: {  	s14 =	simm.s32 $0x2;
	v5 =	vld.idx.msk [tilespmem:v5+s10+$0x0], $0xffff;
	v10 =	vmul.f32 v10, v3;
	[tilespmem:s15+$0xFFFFFF80] =	vst v6  }
0x226: {  	v11 =	vmul.f32 v11, v3;
	v7 =	vmov s14;
	v6 =	vmul.f32 v9, v3;
	v9 =	vld [tilespmem:s15+$0xFFFFFCD0];
	[tilespmem:s15+$0xFFFFFC20] =	vst v8  }
0x227: {  	[tilespmem:s15+$0xFFFFFC40] =	vst v10;
	v10 =	vmul.f32 v12, v3;
	v12 =	vld [tilespmem:s15+$0xFFFFFD00];
	v7 =	vand.u32 $0xFFFFFFFA, v7  }
0x228: {  	[tilespmem:s15+$0xFFFFFC50] =	vst v11;
	v11 =	vmul.f32 v13, v3;
	v13 =	vld [tilespmem:s15+$0xFFFFFD10];
	v7 =	vbroadcast v7, $0x0  }
0x229: {  	v3 =	vmul.f32 v14, v3;
	v14 =	vld [tilespmem:s15+$0xFFFFFD30];
	[tilespmem:s15+$0xFFFFFC30] =	vst v6  }
0x22a: {  	v8 =	vmul.f32 v15, v5;
	v15 =	vld [tilespmem:s15+$0xFFFFFCE0];
	[tilespmem:s15+$0xFFFFFC60] =	vst v10  }
0x22b: {  	s20 =	simm.s32 $0x3;
	v6 =	vld [tilespmem:s15+$0xFFFFFCF0];
	[tilespmem:s15+$0xFFFFFC70] =	vst v11  }
0x22c: {  	v10 =	vld [tilespmem:s15+$0xFFFFFD20];
	v11 =	vmul.f32 v16, v5;
	[tilespmem:s15+$0xFFFFFC90] =	vst v8;
	v8 =	vmov s20  }
0x22d: {  	[tilespmem:s15+$0xFFFFFC80] =	vst v3;
	v3 =	vmul.f32 v17, v5;
	v16 =	vld [tilespmem:s15+$0xFFFFFD40];
	v8 =	vand.u32 $0xFFFFFFFB, v8  }
0x22e: {  	[tilespmem:s15+$0xFFFFFCA0] =	vst v11;
	v11 =	vmul.f32 v18, v5;
	v8 =	vbroadcast v8, $0x0;
	v7 =	vld.idx.msk [tilespmem:v7+s10+$0x0], $0xffff  }
0x22f: {  	v17 =	vld [tilespmem:s15+$0xFFFFFD50];
	[tilespmem:s15+$0xFFFFFCB0] =	vst v3;
	v9 =	vmul.f32 v9, v5  }
0x230: {  	[tilespmem:s15+$0xFFFFFCC0] =	vst v11;
	v11 =	vld [tilespmem:s15+$0xFFFFFD70];
	v15 =	vmul.f32 v15, v5  }
0x231: {  	[tilespmem:s15+$0xFFFFFCD0] =	vst v9;
	v6 =	vmul.f32 v6, v5;
	v9 =	vld [tilespmem:s15+$0xFFFFFD80]  }
0x232: {  	v5 =	vmul.f32 v12, v5;
	v12 =	vld [tilespmem:s15+$0xFFFFFD90];
	[tilespmem:s15+$0xFFFFFCE0] =	vst v15  }
0x233: {  	v15 =	vld [tilespmem:s15+$0xFFFFFDC0];
	[tilespmem:s15+$0xFFFFFCF0] =	vst v6;
	v3 =	vmul.f32 v13, v7  }
0x234: {  	[tilespmem:s15+$0xFFFFFD00] =	vst v5;
	v8 =	vld.idx.msk [tilespmem:v8+s10+$0x0], $0xffff;
	v6 =	vmul.f32 v10, v7  }
0x235: {  	s28 =	simm.s32 $0x4;
	v13 =	vld [tilespmem:s15+$0xFFFFFD60];
	v5 =	vmul.f32 v14, v7;
	[tilespmem:s15+$0xFFFFFD10] =	vst v3  }
0x236: {  	v10 =	vld [tilespmem:s15+$0xFFFFFDA0];
	v11 =	vmul.f32 v11, v7;
	v3 =	vmov s28;
	[tilespmem:s15+$0xFFFFFD20] =	vst v6  }
0x237: {  	v14 =	vld [tilespmem:s15+$0xFFFFFDB0];
	v6 =	vmul.f32 v16, v7;
	[tilespmem:s15+$0xFFFFFD30] =	vst v5;
	v3 =	vand.u32 $0xFFFFFFFC, v3  }
0x238: {  	v5 =	vmul.f32 v17, v7;
	v16 =	vld [tilespmem:s15+$0xFFFFFDD0];
	[tilespmem:s15+$0xFFFFFD70] =	vst v11;
	v3 =	vbroadcast v3, $0x0  }
0x239: {  	v11 =	vld [tilespmem:s15+$0xFFFFFE10];
	[tilespmem:s15+$0xFFFFFD40] =	vst v6;
	v6 =	vmul.f32 v12, v8  }
0x23a: {  	s14 =	simm.s32 $0x5;
	v12 =	vld [tilespmem:s15+$0xFFFFFDE0];
	[tilespmem:s15+$0xFFFFFD50] =	vst v5;
	v13 =	vmul.f32 v13, v7  }
0x23b: {  	v5 =	vld [tilespmem:s15+$0xFFFFFDF0];
	v7 =	vmul.f32 v9, v7;
	[tilespmem:s15+$0xFFFFFD90] =	vst v6;
	v6 =	vmov s14  }
0x23c: {  	v9 =	vld [tilespmem:s15+$0xFFFFFE00];
	v10 =	vmul.f32 v10, v8;
	[tilespmem:s15+$0xFFFFFD60] =	vst v13;
	v6 =	vand.u32 $0xFFFFFFFD, v6  }
0x23d: {  	[tilespmem:s15+$0xFFFFFD80] =	vst v7;
	v7 =	vmul.f32 v14, v8;
	v13 =	vld [tilespmem:s15+$0xFFFFFE20];
	v6 =	vbroadcast v6, $0x0  }
0x23e: {  	[tilespmem:s15+$0xFFFFFDA0] =	vst v10;
	v10 =	vmul.f32 v15, v8;
	v3 =	vld.idx.msk [tilespmem:v3+s10+$0x0], $0xffff  }
0x23f: {  	v14 =	vld [tilespmem:s15+$0xFFFFFE30];
	[tilespmem:s15+$0xFFFFFDB0] =	vst v7;
	v7 =	vmul.f32 v16, v8  }
0x240: {  	v15 =	vld [tilespmem:s15+$0xFFFFFE40];
	[tilespmem:s15+$0xFFFFFDC0] =	vst v10;
	v10 =	vmul.f32 v12, v8  }
0x241: {  	v12 =	vld [tilespmem:s15+$0xFFFFFE50];
	v5 =	vmul.f32 v5, v8;
	[tilespmem:s15+$0xFFFFFDD0] =	vst v7  }
0x242: {  	v8 =	vmul.f32 v9, v8;
	[tilespmem:s15+$0xFFFFFDE0] =	vst v10;
	v10 =	vld [tilespmem:s15+$0xFFFFFE70]  }
0x243: {  	[tilespmem:s15+$0xFFFFFDF0] =	vst v5;
	v6 =	vld.idx.msk [tilespmem:v6+s10+$0x0], $0xffff;
	v7 =	vmul.f32 v11, v3  }
0x244: {  	[tilespmem:s15+$0xFFFFFE00] =	vst v8;
	v11 =	vld [tilespmem:s15+$0xFFFFFE60];
	v8 =	vmul.f32 v14, v3  }
0x245: {  	v5 =	vmul.f32 v13, v3;
	v13 =	vld [tilespmem:s15+$0xFFFFFEA0];
	[tilespmem:s15+$0xFFFFFE10] =	vst v7  }
0x246: {  	v9 =	vld [tilespmem:s15+$0xFFFFFE90];
	[tilespmem:s15+$0xFFFFFE30] =	vst v8;
	v8 =	vmul.f32 v12, v3  }
0x247: {  	v7 =	vld [tilespmem:s15+$0xFFFFFE80];
	[tilespmem:s15+$0xFFFFFE20] =	vst v5;
	v5 =	vmul.f32 v15, v3  }
0x248: {  	v12 =	vld [tilespmem:s15+$0xFFFFFEB0];
	[tilespmem:s15+$0xFFFFFE50] =	vst v8;
	v8 =	vmul.f32 v10, v3  }
0x249: {  	[tilespmem:s15+$0xFFFFFE40] =	vst v5;
	v10 =	vld [tilespmem:s15+$0xFFFFFED0];
	v5 =	vmul.f32 v11, v3  }
0x24a: {  	v11 =	vld [tilespmem:s15+$0xFFFFFEC0];
	v13 =	vmul.f32 v13, v6;
	[tilespmem:s15+$0xFFFFFE70] =	vst v8  }
0x24b: {  	s20 =	simm.s32 $0x7;
	v8 =	vld [tilespmem:s15+$0xFFFFFEF0];
	[tilespmem:s15+$0xFFFFFE60] =	vst v5;
	v5 =	vmul.f32 v9, v6  }
0x24c: {  	v14 =	vmov s20;
	v9 =	vld [tilespmem:s15+$0xFFFFFEE0];
	v7 =	vmul.f32 v7, v3;
	[tilespmem:s15+$0xFFFFFEA0] =	vst v13  }
0x24d: {  	v13 =	vld [tilespmem:s15+$0xFFFFFF60];
	[tilespmem:s15+$0xFFFFFE90] =	vst v5  }
0x24e: {  	[tilespmem:s15+$0xFFFFFE80] =	vst v7;
	v5 =	vmul.f32 v12, v6;
	v7 =	vld [tilespmem:s15+$0xFFFFFF00]  }
0x24f: {  	v12 =	vld [tilespmem:s15+$0xFFFFFF10];
	v11 =	vmul.f32 v11, v6  }
0x250: {  	[tilespmem:s15+$0xFFFFFEB0] =	vst v5;
	v5 =	vmul.f32 v10, v6;
	v10 =	vld [tilespmem:s15+$0xFFFFFF20]  }
0x251: {  	v3 =	vld.idx.msk [tilespmem:v14+s10+$0x0], $0xffff;
	[tilespmem:s15+$0xFFFFFEC0] =	vst v11;
	v9 =	vmul.f32 v9, v6  }
0x252: {  	v11 =	vld [tilespmem:s15+$0xFFFFFF30];
	v13 =	vmul.f32 v13, v4;
	[tilespmem:s15+$0xFFFFFED0] =	vst v5  }
0x253: {  	s20 =	simm.s32 $0x9;
	v5 =	vmul.f32 v8, v6;
	v8 =	vld [tilespmem:s15+$0xFFFFFF40];
	[tilespmem:s15+$0xFFFFFEE0] =	vst v9;
	v6 =	vmul.f32 v7, v6  }
0x254: {  	s28 =	simm.s32 $0x8;
	v14 =	vmov s20;
	v7 =	vld [tilespmem:s15+$0xFFFFFF50];
	[tilespmem:s15+$0xFFFFFF60] =	vst v13  }
0x255: {  	s14 =	simm.s32 $0xF;
	s20 =	simm.s32 $0xC;
	v9 =	vmov s28;
	v12 =	vmul.f32 v12, v4;
	[tilespmem:s15+$0xFFFFFF00] =	vst v6;
	v6 =	vmul.f32 v10, v4;
	v10 =	vld [tilespmem:s15+$0xFFFFFF70]  }
0x256: {  	v16 =	vld [tilespmem:s15+$0xFFFFFF90];
	v17 =	vmov s20;
	s28 =	simm.s32 $0xA;
	[tilespmem:s15+$0xFFFFFEF0] =	vst v5;
	v9 =	vand.u32 $0xFFFFFFF8, v9;
	v5 =	vmov s14;
	s14 =	simm.s32 $0xB  }
0x257: {  	v19 =	vld [tilespmem:s15+$0xFFFFFFA0];
	v15 =	vmov s28;
	s28 =	simm.s32 $0xD;
	[tilespmem:s15+$0xFFFFFF10] =	vst v12;
	v12 =	vmov s14;
	v11 =	vmul.f32 v11, v4  }
0x258: {  	v63 =	vmov s28;
	[tilespmem:s15+$0xFFFFFF20] =	vst v6;
	v18 =	vmul.f32 v8, v4;
	v6 =	vbroadcast v9, $0x0;
	v8 =	vld [tilespmem:s15+$0xFFFFFFB0]  }
0x259: {  	v9 =	vld [tilespmem:s15+$0xFFFFFFC0];
	[tilespmem:s15+$0xFFFFFF30] =	vst v11;
	v11 =	vmul.f32 v7, v4;
	v7 =	vand.u32 $0xFFFFFFF9, v14;
	v14 =	vand.u32 $0xFFFFFFFA, v15  }
0x25a: {  	v15 =	vand.u32 $0xFFFFFFFB, v12;
	[tilespmem:s15+$0xFFFFFF40] =	vst v18;
	v7 =	vbroadcast v7, $0x0;
	v18 =	vmul.f32 v10, v4;
	v10 =	vld [tilespmem:s15+$0xFFFFFFD0]  }
0x25b: {  	v12 =	vbroadcast v14, $0x0;
	[tilespmem:s15+$0xFFFFFF50] =	vst v11;
	v4 =	vand.u32 $0xFFFFFFFC, v17;
	v17 =	vmul.f32 v16, v3;
	v11 =	vld [tilespmem:s15+$0xFFFFFFE0]  }
0x25c: {  	s9 =	simm.s32 $0x10;
	v13 =	vld [tilespmem:s15+$0xFFFFFFF0];
	s14 =	simm.s32 $0xE;
	v14 =	vbroadcast v15, $0x0;
	v15 =	vmul.f32 v19, v3;
	v16 =	vand.u32 $0xFFFFFFFD, v63;
	[tilespmem:s15+$0xFFFFFF70] =	vst v18  }
.LBB2_11:
0x25d: {  	p2 =	slt.u32 s9, $0x48;
	v4 =	vbroadcast v4, $0x0;
	v18 =	vmov s14;
	[tilespmem:s15+$0xFFFFFF90] =	vst v17;
	v8 =	vmul.f32 v8, v3;
	v17 =	vld [tilespmem:s15+$0x0]  }
0x25e: {  	v16 =	vbroadcast v16, $0x0;
	v18 =	vand.u32 $0xFFFFFFFE, v18;
	v19 =	vld.idx.msk [tilespmem:v5+s10+$0x0], $0xffff;
	[tilespmem:s15+$0xFFFFFFA0] =	vst v15;
	v5 =	vmul.f32 v9, v3  }
0x25f: {  	v9 =	vld.idx.msk [tilespmem:v6+s10+$0x0], $0xffff;
	v15 =	vbroadcast v18, $0x0;
	[tilespmem:s15+$0xFFFFFFB0] =	vst v8;
	v6 =	vmul.f32 v10, v3  }
0x260: {  	v8 =	vld.idx.msk [tilespmem:v7+s10+$0x0], $0xffff;
	[tilespmem:s15+$0xFFFFFFC0] =	vst v5;
	v5 =	vmul.f32 v11, v3  }
0x261: {  	v10 =	vld.idx.msk [tilespmem:v12+s10+$0x0], $0xffff;
	[tilespmem:s15+$0xFFFFFFD0] =	vst v6;
	v11 =	vmul.f32 v13, v3  }
0x262: {  	v7 =	vld.idx.msk [tilespmem:v14+s10+$0x0], $0xffff;
	[tilespmem:s15+$0xFFFFFFE0] =	vst v5;
	v12 =	vmul.f32 v17, v3  }
0x263: {  	v6 =	vld.idx.msk [tilespmem:v4+s10+$0x0], $0xffff;
	[tilespmem:s15+$0xFFFFFFF0] =	vst v11  }
0x264: {  	v3 =	vmov v19;
	v5 =	vld.idx.msk [tilespmem:v16+s10+$0x0], $0xffff;
	[tilespmem:s15+$0x0] =	vst v12  }
0x265: {  	s15 =	sadd.s32 $0x400, s15;
	v4 =	vld.idx.msk [tilespmem:v15+s10+$0x0], $0xffff  }
0x266: {  	v11 =	vld [tilespmem:s15+$0xFFFFFF80]  }
0x267: {  	v12 =	vld [tilespmem:s15+$0xFFFFFC10]  }
0x268: {  	v13 =	vld [tilespmem:s15+$0xFFFFFC20]  }
0x269: {  	v14 =	vld [tilespmem:s15+$0xFFFFFC30]  }
0x26a: {  	v15 =	vld [tilespmem:s15+$0xFFFFFC40]  }
0x26b: {  	v16 =	vld [tilespmem:s15+$0xFFFFFC50];
	v11 =	vmul.f32 v11, v4  }
0x26c: {  	v12 =	vmul.f32 v12, v9;
	v17 =	vld [tilespmem:s15+$0xFFFFFC60]  }
0x26d: {  	v13 =	vmul.f32 v13, v9;
	v18 =	vld [tilespmem:s15+$0xFFFFFC70];
	[tilespmem:s15+$0xFFFFFF80] =	vst v11  }
0x26e: {  	[tilespmem:s15+$0xFFFFFC10] =	vst v12;
	v11 =	vmul.f32 v14, v9;
	v12 =	vld [tilespmem:s15+$0xFFFFFC80]  }
0x26f: {  	[tilespmem:s15+$0xFFFFFC20] =	vst v13;
	v13 =	vmul.f32 v15, v9;
	v14 =	vld [tilespmem:s15+$0xFFFFFC90]  }
0x270: {  	[tilespmem:s15+$0xFFFFFC30] =	vst v11;
	v11 =	vmul.f32 v16, v9;
	v15 =	vld [tilespmem:s15+$0xFFFFFCA0]  }
0x271: {  	[tilespmem:s15+$0xFFFFFC40] =	vst v13;
	v13 =	vmul.f32 v17, v9;
	v16 =	vld [tilespmem:s15+$0xFFFFFCB0]  }
0x272: {  	[tilespmem:s15+$0xFFFFFC50] =	vst v11;
	v11 =	vmul.f32 v18, v9;
	v17 =	vld [tilespmem:s15+$0xFFFFFCC0]  }
0x273: {  	[tilespmem:s15+$0xFFFFFC60] =	vst v13;
	v9 =	vmul.f32 v12, v9;
	v12 =	vld [tilespmem:s15+$0xFFFFFCD0]  }
0x274: {  	[tilespmem:s15+$0xFFFFFC70] =	vst v11;
	v11 =	vmul.f32 v14, v8;
	v13 =	vld [tilespmem:s15+$0xFFFFFCE0]  }
0x275: {  	[tilespmem:s15+$0xFFFFFC80] =	vst v9;
	v9 =	vmul.f32 v15, v8;
	v14 =	vld [tilespmem:s15+$0xFFFFFCF0]  }
0x276: {  	[tilespmem:s15+$0xFFFFFC90] =	vst v11;
	v11 =	vmul.f32 v16, v8;
	v15 =	vld [tilespmem:s15+$0xFFFFFD00]  }
0x277: {  	[tilespmem:s15+$0xFFFFFCA0] =	vst v9;
	v9 =	vmul.f32 v17, v8;
	v16 =	vld [tilespmem:s15+$0xFFFFFD10]  }
0x278: {  	[tilespmem:s15+$0xFFFFFCB0] =	vst v11;
	v11 =	vmul.f32 v12, v8;
	v12 =	vld [tilespmem:s15+$0xFFFFFD20]  }
0x279: {  	[tilespmem:s15+$0xFFFFFCC0] =	vst v9;
	v9 =	vmul.f32 v13, v8;
	v13 =	vld [tilespmem:s15+$0xFFFFFD30]  }
0x27a: {  	[tilespmem:s15+$0xFFFFFCD0] =	vst v11;
	v11 =	vmul.f32 v14, v8;
	v14 =	vld [tilespmem:s15+$0xFFFFFD40]  }
0x27b: {  	[tilespmem:s15+$0xFFFFFCE0] =	vst v9;
	v8 =	vmul.f32 v15, v8;
	v9 =	vld [tilespmem:s15+$0xFFFFFD50]  }
0x27c: {  	[tilespmem:s15+$0xFFFFFCF0] =	vst v11;
	v11 =	vmul.f32 v16, v10;
	v15 =	vld [tilespmem:s15+$0xFFFFFD60]  }
0x27d: {  	[tilespmem:s15+$0xFFFFFD00] =	vst v8;
	v8 =	vmul.f32 v12, v10;
	v12 =	vld [tilespmem:s15+$0xFFFFFD70]  }
0x27e: {  	[tilespmem:s15+$0xFFFFFD10] =	vst v11;
	v11 =	vmul.f32 v13, v10;
	v13 =	vld [tilespmem:s15+$0xFFFFFD80]  }
0x27f: {  	[tilespmem:s15+$0xFFFFFD20] =	vst v8;
	v8 =	vmul.f32 v14, v10;
	v14 =	vld [tilespmem:s15+$0xFFFFFD90]  }
0x280: {  	[tilespmem:s15+$0xFFFFFD30] =	vst v11;
	v9 =	vmul.f32 v9, v10;
	v11 =	vld [tilespmem:s15+$0xFFFFFDA0]  }
0x281: {  	[tilespmem:s15+$0xFFFFFD40] =	vst v8;
	v8 =	vmul.f32 v15, v10;
	v15 =	vld [tilespmem:s15+$0xFFFFFDB0]  }
0x282: {  	[tilespmem:s15+$0xFFFFFD50] =	vst v9;
	v9 =	vmul.f32 v12, v10;
	v12 =	vld [tilespmem:s15+$0xFFFFFDC0]  }
0x283: {  	[tilespmem:s15+$0xFFFFFD60] =	vst v8;
	v8 =	vmul.f32 v13, v10;
	v10 =	vld [tilespmem:s15+$0xFFFFFDD0]  }
0x284: {  	[tilespmem:s15+$0xFFFFFD70] =	vst v9;
	v9 =	vmul.f32 v14, v7;
	v13 =	vld [tilespmem:s15+$0xFFFFFDE0]  }
0x285: {  	[tilespmem:s15+$0xFFFFFD80] =	vst v8;
	v8 =	vmul.f32 v11, v7;
	v11 =	vld [tilespmem:s15+$0xFFFFFDF0]  }
0x286: {  	[tilespmem:s15+$0xFFFFFD90] =	vst v9;
	v9 =	vmul.f32 v15, v7;
	v14 =	vld [tilespmem:s15+$0xFFFFFE00]  }
0x287: {  	[tilespmem:s15+$0xFFFFFDA0] =	vst v8;
	v8 =	vmul.f32 v12, v7;
	v12 =	vld [tilespmem:s15+$0xFFFFFE10]  }
0x288: {  	[tilespmem:s15+$0xFFFFFDB0] =	vst v9;
	v9 =	vmul.f32 v10, v7;
	v10 =	vld [tilespmem:s15+$0xFFFFFE20]  }
0x289: {  	[tilespmem:s15+$0xFFFFFDC0] =	vst v8;
	v8 =	vmul.f32 v13, v7;
	v13 =	vld [tilespmem:s15+$0xFFFFFE30]  }
0x28a: {  	[tilespmem:s15+$0xFFFFFDD0] =	vst v9;
	v9 =	vmul.f32 v11, v7;
	v11 =	vld [tilespmem:s15+$0xFFFFFE40]  }
0x28b: {  	[tilespmem:s15+$0xFFFFFDE0] =	vst v8;
	v7 =	vmul.f32 v14, v7;
	v8 =	vld [tilespmem:s15+$0xFFFFFE50]  }
0x28c: {  	[tilespmem:s15+$0xFFFFFDF0] =	vst v9;
	v9 =	vmul.f32 v12, v6;
	v12 =	vld [tilespmem:s15+$0xFFFFFE60]  }
0x28d: {  	[tilespmem:s15+$0xFFFFFE00] =	vst v7;
	v7 =	vmul.f32 v10, v6;
	v10 =	vld [tilespmem:s15+$0xFFFFFE70]  }
0x28e: {  	[tilespmem:s15+$0xFFFFFE10] =	vst v9;
	v9 =	vmul.f32 v13, v6;
	v13 =	vld [tilespmem:s15+$0xFFFFFE80]  }
0x28f: {  	[tilespmem:s15+$0xFFFFFE20] =	vst v7;
	v7 =	vmul.f32 v11, v6;
	v11 =	vld [tilespmem:s15+$0xFFFFFE90]  }
0x290: {  	[tilespmem:s15+$0xFFFFFE30] =	vst v9;
	v8 =	vmul.f32 v8, v6;
	v9 =	vld [tilespmem:s15+$0xFFFFFEA0]  }
0x291: {  	[tilespmem:s15+$0xFFFFFE40] =	vst v7;
	v7 =	vmul.f32 v12, v6;
	v12 =	vld [tilespmem:s15+$0xFFFFFEB0]  }
0x292: {  	[tilespmem:s15+$0xFFFFFE50] =	vst v8;
	v8 =	vmul.f32 v10, v6;
	v10 =	vld [tilespmem:s15+$0xFFFFFEC0]  }
0x293: {  	[tilespmem:s15+$0xFFFFFE60] =	vst v7;
	v6 =	vmul.f32 v13, v6;
	v7 =	vld [tilespmem:s15+$0xFFFFFED0]  }
0x294: {  	[tilespmem:s15+$0xFFFFFE70] =	vst v8;
	v8 =	vmul.f32 v11, v5;
	v11 =	vld [tilespmem:s15+$0xFFFFFEE0]  }
0x295: {  	[tilespmem:s15+$0xFFFFFE80] =	vst v6;
	v6 =	vmul.f32 v9, v5;
	v9 =	vld [tilespmem:s15+$0xFFFFFEF0]  }
0x296: {  	[tilespmem:s15+$0xFFFFFE90] =	vst v8;
	v8 =	vmul.f32 v12, v5;
	v12 =	vld [tilespmem:s15+$0xFFFFFF00]  }
0x297: {  	[tilespmem:s15+$0xFFFFFEA0] =	vst v6;
	v6 =	vmul.f32 v10, v5;
	v10 =	vld [tilespmem:s15+$0xFFFFFF10]  }
0x298: {  	[tilespmem:s15+$0xFFFFFEB0] =	vst v8;
	v7 =	vmul.f32 v7, v5;
	v8 =	vld [tilespmem:s15+$0xFFFFFF20]  }
0x299: {  	[tilespmem:s15+$0xFFFFFEC0] =	vst v6;
	v6 =	vmul.f32 v11, v5;
	v11 =	vld [tilespmem:s15+$0xFFFFFF30]  }
0x29a: {  	[tilespmem:s15+$0xFFFFFED0] =	vst v7;
	v7 =	vmul.f32 v9, v5;
	v9 =	vld [tilespmem:s15+$0xFFFFFF40]  }
0x29b: {  	[tilespmem:s15+$0xFFFFFEE0] =	vst v6;
	v6 =	vmul.f32 v12, v5;
	v12 =	vld [tilespmem:s15+$0xFFFFFF50]  }
0x29c: {  	s14 =	sadd.s32 $0x7, s9;
	v5 =	vmov s9;
	[tilespmem:s15+$0xFFFFFEF0] =	vst v7;
	v7 =	vmul.f32 v10, v4;
	v10 =	vld [tilespmem:s15+$0xFFFFFF60]  }
0x29d: {  	s20 =	sadd.s32 $0x1, s9;
	s28 =	sadd.s32 $0x2, s9;
	v13 =	vand.u32 $0xFFFFFFF8, v5;
	v5 =	vmov s14;
	[tilespmem:s15+$0xFFFFFF00] =	vst v6;
	v6 =	vmul.f32 v8, v4;
	v14 =	vld [tilespmem:s15+$0xFFFFFF70]  }
0x29e: {  	v16 =	vmov s28;
	v15 =	vmov s20;
	s20 =	sadd.s32 $0x4, s9;
	s14 =	sadd.s32 $0x3, s9;
	[tilespmem:s15+$0xFFFFFF10] =	vst v7;
	v7 =	vmul.f32 v11, v4;
	v11 =	vld [tilespmem:s15+$0xFFFFFF90]  }
0x29f: {  	v18 =	vmov s20;
	v17 =	vmov s14;
	s14 =	sadd.s32 $0x5, s9;
	[tilespmem:s15+$0xFFFFFF20] =	vst v6;
	v9 =	vmul.f32 v9, v4;
	v19 =	vld [tilespmem:s15+$0xFFFFFFA0]  }
.Ltmp4:
0x2a0: {  	v6 =	vbroadcast v13, $0x0;
	v13 =	vmov s14;
	[tilespmem:s15+$0xFFFFFF30] =	vst v7;
	v12 =	vmul.f32 v12, v4;
	v8 =	vld [tilespmem:s15+$0xFFFFFFB0];
	(pc) =	sbr.rel @p2 .LBB2_11-.Ltmp4, $4  }
0x2a1: {  	v7 =	vand.u32 $0xFFFFFFF9, v15;
	v15 =	vand.u32 $0xFFFFFFFA, v16;
	[tilespmem:s15+$0xFFFFFF40] =	vst v9;
	v16 =	vmul.f32 v10, v4;
	v9 =	vld [tilespmem:s15+$0xFFFFFFC0]  }
0x2a2: {  	v20 =	vand.u32 $0xFFFFFFFB, v17;
	v7 =	vbroadcast v7, $0x0;
	[tilespmem:s15+$0xFFFFFF50] =	vst v12;
	v21 =	vmul.f32 v14, v4;
	v10 =	vld [tilespmem:s15+$0xFFFFFFD0]  }
0x2a3: {  	v12 =	vbroadcast v15, $0x0;
	v4 =	vand.u32 $0xFFFFFFFC, v18;
	[tilespmem:s15+$0xFFFFFF60] =	vst v16;
	v17 =	vmul.f32 v11, v3;
	v11 =	vld [tilespmem:s15+$0xFFFFFFE0]  }
0x2a4: {  	s14 =	sadd.s32 $0x6, s9;
	s9 =	sadd.s32 $0x8, s9;
	v14 =	vbroadcast v20, $0x0;
	v16 =	vand.u32 $0xFFFFFFFD, v13;
	[tilespmem:s15+$0xFFFFFF70] =	vst v21;
	v15 =	vmul.f32 v19, v3;
	v13 =	vld [tilespmem:s15+$0xFFFFFFF0]  }
0x2a5: {  	_ =	sdelay $0x2  }
0x2a6: {  	v18 =	vld [tilespmem:s15+$0x0]  }
0x2a7: {  	v20 =	vld.idx.msk [tilespmem:v6+s10+$0x0], $0xffff  }
0x2a8: {  	[tilespmem:s15+$0xFFFFFF90] =	vst v17;
	v17 =	vbroadcast v4, $0x0;
	v4 =	vmov s14;
	v12 =	vld.idx.msk [tilespmem:v12+s10+$0x0], $0xffff  }
0x2a9: {  	v19 =	vand.u32 $0xFFFFFFFE, v4;
	v4 =	vld.idx.msk [tilespmem:v5+s10+$0x0], $0xffff  }
0x2aa: {  	s9 =	sadd.s32 $0x400, s15;
	v14 =	vld.idx.msk [tilespmem:v14+s10+$0x0], $0xffff  }
0x2ab: {  	v16 =	vbroadcast v16, $0x0;
	v8 =	vmul.f32 v8, v3;
	[tilespmem:s15+$0xFFFFFFA0] =	vst v15;
	v15 =	vld [tilespmem:s9+$0xFFFFFF80]  }
0x2ac: {  	v9 =	vmul.f32 v9, v3;
	v5 =	vbroadcast v19, $0x0;
	v19 =	vld.idx.msk [tilespmem:v7+s10+$0x0], $0xffff  }
0x2ad: {  	[tilespmem:s15+$0xFFFFFFB0] =	vst v8;
	v8 =	vmul.f32 v10, v3;
	v10 =	vld [tilespmem:s9+$0xFFFFFC10]  }
0x2ae: {  	[tilespmem:s15+$0xFFFFFFC0] =	vst v9;
	v9 =	vmul.f32 v11, v3;
	v11 =	vld [tilespmem:s9+$0xFFFFFC20]  }
0x2af: {  	[tilespmem:s15+$0xFFFFFFD0] =	vst v8;
	v8 =	vmul.f32 v13, v3;
	v13 =	vld [tilespmem:s9+$0xFFFFFC30]  }
0x2b0: {  	[tilespmem:s15+$0xFFFFFFE0] =	vst v9;
	v9 =	vld [tilespmem:s9+$0xFFFFFC40]  }
0x2b1: {  	v7 =	vld.idx.msk [tilespmem:v17+s10+$0x0], $0xffff  }
0x2b2: {  	v3 =	vmul.f32 v18, v3;
	v6 =	vld.idx.msk [tilespmem:v16+s10+$0x0], $0xffff  }
0x2b3: {  	[tilespmem:s15+$0xFFFFFFF0] =	vst v8;
	v8 =	vld [tilespmem:s9+$0xFFFFFC50]  }
0x2b4: {  	[tilespmem:s15+$0x0] =	vst v3;
	v3 =	vmul.f32 v10, v20;
	v5 =	vld.idx.msk [tilespmem:v5+s10+$0x0], $0xffff  }
0x2b5: {  	v10 =	vld [tilespmem:s9+$0xFFFFFC60];
	v11 =	vmul.f32 v11, v20  }
0x2b6: {  	v16 =	vld [tilespmem:s9+$0xFFFFFC70];
	[tilespmem:s9+$0xFFFFFC10] =	vst v3;
	v3 =	vmul.f32 v13, v20  }
0x2b7: {  	v13 =	vld [tilespmem:s9+$0xFFFFFC80];
	[tilespmem:s9+$0xFFFFFC20] =	vst v11;
	v9 =	vmul.f32 v9, v20  }
0x2b8: {  	v11 =	vld [tilespmem:s9+$0xFFFFFC90];
	[tilespmem:s9+$0xFFFFFC30] =	vst v3;
	v3 =	vmul.f32 v8, v20  }
0x2b9: {  	v8 =	vld [tilespmem:s9+$0xFFFFFCA0];
	[tilespmem:s9+$0xFFFFFC40] =	vst v9;
	v15 =	vmul.f32 v15, v5  }
0x2ba: {  	v9 =	vmul.f32 v10, v20;
	v10 =	vld [tilespmem:s9+$0xFFFFFCB0];
	[tilespmem:s9+$0xFFFFFC50] =	vst v3  }
0x2bb: {  	v3 =	vmul.f32 v16, v20;
	[tilespmem:s9+$0xFFFFFF80] =	vst v15;
	v15 =	vld [tilespmem:s9+$0xFFFFFCC0]  }
0x2bc: {  	[tilespmem:s9+$0xFFFFFC60] =	vst v9;
	v9 =	vmul.f32 v13, v20;
	v13 =	vld [tilespmem:s9+$0xFFFFFCD0]  }
0x2bd: {  	[tilespmem:s9+$0xFFFFFC70] =	vst v3;
	v3 =	vmul.f32 v11, v19;
	v11 =	vld [tilespmem:s9+$0xFFFFFCE0]  }
0x2be: {  	[tilespmem:s9+$0xFFFFFC80] =	vst v9;
	v8 =	vmul.f32 v8, v19;
	v9 =	vld [tilespmem:s9+$0xFFFFFCF0]  }
0x2bf: {  	[tilespmem:s9+$0xFFFFFC90] =	vst v3;
	v3 =	vmul.f32 v10, v19;
	v10 =	vld [tilespmem:s9+$0xFFFFFD00]  }
0x2c0: {  	[tilespmem:s9+$0xFFFFFCA0] =	vst v8;
	v8 =	vmul.f32 v15, v19;
	v15 =	vld [tilespmem:s9+$0xFFFFFD10]  }
0x2c1: {  	[tilespmem:s9+$0xFFFFFCB0] =	vst v3;
	v3 =	vmul.f32 v13, v19;
	v13 =	vld [tilespmem:s9+$0xFFFFFD20]  }
0x2c2: {  	[tilespmem:s9+$0xFFFFFCC0] =	vst v8;
	v8 =	vmul.f32 v11, v19;
	v11 =	vld [tilespmem:s9+$0xFFFFFD30]  }
0x2c3: {  	[tilespmem:s9+$0xFFFFFCD0] =	vst v3;
	v3 =	vmul.f32 v9, v19;
	v9 =	vld [tilespmem:s9+$0xFFFFFD40]  }
0x2c4: {  	[tilespmem:s9+$0xFFFFFCE0] =	vst v8;
	v8 =	vmul.f32 v10, v19;
	v10 =	vld [tilespmem:s9+$0xFFFFFD50]  }
0x2c5: {  	[tilespmem:s9+$0xFFFFFCF0] =	vst v3;
	v3 =	vmul.f32 v15, v12;
	v15 =	vld [tilespmem:s9+$0xFFFFFD60]  }
0x2c6: {  	[tilespmem:s9+$0xFFFFFD00] =	vst v8;
	v8 =	vmul.f32 v13, v12;
	v13 =	vld [tilespmem:s9+$0xFFFFFD70]  }
0x2c7: {  	[tilespmem:s9+$0xFFFFFD10] =	vst v3;
	v3 =	vmul.f32 v11, v12;
	v11 =	vld [tilespmem:s9+$0xFFFFFD80]  }
0x2c8: {  	[tilespmem:s9+$0xFFFFFD20] =	vst v8;
	v8 =	vmul.f32 v9, v12;
	v9 =	vld [tilespmem:s9+$0xFFFFFD90]  }
0x2c9: {  	[tilespmem:s9+$0xFFFFFD30] =	vst v3;
	v3 =	vmul.f32 v10, v12;
	v10 =	vld [tilespmem:s9+$0xFFFFFDA0]  }
0x2ca: {  	[tilespmem:s9+$0xFFFFFD40] =	vst v8;
	v8 =	vmul.f32 v15, v12;
	v15 =	vld [tilespmem:s9+$0xFFFFFDB0]  }
0x2cb: {  	[tilespmem:s9+$0xFFFFFD50] =	vst v3;
	v3 =	vmul.f32 v13, v12;
	v13 =	vld [tilespmem:s9+$0xFFFFFDC0]  }
0x2cc: {  	[tilespmem:s9+$0xFFFFFD60] =	vst v8;
	v8 =	vmul.f32 v11, v12;
	v11 =	vld [tilespmem:s9+$0xFFFFFDD0]  }
0x2cd: {  	[tilespmem:s9+$0xFFFFFD70] =	vst v3;
	v3 =	vmul.f32 v9, v14;
	v9 =	vld [tilespmem:s9+$0xFFFFFDE0]  }
0x2ce: {  	[tilespmem:s9+$0xFFFFFD80] =	vst v8;
	v8 =	vmul.f32 v10, v14;
	v10 =	vld [tilespmem:s9+$0xFFFFFDF0]  }
0x2cf: {  	v12 =	vld [tilespmem:s9+$0xFFFFFE00];
	[tilespmem:s9+$0xFFFFFD90] =	vst v3;
	v3 =	vmul.f32 v15, v14  }
0x2d0: {  	[tilespmem:s9+$0xFFFFFDA0] =	vst v8;
	v8 =	vmul.f32 v13, v14;
	v13 =	vld [tilespmem:s9+$0xFFFFFE10]  }
0x2d1: {  	[tilespmem:s9+$0xFFFFFDB0] =	vst v3;
	v3 =	vmul.f32 v11, v14;
	v11 =	vld [tilespmem:s9+$0xFFFFFE20]  }
0x2d2: {  	[tilespmem:s9+$0xFFFFFDC0] =	vst v8;
	v8 =	vmul.f32 v9, v14;
	v9 =	vld [tilespmem:s9+$0xFFFFFE30]  }
0x2d3: {  	[tilespmem:s9+$0xFFFFFDD0] =	vst v3;
	v3 =	vmul.f32 v10, v14;
	v10 =	vld [tilespmem:s9+$0xFFFFFE40]  }
0x2d4: {  	[tilespmem:s9+$0xFFFFFDE0] =	vst v8;
	v8 =	vmul.f32 v12, v14;
	v12 =	vld [tilespmem:s9+$0xFFFFFE50]  }
0x2d5: {  	[tilespmem:s9+$0xFFFFFDF0] =	vst v3;
	v3 =	vmul.f32 v13, v7;
	v13 =	vld [tilespmem:s9+$0xFFFFFE60]  }
0x2d6: {  	[tilespmem:s9+$0xFFFFFE00] =	vst v8;
	v8 =	vmul.f32 v11, v7;
	v11 =	vld [tilespmem:s9+$0xFFFFFE70]  }
0x2d7: {  	[tilespmem:s9+$0xFFFFFE10] =	vst v3;
	v3 =	vmul.f32 v9, v7;
	v9 =	vld [tilespmem:s9+$0xFFFFFE80]  }
0x2d8: {  	[tilespmem:s9+$0xFFFFFE20] =	vst v8;
	v8 =	vmul.f32 v10, v7;
	v10 =	vld [tilespmem:s9+$0xFFFFFE90]  }
0x2d9: {  	[tilespmem:s9+$0xFFFFFE30] =	vst v3;
	v3 =	vmul.f32 v12, v7;
	v12 =	vld [tilespmem:s9+$0xFFFFFEA0]  }
0x2da: {  	[tilespmem:s9+$0xFFFFFE40] =	vst v8;
	v8 =	vmul.f32 v13, v7;
	v13 =	vld [tilespmem:s9+$0xFFFFFEB0]  }
0x2db: {  	[tilespmem:s9+$0xFFFFFE50] =	vst v3;
	v3 =	vmul.f32 v11, v7;
	v11 =	vld [tilespmem:s9+$0xFFFFFEC0]  }
0x2dc: {  	[tilespmem:s9+$0xFFFFFE60] =	vst v8;
	v7 =	vmul.f32 v9, v7;
	v8 =	vld [tilespmem:s9+$0xFFFFFED0]  }
0x2dd: {  	v9 =	vld [tilespmem:s9+$0xFFFFFEE0];
	[tilespmem:s9+$0xFFFFFE70] =	vst v3;
	v3 =	vmul.f32 v10, v6  }
0x2de: {  	v10 =	vld [tilespmem:s9+$0xFFFFFEF0];
	[tilespmem:s9+$0xFFFFFE80] =	vst v7;
	v7 =	vmul.f32 v12, v6  }
0x2df: {  	v12 =	vld [tilespmem:s9+$0xFFFFFF00];
	[tilespmem:s9+$0xFFFFFE90] =	vst v3;
	v3 =	vmul.f32 v13, v6  }
0x2e0: {  	[tilespmem:s9+$0xFFFFFEA0] =	vst v7;
	v7 =	vmul.f32 v11, v6;
	v11 =	vld [tilespmem:s9+$0xFFFFFF10]  }
0x2e1: {  	[tilespmem:s9+$0xFFFFFEB0] =	vst v3;
	v3 =	vmul.f32 v8, v6;
	v8 =	vld [tilespmem:s9+$0xFFFFFF20]  }
0x2e2: {  	[tilespmem:s9+$0xFFFFFEC0] =	vst v7;
	v7 =	vmul.f32 v9, v6;
	v9 =	vld [tilespmem:s9+$0xFFFFFF30]  }
0x2e3: {  	[tilespmem:s9+$0xFFFFFED0] =	vst v3;
	v3 =	vmul.f32 v10, v6;
	v10 =	vld [tilespmem:s9+$0xFFFFFF40]  }
0x2e4: {  	v6 =	vmul.f32 v12, v6;
	[tilespmem:s9+$0xFFFFFEE0] =	vst v7;
	v7 =	vld [tilespmem:s9+$0xFFFFFF50]  }
0x2e5: {  	[tilespmem:s9+$0xFFFFFEF0] =	vst v3;
	v3 =	vmul.f32 v11, v5;
	v11 =	vld [tilespmem:s9+$0xFFFFFF60]  }
0x2e6: {  	[tilespmem:s9+$0xFFFFFF00] =	vst v6;
	v6 =	vmul.f32 v8, v5;
	v8 =	vld [tilespmem:s9+$0xFFFFFF70]  }
0x2e7: {  	[tilespmem:s9+$0xFFFFFF10] =	vst v3;
	v3 =	vmul.f32 v9, v5;
	v9 =	vld [tilespmem:s9+$0xFFFFFF90]  }
0x2e8: {  	[tilespmem:s9+$0xFFFFFF20] =	vst v6;
	v6 =	vmul.f32 v10, v5;
	v10 =	vld [tilespmem:s9+$0xFFFFFFA0]  }
0x2e9: {  	[tilespmem:s9+$0xFFFFFF30] =	vst v3;
	v3 =	vmul.f32 v7, v5;
	v7 =	vld [tilespmem:s9+$0xFFFFFFB0]  }
0x2ea: {  	[tilespmem:s9+$0xFFFFFF40] =	vst v6;
	v6 =	vmul.f32 v11, v5;
	v11 =	vld [tilespmem:s9+$0xFFFFFFC0]  }
0x2eb: {  	[tilespmem:s9+$0xFFFFFF50] =	vst v3;
	v3 =	vmul.f32 v8, v5;
	v5 =	vld [tilespmem:s9+$0xFFFFFFD0]  }
0x2ec: {  	v8 =	vld [tilespmem:s9+$0xFFFFFFE0];
	[tilespmem:s9+$0xFFFFFF60] =	vst v6;
	v6 =	vmul.f32 v9, v4  }
0x2ed: {  	v9 =	vld [tilespmem:s9+$0xFFFFFFF0];
	[tilespmem:s9+$0xFFFFFF70] =	vst v3;
	v3 =	vmul.f32 v10, v4  }
0x2ee: {  	[tilespmem:s9+$0xFFFFFF90] =	vst v6;
	v6 =	vmul.f32 v7, v4;
	v7 =	vld [tilespmem:s9+$0x0]  }
0x2ef: {  	[tilespmem:s9+$0xFFFFFFA0] =	vst v3;
	v3 =	vmul.f32 v11, v4  }
0x2f0: {  	[tilespmem:s9+$0xFFFFFFB0] =	vst v6;
	v5 =	vmul.f32 v5, v4  }
0x2f1: {  	[tilespmem:s9+$0xFFFFFFC0] =	vst v3;
	v3 =	vmul.f32 v8, v4  }
0x2f2: {  	[tilespmem:s9+$0xFFFFFFD0] =	vst v5;
	v5 =	vmul.f32 v9, v4  }
0x2f3: {  	[tilespmem:s9+$0xFFFFFFE0] =	vst v3;
	v3 =	vmul.f32 v7, v4  }
0x2f4: {  	[tilespmem:s9+$0xFFFFFFF0] =	vst v5  }
0x2f5: {  	s28 =	simm.s32 $0x3E00;
	[tilespmem:s9+$0x0] =	vst v3  }
0x2f6: {  	[spmem:s2] =	stream.indirect.scatter.add.f32 [tilespmem:s28], [sflag:$0x5], $0x80, s19, s31, $0xb8;
	[tilespmem:$0x1CDE8] =	vst v63  }
0x2f7: {  	_ =	swait.ge [sflag:s17], $0x2800  }
0x2f8: {  	[sflag:s17] =	ssyncset.done $0x0  }
0x2f9: {  	s15 =	simm.s32 $0x1280;
	s19 =	sadd.s32 $0x280, s6;
	[sflag:s17] =	ssyncadd.s32 $0xFFFFD800  }
0x2fa: {  	[tilespmem:s15], [sflag:$0x8] =	stream.indirect.gather [spmem:s3], $0x1, s19, s31, $0xb8;
	[tilespmem:$0x1CDE8] =	vst v63  }
0x2fb: {  	s20 =	sadd.s32 $0xA80, s6;
	s14 =	simm.s32 $0x1480  }
0x2fc: {  	[tilespmem:s14], [sflag:$0xB] =	stream.indirect.gather [spmem:s4], $0x1, s20, s31, $0xb8;
	[tilespmem:$0x1CDE8] =	vst v63  }
0x2fd: {  	s15 =	simm.s32 $0x9  }
0x2fe: {  	[tilespmem:s28], [sflag:$0x2] =	stream.indirect.gather [hbm4b:s0+s31], $0x80, s20, s31, $0xb8;
	[tilespmem:$0x1CDE8] =	vst v63  }
0x2ff: {  	_ =	swait.ge [sflag:s15], $0x50  }
0x300: {  	[sflag:s15] =	ssyncset.done $0x0  }
0x301: {  	s20 =	simm.s32 $0xC;
	[sflag:s15] =	ssyncadd.s32 $0xFFFFFFB0  }
0x302: {  	_ =	swait.ge [sflag:s20], $0x50  }
0x303: {  	[sflag:s20] =	ssyncset.done $0x0  }
0x304: {  	[sflag:s20] =	ssyncadd.s32 $0xFFFFFFB0  }
0x305: {  	_ =	swait.ge [sflag:s25], $0x50  }
0x306: {  	[sflag:s25] =	ssyncset.done $0x0  }
0x307: {  	[sflag:s25] =	ssyncadd.s32 $0xFFFFFFB0  }
0x308: {  	v3 =	vld [tilespmem:$0x1300]  }
0x309: {  	v4 =	vld [tilespmem:$0x1500]  }
0x30a: {  	v5 =	vld [tilespmem:$0x1310]  }
0x30b: {  	v6 =	vld [tilespmem:$0x1510];
	_ =	sdelay $0x1  }
0x30c: {  	v7 =	vld [tilespmem:$0x1320]  }
0x30d: {  	v8 =	vld [tilespmem:$0x1520];
	v4 =	vadd.f32 v4, v3;
	v3 =	vadd.f32 v3, v2  }
0x30e: {  	v11 =	vld [tilespmem:$0x1330]  }
0x30f: {  	v12 =	vld [tilespmem:$0x1340];
	v6 =	vadd.f32 v6, v5;
	v9 =	vmul.f32 $2.000000030e-01, v4;
	v10 =	vmul.f32 $2.000000030e-01, v3  }
0x310: {  	v13 =	vld [tilespmem:$0x1540];
	v5 =	vadd.f32 v5, v2;
	vm0 =	vge.f32 v4, $0.0e+00;
	vm1 =	vge.f32 v3, $0.0e+00  }
0x311: {  	v4 =	vsel vm0, v4, v9;
	v3 =	vsel vm1, v3, v10;
	v9 =	vld [tilespmem:$0x1530]  }
0x312: {  	v10 =	vmul.f32 $2.000000030e-01, v5;
	v3 =	vsub.f32 v4, v3;
	v4 =	vmul.f32 $2.000000030e-01, v6  }
0x313: {  	v8 =	vadd.f32 v8, v7;
	vm8 =	vge.f32 v6, $0.0e+00;
	vm9 =	vge.f32 v5, $0.0e+00  }
0x314: {  	v5 =	vsel vm9, v5, v10;
	v4 =	vsel vm8, v6, v4;
	v6 =	vadd.f32 v7, v2  }
0x315: {  	vm10 =	vge.f32 v8, $0.0e+00;
	v4 =	vsub.f32 v4, v5;
	v5 =	vmul.f32 $2.000000030e-01, v8  }
0x316: {  	v10 =	vadd.f32 v13, v12;
	v7 =	vmul.f32 $2.000000030e-01, v6;
	v9 =	vadd.f32 v9, v11  }
0x317: {  	vm11 =	vge.f32 v6, $0.0e+00;
	v5 =	vsel vm10, v8, v5;
	v8 =	vadd.f32 v11, v2  }
0x318: {  	v12 =	vadd.f32 v12, v2;
	v6 =	vsel vm11, v6, v7;
	v7 =	vmul.f32 $2.000000030e-01, v9  }
0x319: {  	v3 =	vmul.f32 $1.442695020e+00, v3;
	vm12 =	vge.f32 v9, $0.0e+00;
	v11 =	vmul.f32 $2.000000030e-01, v8  }
0x31a: {  	vm14 =	vge.f32 v10, $0.0e+00;
	vm13 =	vge.f32 v8, $0.0e+00;
	v7 =	vsel vm12, v9, v7  }
0x31b: {  	v9 =	vmul.f32 $2.000000030e-01, v10;
	v8 =	vsel vm13, v8, v11;
	v11 =	vmul.f32 $2.000000030e-01, v12  }
0x31c: {  	vm15 =	vge.f32 v12, $0.0e+00;
	v4 =	vmul.f32 $1.442695020e+00, v4;
	v5 =	vsub.f32 v5, v6  }
0x31d: {  	v6 =	vsel vm14, v10, v9;
	v7 =	vsub.f32 v7, v8;
	v8 =	vsel vm15, v12, v11  }
0x31e: {  	(erf) = vpow2.f32 v3;
	v3 =	vmul.f32 $1.442695020e+00, v5;
	v5 =	vsub.f32 v6, v8  }
0x31f: {  	(erf) = vpow2.f32 v4;
	v4 =	vmul.f32 $1.442695020e+00, v7  }
0x320: {  	(erf) = vpow2.f32 v3;
	v3 =	vmul.f32 $1.442695020e+00, v5  }
0x321: {  	(erf) = vpow2.f32 v4  }
0x322: {  	(erf) = vpow2.f32 v3;
	_ =	sdelay $0x4  }
0x323: {  	v3 =	vpop (erf)  }
0x324: {  	s9 =	simm.s32 $0x0;
	v4 =	vpop (erf);
	[tilespmem:$0x1080] =	vst v3  }
0x325: {  	s14 =	simm.s32 $0x6;
	v3 =	vpop (erf);
	[tilespmem:$0x1090] =	vst v4;
	v4 =	vmov s9  }
0x326: {  	[tilespmem:$0x10A0] =	vst v3;
	v3 =	vand.u32 $0xFFFFFFF8, v4;
	v4 =	vmov s14;
	v5 =	vpop (erf)  }
0x327: {  	v3 =	vbroadcast v3, $0x0;
	v4 =	vand.u32 $0xFFFFFFFE, v4;
	[tilespmem:$0x10B0] =	vst v5;
	v5 =	vpop (erf)  }
0x328: {  	s15 =	simm.s32 $0x3;
	v4 =	vbroadcast v4, $0x0;
	[tilespmem:$0x10C0] =	vst v5  }
0x329: {  	[spmem:s5] =	stream.indirect.scatter.add.f32 [tilespmem:s7], [sflag:$0xE], $0x1, s16, s31, $0xb8;
	[tilespmem:$0x1CDE8] =	vst v63  }
0x32a: {  	_ =	swait.ge [sflag:s15], $0x2800  }
0x32b: {  	[sflag:s15] =	ssyncset.done $0x0  }
0x32c: {  	[sflag:s15] =	ssyncadd.s32 $0xFFFFD800  }
0x32d: {  	v3 =	vld.idx.msk [tilespmem:v3+s7+$0x0], $0xffff  }
0x32e: {  	s6 =	simm.s32 $0x69F0;
	v4 =	vld.idx.msk [tilespmem:v4+s7+$0x0], $0xffff  }
0x32f: {  	v6 =	vld [tilespmem:s6+$0xFFFFFF80]  }
0x330: {  	v7 =	vld [tilespmem:s6+$0xFFFFFC10]  }
0x331: {  	v8 =	vld [tilespmem:s6+$0xFFFFFC20]  }
0x332: {  	v9 =	vld [tilespmem:s6+$0xFFFFFC30]  }
0x333: {  	s20 =	simm.s32 $0x1;
	v10 =	vld [tilespmem:s6+$0xFFFFFC40]  }
0x334: {  	v5 =	vmov s20;
	v11 =	vld [tilespmem:s6+$0xFFFFFC50]  }
0x335: {  	v5 =	vand.u32 $0xFFFFFFF9, v5;
	v12 =	vld [tilespmem:s6+$0xFFFFFC60]  }
0x336: {  	v5 =	vbroadcast v5, $0x0;
	v13 =	vld [tilespmem:s6+$0xFFFFFC70]  }
0x337: {  	v14 =	vld [tilespmem:s6+$0xFFFFFC80]  }
0x338: {  	v15 =	vld [tilespmem:s6+$0xFFFFFC90]  }
0x339: {  	v16 =	vld [tilespmem:s6+$0xFFFFFCA0];
	v7 =	vmul.f32 v7, v3  }
0x33a: {  	v17 =	vld [tilespmem:s6+$0xFFFFFCB0];
	v6 =	vmul.f32 v6, v4  }
0x33b: {  	v18 =	vld [tilespmem:s6+$0xFFFFFCC0];
	v8 =	vmul.f32 v8, v3;
	[tilespmem:s6+$0xFFFFFC10] =	vst v7  }
0x33c: {  	s14 =	simm.s32 $0x2;
	v5 =	vld.idx.msk [tilespmem:v5+s7+$0x0], $0xffff;
	v10 =	vmul.f32 v10, v3;
	[tilespmem:s6+$0xFFFFFF80] =	vst v6  }
0x33d: {  	v11 =	vmul.f32 v11, v3;
	v7 =	vmov s14;
	v6 =	vmul.f32 v9, v3;
	v9 =	vld [tilespmem:s6+$0xFFFFFCD0];
	[tilespmem:s6+$0xFFFFFC20] =	vst v8  }
0x33e: {  	[tilespmem:s6+$0xFFFFFC40] =	vst v10;
	v10 =	vmul.f32 v12, v3;
	v12 =	vld [tilespmem:s6+$0xFFFFFD00];
	v7 =	vand.u32 $0xFFFFFFFA, v7  }
0x33f: {  	[tilespmem:s6+$0xFFFFFC50] =	vst v11;
	v11 =	vmul.f32 v13, v3;
	v13 =	vld [tilespmem:s6+$0xFFFFFD10];
	v7 =	vbroadcast v7, $0x0  }
0x340: {  	v3 =	vmul.f32 v14, v3;
	v14 =	vld [tilespmem:s6+$0xFFFFFD30];
	[tilespmem:s6+$0xFFFFFC30] =	vst v6  }
0x341: {  	v8 =	vmul.f32 v15, v5;
	v15 =	vld [tilespmem:s6+$0xFFFFFCE0];
	[tilespmem:s6+$0xFFFFFC60] =	vst v10  }
0x342: {  	s15 =	simm.s32 $0x3;
	v6 =	vld [tilespmem:s6+$0xFFFFFCF0];
	[tilespmem:s6+$0xFFFFFC70] =	vst v11  }
0x343: {  	v10 =	vld [tilespmem:s6+$0xFFFFFD20];
	v11 =	vmul.f32 v16, v5;
	[tilespmem:s6+$0xFFFFFC90] =	vst v8;
	v8 =	vmov s15  }
0x344: {  	[tilespmem:s6+$0xFFFFFC80] =	vst v3;
	v3 =	vmul.f32 v17, v5;
	v16 =	vld [tilespmem:s6+$0xFFFFFD40];
	v8 =	vand.u32 $0xFFFFFFFB, v8  }
0x345: {  	[tilespmem:s6+$0xFFFFFCA0] =	vst v11;
	v11 =	vmul.f32 v18, v5;
	v8 =	vbroadcast v8, $0x0;
	v7 =	vld.idx.msk [tilespmem:v7+s7+$0x0], $0xffff  }
0x346: {  	v17 =	vld [tilespmem:s6+$0xFFFFFD50];
	[tilespmem:s6+$0xFFFFFCB0] =	vst v3;
	v9 =	vmul.f32 v9, v5  }
0x347: {  	[tilespmem:s6+$0xFFFFFCC0] =	vst v11;
	v11 =	vld [tilespmem:s6+$0xFFFFFD70];
	v15 =	vmul.f32 v15, v5  }
0x348: {  	[tilespmem:s6+$0xFFFFFCD0] =	vst v9;
	v6 =	vmul.f32 v6, v5;
	v9 =	vld [tilespmem:s6+$0xFFFFFD80]  }
0x349: {  	v5 =	vmul.f32 v12, v5;
	v12 =	vld [tilespmem:s6+$0xFFFFFD90];
	[tilespmem:s6+$0xFFFFFCE0] =	vst v15  }
0x34a: {  	v15 =	vld [tilespmem:s6+$0xFFFFFDC0];
	[tilespmem:s6+$0xFFFFFCF0] =	vst v6;
	v3 =	vmul.f32 v13, v7  }
0x34b: {  	[tilespmem:s6+$0xFFFFFD00] =	vst v5;
	v8 =	vld.idx.msk [tilespmem:v8+s7+$0x0], $0xffff;
	v6 =	vmul.f32 v10, v7  }
0x34c: {  	s20 =	simm.s32 $0x4;
	v13 =	vld [tilespmem:s6+$0xFFFFFD60];
	v5 =	vmul.f32 v14, v7;
	[tilespmem:s6+$0xFFFFFD10] =	vst v3  }
0x34d: {  	v10 =	vld [tilespmem:s6+$0xFFFFFDA0];
	v11 =	vmul.f32 v11, v7;
	v3 =	vmov s20;
	[tilespmem:s6+$0xFFFFFD20] =	vst v6  }
0x34e: {  	v14 =	vld [tilespmem:s6+$0xFFFFFDB0];
	v6 =	vmul.f32 v16, v7;
	[tilespmem:s6+$0xFFFFFD30] =	vst v5;
	v3 =	vand.u32 $0xFFFFFFFC, v3  }
0x34f: {  	v5 =	vmul.f32 v17, v7;
	v16 =	vld [tilespmem:s6+$0xFFFFFDD0];
	[tilespmem:s6+$0xFFFFFD70] =	vst v11;
	v3 =	vbroadcast v3, $0x0  }
0x350: {  	v11 =	vld [tilespmem:s6+$0xFFFFFE10];
	[tilespmem:s6+$0xFFFFFD40] =	vst v6;
	v6 =	vmul.f32 v12, v8  }
0x351: {  	s14 =	simm.s32 $0x5;
	v12 =	vld [tilespmem:s6+$0xFFFFFDE0];
	[tilespmem:s6+$0xFFFFFD50] =	vst v5;
	v13 =	vmul.f32 v13, v7  }
0x352: {  	v5 =	vld [tilespmem:s6+$0xFFFFFDF0];
	v7 =	vmul.f32 v9, v7;
	[tilespmem:s6+$0xFFFFFD90] =	vst v6;
	v6 =	vmov s14  }
0x353: {  	v9 =	vld [tilespmem:s6+$0xFFFFFE00];
	v10 =	vmul.f32 v10, v8;
	[tilespmem:s6+$0xFFFFFD60] =	vst v13;
	v6 =	vand.u32 $0xFFFFFFFD, v6  }
0x354: {  	[tilespmem:s6+$0xFFFFFD80] =	vst v7;
	v7 =	vmul.f32 v14, v8;
	v13 =	vld [tilespmem:s6+$0xFFFFFE20];
	v6 =	vbroadcast v6, $0x0  }
0x355: {  	[tilespmem:s6+$0xFFFFFDA0] =	vst v10;
	v10 =	vmul.f32 v15, v8;
	v3 =	vld.idx.msk [tilespmem:v3+s7+$0x0], $0xffff  }
0x356: {  	v14 =	vld [tilespmem:s6+$0xFFFFFE30];
	[tilespmem:s6+$0xFFFFFDB0] =	vst v7;
	v7 =	vmul.f32 v16, v8  }
0x357: {  	v15 =	vld [tilespmem:s6+$0xFFFFFE40];
	[tilespmem:s6+$0xFFFFFDC0] =	vst v10;
	v10 =	vmul.f32 v12, v8  }
0x358: {  	v12 =	vld [tilespmem:s6+$0xFFFFFE50];
	v5 =	vmul.f32 v5, v8;
	[tilespmem:s6+$0xFFFFFDD0] =	vst v7  }
0x359: {  	v8 =	vmul.f32 v9, v8;
	[tilespmem:s6+$0xFFFFFDE0] =	vst v10;
	v10 =	vld [tilespmem:s6+$0xFFFFFE70]  }
0x35a: {  	[tilespmem:s6+$0xFFFFFDF0] =	vst v5;
	v6 =	vld.idx.msk [tilespmem:v6+s7+$0x0], $0xffff;
	v7 =	vmul.f32 v11, v3  }
0x35b: {  	[tilespmem:s6+$0xFFFFFE00] =	vst v8;
	v11 =	vld [tilespmem:s6+$0xFFFFFE60];
	v8 =	vmul.f32 v14, v3  }
0x35c: {  	v5 =	vmul.f32 v13, v3;
	v13 =	vld [tilespmem:s6+$0xFFFFFEA0];
	[tilespmem:s6+$0xFFFFFE10] =	vst v7  }
0x35d: {  	v9 =	vld [tilespmem:s6+$0xFFFFFE90];
	[tilespmem:s6+$0xFFFFFE30] =	vst v8;
	v8 =	vmul.f32 v12, v3  }
0x35e: {  	v7 =	vld [tilespmem:s6+$0xFFFFFE80];
	[tilespmem:s6+$0xFFFFFE20] =	vst v5;
	v5 =	vmul.f32 v15, v3  }
0x35f: {  	v12 =	vld [tilespmem:s6+$0xFFFFFEB0];
	[tilespmem:s6+$0xFFFFFE50] =	vst v8;
	v8 =	vmul.f32 v10, v3  }
0x360: {  	[tilespmem:s6+$0xFFFFFE40] =	vst v5;
	v10 =	vld [tilespmem:s6+$0xFFFFFED0];
	v5 =	vmul.f32 v11, v3  }
0x361: {  	v11 =	vld [tilespmem:s6+$0xFFFFFEC0];
	v13 =	vmul.f32 v13, v6;
	[tilespmem:s6+$0xFFFFFE70] =	vst v8  }
0x362: {  	s15 =	simm.s32 $0x7;
	v8 =	vld [tilespmem:s6+$0xFFFFFEF0];
	[tilespmem:s6+$0xFFFFFE60] =	vst v5;
	v5 =	vmul.f32 v9, v6  }
0x363: {  	v14 =	vmov s15;
	v9 =	vld [tilespmem:s6+$0xFFFFFEE0];
	v7 =	vmul.f32 v7, v3;
	[tilespmem:s6+$0xFFFFFEA0] =	vst v13  }
0x364: {  	v13 =	vld [tilespmem:s6+$0xFFFFFF60];
	[tilespmem:s6+$0xFFFFFE90] =	vst v5  }
0x365: {  	[tilespmem:s6+$0xFFFFFE80] =	vst v7;
	v5 =	vmul.f32 v12, v6;
	v7 =	vld [tilespmem:s6+$0xFFFFFF00]  }
0x366: {  	v12 =	vld [tilespmem:s6+$0xFFFFFF10];
	v11 =	vmul.f32 v11, v6  }
0x367: {  	[tilespmem:s6+$0xFFFFFEB0] =	vst v5;
	v5 =	vmul.f32 v10, v6;
	v10 =	vld [tilespmem:s6+$0xFFFFFF20]  }
0x368: {  	v3 =	vld.idx.msk [tilespmem:v14+s7+$0x0], $0xffff;
	[tilespmem:s6+$0xFFFFFEC0] =	vst v11;
	v9 =	vmul.f32 v9, v6  }
0x369: {  	v11 =	vld [tilespmem:s6+$0xFFFFFF30];
	v13 =	vmul.f32 v13, v4;
	[tilespmem:s6+$0xFFFFFED0] =	vst v5  }
0x36a: {  	s15 =	simm.s32 $0x9;
	v5 =	vmul.f32 v8, v6;
	v8 =	vld [tilespmem:s6+$0xFFFFFF40];
	[tilespmem:s6+$0xFFFFFEE0] =	vst v9;
	v6 =	vmul.f32 v7, v6  }
0x36b: {  	s20 =	simm.s32 $0x8;
	v14 =	vmov s15;
	v7 =	vld [tilespmem:s6+$0xFFFFFF50];
	[tilespmem:s6+$0xFFFFFF60] =	vst v13  }
0x36c: {  	s14 =	simm.s32 $0xF;
	s15 =	simm.s32 $0xC;
	v9 =	vmov s20;
	v12 =	vmul.f32 v12, v4;
	[tilespmem:s6+$0xFFFFFF00] =	vst v6;
	v6 =	vmul.f32 v10, v4;
	v10 =	vld [tilespmem:s6+$0xFFFFFF70]  }
0x36d: {  	v16 =	vld [tilespmem:s6+$0xFFFFFF90];
	v17 =	vmov s15;
	s20 =	simm.s32 $0xA;
	[tilespmem:s6+$0xFFFFFEF0] =	vst v5;
	v9 =	vand.u32 $0xFFFFFFF8, v9;
	v5 =	vmov s14;
	s14 =	simm.s32 $0xB  }
0x36e: {  	v19 =	vld [tilespmem:s6+$0xFFFFFFA0];
	v15 =	vmov s20;
	s20 =	simm.s32 $0xD;
	[tilespmem:s6+$0xFFFFFF10] =	vst v12;
	v12 =	vmov s14;
	v11 =	vmul.f32 v11, v4  }
0x36f: {  	v63 =	vmov s20;
	[tilespmem:s6+$0xFFFFFF20] =	vst v6;
	v18 =	vmul.f32 v8, v4;
	v6 =	vbroadcast v9, $0x0;
	v8 =	vld [tilespmem:s6+$0xFFFFFFB0]  }
0x370: {  	v9 =	vld [tilespmem:s6+$0xFFFFFFC0];
	[tilespmem:s6+$0xFFFFFF30] =	vst v11;
	v11 =	vmul.f32 v7, v4;
	v7 =	vand.u32 $0xFFFFFFF9, v14;
	v14 =	vand.u32 $0xFFFFFFFA, v15  }
0x371: {  	v15 =	vand.u32 $0xFFFFFFFB, v12;
	[tilespmem:s6+$0xFFFFFF40] =	vst v18;
	v7 =	vbroadcast v7, $0x0;
	v18 =	vmul.f32 v10, v4;
	v10 =	vld [tilespmem:s6+$0xFFFFFFD0]  }
0x372: {  	v12 =	vbroadcast v14, $0x0;
	[tilespmem:s6+$0xFFFFFF50] =	vst v11;
	v4 =	vand.u32 $0xFFFFFFFC, v17;
	v17 =	vmul.f32 v16, v3;
	v11 =	vld [tilespmem:s6+$0xFFFFFFE0]  }
0x373: {  	s9 =	simm.s32 $0x10;
	v13 =	vld [tilespmem:s6+$0xFFFFFFF0];
	s14 =	simm.s32 $0xE;
	v14 =	vbroadcast v15, $0x0;
	v15 =	vmul.f32 v19, v3;
	v16 =	vand.u32 $0xFFFFFFFD, v63;
	[tilespmem:s6+$0xFFFFFF70] =	vst v18  }
.LBB2_13:
0x374: {  	p2 =	slt.u32 s9, $0x48;
	v4 =	vbroadcast v4, $0x0;
	v18 =	vmov s14;
	[tilespmem:s6+$0xFFFFFF90] =	vst v17;
	v8 =	vmul.f32 v8, v3;
	v17 =	vld [tilespmem:s6+$0x0]  }
0x375: {  	v16 =	vbroadcast v16, $0x0;
	v18 =	vand.u32 $0xFFFFFFFE, v18;
	v19 =	vld.idx.msk [tilespmem:v5+s7+$0x0], $0xffff;
	[tilespmem:s6+$0xFFFFFFA0] =	vst v15;
	v5 =	vmul.f32 v9, v3  }
0x376: {  	v9 =	vld.idx.msk [tilespmem:v6+s7+$0x0], $0xffff;
	v15 =	vbroadcast v18, $0x0;
	[tilespmem:s6+$0xFFFFFFB0] =	vst v8;
	v6 =	vmul.f32 v10, v3  }
0x377: {  	v8 =	vld.idx.msk [tilespmem:v7+s7+$0x0], $0xffff;
	[tilespmem:s6+$0xFFFFFFC0] =	vst v5;
	v5 =	vmul.f32 v11, v3  }
0x378: {  	v10 =	vld.idx.msk [tilespmem:v12+s7+$0x0], $0xffff;
	[tilespmem:s6+$0xFFFFFFD0] =	vst v6;
	v11 =	vmul.f32 v13, v3  }
0x379: {  	v7 =	vld.idx.msk [tilespmem:v14+s7+$0x0], $0xffff;
	[tilespmem:s6+$0xFFFFFFE0] =	vst v5;
	v12 =	vmul.f32 v17, v3  }
0x37a: {  	v6 =	vld.idx.msk [tilespmem:v4+s7+$0x0], $0xffff;
	[tilespmem:s6+$0xFFFFFFF0] =	vst v11  }
0x37b: {  	v3 =	vmov v19;
	v5 =	vld.idx.msk [tilespmem:v16+s7+$0x0], $0xffff;
	[tilespmem:s6+$0x0] =	vst v12  }
0x37c: {  	s6 =	sadd.s32 $0x400, s6;
	v4 =	vld.idx.msk [tilespmem:v15+s7+$0x0], $0xffff  }
0x37d: {  	v11 =	vld [tilespmem:s6+$0xFFFFFF80]  }
0x37e: {  	v12 =	vld [tilespmem:s6+$0xFFFFFC10]  }
0x37f: {  	v13 =	vld [tilespmem:s6+$0xFFFFFC20]  }
0x380: {  	v14 =	vld [tilespmem:s6+$0xFFFFFC30]  }
0x381: {  	v15 =	vld [tilespmem:s6+$0xFFFFFC40]  }
0x382: {  	v16 =	vld [tilespmem:s6+$0xFFFFFC50];
	v11 =	vmul.f32 v11, v4  }
0x383: {  	v12 =	vmul.f32 v12, v9;
	v17 =	vld [tilespmem:s6+$0xFFFFFC60]  }
0x384: {  	v13 =	vmul.f32 v13, v9;
	v18 =	vld [tilespmem:s6+$0xFFFFFC70];
	[tilespmem:s6+$0xFFFFFF80] =	vst v11  }
0x385: {  	[tilespmem:s6+$0xFFFFFC10] =	vst v12;
	v11 =	vmul.f32 v14, v9;
	v12 =	vld [tilespmem:s6+$0xFFFFFC80]  }
0x386: {  	[tilespmem:s6+$0xFFFFFC20] =	vst v13;
	v13 =	vmul.f32 v15, v9;
	v14 =	vld [tilespmem:s6+$0xFFFFFC90]  }
0x387: {  	[tilespmem:s6+$0xFFFFFC30] =	vst v11;
	v11 =	vmul.f32 v16, v9;
	v15 =	vld [tilespmem:s6+$0xFFFFFCA0]  }
0x388: {  	[tilespmem:s6+$0xFFFFFC40] =	vst v13;
	v13 =	vmul.f32 v17, v9;
	v16 =	vld [tilespmem:s6+$0xFFFFFCB0]  }
0x389: {  	[tilespmem:s6+$0xFFFFFC50] =	vst v11;
	v11 =	vmul.f32 v18, v9;
	v17 =	vld [tilespmem:s6+$0xFFFFFCC0]  }
0x38a: {  	[tilespmem:s6+$0xFFFFFC60] =	vst v13;
	v9 =	vmul.f32 v12, v9;
	v12 =	vld [tilespmem:s6+$0xFFFFFCD0]  }
0x38b: {  	[tilespmem:s6+$0xFFFFFC70] =	vst v11;
	v11 =	vmul.f32 v14, v8;
	v13 =	vld [tilespmem:s6+$0xFFFFFCE0]  }
0x38c: {  	[tilespmem:s6+$0xFFFFFC80] =	vst v9;
	v9 =	vmul.f32 v15, v8;
	v14 =	vld [tilespmem:s6+$0xFFFFFCF0]  }
0x38d: {  	[tilespmem:s6+$0xFFFFFC90] =	vst v11;
	v11 =	vmul.f32 v16, v8;
	v15 =	vld [tilespmem:s6+$0xFFFFFD00]  }
0x38e: {  	[tilespmem:s6+$0xFFFFFCA0] =	vst v9;
	v9 =	vmul.f32 v17, v8;
	v16 =	vld [tilespmem:s6+$0xFFFFFD10]  }
0x38f: {  	[tilespmem:s6+$0xFFFFFCB0] =	vst v11;
	v11 =	vmul.f32 v12, v8;
	v12 =	vld [tilespmem:s6+$0xFFFFFD20]  }
0x390: {  	[tilespmem:s6+$0xFFFFFCC0] =	vst v9;
	v9 =	vmul.f32 v13, v8;
	v13 =	vld [tilespmem:s6+$0xFFFFFD30]  }
0x391: {  	[tilespmem:s6+$0xFFFFFCD0] =	vst v11;
	v11 =	vmul.f32 v14, v8;
	v14 =	vld [tilespmem:s6+$0xFFFFFD40]  }
0x392: {  	[tilespmem:s6+$0xFFFFFCE0] =	vst v9;
	v8 =	vmul.f32 v15, v8;
	v9 =	vld [tilespmem:s6+$0xFFFFFD50]  }
0x393: {  	[tilespmem:s6+$0xFFFFFCF0] =	vst v11;
	v11 =	vmul.f32 v16, v10;
	v15 =	vld [tilespmem:s6+$0xFFFFFD60]  }
0x394: {  	[tilespmem:s6+$0xFFFFFD00] =	vst v8;
	v8 =	vmul.f32 v12, v10;
	v12 =	vld [tilespmem:s6+$0xFFFFFD70]  }
0x395: {  	[tilespmem:s6+$0xFFFFFD10] =	vst v11;
	v11 =	vmul.f32 v13, v10;
	v13 =	vld [tilespmem:s6+$0xFFFFFD80]  }
0x396: {  	[tilespmem:s6+$0xFFFFFD20] =	vst v8;
	v8 =	vmul.f32 v14, v10;
	v14 =	vld [tilespmem:s6+$0xFFFFFD90]  }
0x397: {  	[tilespmem:s6+$0xFFFFFD30] =	vst v11;
	v9 =	vmul.f32 v9, v10;
	v11 =	vld [tilespmem:s6+$0xFFFFFDA0]  }
0x398: {  	[tilespmem:s6+$0xFFFFFD40] =	vst v8;
	v8 =	vmul.f32 v15, v10;
	v15 =	vld [tilespmem:s6+$0xFFFFFDB0]  }
0x399: {  	[tilespmem:s6+$0xFFFFFD50] =	vst v9;
	v9 =	vmul.f32 v12, v10;
	v12 =	vld [tilespmem:s6+$0xFFFFFDC0]  }
0x39a: {  	[tilespmem:s6+$0xFFFFFD60] =	vst v8;
	v8 =	vmul.f32 v13, v10;
	v10 =	vld [tilespmem:s6+$0xFFFFFDD0]  }
0x39b: {  	[tilespmem:s6+$0xFFFFFD70] =	vst v9;
	v9 =	vmul.f32 v14, v7;
	v13 =	vld [tilespmem:s6+$0xFFFFFDE0]  }
0x39c: {  	[tilespmem:s6+$0xFFFFFD80] =	vst v8;
	v8 =	vmul.f32 v11, v7;
	v11 =	vld [tilespmem:s6+$0xFFFFFDF0]  }
0x39d: {  	[tilespmem:s6+$0xFFFFFD90] =	vst v9;
	v9 =	vmul.f32 v15, v7;
	v14 =	vld [tilespmem:s6+$0xFFFFFE00]  }
0x39e: {  	[tilespmem:s6+$0xFFFFFDA0] =	vst v8;
	v8 =	vmul.f32 v12, v7;
	v12 =	vld [tilespmem:s6+$0xFFFFFE10]  }
0x39f: {  	[tilespmem:s6+$0xFFFFFDB0] =	vst v9;
	v9 =	vmul.f32 v10, v7;
	v10 =	vld [tilespmem:s6+$0xFFFFFE20]  }
0x3a0: {  	[tilespmem:s6+$0xFFFFFDC0] =	vst v8;
	v8 =	vmul.f32 v13, v7;
	v13 =	vld [tilespmem:s6+$0xFFFFFE30]  }
0x3a1: {  	[tilespmem:s6+$0xFFFFFDD0] =	vst v9;
	v9 =	vmul.f32 v11, v7;
	v11 =	vld [tilespmem:s6+$0xFFFFFE40]  }
0x3a2: {  	[tilespmem:s6+$0xFFFFFDE0] =	vst v8;
	v7 =	vmul.f32 v14, v7;
	v8 =	vld [tilespmem:s6+$0xFFFFFE50]  }
0x3a3: {  	[tilespmem:s6+$0xFFFFFDF0] =	vst v9;
	v9 =	vmul.f32 v12, v6;
	v12 =	vld [tilespmem:s6+$0xFFFFFE60]  }
0x3a4: {  	[tilespmem:s6+$0xFFFFFE00] =	vst v7;
	v7 =	vmul.f32 v10, v6;
	v10 =	vld [tilespmem:s6+$0xFFFFFE70]  }
0x3a5: {  	[tilespmem:s6+$0xFFFFFE10] =	vst v9;
	v9 =	vmul.f32 v13, v6;
	v13 =	vld [tilespmem:s6+$0xFFFFFE80]  }
0x3a6: {  	[tilespmem:s6+$0xFFFFFE20] =	vst v7;
	v7 =	vmul.f32 v11, v6;
	v11 =	vld [tilespmem:s6+$0xFFFFFE90]  }
0x3a7: {  	[tilespmem:s6+$0xFFFFFE30] =	vst v9;
	v8 =	vmul.f32 v8, v6;
	v9 =	vld [tilespmem:s6+$0xFFFFFEA0]  }
0x3a8: {  	[tilespmem:s6+$0xFFFFFE40] =	vst v7;
	v7 =	vmul.f32 v12, v6;
	v12 =	vld [tilespmem:s6+$0xFFFFFEB0]  }
0x3a9: {  	[tilespmem:s6+$0xFFFFFE50] =	vst v8;
	v8 =	vmul.f32 v10, v6;
	v10 =	vld [tilespmem:s6+$0xFFFFFEC0]  }
0x3aa: {  	[tilespmem:s6+$0xFFFFFE60] =	vst v7;
	v6 =	vmul.f32 v13, v6;
	v7 =	vld [tilespmem:s6+$0xFFFFFED0]  }
0x3ab: {  	[tilespmem:s6+$0xFFFFFE70] =	vst v8;
	v8 =	vmul.f32 v11, v5;
	v11 =	vld [tilespmem:s6+$0xFFFFFEE0]  }
0x3ac: {  	[tilespmem:s6+$0xFFFFFE80] =	vst v6;
	v6 =	vmul.f32 v9, v5;
	v9 =	vld [tilespmem:s6+$0xFFFFFEF0]  }
0x3ad: {  	[tilespmem:s6+$0xFFFFFE90] =	vst v8;
	v8 =	vmul.f32 v12, v5;
	v12 =	vld [tilespmem:s6+$0xFFFFFF00]  }
0x3ae: {  	[tilespmem:s6+$0xFFFFFEA0] =	vst v6;
	v6 =	vmul.f32 v10, v5;
	v10 =	vld [tilespmem:s6+$0xFFFFFF10]  }
0x3af: {  	[tilespmem:s6+$0xFFFFFEB0] =	vst v8;
	v7 =	vmul.f32 v7, v5;
	v8 =	vld [tilespmem:s6+$0xFFFFFF20]  }
0x3b0: {  	[tilespmem:s6+$0xFFFFFEC0] =	vst v6;
	v6 =	vmul.f32 v11, v5;
	v11 =	vld [tilespmem:s6+$0xFFFFFF30]  }
0x3b1: {  	[tilespmem:s6+$0xFFFFFED0] =	vst v7;
	v7 =	vmul.f32 v9, v5;
	v9 =	vld [tilespmem:s6+$0xFFFFFF40]  }
0x3b2: {  	[tilespmem:s6+$0xFFFFFEE0] =	vst v6;
	v6 =	vmul.f32 v12, v5;
	v12 =	vld [tilespmem:s6+$0xFFFFFF50]  }
0x3b3: {  	s14 =	sadd.s32 $0x7, s9;
	v5 =	vmov s9;
	[tilespmem:s6+$0xFFFFFEF0] =	vst v7;
	v7 =	vmul.f32 v10, v4;
	v10 =	vld [tilespmem:s6+$0xFFFFFF60]  }
0x3b4: {  	s15 =	sadd.s32 $0x1, s9;
	s20 =	sadd.s32 $0x2, s9;
	v13 =	vand.u32 $0xFFFFFFF8, v5;
	v5 =	vmov s14;
	[tilespmem:s6+$0xFFFFFF00] =	vst v6;
	v6 =	vmul.f32 v8, v4;
	v14 =	vld [tilespmem:s6+$0xFFFFFF70]  }
0x3b5: {  	v16 =	vmov s20;
	v15 =	vmov s15;
	s15 =	sadd.s32 $0x4, s9;
	s14 =	sadd.s32 $0x3, s9;
	[tilespmem:s6+$0xFFFFFF10] =	vst v7;
	v7 =	vmul.f32 v11, v4;
	v11 =	vld [tilespmem:s6+$0xFFFFFF90]  }
0x3b6: {  	v18 =	vmov s15;
	v17 =	vmov s14;
	s14 =	sadd.s32 $0x5, s9;
	[tilespmem:s6+$0xFFFFFF20] =	vst v6;
	v9 =	vmul.f32 v9, v4;
	v19 =	vld [tilespmem:s6+$0xFFFFFFA0]  }
.Ltmp5:
0x3b7: {  	v6 =	vbroadcast v13, $0x0;
	v13 =	vmov s14;
	[tilespmem:s6+$0xFFFFFF30] =	vst v7;
	v12 =	vmul.f32 v12, v4;
	v8 =	vld [tilespmem:s6+$0xFFFFFFB0];
	(pc) =	sbr.rel @p2 .LBB2_13-.Ltmp5, $4  }
0x3b8: {  	v7 =	vand.u32 $0xFFFFFFF9, v15;
	v15 =	vand.u32 $0xFFFFFFFA, v16;
	[tilespmem:s6+$0xFFFFFF40] =	vst v9;
	v16 =	vmul.f32 v10, v4;
	v9 =	vld [tilespmem:s6+$0xFFFFFFC0]  }
0x3b9: {  	v20 =	vand.u32 $0xFFFFFFFB, v17;
	v7 =	vbroadcast v7, $0x0;
	[tilespmem:s6+$0xFFFFFF50] =	vst v12;
	v21 =	vmul.f32 v14, v4;
	v10 =	vld [tilespmem:s6+$0xFFFFFFD0]  }
0x3ba: {  	v12 =	vbroadcast v15, $0x0;
	v4 =	vand.u32 $0xFFFFFFFC, v18;
	[tilespmem:s6+$0xFFFFFF60] =	vst v16;
	v17 =	vmul.f32 v11, v3;
	v11 =	vld [tilespmem:s6+$0xFFFFFFE0]  }
0x3bb: {  	s14 =	sadd.s32 $0x6, s9;
	s9 =	sadd.s32 $0x8, s9;
	v14 =	vbroadcast v20, $0x0;
	v16 =	vand.u32 $0xFFFFFFFD, v13;
	[tilespmem:s6+$0xFFFFFF70] =	vst v21;
	v15 =	vmul.f32 v19, v3;
	v13 =	vld [tilespmem:s6+$0xFFFFFFF0]  }
0x3bc: {  	_ =	sdelay $0x2  }
0x3bd: {  	v18 =	vld [tilespmem:s6+$0x0]  }
0x3be: {  	v20 =	vld.idx.msk [tilespmem:v6+s7+$0x0], $0xffff  }
0x3bf: {  	[tilespmem:s6+$0xFFFFFF90] =	vst v17;
	v17 =	vbroadcast v4, $0x0;
	v4 =	vmov s14;
	v12 =	vld.idx.msk [tilespmem:v12+s7+$0x0], $0xffff  }
0x3c0: {  	v19 =	vand.u32 $0xFFFFFFFE, v4;
	v4 =	vld.idx.msk [tilespmem:v5+s7+$0x0], $0xffff  }
0x3c1: {  	s9 =	sadd.s32 $0x400, s6;
	v14 =	vld.idx.msk [tilespmem:v14+s7+$0x0], $0xffff  }
0x3c2: {  	v16 =	vbroadcast v16, $0x0;
	v8 =	vmul.f32 v8, v3;
	[tilespmem:s6+$0xFFFFFFA0] =	vst v15;
	v15 =	vld [tilespmem:s9+$0xFFFFFF80]  }
0x3c3: {  	v9 =	vmul.f32 v9, v3;
	v5 =	vbroadcast v19, $0x0;
	v19 =	vld.idx.msk [tilespmem:v7+s7+$0x0], $0xffff  }
0x3c4: {  	[tilespmem:s6+$0xFFFFFFB0] =	vst v8;
	v8 =	vmul.f32 v10, v3;
	v10 =	vld [tilespmem:s9+$0xFFFFFC10]  }
0x3c5: {  	[tilespmem:s6+$0xFFFFFFC0] =	vst v9;
	v9 =	vmul.f32 v11, v3;
	v11 =	vld [tilespmem:s9+$0xFFFFFC20]  }
0x3c6: {  	[tilespmem:s6+$0xFFFFFFD0] =	vst v8;
	v8 =	vmul.f32 v13, v3;
	v13 =	vld [tilespmem:s9+$0xFFFFFC30]  }
0x3c7: {  	[tilespmem:s6+$0xFFFFFFE0] =	vst v9;
	v9 =	vld [tilespmem:s9+$0xFFFFFC40]  }
0x3c8: {  	v7 =	vld.idx.msk [tilespmem:v17+s7+$0x0], $0xffff  }
0x3c9: {  	v3 =	vmul.f32 v18, v3;
	v6 =	vld.idx.msk [tilespmem:v16+s7+$0x0], $0xffff  }
0x3ca: {  	[tilespmem:s6+$0xFFFFFFF0] =	vst v8;
	v8 =	vld [tilespmem:s9+$0xFFFFFC50]  }
0x3cb: {  	[tilespmem:s6+$0x0] =	vst v3;
	v3 =	vmul.f32 v10, v20;
	v5 =	vld.idx.msk [tilespmem:v5+s7+$0x0], $0xffff  }
0x3cc: {  	v10 =	vld [tilespmem:s9+$0xFFFFFC60];
	v11 =	vmul.f32 v11, v20  }
0x3cd: {  	v16 =	vld [tilespmem:s9+$0xFFFFFC70];
	[tilespmem:s9+$0xFFFFFC10] =	vst v3;
	v3 =	vmul.f32 v13, v20  }
0x3ce: {  	v13 =	vld [tilespmem:s9+$0xFFFFFC80];
	[tilespmem:s9+$0xFFFFFC20] =	vst v11;
	v9 =	vmul.f32 v9, v20  }
0x3cf: {  	v11 =	vld [tilespmem:s9+$0xFFFFFC90];
	[tilespmem:s9+$0xFFFFFC30] =	vst v3;
	v3 =	vmul.f32 v8, v20  }
0x3d0: {  	v8 =	vld [tilespmem:s9+$0xFFFFFCA0];
	[tilespmem:s9+$0xFFFFFC40] =	vst v9;
	v15 =	vmul.f32 v15, v5  }
0x3d1: {  	v9 =	vmul.f32 v10, v20;
	v10 =	vld [tilespmem:s9+$0xFFFFFCB0];
	[tilespmem:s9+$0xFFFFFC50] =	vst v3  }
0x3d2: {  	v3 =	vmul.f32 v16, v20;
	[tilespmem:s9+$0xFFFFFF80] =	vst v15;
	v15 =	vld [tilespmem:s9+$0xFFFFFCC0]  }
0x3d3: {  	[tilespmem:s9+$0xFFFFFC60] =	vst v9;
	v9 =	vmul.f32 v13, v20;
	v13 =	vld [tilespmem:s9+$0xFFFFFCD0]  }
0x3d4: {  	[tilespmem:s9+$0xFFFFFC70] =	vst v3;
	v3 =	vmul.f32 v11, v19;
	v11 =	vld [tilespmem:s9+$0xFFFFFCE0]  }
0x3d5: {  	[tilespmem:s9+$0xFFFFFC80] =	vst v9;
	v8 =	vmul.f32 v8, v19;
	v9 =	vld [tilespmem:s9+$0xFFFFFCF0]  }
0x3d6: {  	[tilespmem:s9+$0xFFFFFC90] =	vst v3;
	v3 =	vmul.f32 v10, v19;
	v10 =	vld [tilespmem:s9+$0xFFFFFD00]  }
0x3d7: {  	[tilespmem:s9+$0xFFFFFCA0] =	vst v8;
	v8 =	vmul.f32 v15, v19;
	v15 =	vld [tilespmem:s9+$0xFFFFFD10]  }
0x3d8: {  	[tilespmem:s9+$0xFFFFFCB0] =	vst v3;
	v3 =	vmul.f32 v13, v19;
	v13 =	vld [tilespmem:s9+$0xFFFFFD20]  }
0x3d9: {  	[tilespmem:s9+$0xFFFFFCC0] =	vst v8;
	v8 =	vmul.f32 v11, v19;
	v11 =	vld [tilespmem:s9+$0xFFFFFD30]  }
0x3da: {  	[tilespmem:s9+$0xFFFFFCD0] =	vst v3;
	v3 =	vmul.f32 v9, v19;
	v9 =	vld [tilespmem:s9+$0xFFFFFD40]  }
0x3db: {  	[tilespmem:s9+$0xFFFFFCE0] =	vst v8;
	v8 =	vmul.f32 v10, v19;
	v10 =	vld [tilespmem:s9+$0xFFFFFD50]  }
0x3dc: {  	[tilespmem:s9+$0xFFFFFCF0] =	vst v3;
	v3 =	vmul.f32 v15, v12;
	v15 =	vld [tilespmem:s9+$0xFFFFFD60]  }
0x3dd: {  	[tilespmem:s9+$0xFFFFFD00] =	vst v8;
	v8 =	vmul.f32 v13, v12;
	v13 =	vld [tilespmem:s9+$0xFFFFFD70]  }
0x3de: {  	[tilespmem:s9+$0xFFFFFD10] =	vst v3;
	v3 =	vmul.f32 v11, v12;
	v11 =	vld [tilespmem:s9+$0xFFFFFD80]  }
0x3df: {  	[tilespmem:s9+$0xFFFFFD20] =	vst v8;
	v8 =	vmul.f32 v9, v12;
	v9 =	vld [tilespmem:s9+$0xFFFFFD90]  }
0x3e0: {  	[tilespmem:s9+$0xFFFFFD30] =	vst v3;
	v3 =	vmul.f32 v10, v12;
	v10 =	vld [tilespmem:s9+$0xFFFFFDA0]  }
0x3e1: {  	[tilespmem:s9+$0xFFFFFD40] =	vst v8;
	v8 =	vmul.f32 v15, v12;
	v15 =	vld [tilespmem:s9+$0xFFFFFDB0]  }
0x3e2: {  	[tilespmem:s9+$0xFFFFFD50] =	vst v3;
	v3 =	vmul.f32 v13, v12;
	v13 =	vld [tilespmem:s9+$0xFFFFFDC0]  }
0x3e3: {  	[tilespmem:s9+$0xFFFFFD60] =	vst v8;
	v8 =	vmul.f32 v11, v12;
	v11 =	vld [tilespmem:s9+$0xFFFFFDD0]  }
0x3e4: {  	[tilespmem:s9+$0xFFFFFD70] =	vst v3;
	v3 =	vmul.f32 v9, v14;
	v9 =	vld [tilespmem:s9+$0xFFFFFDE0]  }
0x3e5: {  	[tilespmem:s9+$0xFFFFFD80] =	vst v8;
	v8 =	vmul.f32 v10, v14;
	v10 =	vld [tilespmem:s9+$0xFFFFFDF0]  }
0x3e6: {  	v12 =	vld [tilespmem:s9+$0xFFFFFE00];
	[tilespmem:s9+$0xFFFFFD90] =	vst v3;
	v3 =	vmul.f32 v15, v14  }
0x3e7: {  	[tilespmem:s9+$0xFFFFFDA0] =	vst v8;
	v8 =	vmul.f32 v13, v14;
	v13 =	vld [tilespmem:s9+$0xFFFFFE10]  }
0x3e8: {  	[tilespmem:s9+$0xFFFFFDB0] =	vst v3;
	v3 =	vmul.f32 v11, v14;
	v11 =	vld [tilespmem:s9+$0xFFFFFE20]  }
0x3e9: {  	[tilespmem:s9+$0xFFFFFDC0] =	vst v8;
	v8 =	vmul.f32 v9, v14;
	v9 =	vld [tilespmem:s9+$0xFFFFFE30]  }
0x3ea: {  	[tilespmem:s9+$0xFFFFFDD0] =	vst v3;
	v3 =	vmul.f32 v10, v14;
	v10 =	vld [tilespmem:s9+$0xFFFFFE40]  }
0x3eb: {  	[tilespmem:s9+$0xFFFFFDE0] =	vst v8;
	v8 =	vmul.f32 v12, v14;
	v12 =	vld [tilespmem:s9+$0xFFFFFE50]  }
0x3ec: {  	[tilespmem:s9+$0xFFFFFDF0] =	vst v3;
	v3 =	vmul.f32 v13, v7;
	v13 =	vld [tilespmem:s9+$0xFFFFFE60]  }
0x3ed: {  	[tilespmem:s9+$0xFFFFFE00] =	vst v8;
	v8 =	vmul.f32 v11, v7;
	v11 =	vld [tilespmem:s9+$0xFFFFFE70]  }
0x3ee: {  	[tilespmem:s9+$0xFFFFFE10] =	vst v3;
	v3 =	vmul.f32 v9, v7;
	v9 =	vld [tilespmem:s9+$0xFFFFFE80]  }
0x3ef: {  	[tilespmem:s9+$0xFFFFFE20] =	vst v8;
	v8 =	vmul.f32 v10, v7;
	v10 =	vld [tilespmem:s9+$0xFFFFFE90]  }
0x3f0: {  	[tilespmem:s9+$0xFFFFFE30] =	vst v3;
	v3 =	vmul.f32 v12, v7;
	v12 =	vld [tilespmem:s9+$0xFFFFFEA0]  }
0x3f1: {  	[tilespmem:s9+$0xFFFFFE40] =	vst v8;
	v8 =	vmul.f32 v13, v7;
	v13 =	vld [tilespmem:s9+$0xFFFFFEB0]  }
0x3f2: {  	[tilespmem:s9+$0xFFFFFE50] =	vst v3;
	v3 =	vmul.f32 v11, v7;
	v11 =	vld [tilespmem:s9+$0xFFFFFEC0]  }
0x3f3: {  	[tilespmem:s9+$0xFFFFFE60] =	vst v8;
	v7 =	vmul.f32 v9, v7;
	v8 =	vld [tilespmem:s9+$0xFFFFFED0]  }
0x3f4: {  	v9 =	vld [tilespmem:s9+$0xFFFFFEE0];
	[tilespmem:s9+$0xFFFFFE70] =	vst v3;
	v3 =	vmul.f32 v10, v6  }
0x3f5: {  	v10 =	vld [tilespmem:s9+$0xFFFFFEF0];
	[tilespmem:s9+$0xFFFFFE80] =	vst v7;
	v7 =	vmul.f32 v12, v6  }
0x3f6: {  	v12 =	vld [tilespmem:s9+$0xFFFFFF00];
	[tilespmem:s9+$0xFFFFFE90] =	vst v3;
	v3 =	vmul.f32 v13, v6  }
0x3f7: {  	[tilespmem:s9+$0xFFFFFEA0] =	vst v7;
	v7 =	vmul.f32 v11, v6;
	v11 =	vld [tilespmem:s9+$0xFFFFFF10]  }
0x3f8: {  	[tilespmem:s9+$0xFFFFFEB0] =	vst v3;
	v3 =	vmul.f32 v8, v6;
	v8 =	vld [tilespmem:s9+$0xFFFFFF20]  }
0x3f9: {  	[tilespmem:s9+$0xFFFFFEC0] =	vst v7;
	v7 =	vmul.f32 v9, v6;
	v9 =	vld [tilespmem:s9+$0xFFFFFF30]  }
0x3fa: {  	[tilespmem:s9+$0xFFFFFED0] =	vst v3;
	v3 =	vmul.f32 v10, v6;
	v10 =	vld [tilespmem:s9+$0xFFFFFF40]  }
0x3fb: {  	v6 =	vmul.f32 v12, v6;
	[tilespmem:s9+$0xFFFFFEE0] =	vst v7;
	v7 =	vld [tilespmem:s9+$0xFFFFFF50]  }
0x3fc: {  	[tilespmem:s9+$0xFFFFFEF0] =	vst v3;
	v3 =	vmul.f32 v11, v5;
	v11 =	vld [tilespmem:s9+$0xFFFFFF60]  }
0x3fd: {  	[tilespmem:s9+$0xFFFFFF00] =	vst v6;
	v6 =	vmul.f32 v8, v5;
	v8 =	vld [tilespmem:s9+$0xFFFFFF70]  }
0x3fe: {  	[tilespmem:s9+$0xFFFFFF10] =	vst v3;
	v3 =	vmul.f32 v9, v5;
	v9 =	vld [tilespmem:s9+$0xFFFFFF90]  }
0x3ff: {  	[tilespmem:s9+$0xFFFFFF20] =	vst v6;
	v6 =	vmul.f32 v10, v5;
	v10 =	vld [tilespmem:s9+$0xFFFFFFA0]  }
0x400: {  	[tilespmem:s9+$0xFFFFFF30] =	vst v3;
	v3 =	vmul.f32 v7, v5;
	v7 =	vld [tilespmem:s9+$0xFFFFFFB0]  }
0x401: {  	[tilespmem:s9+$0xFFFFFF40] =	vst v6;
	v6 =	vmul.f32 v11, v5;
	v11 =	vld [tilespmem:s9+$0xFFFFFFC0]  }
0x402: {  	[tilespmem:s9+$0xFFFFFF50] =	vst v3;
	v3 =	vmul.f32 v8, v5;
	v5 =	vld [tilespmem:s9+$0xFFFFFFD0]  }
0x403: {  	v8 =	vld [tilespmem:s9+$0xFFFFFFE0];
	[tilespmem:s9+$0xFFFFFF60] =	vst v6;
	v6 =	vmul.f32 v9, v4  }
0x404: {  	v9 =	vld [tilespmem:s9+$0xFFFFFFF0];
	[tilespmem:s9+$0xFFFFFF70] =	vst v3;
	v3 =	vmul.f32 v10, v4  }
0x405: {  	[tilespmem:s9+$0xFFFFFF90] =	vst v6;
	v6 =	vmul.f32 v7, v4;
	v7 =	vld [tilespmem:s9+$0x0]  }
0x406: {  	[tilespmem:s9+$0xFFFFFFA0] =	vst v3;
	v3 =	vmul.f32 v11, v4  }
0x407: {  	[tilespmem:s9+$0xFFFFFFB0] =	vst v6;
	v5 =	vmul.f32 v5, v4  }
0x408: {  	[tilespmem:s9+$0xFFFFFFC0] =	vst v3;
	v3 =	vmul.f32 v8, v4  }
0x409: {  	[tilespmem:s9+$0xFFFFFFD0] =	vst v5;
	v5 =	vmul.f32 v9, v4  }
0x40a: {  	[tilespmem:s9+$0xFFFFFFE0] =	vst v3;
	v3 =	vmul.f32 v7, v4  }
0x40b: {  	[tilespmem:s9+$0xFFFFFFF0] =	vst v5  }
0x40c: {  	s20 =	simm.s32 $0x6600;
	[tilespmem:s9+$0x0] =	vst v3  }
0x40d: {  	[spmem:s2] =	stream.indirect.scatter.add.f32 [tilespmem:s20], [sflag:$0x6], $0x80, s16, s31, $0xb8;
	[tilespmem:$0x1CDE8] =	vst v63  }
0x40e: {  	_ =	swait.ge [sflag:s23], $0x50  }
0x40f: {  	[sflag:s23] =	ssyncset.done $0x0  }
0x410: {  	[sflag:s23] =	ssyncadd.s32 $0xFFFFFFB0  }
0x411: {  	_ =	swait.ge [sflag:s24], $0x50  }
0x412: {  	[sflag:s24] =	ssyncset.done $0x0  }
0x413: {  	[sflag:s24] =	ssyncadd.s32 $0xFFFFFFB0  }
0x414: {  	_ =	swait.ge [sflag:s21], $0x50  }
0x415: {  	[sflag:s21] =	ssyncset.done $0x0  }
0x416: {  	[sflag:s21] =	ssyncadd.s32 $0xFFFFFFB0  }
0x417: {  	v3 =	vld [tilespmem:$0x1200]  }
0x418: {  	v4 =	vld [tilespmem:$0x1400]  }
0x419: {  	v5 =	vld [tilespmem:$0x1210]  }
0x41a: {  	v6 =	vld [tilespmem:$0x1410];
	_ =	sdelay $0x1  }
0x41b: {  	v7 =	vld [tilespmem:$0x1220]  }
0x41c: {  	v8 =	vld [tilespmem:$0x1420];
	v4 =	vadd.f32 v4, v3;
	v3 =	vadd.f32 v3, v2  }
0x41d: {  	v11 =	vld [tilespmem:$0x1230]  }
0x41e: {  	v12 =	vld [tilespmem:$0x1240];
	v6 =	vadd.f32 v6, v5;
	v9 =	vmul.f32 $2.000000030e-01, v4;
	v10 =	vmul.f32 $2.000000030e-01, v3  }
0x41f: {  	v13 =	vld [tilespmem:$0x1440];
	v5 =	vadd.f32 v5, v2;
	vm0 =	vge.f32 v4, $0.0e+00;
	vm1 =	vge.f32 v3, $0.0e+00  }
0x420: {  	v4 =	vsel vm0, v4, v9;
	v3 =	vsel vm1, v3, v10;
	v9 =	vld [tilespmem:$0x1430]  }
0x421: {  	v10 =	vmul.f32 $2.000000030e-01, v5;
	v3 =	vsub.f32 v4, v3;
	v4 =	vmul.f32 $2.000000030e-01, v6  }
0x422: {  	v8 =	vadd.f32 v8, v7;
	vm8 =	vge.f32 v6, $0.0e+00;
	vm9 =	vge.f32 v5, $0.0e+00  }
0x423: {  	v5 =	vsel vm9, v5, v10;
	v4 =	vsel vm8, v6, v4;
	v6 =	vadd.f32 v7, v2  }
0x424: {  	vm10 =	vge.f32 v8, $0.0e+00;
	v4 =	vsub.f32 v4, v5;
	v5 =	vmul.f32 $2.000000030e-01, v8  }
0x425: {  	v10 =	vadd.f32 v13, v12;
	v7 =	vmul.f32 $2.000000030e-01, v6;
	v9 =	vadd.f32 v9, v11  }
0x426: {  	vm11 =	vge.f32 v6, $0.0e+00;
	v5 =	vsel vm10, v8, v5;
	v8 =	vadd.f32 v11, v2  }
0x427: {  	v12 =	vadd.f32 v12, v2;
	v6 =	vsel vm11, v6, v7;
	v7 =	vmul.f32 $2.000000030e-01, v9  }
0x428: {  	v3 =	vmul.f32 $1.442695020e+00, v3;
	vm12 =	vge.f32 v9, $0.0e+00;
	v11 =	vmul.f32 $2.000000030e-01, v8  }
0x429: {  	vm14 =	vge.f32 v10, $0.0e+00;
	vm13 =	vge.f32 v8, $0.0e+00;
	v7 =	vsel vm12, v9, v7  }
0x42a: {  	v9 =	vmul.f32 $2.000000030e-01, v10;
	v8 =	vsel vm13, v8, v11;
	v11 =	vmul.f32 $2.000000030e-01, v12  }
0x42b: {  	vm15 =	vge.f32 v12, $0.0e+00;
	v4 =	vmul.f32 $1.442695020e+00, v4;
	v5 =	vsub.f32 v5, v6  }
0x42c: {  	v6 =	vsel vm14, v10, v9;
	v7 =	vsub.f32 v7, v8;
	v8 =	vsel vm15, v12, v11  }
0x42d: {  	(erf) = vpow2.f32 v3;
	v3 =	vmul.f32 $1.442695020e+00, v5;
	v5 =	vsub.f32 v6, v8  }
0x42e: {  	(erf) = vpow2.f32 v4;
	v4 =	vmul.f32 $1.442695020e+00, v7  }
0x42f: {  	(erf) = vpow2.f32 v3;
	v3 =	vmul.f32 $1.442695020e+00, v5  }
0x430: {  	(erf) = vpow2.f32 v4  }
0x431: {  	(erf) = vpow2.f32 v3;
	_ =	sdelay $0x4  }
0x432: {  	v3 =	vpop (erf)  }
0x433: {  	s14 =	simm.s32 $0x0;
	v4 =	vpop (erf);
	[tilespmem:$0x1100] =	vst v3  }
0x434: {  	s15 =	simm.s32 $0x6;
	v3 =	vpop (erf);
	[tilespmem:$0x1110] =	vst v4;
	v4 =	vmov s14  }
0x435: {  	[tilespmem:$0x1120] =	vst v3;
	v3 =	vand.u32 $0xFFFFFFF8, v4;
	v4 =	vmov s15;
	v5 =	vpop (erf)  }
0x436: {  	v3 =	vbroadcast v3, $0x0;
	v4 =	vand.u32 $0xFFFFFFFE, v4;
	[tilespmem:$0x1130] =	vst v5;
	v5 =	vpop (erf)  }
0x437: {  	v4 =	vbroadcast v4, $0x0;
	[tilespmem:$0x1140] =	vst v5  }
0x438: {  	[spmem:s5] =	stream.indirect.scatter.add.f32 [tilespmem:s10], [sflag:$0xF], $0x1, s18, s31, $0xb8;
	[tilespmem:$0x1CDE8] =	vst v63  }
0x439: {  	_ =	swait.ge [sflag:s26], $0x2800  }
0x43a: {  	[sflag:s26] =	ssyncset.done $0x0  }
0x43b: {  	[sflag:s26] =	ssyncadd.s32 $0xFFFFD800  }
0x43c: {  	v3 =	vld.idx.msk [tilespmem:v3+s10+$0x0], $0xffff  }
0x43d: {  	s6 =	simm.s32 $0x1800;
	v4 =	vld.idx.msk [tilespmem:v4+s10+$0x0], $0xffff  }
0x43e: {  	v6 =	vld [tilespmem:s6+$0x170]  }
0x43f: {  	v7 =	vld [tilespmem:s6+$0xFFFFFE00]  }
0x440: {  	v8 =	vld [tilespmem:s6+$0xFFFFFE10]  }
0x441: {  	v9 =	vld [tilespmem:s6+$0xFFFFFE20]  }
0x442: {  	s16 =	simm.s32 $0x1;
	v10 =	vld [tilespmem:s6+$0xFFFFFE30]  }
0x443: {  	v5 =	vmov s16;
	v11 =	vld [tilespmem:s6+$0xFFFFFE40]  }
0x444: {  	v5 =	vand.u32 $0xFFFFFFF9, v5;
	v12 =	vld [tilespmem:s6+$0xFFFFFE50]  }
0x445: {  	v5 =	vbroadcast v5, $0x0;
	v13 =	vld [tilespmem:s6+$0xFFFFFE60]  }
0x446: {  	v14 =	vld [tilespmem:s6+$0xFFFFFE70]  }
0x447: {  	v15 =	vld [tilespmem:s6+$0xFFFFFE80]  }
0x448: {  	v16 =	vld [tilespmem:s6+$0xFFFFFE90];
	v7 =	vmul.f32 v7, v3  }
0x449: {  	v17 =	vld [tilespmem:s6+$0xFFFFFEA0];
	v6 =	vmul.f32 v6, v4  }
0x44a: {  	v18 =	vld [tilespmem:s6+$0xFFFFFEB0];
	v8 =	vmul.f32 v8, v3;
	[tilespmem:s6+$0xFFFFFE00] =	vst v7  }
0x44b: {  	s14 =	simm.s32 $0x2;
	v5 =	vld.idx.msk [tilespmem:v5+s10+$0x0], $0xffff;
	v10 =	vmul.f32 v10, v3;
	[tilespmem:s6+$0x170] =	vst v6  }
0x44c: {  	v11 =	vmul.f32 v11, v3;
	v7 =	vmov s14;
	v6 =	vmul.f32 v9, v3;
	v9 =	vld [tilespmem:s6+$0xFFFFFEC0];
	[tilespmem:s6+$0xFFFFFE10] =	vst v8  }
0x44d: {  	[tilespmem:s6+$0xFFFFFE30] =	vst v10;
	v10 =	vmul.f32 v12, v3;
	v12 =	vld [tilespmem:s6+$0xFFFFFEF0];
	v7 =	vand.u32 $0xFFFFFFFA, v7  }
0x44e: {  	[tilespmem:s6+$0xFFFFFE40] =	vst v11;
	v11 =	vmul.f32 v13, v3;
	v13 =	vld [tilespmem:s6+$0xFFFFFF00];
	v7 =	vbroadcast v7, $0x0  }
0x44f: {  	v3 =	vmul.f32 v14, v3;
	v14 =	vld [tilespmem:s6+$0xFFFFFF20];
	[tilespmem:s6+$0xFFFFFE20] =	vst v6  }
0x450: {  	v8 =	vmul.f32 v15, v5;
	v15 =	vld [tilespmem:s6+$0xFFFFFED0];
	[tilespmem:s6+$0xFFFFFE50] =	vst v10  }
0x451: {  	s15 =	simm.s32 $0x3;
	v6 =	vld [tilespmem:s6+$0xFFFFFEE0];
	[tilespmem:s6+$0xFFFFFE60] =	vst v11  }
0x452: {  	v10 =	vld [tilespmem:s6+$0xFFFFFF10];
	v11 =	vmul.f32 v16, v5;
	[tilespmem:s6+$0xFFFFFE80] =	vst v8;
	v8 =	vmov s15  }
0x453: {  	[tilespmem:s6+$0xFFFFFE70] =	vst v3;
	v3 =	vmul.f32 v17, v5;
	v16 =	vld [tilespmem:s6+$0xFFFFFF30];
	v8 =	vand.u32 $0xFFFFFFFB, v8  }
0x454: {  	[tilespmem:s6+$0xFFFFFE90] =	vst v11;
	v11 =	vmul.f32 v18, v5;
	v8 =	vbroadcast v8, $0x0;
	v7 =	vld.idx.msk [tilespmem:v7+s10+$0x0], $0xffff  }
0x455: {  	v17 =	vld [tilespmem:s6+$0xFFFFFF40];
	[tilespmem:s6+$0xFFFFFEA0] =	vst v3;
	v9 =	vmul.f32 v9, v5  }
0x456: {  	[tilespmem:s6+$0xFFFFFEB0] =	vst v11;
	v11 =	vld [tilespmem:s6+$0xFFFFFF60];
	v15 =	vmul.f32 v15, v5  }
0x457: {  	[tilespmem:s6+$0xFFFFFEC0] =	vst v9;
	v6 =	vmul.f32 v6, v5;
	v9 =	vld [tilespmem:s6+$0xFFFFFF70]  }
0x458: {  	v5 =	vmul.f32 v12, v5;
	v12 =	vld [tilespmem:s6+$0xFFFFFF80];
	[tilespmem:s6+$0xFFFFFED0] =	vst v15  }
0x459: {  	v15 =	vld [tilespmem:s6+$0xFFFFFFB0];
	[tilespmem:s6+$0xFFFFFEE0] =	vst v6;
	v3 =	vmul.f32 v13, v7  }
0x45a: {  	[tilespmem:s6+$0xFFFFFEF0] =	vst v5;
	v8 =	vld.idx.msk [tilespmem:v8+s10+$0x0], $0xffff;
	v6 =	vmul.f32 v10, v7  }
0x45b: {  	s16 =	simm.s32 $0x4;
	v13 =	vld [tilespmem:s6+$0xFFFFFF50];
	v5 =	vmul.f32 v14, v7;
	[tilespmem:s6+$0xFFFFFF00] =	vst v3  }
0x45c: {  	v10 =	vld [tilespmem:s6+$0xFFFFFF90];
	v11 =	vmul.f32 v11, v7;
	v3 =	vmov s16;
	[tilespmem:s6+$0xFFFFFF10] =	vst v6  }
0x45d: {  	v14 =	vld [tilespmem:s6+$0xFFFFFFA0];
	v6 =	vmul.f32 v16, v7;
	[tilespmem:s6+$0xFFFFFF20] =	vst v5;
	v3 =	vand.u32 $0xFFFFFFFC, v3  }
0x45e: {  	v5 =	vmul.f32 v17, v7;
	v16 =	vld [tilespmem:s6+$0xFFFFFFC0];
	[tilespmem:s6+$0xFFFFFF60] =	vst v11;
	v3 =	vbroadcast v3, $0x0  }
0x45f: {  	v11 =	vld [tilespmem:s6+$0x0];
	[tilespmem:s6+$0xFFFFFF30] =	vst v6;
	v6 =	vmul.f32 v12, v8  }
0x460: {  	s14 =	simm.s32 $0x5;
	v12 =	vld [tilespmem:s6+$0xFFFFFFD0];
	[tilespmem:s6+$0xFFFFFF40] =	vst v5;
	v13 =	vmul.f32 v13, v7  }
0x461: {  	v5 =	vld [tilespmem:s6+$0xFFFFFFE0];
	v7 =	vmul.f32 v9, v7;
	[tilespmem:s6+$0xFFFFFF80] =	vst v6;
	v6 =	vmov s14  }
0x462: {  	v9 =	vld [tilespmem:s6+$0xFFFFFFF0];
	v10 =	vmul.f32 v10, v8;
	[tilespmem:s6+$0xFFFFFF50] =	vst v13;
	v6 =	vand.u32 $0xFFFFFFFD, v6  }
0x463: {  	[tilespmem:s6+$0xFFFFFF70] =	vst v7;
	v7 =	vmul.f32 v14, v8;
	v13 =	vld [tilespmem:s6+$0x10];
	v6 =	vbroadcast v6, $0x0  }
0x464: {  	[tilespmem:s6+$0xFFFFFF90] =	vst v10;
	v10 =	vmul.f32 v15, v8;
	v3 =	vld.idx.msk [tilespmem:v3+s10+$0x0], $0xffff  }
0x465: {  	v14 =	vld [tilespmem:s6+$0x20];
	[tilespmem:s6+$0xFFFFFFA0] =	vst v7;
	v7 =	vmul.f32 v16, v8  }
0x466: {  	v15 =	vld [tilespmem:s6+$0x30];
	[tilespmem:s6+$0xFFFFFFB0] =	vst v10;
	v10 =	vmul.f32 v12, v8  }
0x467: {  	v12 =	vld [tilespmem:s6+$0x40];
	v5 =	vmul.f32 v5, v8;
	[tilespmem:s6+$0xFFFFFFC0] =	vst v7  }
0x468: {  	v8 =	vmul.f32 v9, v8;
	[tilespmem:s6+$0xFFFFFFD0] =	vst v10;
	v10 =	vld [tilespmem:s6+$0x60]  }
0x469: {  	[tilespmem:s6+$0xFFFFFFE0] =	vst v5;
	v6 =	vld.idx.msk [tilespmem:v6+s10+$0x0], $0xffff;
	v7 =	vmul.f32 v11, v3  }
0x46a: {  	[tilespmem:s6+$0xFFFFFFF0] =	vst v8;
	v11 =	vld [tilespmem:s6+$0x50];
	v8 =	vmul.f32 v14, v3  }
0x46b: {  	v5 =	vmul.f32 v13, v3;
	v13 =	vld [tilespmem:s6+$0x90];
	[tilespmem:s6+$0x0] =	vst v7  }
0x46c: {  	v9 =	vld [tilespmem:s6+$0x80];
	[tilespmem:s6+$0x20] =	vst v8;
	v8 =	vmul.f32 v12, v3  }
0x46d: {  	v7 =	vld [tilespmem:s6+$0x70];
	[tilespmem:s6+$0x10] =	vst v5;
	v5 =	vmul.f32 v15, v3  }
0x46e: {  	v12 =	vld [tilespmem:s6+$0xA0];
	[tilespmem:s6+$0x40] =	vst v8;
	v8 =	vmul.f32 v10, v3  }
0x46f: {  	[tilespmem:s6+$0x30] =	vst v5;
	v10 =	vld [tilespmem:s6+$0xC0];
	v5 =	vmul.f32 v11, v3  }
0x470: {  	v11 =	vld [tilespmem:s6+$0xB0];
	v13 =	vmul.f32 v13, v6;
	[tilespmem:s6+$0x60] =	vst v8  }
0x471: {  	v8 =	vld [tilespmem:s6+$0xE0];
	[tilespmem:s6+$0x50] =	vst v5;
	v5 =	vmul.f32 v9, v6  }
0x472: {  	v9 =	vld [tilespmem:s6+$0xD0];
	v7 =	vmul.f32 v7, v3;
	[tilespmem:s6+$0x90] =	vst v13  }
0x473: {  	v13 =	vld [tilespmem:s6+$0x150];
	[tilespmem:s6+$0x80] =	vst v5  }
0x474: {  	[tilespmem:s6+$0x70] =	vst v7;
	v5 =	vmul.f32 v12, v6;
	v7 =	vld [tilespmem:s6+$0xF0]  }
0x475: {  	v12 =	vld [tilespmem:s6+$0x100];
	v11 =	vmul.f32 v11, v6  }
0x476: {  	s15 =	simm.s32 $0x7;
	[tilespmem:s6+$0xA0] =	vst v5;
	v5 =	vmul.f32 v10, v6;
	v10 =	vld [tilespmem:s6+$0x110]  }
0x477: {  	v16 =	vld [tilespmem:s6+$0x180];
	v14 =	vmov s15;
	[tilespmem:s6+$0xB0] =	vst v11;
	v9 =	vmul.f32 v9, v6  }
0x478: {  	v11 =	vld [tilespmem:s6+$0x120];
	v13 =	vmul.f32 v13, v4;
	[tilespmem:s6+$0xC0] =	vst v5  }
0x479: {  	s15 =	simm.s32 $0xA;
	v5 =	vmul.f32 v8, v6;
	v8 =	vld [tilespmem:s6+$0x130];
	[tilespmem:s6+$0xD0] =	vst v9;
	v6 =	vmul.f32 v7, v6  }
0x47a: {  	s16 =	simm.s32 $0x8;
	v15 =	vmov s15;
	v7 =	vld [tilespmem:s6+$0x140];
	[tilespmem:s6+$0x150] =	vst v13  }
0x47b: {  	s14 =	simm.s32 $0xF;
	s15 =	simm.s32 $0xC;
	v9 =	vmov s16;
	v12 =	vmul.f32 v12, v4;
	[tilespmem:s6+$0xF0] =	vst v6;
	v6 =	vmul.f32 v10, v4;
	v10 =	vld [tilespmem:s6+$0x160]  }
0x47c: {  	v17 =	vmov s15;
	v3 =	vld.idx.msk [tilespmem:v14+s10+$0x0], $0xffff;
	s16 =	simm.s32 $0x9;
	[tilespmem:s6+$0xE0] =	vst v5;
	v9 =	vand.u32 $0xFFFFFFF8, v9;
	v5 =	vmov s14;
	s14 =	simm.s32 $0xB  }
0x47d: {  	v19 =	vld [tilespmem:s6+$0x190];
	v14 =	vmov s16;
	s16 =	simm.s32 $0xD;
	[tilespmem:s6+$0x100] =	vst v12;
	v12 =	vmov s14;
	v11 =	vmul.f32 v11, v4  }
0x47e: {  	v63 =	vmov s16;
	[tilespmem:s6+$0x110] =	vst v6;
	v18 =	vmul.f32 v8, v4;
	v6 =	vbroadcast v9, $0x0;
	v8 =	vld [tilespmem:s6+$0x1A0]  }
0x47f: {  	v9 =	vld [tilespmem:s6+$0x1B0];
	[tilespmem:s6+$0x120] =	vst v11;
	v11 =	vmul.f32 v7, v4;
	v7 =	vand.u32 $0xFFFFFFF9, v14;
	v14 =	vand.u32 $0xFFFFFFFA, v15  }
0x480: {  	v15 =	vand.u32 $0xFFFFFFFB, v12;
	[tilespmem:s6+$0x130] =	vst v18;
	v7 =	vbroadcast v7, $0x0;
	v18 =	vmul.f32 v10, v4;
	v10 =	vld [tilespmem:s6+$0x1C0]  }
0x481: {  	v12 =	vbroadcast v14, $0x0;
	[tilespmem:s6+$0x140] =	vst v11;
	v4 =	vand.u32 $0xFFFFFFFC, v17;
	v17 =	vmul.f32 v16, v3;
	v11 =	vld [tilespmem:s6+$0x1D0]  }
0x482: {  	s9 =	simm.s32 $0x10;
	v13 =	vld [tilespmem:s6+$0x1E0];
	s14 =	simm.s32 $0xE;
	v14 =	vbroadcast v15, $0x0;
	v15 =	vmul.f32 v19, v3;
	v16 =	vand.u32 $0xFFFFFFFD, v63;
	[tilespmem:s6+$0x160] =	vst v18  }
.LBB2_15:
0x483: {  	p2 =	slt.u32 s9, $0x48;
	v4 =	vbroadcast v4, $0x0;
	v18 =	vmov s14;
	[tilespmem:s6+$0x180] =	vst v17;
	v8 =	vmul.f32 v8, v3;
	v17 =	vld [tilespmem:s6+$0x1F0]  }
0x484: {  	v16 =	vbroadcast v16, $0x0;
	v18 =	vand.u32 $0xFFFFFFFE, v18;
	v19 =	vld.idx.msk [tilespmem:v5+s10+$0x0], $0xffff;
	[tilespmem:s6+$0x190] =	vst v15;
	v5 =	vmul.f32 v9, v3  }
0x485: {  	v9 =	vld.idx.msk [tilespmem:v6+s10+$0x0], $0xffff;
	v15 =	vbroadcast v18, $0x0;
	[tilespmem:s6+$0x1A0] =	vst v8;
	v6 =	vmul.f32 v10, v3  }
0x486: {  	v8 =	vld.idx.msk [tilespmem:v7+s10+$0x0], $0xffff;
	[tilespmem:s6+$0x1B0] =	vst v5;
	v5 =	vmul.f32 v11, v3  }
0x487: {  	v10 =	vld.idx.msk [tilespmem:v12+s10+$0x0], $0xffff;
	[tilespmem:s6+$0x1C0] =	vst v6;
	v11 =	vmul.f32 v13, v3  }
0x488: {  	v7 =	vld.idx.msk [tilespmem:v14+s10+$0x0], $0xffff;
	[tilespmem:s6+$0x1D0] =	vst v5;
	v12 =	vmul.f32 v17, v3  }
0x489: {  	v6 =	vld.idx.msk [tilespmem:v4+s10+$0x0], $0xffff;
	[tilespmem:s6+$0x1E0] =	vst v11  }
0x48a: {  	v3 =	vmov v19;
	v5 =	vld.idx.msk [tilespmem:v16+s10+$0x0], $0xffff;
	[tilespmem:s6+$0x1F0] =	vst v12  }
0x48b: {  	s6 =	sadd.s32 $0x400, s6;
	v4 =	vld.idx.msk [tilespmem:v15+s10+$0x0], $0xffff  }
0x48c: {  	v11 =	vld [tilespmem:s6+$0x170]  }
0x48d: {  	v12 =	vld [tilespmem:s6+$0xFFFFFE00]  }
0x48e: {  	v13 =	vld [tilespmem:s6+$0xFFFFFE10]  }
0x48f: {  	v14 =	vld [tilespmem:s6+$0xFFFFFE20]  }
0x490: {  	v15 =	vld [tilespmem:s6+$0xFFFFFE30]  }
0x491: {  	v16 =	vld [tilespmem:s6+$0xFFFFFE40];
	v11 =	vmul.f32 v11, v4  }
0x492: {  	v12 =	vmul.f32 v12, v9;
	v17 =	vld [tilespmem:s6+$0xFFFFFE50]  }
0x493: {  	v13 =	vmul.f32 v13, v9;
	v18 =	vld [tilespmem:s6+$0xFFFFFE60];
	[tilespmem:s6+$0x170] =	vst v11  }
0x494: {  	[tilespmem:s6+$0xFFFFFE00] =	vst v12;
	v11 =	vmul.f32 v14, v9;
	v12 =	vld [tilespmem:s6+$0xFFFFFE70]  }
0x495: {  	[tilespmem:s6+$0xFFFFFE10] =	vst v13;
	v13 =	vmul.f32 v15, v9;
	v14 =	vld [tilespmem:s6+$0xFFFFFE80]  }
0x496: {  	[tilespmem:s6+$0xFFFFFE20] =	vst v11;
	v11 =	vmul.f32 v16, v9;
	v15 =	vld [tilespmem:s6+$0xFFFFFE90]  }
0x497: {  	[tilespmem:s6+$0xFFFFFE30] =	vst v13;
	v13 =	vmul.f32 v17, v9;
	v16 =	vld [tilespmem:s6+$0xFFFFFEA0]  }
0x498: {  	[tilespmem:s6+$0xFFFFFE40] =	vst v11;
	v11 =	vmul.f32 v18, v9;
	v17 =	vld [tilespmem:s6+$0xFFFFFEB0]  }
0x499: {  	[tilespmem:s6+$0xFFFFFE50] =	vst v13;
	v9 =	vmul.f32 v12, v9;
	v12 =	vld [tilespmem:s6+$0xFFFFFEC0]  }
0x49a: {  	[tilespmem:s6+$0xFFFFFE60] =	vst v11;
	v11 =	vmul.f32 v14, v8;
	v13 =	vld [tilespmem:s6+$0xFFFFFED0]  }
0x49b: {  	[tilespmem:s6+$0xFFFFFE70] =	vst v9;
	v9 =	vmul.f32 v15, v8;
	v14 =	vld [tilespmem:s6+$0xFFFFFEE0]  }
0x49c: {  	[tilespmem:s6+$0xFFFFFE80] =	vst v11;
	v11 =	vmul.f32 v16, v8;
	v15 =	vld [tilespmem:s6+$0xFFFFFEF0]  }
0x49d: {  	[tilespmem:s6+$0xFFFFFE90] =	vst v9;
	v9 =	vmul.f32 v17, v8;
	v16 =	vld [tilespmem:s6+$0xFFFFFF00]  }
0x49e: {  	[tilespmem:s6+$0xFFFFFEA0] =	vst v11;
	v11 =	vmul.f32 v12, v8;
	v12 =	vld [tilespmem:s6+$0xFFFFFF10]  }
0x49f: {  	[tilespmem:s6+$0xFFFFFEB0] =	vst v9;
	v9 =	vmul.f32 v13, v8;
	v13 =	vld [tilespmem:s6+$0xFFFFFF20]  }
0x4a0: {  	[tilespmem:s6+$0xFFFFFEC0] =	vst v11;
	v11 =	vmul.f32 v14, v8;
	v14 =	vld [tilespmem:s6+$0xFFFFFF30]  }
0x4a1: {  	[tilespmem:s6+$0xFFFFFED0] =	vst v9;
	v8 =	vmul.f32 v15, v8;
	v9 =	vld [tilespmem:s6+$0xFFFFFF40]  }
0x4a2: {  	[tilespmem:s6+$0xFFFFFEE0] =	vst v11;
	v11 =	vmul.f32 v16, v10;
	v15 =	vld [tilespmem:s6+$0xFFFFFF50]  }
0x4a3: {  	[tilespmem:s6+$0xFFFFFEF0] =	vst v8;
	v8 =	vmul.f32 v12, v10;
	v12 =	vld [tilespmem:s6+$0xFFFFFF60]  }
0x4a4: {  	[tilespmem:s6+$0xFFFFFF00] =	vst v11;
	v11 =	vmul.f32 v13, v10;
	v13 =	vld [tilespmem:s6+$0xFFFFFF70]  }
0x4a5: {  	[tilespmem:s6+$0xFFFFFF10] =	vst v8;
	v8 =	vmul.f32 v14, v10;
	v14 =	vld [tilespmem:s6+$0xFFFFFF80]  }
0x4a6: {  	[tilespmem:s6+$0xFFFFFF20] =	vst v11;
	v9 =	vmul.f32 v9, v10;
	v11 =	vld [tilespmem:s6+$0xFFFFFF90]  }
0x4a7: {  	[tilespmem:s6+$0xFFFFFF30] =	vst v8;
	v8 =	vmul.f32 v15, v10;
	v15 =	vld [tilespmem:s6+$0xFFFFFFA0]  }
0x4a8: {  	[tilespmem:s6+$0xFFFFFF40] =	vst v9;
	v9 =	vmul.f32 v12, v10;
	v12 =	vld [tilespmem:s6+$0xFFFFFFB0]  }
0x4a9: {  	[tilespmem:s6+$0xFFFFFF50] =	vst v8;
	v8 =	vmul.f32 v13, v10;
	v10 =	vld [tilespmem:s6+$0xFFFFFFC0]  }
0x4aa: {  	[tilespmem:s6+$0xFFFFFF60] =	vst v9;
	v9 =	vmul.f32 v14, v7;
	v13 =	vld [tilespmem:s6+$0xFFFFFFD0]  }
0x4ab: {  	[tilespmem:s6+$0xFFFFFF70] =	vst v8;
	v8 =	vmul.f32 v11, v7;
	v11 =	vld [tilespmem:s6+$0xFFFFFFE0]  }
0x4ac: {  	[tilespmem:s6+$0xFFFFFF80] =	vst v9;
	v9 =	vmul.f32 v15, v7;
	v14 =	vld [tilespmem:s6+$0xFFFFFFF0]  }
0x4ad: {  	[tilespmem:s6+$0xFFFFFF90] =	vst v8;
	v8 =	vmul.f32 v12, v7;
	v12 =	vld [tilespmem:s6+$0x0]  }
0x4ae: {  	[tilespmem:s6+$0xFFFFFFA0] =	vst v9;
	v9 =	vmul.f32 v10, v7;
	v10 =	vld [tilespmem:s6+$0x10]  }
0x4af: {  	[tilespmem:s6+$0xFFFFFFB0] =	vst v8;
	v8 =	vmul.f32 v13, v7;
	v13 =	vld [tilespmem:s6+$0x20]  }
0x4b0: {  	[tilespmem:s6+$0xFFFFFFC0] =	vst v9;
	v9 =	vmul.f32 v11, v7;
	v11 =	vld [tilespmem:s6+$0x30]  }
0x4b1: {  	[tilespmem:s6+$0xFFFFFFD0] =	vst v8;
	v7 =	vmul.f32 v14, v7;
	v8 =	vld [tilespmem:s6+$0x40]  }
0x4b2: {  	[tilespmem:s6+$0xFFFFFFE0] =	vst v9;
	v9 =	vmul.f32 v12, v6;
	v12 =	vld [tilespmem:s6+$0x50]  }
0x4b3: {  	[tilespmem:s6+$0xFFFFFFF0] =	vst v7;
	v7 =	vmul.f32 v10, v6;
	v10 =	vld [tilespmem:s6+$0x60]  }
0x4b4: {  	[tilespmem:s6+$0x0] =	vst v9;
	v9 =	vmul.f32 v13, v6;
	v13 =	vld [tilespmem:s6+$0x70]  }
0x4b5: {  	[tilespmem:s6+$0x10] =	vst v7;
	v7 =	vmul.f32 v11, v6;
	v11 =	vld [tilespmem:s6+$0x80]  }
0x4b6: {  	[tilespmem:s6+$0x20] =	vst v9;
	v8 =	vmul.f32 v8, v6;
	v9 =	vld [tilespmem:s6+$0x90]  }
0x4b7: {  	[tilespmem:s6+$0x30] =	vst v7;
	v7 =	vmul.f32 v12, v6;
	v12 =	vld [tilespmem:s6+$0xA0]  }
0x4b8: {  	[tilespmem:s6+$0x40] =	vst v8;
	v8 =	vmul.f32 v10, v6;
	v10 =	vld [tilespmem:s6+$0xB0]  }
0x4b9: {  	[tilespmem:s6+$0x50] =	vst v7;
	v6 =	vmul.f32 v13, v6;
	v7 =	vld [tilespmem:s6+$0xC0]  }
0x4ba: {  	[tilespmem:s6+$0x60] =	vst v8;
	v8 =	vmul.f32 v11, v5;
	v11 =	vld [tilespmem:s6+$0xD0]  }
0x4bb: {  	[tilespmem:s6+$0x70] =	vst v6;
	v6 =	vmul.f32 v9, v5;
	v9 =	vld [tilespmem:s6+$0xE0]  }
0x4bc: {  	[tilespmem:s6+$0x80] =	vst v8;
	v8 =	vmul.f32 v12, v5;
	v12 =	vld [tilespmem:s6+$0xF0]  }
0x4bd: {  	[tilespmem:s6+$0x90] =	vst v6;
	v6 =	vmul.f32 v10, v5;
	v10 =	vld [tilespmem:s6+$0x100]  }
0x4be: {  	[tilespmem:s6+$0xA0] =	vst v8;
	v7 =	vmul.f32 v7, v5;
	v8 =	vld [tilespmem:s6+$0x110]  }
0x4bf: {  	[tilespmem:s6+$0xB0] =	vst v6;
	v6 =	vmul.f32 v11, v5;
	v11 =	vld [tilespmem:s6+$0x120]  }
0x4c0: {  	[tilespmem:s6+$0xC0] =	vst v7;
	v7 =	vmul.f32 v9, v5;
	v9 =	vld [tilespmem:s6+$0x130]  }
0x4c1: {  	[tilespmem:s6+$0xD0] =	vst v6;
	v6 =	vmul.f32 v12, v5;
	v12 =	vld [tilespmem:s6+$0x140]  }
0x4c2: {  	s14 =	sadd.s32 $0x7, s9;
	v5 =	vmov s9;
	[tilespmem:s6+$0xE0] =	vst v7;
	v7 =	vmul.f32 v10, v4;
	v10 =	vld [tilespmem:s6+$0x150]  }
0x4c3: {  	s15 =	sadd.s32 $0x1, s9;
	s16 =	sadd.s32 $0x2, s9;
	v13 =	vand.u32 $0xFFFFFFF8, v5;
	v5 =	vmov s14;
	[tilespmem:s6+$0xF0] =	vst v6;
	v6 =	vmul.f32 v8, v4;
	v14 =	vld [tilespmem:s6+$0x160]  }
0x4c4: {  	v16 =	vmov s16;
	v15 =	vmov s15;
	s15 =	sadd.s32 $0x4, s9;
	s14 =	sadd.s32 $0x3, s9;
	[tilespmem:s6+$0x100] =	vst v7;
	v7 =	vmul.f32 v11, v4;
	v11 =	vld [tilespmem:s6+$0x180]  }
0x4c5: {  	v18 =	vmov s15;
	v17 =	vmov s14;
	s14 =	sadd.s32 $0x5, s9;
	[tilespmem:s6+$0x110] =	vst v6;
	v9 =	vmul.f32 v9, v4;
	v19 =	vld [tilespmem:s6+$0x190]  }
.Ltmp6:
0x4c6: {  	v6 =	vbroadcast v13, $0x0;
	v13 =	vmov s14;
	[tilespmem:s6+$0x120] =	vst v7;
	v12 =	vmul.f32 v12, v4;
	v8 =	vld [tilespmem:s6+$0x1A0];
	(pc) =	sbr.rel @p2 .LBB2_15-.Ltmp6, $4  }
0x4c7: {  	v7 =	vand.u32 $0xFFFFFFF9, v15;
	v15 =	vand.u32 $0xFFFFFFFA, v16;
	[tilespmem:s6+$0x130] =	vst v9;
	v16 =	vmul.f32 v10, v4;
	v9 =	vld [tilespmem:s6+$0x1B0]  }
0x4c8: {  	v20 =	vand.u32 $0xFFFFFFFB, v17;
	v7 =	vbroadcast v7, $0x0;
	[tilespmem:s6+$0x140] =	vst v12;
	v21 =	vmul.f32 v14, v4;
	v10 =	vld [tilespmem:s6+$0x1C0]  }
0x4c9: {  	v12 =	vbroadcast v15, $0x0;
	v4 =	vand.u32 $0xFFFFFFFC, v18;
	[tilespmem:s6+$0x150] =	vst v16;
	v17 =	vmul.f32 v11, v3;
	v11 =	vld [tilespmem:s6+$0x1D0]  }
0x4ca: {  	s14 =	sadd.s32 $0x6, s9;
	s9 =	sadd.s32 $0x8, s9;
	v14 =	vbroadcast v20, $0x0;
	v16 =	vand.u32 $0xFFFFFFFD, v13;
	[tilespmem:s6+$0x160] =	vst v21;
	v15 =	vmul.f32 v19, v3;
	v13 =	vld [tilespmem:s6+$0x1E0]  }
0x4cb: {  	_ =	sdelay $0x2  }
0x4cc: {  	v18 =	vld [tilespmem:s6+$0x1F0]  }
0x4cd: {  	v20 =	vld.idx.msk [tilespmem:v6+s10+$0x0], $0xffff  }
0x4ce: {  	[tilespmem:s6+$0x180] =	vst v17;
	v17 =	vbroadcast v4, $0x0;
	v4 =	vmov s14;
	v12 =	vld.idx.msk [tilespmem:v12+s10+$0x0], $0xffff  }
0x4cf: {  	v19 =	vand.u32 $0xFFFFFFFE, v4;
	v4 =	vld.idx.msk [tilespmem:v5+s10+$0x0], $0xffff  }
0x4d0: {  	s9 =	sadd.s32 $0x400, s6;
	v14 =	vld.idx.msk [tilespmem:v14+s10+$0x0], $0xffff  }
0x4d1: {  	v16 =	vbroadcast v16, $0x0;
	v8 =	vmul.f32 v8, v3;
	[tilespmem:s6+$0x190] =	vst v15;
	v15 =	vld [tilespmem:s9+$0x170]  }
0x4d2: {  	v9 =	vmul.f32 v9, v3;
	v5 =	vbroadcast v19, $0x0;
	v19 =	vld.idx.msk [tilespmem:v7+s10+$0x0], $0xffff  }
0x4d3: {  	[tilespmem:s6+$0x1A0] =	vst v8;
	v8 =	vmul.f32 v10, v3;
	v10 =	vld [tilespmem:s9+$0xFFFFFE00]  }
0x4d4: {  	[tilespmem:s6+$0x1B0] =	vst v9;
	v9 =	vmul.f32 v11, v3;
	v11 =	vld [tilespmem:s9+$0xFFFFFE10]  }
0x4d5: {  	[tilespmem:s6+$0x1C0] =	vst v8;
	v8 =	vmul.f32 v13, v3;
	v13 =	vld [tilespmem:s9+$0xFFFFFE20]  }
0x4d6: {  	[tilespmem:s6+$0x1D0] =	vst v9;
	v9 =	vld [tilespmem:s9+$0xFFFFFE30]  }
0x4d7: {  	v7 =	vld.idx.msk [tilespmem:v17+s10+$0x0], $0xffff  }
0x4d8: {  	v3 =	vmul.f32 v18, v3;
	v6 =	vld.idx.msk [tilespmem:v16+s10+$0x0], $0xffff  }
0x4d9: {  	[tilespmem:s6+$0x1E0] =	vst v8;
	v8 =	vld [tilespmem:s9+$0xFFFFFE40]  }
0x4da: {  	[tilespmem:s6+$0x1F0] =	vst v3;
	v3 =	vmul.f32 v10, v20;
	v5 =	vld.idx.msk [tilespmem:v5+s10+$0x0], $0xffff  }
0x4db: {  	v10 =	vld [tilespmem:s9+$0xFFFFFE50];
	v11 =	vmul.f32 v11, v20  }
0x4dc: {  	v16 =	vld [tilespmem:s9+$0xFFFFFE60];
	[tilespmem:s9+$0xFFFFFE00] =	vst v3;
	v3 =	vmul.f32 v13, v20  }
0x4dd: {  	v13 =	vld [tilespmem:s9+$0xFFFFFE70];
	[tilespmem:s9+$0xFFFFFE10] =	vst v11;
	v9 =	vmul.f32 v9, v20  }
0x4de: {  	v11 =	vld [tilespmem:s9+$0xFFFFFE80];
	[tilespmem:s9+$0xFFFFFE20] =	vst v3;
	v3 =	vmul.f32 v8, v20  }
0x4df: {  	v8 =	vld [tilespmem:s9+$0xFFFFFE90];
	[tilespmem:s9+$0xFFFFFE30] =	vst v9;
	v15 =	vmul.f32 v15, v5  }
0x4e0: {  	v9 =	vmul.f32 v10, v20;
	v10 =	vld [tilespmem:s9+$0xFFFFFEA0];
	[tilespmem:s9+$0xFFFFFE40] =	vst v3  }
0x4e1: {  	v3 =	vmul.f32 v16, v20;
	[tilespmem:s9+$0x170] =	vst v15;
	v15 =	vld [tilespmem:s9+$0xFFFFFEB0]  }
0x4e2: {  	[tilespmem:s9+$0xFFFFFE50] =	vst v9;
	v9 =	vmul.f32 v13, v20;
	v13 =	vld [tilespmem:s9+$0xFFFFFEC0]  }
0x4e3: {  	[tilespmem:s9+$0xFFFFFE60] =	vst v3;
	v3 =	vmul.f32 v11, v19;
	v11 =	vld [tilespmem:s9+$0xFFFFFED0]  }
0x4e4: {  	[tilespmem:s9+$0xFFFFFE70] =	vst v9;
	v8 =	vmul.f32 v8, v19;
	v9 =	vld [tilespmem:s9+$0xFFFFFEE0]  }
0x4e5: {  	[tilespmem:s9+$0xFFFFFE80] =	vst v3;
	v3 =	vmul.f32 v10, v19;
	v10 =	vld [tilespmem:s9+$0xFFFFFEF0]  }
0x4e6: {  	[tilespmem:s9+$0xFFFFFE90] =	vst v8;
	v8 =	vmul.f32 v15, v19;
	v15 =	vld [tilespmem:s9+$0xFFFFFF00]  }
0x4e7: {  	[tilespmem:s9+$0xFFFFFEA0] =	vst v3;
	v3 =	vmul.f32 v13, v19;
	v13 =	vld [tilespmem:s9+$0xFFFFFF10]  }
0x4e8: {  	[tilespmem:s9+$0xFFFFFEB0] =	vst v8;
	v8 =	vmul.f32 v11, v19;
	v11 =	vld [tilespmem:s9+$0xFFFFFF20]  }
0x4e9: {  	[tilespmem:s9+$0xFFFFFEC0] =	vst v3;
	v3 =	vmul.f32 v9, v19;
	v9 =	vld [tilespmem:s9+$0xFFFFFF30]  }
0x4ea: {  	[tilespmem:s9+$0xFFFFFED0] =	vst v8;
	v8 =	vmul.f32 v10, v19;
	v10 =	vld [tilespmem:s9+$0xFFFFFF40]  }
0x4eb: {  	[tilespmem:s9+$0xFFFFFEE0] =	vst v3;
	v3 =	vmul.f32 v15, v12;
	v15 =	vld [tilespmem:s9+$0xFFFFFF50]  }
0x4ec: {  	[tilespmem:s9+$0xFFFFFEF0] =	vst v8;
	v8 =	vmul.f32 v13, v12;
	v13 =	vld [tilespmem:s9+$0xFFFFFF60]  }
0x4ed: {  	[tilespmem:s9+$0xFFFFFF00] =	vst v3;
	v3 =	vmul.f32 v11, v12;
	v11 =	vld [tilespmem:s9+$0xFFFFFF70]  }
0x4ee: {  	[tilespmem:s9+$0xFFFFFF10] =	vst v8;
	v8 =	vmul.f32 v9, v12;
	v9 =	vld [tilespmem:s9+$0xFFFFFF80]  }
0x4ef: {  	[tilespmem:s9+$0xFFFFFF20] =	vst v3;
	v3 =	vmul.f32 v10, v12;
	v10 =	vld [tilespmem:s9+$0xFFFFFF90]  }
0x4f0: {  	[tilespmem:s9+$0xFFFFFF30] =	vst v8;
	v8 =	vmul.f32 v15, v12;
	v15 =	vld [tilespmem:s9+$0xFFFFFFA0]  }
0x4f1: {  	[tilespmem:s9+$0xFFFFFF40] =	vst v3;
	v3 =	vmul.f32 v13, v12;
	v13 =	vld [tilespmem:s9+$0xFFFFFFB0]  }
0x4f2: {  	[tilespmem:s9+$0xFFFFFF50] =	vst v8;
	v8 =	vmul.f32 v11, v12;
	v11 =	vld [tilespmem:s9+$0xFFFFFFC0]  }
0x4f3: {  	[tilespmem:s9+$0xFFFFFF60] =	vst v3;
	v3 =	vmul.f32 v9, v14;
	v9 =	vld [tilespmem:s9+$0xFFFFFFD0]  }
0x4f4: {  	[tilespmem:s9+$0xFFFFFF70] =	vst v8;
	v8 =	vmul.f32 v10, v14;
	v10 =	vld [tilespmem:s9+$0xFFFFFFE0]  }
0x4f5: {  	v12 =	vld [tilespmem:s9+$0xFFFFFFF0];
	[tilespmem:s9+$0xFFFFFF80] =	vst v3;
	v3 =	vmul.f32 v15, v14  }
0x4f6: {  	[tilespmem:s9+$0xFFFFFF90] =	vst v8;
	v8 =	vmul.f32 v13, v14;
	v13 =	vld [tilespmem:s9+$0x0]  }
0x4f7: {  	[tilespmem:s9+$0xFFFFFFA0] =	vst v3;
	v3 =	vmul.f32 v11, v14;
	v11 =	vld [tilespmem:s9+$0x10]  }
0x4f8: {  	[tilespmem:s9+$0xFFFFFFB0] =	vst v8;
	v8 =	vmul.f32 v9, v14;
	v9 =	vld [tilespmem:s9+$0x20]  }
0x4f9: {  	[tilespmem:s9+$0xFFFFFFC0] =	vst v3;
	v3 =	vmul.f32 v10, v14;
	v10 =	vld [tilespmem:s9+$0x30]  }
0x4fa: {  	[tilespmem:s9+$0xFFFFFFD0] =	vst v8;
	v8 =	vmul.f32 v12, v14;
	v12 =	vld [tilespmem:s9+$0x40]  }
0x4fb: {  	[tilespmem:s9+$0xFFFFFFE0] =	vst v3;
	v3 =	vmul.f32 v13, v7;
	v13 =	vld [tilespmem:s9+$0x50]  }
0x4fc: {  	[tilespmem:s9+$0xFFFFFFF0] =	vst v8;
	v8 =	vmul.f32 v11, v7;
	v11 =	vld [tilespmem:s9+$0x60]  }
0x4fd: {  	[tilespmem:s9+$0x0] =	vst v3;
	v3 =	vmul.f32 v9, v7;
	v9 =	vld [tilespmem:s9+$0x70]  }
0x4fe: {  	[tilespmem:s9+$0x10] =	vst v8;
	v8 =	vmul.f32 v10, v7;
	v10 =	vld [tilespmem:s9+$0x80]  }
0x4ff: {  	[tilespmem:s9+$0x20] =	vst v3;
	v3 =	vmul.f32 v12, v7;
	v12 =	vld [tilespmem:s9+$0x90]  }
0x500: {  	[tilespmem:s9+$0x30] =	vst v8;
	v8 =	vmul.f32 v13, v7;
	v13 =	vld [tilespmem:s9+$0xA0]  }
0x501: {  	[tilespmem:s9+$0x40] =	vst v3;
	v3 =	vmul.f32 v11, v7;
	v11 =	vld [tilespmem:s9+$0xB0]  }
0x502: {  	[tilespmem:s9+$0x50] =	vst v8;
	v7 =	vmul.f32 v9, v7;
	v8 =	vld [tilespmem:s9+$0xC0]  }
0x503: {  	v9 =	vld [tilespmem:s9+$0xD0];
	[tilespmem:s9+$0x60] =	vst v3;
	v3 =	vmul.f32 v10, v6  }
0x504: {  	v10 =	vld [tilespmem:s9+$0xE0];
	[tilespmem:s9+$0x70] =	vst v7;
	v7 =	vmul.f32 v12, v6  }
0x505: {  	v12 =	vld [tilespmem:s9+$0xF0];
	[tilespmem:s9+$0x80] =	vst v3;
	v3 =	vmul.f32 v13, v6  }
0x506: {  	[tilespmem:s9+$0x90] =	vst v7;
	v7 =	vmul.f32 v11, v6;
	v11 =	vld [tilespmem:s9+$0x100]  }
0x507: {  	[tilespmem:s9+$0xA0] =	vst v3;
	v3 =	vmul.f32 v8, v6;
	v8 =	vld [tilespmem:s9+$0x110]  }
0x508: {  	[tilespmem:s9+$0xB0] =	vst v7;
	v7 =	vmul.f32 v9, v6;
	v9 =	vld [tilespmem:s9+$0x120]  }
0x509: {  	[tilespmem:s9+$0xC0] =	vst v3;
	v3 =	vmul.f32 v10, v6;
	v10 =	vld [tilespmem:s9+$0x130]  }
0x50a: {  	v6 =	vmul.f32 v12, v6;
	[tilespmem:s9+$0xD0] =	vst v7;
	v7 =	vld [tilespmem:s9+$0x140]  }
0x50b: {  	[tilespmem:s9+$0xE0] =	vst v3;
	v3 =	vmul.f32 v11, v5;
	v11 =	vld [tilespmem:s9+$0x150]  }
0x50c: {  	[tilespmem:s9+$0xF0] =	vst v6;
	v6 =	vmul.f32 v8, v5;
	v8 =	vld [tilespmem:s9+$0x160]  }
0x50d: {  	[tilespmem:s9+$0x100] =	vst v3;
	v3 =	vmul.f32 v9, v5;
	v9 =	vld [tilespmem:s9+$0x180]  }
0x50e: {  	[tilespmem:s9+$0x110] =	vst v6;
	v6 =	vmul.f32 v10, v5;
	v10 =	vld [tilespmem:s9+$0x190]  }
0x50f: {  	[tilespmem:s9+$0x120] =	vst v3;
	v3 =	vmul.f32 v7, v5;
	v7 =	vld [tilespmem:s9+$0x1A0]  }
0x510: {  	[tilespmem:s9+$0x130] =	vst v6;
	v6 =	vmul.f32 v11, v5;
	v11 =	vld [tilespmem:s9+$0x1B0]  }
0x511: {  	[tilespmem:s9+$0x140] =	vst v3;
	v3 =	vmul.f32 v8, v5;
	v5 =	vld [tilespmem:s9+$0x1C0]  }
0x512: {  	v8 =	vld [tilespmem:s9+$0x1D0];
	[tilespmem:s9+$0x150] =	vst v6;
	v6 =	vmul.f32 v9, v4  }
0x513: {  	v9 =	vld [tilespmem:s9+$0x1E0];
	[tilespmem:s9+$0x160] =	vst v3;
	v3 =	vmul.f32 v10, v4  }
0x514: {  	[tilespmem:s9+$0x180] =	vst v6;
	v6 =	vmul.f32 v7, v4;
	v7 =	vld [tilespmem:s9+$0x1F0]  }
0x515: {  	[tilespmem:s9+$0x190] =	vst v3;
	v3 =	vmul.f32 v11, v4  }
0x516: {  	[tilespmem:s9+$0x1A0] =	vst v6;
	v5 =	vmul.f32 v5, v4  }
0x517: {  	[tilespmem:s9+$0x1B0] =	vst v3;
	v3 =	vmul.f32 v8, v4  }
0x518: {  	[tilespmem:s9+$0x1C0] =	vst v5;
	v5 =	vmul.f32 v9, v4  }
0x519: {  	[tilespmem:s9+$0x1D0] =	vst v3;
	v3 =	vmul.f32 v7, v4  }
0x51a: {  	[tilespmem:s9+$0x1E0] =	vst v5  }
0x51b: {  	[tilespmem:s9+$0x1F0] =	vst v3  }
0x51c: {  	[spmem:s2] =	stream.indirect.scatter.add.f32 [tilespmem:s30], [sflag:$0x4], $0x80, s18, s31, $0xb8;
	[tilespmem:$0x1CDE8] =	vst v63  }
0x51d: {  	_ =	swait.ge [sflag:s13], $0x50  }
0x51e: {  	[sflag:s13] =	ssyncset.done $0x0  }
0x51f: {  	[sflag:s13] =	ssyncadd.s32 $0xFFFFFFB0  }
0x520: {  	_ =	swait.ge [sflag:s1], $0x50  }
0x521: {  	[sflag:s1] =	ssyncset.done $0x0  }
0x522: {  	[sflag:s1] =	ssyncadd.s32 $0xFFFFFFB0  }
0x523: {  	_ =	swait.ge [sflag:s25], $0x50  }
0x524: {  	[sflag:s25] =	ssyncset.done $0x0  }
0x525: {  	[sflag:s25] =	ssyncadd.s32 $0xFFFFFFB0  }
0x526: {  	v3 =	vld [tilespmem:$0x1280]  }
0x527: {  	v4 =	vld [tilespmem:$0x1480]  }
0x528: {  	v5 =	vld [tilespmem:$0x1290]  }
0x529: {  	v6 =	vld [tilespmem:$0x1490];
	_ =	sdelay $0x1  }
0x52a: {  	v7 =	vld [tilespmem:$0x12A0]  }
0x52b: {  	v8 =	vld [tilespmem:$0x14A0];
	v4 =	vadd.f32 v4, v3;
	v3 =	vadd.f32 v3, v2  }
0x52c: {  	v11 =	vld [tilespmem:$0x12B0]  }
0x52d: {  	v12 =	vld [tilespmem:$0x12C0];
	v6 =	vadd.f32 v6, v5;
	v9 =	vmul.f32 $2.000000030e-01, v4;
	v10 =	vmul.f32 $2.000000030e-01, v3  }
0x52e: {  	v13 =	vld [tilespmem:$0x14C0];
	v5 =	vadd.f32 v5, v2;
	vm0 =	vge.f32 v4, $0.0e+00;
	vm1 =	vge.f32 v3, $0.0e+00  }
0x52f: {  	v4 =	vsel vm0, v4, v9;
	v3 =	vsel vm1, v3, v10;
	v9 =	vld [tilespmem:$0x14B0]  }
0x530: {  	v10 =	vmul.f32 $2.000000030e-01, v5;
	v3 =	vsub.f32 v4, v3;
	v4 =	vmul.f32 $2.000000030e-01, v6  }
0x531: {  	v8 =	vadd.f32 v8, v7;
	vm8 =	vge.f32 v6, $0.0e+00;
	vm9 =	vge.f32 v5, $0.0e+00  }
0x532: {  	v5 =	vsel vm9, v5, v10;
	v4 =	vsel vm8, v6, v4;
	v6 =	vadd.f32 v7, v2  }
0x533: {  	vm10 =	vge.f32 v8, $0.0e+00;
	v4 =	vsub.f32 v4, v5;
	v5 =	vmul.f32 $2.000000030e-01, v8  }
0x534: {  	v10 =	vadd.f32 v13, v12;
	v7 =	vmul.f32 $2.000000030e-01, v6;
	v9 =	vadd.f32 v9, v11  }
0x535: {  	vm11 =	vge.f32 v6, $0.0e+00;
	v5 =	vsel vm10, v8, v5;
	v8 =	vadd.f32 v11, v2  }
0x536: {  	v12 =	vadd.f32 v12, v2;
	v6 =	vsel vm11, v6, v7;
	v7 =	vmul.f32 $2.000000030e-01, v9  }
0x537: {  	v3 =	vmul.f32 $1.442695020e+00, v3;
	vm12 =	vge.f32 v9, $0.0e+00;
	v11 =	vmul.f32 $2.000000030e-01, v8  }
0x538: {  	vm14 =	vge.f32 v10, $0.0e+00;
	vm13 =	vge.f32 v8, $0.0e+00;
	v7 =	vsel vm12, v9, v7  }
0x539: {  	v9 =	vmul.f32 $2.000000030e-01, v10;
	v8 =	vsel vm13, v8, v11;
	v11 =	vmul.f32 $2.000000030e-01, v12  }
0x53a: {  	vm15 =	vge.f32 v12, $0.0e+00;
	v4 =	vmul.f32 $1.442695020e+00, v4;
	v5 =	vsub.f32 v5, v6  }
0x53b: {  	v6 =	vsel vm14, v10, v9;
	v7 =	vsub.f32 v7, v8;
	v8 =	vsel vm15, v12, v11  }
0x53c: {  	(erf) = vpow2.f32 v3;
	v3 =	vmul.f32 $1.442695020e+00, v5;
	v5 =	vsub.f32 v6, v8  }
0x53d: {  	(erf) = vpow2.f32 v4;
	v4 =	vmul.f32 $1.442695020e+00, v7  }
0x53e: {  	(erf) = vpow2.f32 v3;
	v3 =	vmul.f32 $1.442695020e+00, v5  }
0x53f: {  	(erf) = vpow2.f32 v4  }
0x540: {  	(erf) = vpow2.f32 v3;
	_ =	sdelay $0x4  }
0x541: {  	v3 =	vpop (erf)  }
0x542: {  	s15 =	simm.s32 $0x0;
	v4 =	vpop (erf);
	[tilespmem:$0x1080] =	vst v3  }
0x543: {  	s16 =	simm.s32 $0x6;
	v3 =	vpop (erf);
	[tilespmem:$0x1090] =	vst v4;
	v4 =	vmov s15  }
0x544: {  	[tilespmem:$0x10A0] =	vst v3;
	v3 =	vand.u32 $0xFFFFFFF8, v4;
	v4 =	vmov s16;
	v5 =	vpop (erf)  }
0x545: {  	v3 =	vbroadcast v3, $0x0;
	v4 =	vand.u32 $0xFFFFFFFE, v4;
	[tilespmem:$0x10B0] =	vst v5;
	v5 =	vpop (erf)  }
0x546: {  	v4 =	vbroadcast v4, $0x0;
	[tilespmem:$0x10C0] =	vst v5  }
0x547: {  	[spmem:s5] =	stream.indirect.scatter.add.f32 [tilespmem:s7], [sflag:$0xE], $0x1, s19, s31, $0xb8;
	[tilespmem:$0x1CDE8] =	vst v63  }
0x548: {  	_ =	swait.ge [sflag:s22], $0x2800  }
0x549: {  	[sflag:s22] =	ssyncset.done $0x0  }
0x54a: {  	[sflag:s22] =	ssyncadd.s32 $0xFFFFD800  }
0x54b: {  	v3 =	vld.idx.msk [tilespmem:v3+s7+$0x0], $0xffff  }
0x54c: {  	s6 =	simm.s32 $0x41F0;
	v4 =	vld.idx.msk [tilespmem:v4+s7+$0x0], $0xffff  }
0x54d: {  	v6 =	vld [tilespmem:s6+$0xFFFFFF80]  }
0x54e: {  	v7 =	vld [tilespmem:s6+$0xFFFFFC10]  }
0x54f: {  	v8 =	vld [tilespmem:s6+$0xFFFFFC20]  }
0x550: {  	v9 =	vld [tilespmem:s6+$0xFFFFFC30]  }
0x551: {  	s18 =	simm.s32 $0x1;
	v10 =	vld [tilespmem:s6+$0xFFFFFC40]  }
0x552: {  	v5 =	vmov s18;
	v11 =	vld [tilespmem:s6+$0xFFFFFC50]  }
0x553: {  	v5 =	vand.u32 $0xFFFFFFF9, v5;
	v12 =	vld [tilespmem:s6+$0xFFFFFC60]  }
0x554: {  	v5 =	vbroadcast v5, $0x0;
	v13 =	vld [tilespmem:s6+$0xFFFFFC70]  }
0x555: {  	v14 =	vld [tilespmem:s6+$0xFFFFFC80]  }
0x556: {  	v15 =	vld [tilespmem:s6+$0xFFFFFC90]  }
0x557: {  	v16 =	vld [tilespmem:s6+$0xFFFFFCA0];
	v7 =	vmul.f32 v7, v3  }
0x558: {  	v17 =	vld [tilespmem:s6+$0xFFFFFCB0];
	v6 =	vmul.f32 v6, v4  }
0x559: {  	v18 =	vld [tilespmem:s6+$0xFFFFFCC0];
	v8 =	vmul.f32 v8, v3;
	[tilespmem:s6+$0xFFFFFC10] =	vst v7  }
0x55a: {  	s14 =	simm.s32 $0x2;
	v5 =	vld.idx.msk [tilespmem:v5+s7+$0x0], $0xffff;
	v10 =	vmul.f32 v10, v3;
	[tilespmem:s6+$0xFFFFFF80] =	vst v6  }
0x55b: {  	v11 =	vmul.f32 v11, v3;
	v7 =	vmov s14;
	v6 =	vmul.f32 v9, v3;
	v9 =	vld [tilespmem:s6+$0xFFFFFCD0];
	[tilespmem:s6+$0xFFFFFC20] =	vst v8  }
0x55c: {  	[tilespmem:s6+$0xFFFFFC40] =	vst v10;
	v10 =	vmul.f32 v12, v3;
	v12 =	vld [tilespmem:s6+$0xFFFFFD00];
	v7 =	vand.u32 $0xFFFFFFFA, v7  }
0x55d: {  	[tilespmem:s6+$0xFFFFFC50] =	vst v11;
	v11 =	vmul.f32 v13, v3;
	v13 =	vld [tilespmem:s6+$0xFFFFFD10];
	v7 =	vbroadcast v7, $0x0  }
0x55e: {  	v3 =	vmul.f32 v14, v3;
	v14 =	vld [tilespmem:s6+$0xFFFFFD30];
	[tilespmem:s6+$0xFFFFFC30] =	vst v6  }
0x55f: {  	v8 =	vmul.f32 v15, v5;
	v15 =	vld [tilespmem:s6+$0xFFFFFCE0];
	[tilespmem:s6+$0xFFFFFC60] =	vst v10  }
0x560: {  	s15 =	simm.s32 $0x3;
	v6 =	vld [tilespmem:s6+$0xFFFFFCF0];
	[tilespmem:s6+$0xFFFFFC70] =	vst v11  }
0x561: {  	v10 =	vld [tilespmem:s6+$0xFFFFFD20];
	v11 =	vmul.f32 v16, v5;
	[tilespmem:s6+$0xFFFFFC90] =	vst v8;
	v8 =	vmov s15  }
0x562: {  	[tilespmem:s6+$0xFFFFFC80] =	vst v3;
	v3 =	vmul.f32 v17, v5;
	v16 =	vld [tilespmem:s6+$0xFFFFFD40];
	v8 =	vand.u32 $0xFFFFFFFB, v8  }
0x563: {  	[tilespmem:s6+$0xFFFFFCA0] =	vst v11;
	v11 =	vmul.f32 v18, v5;
	v8 =	vbroadcast v8, $0x0;
	v7 =	vld.idx.msk [tilespmem:v7+s7+$0x0], $0xffff  }
0x564: {  	v17 =	vld [tilespmem:s6+$0xFFFFFD50];
	[tilespmem:s6+$0xFFFFFCB0] =	vst v3;
	v9 =	vmul.f32 v9, v5  }
0x565: {  	[tilespmem:s6+$0xFFFFFCC0] =	vst v11;
	v11 =	vld [tilespmem:s6+$0xFFFFFD70];
	v15 =	vmul.f32 v15, v5  }
0x566: {  	[tilespmem:s6+$0xFFFFFCD0] =	vst v9;
	v6 =	vmul.f32 v6, v5;
	v9 =	vld [tilespmem:s6+$0xFFFFFD80]  }
0x567: {  	v5 =	vmul.f32 v12, v5;
	v12 =	vld [tilespmem:s6+$0xFFFFFD90];
	[tilespmem:s6+$0xFFFFFCE0] =	vst v15  }
0x568: {  	v15 =	vld [tilespmem:s6+$0xFFFFFDC0];
	[tilespmem:s6+$0xFFFFFCF0] =	vst v6;
	v3 =	vmul.f32 v13, v7  }
0x569: {  	[tilespmem:s6+$0xFFFFFD00] =	vst v5;
	v8 =	vld.idx.msk [tilespmem:v8+s7+$0x0], $0xffff;
	v6 =	vmul.f32 v10, v7  }
0x56a: {  	s16 =	simm.s32 $0x4;
	v13 =	vld [tilespmem:s6+$0xFFFFFD60];
	v5 =	vmul.f32 v14, v7;
	[tilespmem:s6+$0xFFFFFD10] =	vst v3  }
0x56b: {  	v10 =	vld [tilespmem:s6+$0xFFFFFDA0];
	v11 =	vmul.f32 v11, v7;
	v3 =	vmov s16;
	[tilespmem:s6+$0xFFFFFD20] =	vst v6  }
0x56c: {  	v14 =	vld [tilespmem:s6+$0xFFFFFDB0];
	v6 =	vmul.f32 v16, v7;
	[tilespmem:s6+$0xFFFFFD30] =	vst v5;
	v3 =	vand.u32 $0xFFFFFFFC, v3  }
0x56d: {  	v5 =	vmul.f32 v17, v7;
	v16 =	vld [tilespmem:s6+$0xFFFFFDD0];
	[tilespmem:s6+$0xFFFFFD70] =	vst v11;
	v3 =	vbroadcast v3, $0x0  }
0x56e: {  	v11 =	vld [tilespmem:s6+$0xFFFFFE10];
	[tilespmem:s6+$0xFFFFFD40] =	vst v6;
	v6 =	vmul.f32 v12, v8  }
0x56f: {  	s18 =	simm.s32 $0x5;
	v12 =	vld [tilespmem:s6+$0xFFFFFDE0];
	[tilespmem:s6+$0xFFFFFD50] =	vst v5;
	v13 =	vmul.f32 v13, v7  }
0x570: {  	v5 =	vld [tilespmem:s6+$0xFFFFFDF0];
	v7 =	vmul.f32 v9, v7;
	[tilespmem:s6+$0xFFFFFD90] =	vst v6;
	v6 =	vmov s18  }
0x571: {  	v9 =	vld [tilespmem:s6+$0xFFFFFE00];
	v10 =	vmul.f32 v10, v8;
	[tilespmem:s6+$0xFFFFFD60] =	vst v13;
	v6 =	vand.u32 $0xFFFFFFFD, v6  }
0x572: {  	[tilespmem:s6+$0xFFFFFD80] =	vst v7;
	v7 =	vmul.f32 v14, v8;
	v13 =	vld [tilespmem:s6+$0xFFFFFE20];
	v6 =	vbroadcast v6, $0x0  }
0x573: {  	[tilespmem:s6+$0xFFFFFDA0] =	vst v10;
	v10 =	vmul.f32 v15, v8;
	v3 =	vld.idx.msk [tilespmem:v3+s7+$0x0], $0xffff  }
0x574: {  	v14 =	vld [tilespmem:s6+$0xFFFFFE30];
	[tilespmem:s6+$0xFFFFFDB0] =	vst v7;
	v7 =	vmul.f32 v16, v8  }
0x575: {  	v15 =	vld [tilespmem:s6+$0xFFFFFE40];
	[tilespmem:s6+$0xFFFFFDC0] =	vst v10;
	v10 =	vmul.f32 v12, v8  }
0x576: {  	v12 =	vld [tilespmem:s6+$0xFFFFFE50];
	v5 =	vmul.f32 v5, v8;
	[tilespmem:s6+$0xFFFFFDD0] =	vst v7  }
0x577: {  	v8 =	vmul.f32 v9, v8;
	[tilespmem:s6+$0xFFFFFDE0] =	vst v10;
	v10 =	vld [tilespmem:s6+$0xFFFFFE70]  }
0x578: {  	[tilespmem:s6+$0xFFFFFDF0] =	vst v5;
	v6 =	vld.idx.msk [tilespmem:v6+s7+$0x0], $0xffff;
	v7 =	vmul.f32 v11, v3  }
0x579: {  	[tilespmem:s6+$0xFFFFFE00] =	vst v8;
	v11 =	vld [tilespmem:s6+$0xFFFFFE60];
	v8 =	vmul.f32 v14, v3  }
0x57a: {  	v5 =	vmul.f32 v13, v3;
	v13 =	vld [tilespmem:s6+$0xFFFFFEA0];
	[tilespmem:s6+$0xFFFFFE10] =	vst v7  }
0x57b: {  	v9 =	vld [tilespmem:s6+$0xFFFFFE90];
	[tilespmem:s6+$0xFFFFFE30] =	vst v8;
	v8 =	vmul.f32 v12, v3  }
0x57c: {  	v7 =	vld [tilespmem:s6+$0xFFFFFE80];
	[tilespmem:s6+$0xFFFFFE20] =	vst v5;
	v5 =	vmul.f32 v15, v3  }
0x57d: {  	v12 =	vld [tilespmem:s6+$0xFFFFFEB0];
	[tilespmem:s6+$0xFFFFFE50] =	vst v8;
	v8 =	vmul.f32 v10, v3  }
0x57e: {  	[tilespmem:s6+$0xFFFFFE40] =	vst v5;
	v10 =	vld [tilespmem:s6+$0xFFFFFED0];
	v5 =	vmul.f32 v11, v3  }
0x57f: {  	v11 =	vld [tilespmem:s6+$0xFFFFFEC0];
	v13 =	vmul.f32 v13, v6;
	[tilespmem:s6+$0xFFFFFE70] =	vst v8  }
0x580: {  	s14 =	simm.s32 $0x7;
	v8 =	vld [tilespmem:s6+$0xFFFFFEF0];
	[tilespmem:s6+$0xFFFFFE60] =	vst v5;
	v5 =	vmul.f32 v9, v6  }
0x581: {  	v14 =	vmov s14;
	v9 =	vld [tilespmem:s6+$0xFFFFFEE0];
	v7 =	vmul.f32 v7, v3;
	[tilespmem:s6+$0xFFFFFEA0] =	vst v13  }
0x582: {  	v13 =	vld [tilespmem:s6+$0xFFFFFF60];
	[tilespmem:s6+$0xFFFFFE90] =	vst v5  }
0x583: {  	[tilespmem:s6+$0xFFFFFE80] =	vst v7;
	v5 =	vmul.f32 v12, v6;
	v7 =	vld [tilespmem:s6+$0xFFFFFF00]  }
0x584: {  	v12 =	vld [tilespmem:s6+$0xFFFFFF10];
	v11 =	vmul.f32 v11, v6  }
0x585: {  	[tilespmem:s6+$0xFFFFFEB0] =	vst v5;
	v5 =	vmul.f32 v10, v6;
	v10 =	vld [tilespmem:s6+$0xFFFFFF20]  }
0x586: {  	v3 =	vld.idx.msk [tilespmem:v14+s7+$0x0], $0xffff;
	[tilespmem:s6+$0xFFFFFEC0] =	vst v11;
	v9 =	vmul.f32 v9, v6  }
0x587: {  	v11 =	vld [tilespmem:s6+$0xFFFFFF30];
	v13 =	vmul.f32 v13, v4;
	[tilespmem:s6+$0xFFFFFED0] =	vst v5  }
0x588: {  	s18 =	simm.s32 $0x9;
	v5 =	vmul.f32 v8, v6;
	v8 =	vld [tilespmem:s6+$0xFFFFFF40];
	[tilespmem:s6+$0xFFFFFEE0] =	vst v9;
	v6 =	vmul.f32 v7, v6  }
0x589: {  	s15 =	simm.s32 $0x8;
	v14 =	vmov s18;
	v7 =	vld [tilespmem:s6+$0xFFFFFF50];
	[tilespmem:s6+$0xFFFFFF60] =	vst v13  }
0x58a: {  	s18 =	simm.s32 $0xD;
	v9 =	vmov s15;
	v12 =	vmul.f32 v12, v4;
	s15 =	simm.s32 $0xA;
	[tilespmem:s6+$0xFFFFFF00] =	vst v6;
	v6 =	vmul.f32 v10, v4;
	v10 =	vld [tilespmem:s6+$0xFFFFFF70]  }
0x58b: {  	s16 =	simm.s32 $0xF;
	v16 =	vld [tilespmem:s6+$0xFFFFFF90];
	v63 =	vmov s18;
	[tilespmem:s6+$0xFFFFFEF0] =	vst v5;
	v9 =	vand.u32 $0xFFFFFFF8, v9;
	v15 =	vmov s15;
	s15 =	simm.s32 $0xB  }
0x58c: {  	v19 =	vld [tilespmem:s6+$0xFFFFFFA0];
	v5 =	vmov s16;
	s16 =	simm.s32 $0xC;
	[tilespmem:s6+$0xFFFFFF10] =	vst v12;
	v12 =	vmov s15;
	v11 =	vmul.f32 v11, v4  }
0x58d: {  	v17 =	vmov s16;
	[tilespmem:s6+$0xFFFFFF20] =	vst v6;
	v18 =	vmul.f32 v8, v4;
	v6 =	vbroadcast v9, $0x0;
	v8 =	vld [tilespmem:s6+$0xFFFFFFB0]  }
0x58e: {  	v9 =	vld [tilespmem:s6+$0xFFFFFFC0];
	[tilespmem:s6+$0xFFFFFF30] =	vst v11;
	v11 =	vmul.f32 v7, v4;
	v7 =	vand.u32 $0xFFFFFFF9, v14;
	v14 =	vand.u32 $0xFFFFFFFA, v15  }
0x58f: {  	v15 =	vand.u32 $0xFFFFFFFB, v12;
	[tilespmem:s6+$0xFFFFFF40] =	vst v18;
	v7 =	vbroadcast v7, $0x0;
	v18 =	vmul.f32 v10, v4;
	v10 =	vld [tilespmem:s6+$0xFFFFFFD0]  }
0x590: {  	v12 =	vbroadcast v14, $0x0;
	[tilespmem:s6+$0xFFFFFF50] =	vst v11;
	v4 =	vand.u32 $0xFFFFFFFC, v17;
	v17 =	vmul.f32 v16, v3;
	v11 =	vld [tilespmem:s6+$0xFFFFFFE0]  }
0x591: {  	s9 =	simm.s32 $0x10;
	s14 =	simm.s32 $0xE;
	v13 =	vld [tilespmem:s6+$0xFFFFFFF0];
	v14 =	vbroadcast v15, $0x0;
	v15 =	vmul.f32 v19, v3;
	v16 =	vand.u32 $0xFFFFFFFD, v63;
	[tilespmem:s6+$0xFFFFFF70] =	vst v18  }
.LBB2_17:
0x592: {  	p2 =	slt.u32 s9, $0x48;
	v4 =	vbroadcast v4, $0x0;
	v18 =	vmov s14;
	[tilespmem:s6+$0xFFFFFF90] =	vst v17;
	v8 =	vmul.f32 v8, v3;
	v17 =	vld [tilespmem:s6+$0x0]  }
0x593: {  	v16 =	vbroadcast v16, $0x0;
	v18 =	vand.u32 $0xFFFFFFFE, v18;
	v19 =	vld.idx.msk [tilespmem:v5+s7+$0x0], $0xffff;
	[tilespmem:s6+$0xFFFFFFA0] =	vst v15;
	v5 =	vmul.f32 v9, v3  }
0x594: {  	v9 =	vld.idx.msk [tilespmem:v6+s7+$0x0], $0xffff;
	v15 =	vbroadcast v18, $0x0;
	[tilespmem:s6+$0xFFFFFFB0] =	vst v8;
	v6 =	vmul.f32 v10, v3  }
0x595: {  	v8 =	vld.idx.msk [tilespmem:v7+s7+$0x0], $0xffff;
	[tilespmem:s6+$0xFFFFFFC0] =	vst v5;
	v5 =	vmul.f32 v11, v3  }
0x596: {  	v10 =	vld.idx.msk [tilespmem:v12+s7+$0x0], $0xffff;
	[tilespmem:s6+$0xFFFFFFD0] =	vst v6;
	v11 =	vmul.f32 v13, v3  }
0x597: {  	v7 =	vld.idx.msk [tilespmem:v14+s7+$0x0], $0xffff;
	[tilespmem:s6+$0xFFFFFFE0] =	vst v5;
	v12 =	vmul.f32 v17, v3  }
0x598: {  	v6 =	vld.idx.msk [tilespmem:v4+s7+$0x0], $0xffff;
	[tilespmem:s6+$0xFFFFFFF0] =	vst v11  }
0x599: {  	v3 =	vmov v19;
	v5 =	vld.idx.msk [tilespmem:v16+s7+$0x0], $0xffff;
	[tilespmem:s6+$0x0] =	vst v12  }
0x59a: {  	s6 =	sadd.s32 $0x400, s6;
	v4 =	vld.idx.msk [tilespmem:v15+s7+$0x0], $0xffff  }
0x59b: {  	v11 =	vld [tilespmem:s6+$0xFFFFFF80]  }
0x59c: {  	v12 =	vld [tilespmem:s6+$0xFFFFFC10]  }
0x59d: {  	v13 =	vld [tilespmem:s6+$0xFFFFFC20]  }
0x59e: {  	v14 =	vld [tilespmem:s6+$0xFFFFFC30]  }
0x59f: {  	v15 =	vld [tilespmem:s6+$0xFFFFFC40]  }
0x5a0: {  	v16 =	vld [tilespmem:s6+$0xFFFFFC50];
	v11 =	vmul.f32 v11, v4  }
0x5a1: {  	v12 =	vmul.f32 v12, v9;
	v17 =	vld [tilespmem:s6+$0xFFFFFC60]  }
0x5a2: {  	v13 =	vmul.f32 v13, v9;
	v18 =	vld [tilespmem:s6+$0xFFFFFC70];
	[tilespmem:s6+$0xFFFFFF80] =	vst v11  }
0x5a3: {  	[tilespmem:s6+$0xFFFFFC10] =	vst v12;
	v11 =	vmul.f32 v14, v9;
	v12 =	vld [tilespmem:s6+$0xFFFFFC80]  }
0x5a4: {  	[tilespmem:s6+$0xFFFFFC20] =	vst v13;
	v13 =	vmul.f32 v15, v9;
	v14 =	vld [tilespmem:s6+$0xFFFFFC90]  }
0x5a5: {  	[tilespmem:s6+$0xFFFFFC30] =	vst v11;
	v11 =	vmul.f32 v16, v9;
	v15 =	vld [tilespmem:s6+$0xFFFFFCA0]  }
0x5a6: {  	[tilespmem:s6+$0xFFFFFC40] =	vst v13;
	v13 =	vmul.f32 v17, v9;
	v16 =	vld [tilespmem:s6+$0xFFFFFCB0]  }
0x5a7: {  	[tilespmem:s6+$0xFFFFFC50] =	vst v11;
	v11 =	vmul.f32 v18, v9;
	v17 =	vld [tilespmem:s6+$0xFFFFFCC0]  }
0x5a8: {  	[tilespmem:s6+$0xFFFFFC60] =	vst v13;
	v9 =	vmul.f32 v12, v9;
	v12 =	vld [tilespmem:s6+$0xFFFFFCD0]  }
0x5a9: {  	[tilespmem:s6+$0xFFFFFC70] =	vst v11;
	v11 =	vmul.f32 v14, v8;
	v13 =	vld [tilespmem:s6+$0xFFFFFCE0]  }
0x5aa: {  	[tilespmem:s6+$0xFFFFFC80] =	vst v9;
	v9 =	vmul.f32 v15, v8;
	v14 =	vld [tilespmem:s6+$0xFFFFFCF0]  }
0x5ab: {  	[tilespmem:s6+$0xFFFFFC90] =	vst v11;
	v11 =	vmul.f32 v16, v8;
	v15 =	vld [tilespmem:s6+$0xFFFFFD00]  }
0x5ac: {  	[tilespmem:s6+$0xFFFFFCA0] =	vst v9;
	v9 =	vmul.f32 v17, v8;
	v16 =	vld [tilespmem:s6+$0xFFFFFD10]  }
0x5ad: {  	[tilespmem:s6+$0xFFFFFCB0] =	vst v11;
	v11 =	vmul.f32 v12, v8;
	v12 =	vld [tilespmem:s6+$0xFFFFFD20]  }
0x5ae: {  	[tilespmem:s6+$0xFFFFFCC0] =	vst v9;
	v9 =	vmul.f32 v13, v8;
	v13 =	vld [tilespmem:s6+$0xFFFFFD30]  }
0x5af: {  	[tilespmem:s6+$0xFFFFFCD0] =	vst v11;
	v11 =	vmul.f32 v14, v8;
	v14 =	vld [tilespmem:s6+$0xFFFFFD40]  }
0x5b0: {  	[tilespmem:s6+$0xFFFFFCE0] =	vst v9;
	v8 =	vmul.f32 v15, v8;
	v9 =	vld [tilespmem:s6+$0xFFFFFD50]  }
0x5b1: {  	[tilespmem:s6+$0xFFFFFCF0] =	vst v11;
	v11 =	vmul.f32 v16, v10;
	v15 =	vld [tilespmem:s6+$0xFFFFFD60]  }
0x5b2: {  	[tilespmem:s6+$0xFFFFFD00] =	vst v8;
	v8 =	vmul.f32 v12, v10;
	v12 =	vld [tilespmem:s6+$0xFFFFFD70]  }
0x5b3: {  	[tilespmem:s6+$0xFFFFFD10] =	vst v11;
	v11 =	vmul.f32 v13, v10;
	v13 =	vld [tilespmem:s6+$0xFFFFFD80]  }
0x5b4: {  	[tilespmem:s6+$0xFFFFFD20] =	vst v8;
	v8 =	vmul.f32 v14, v10;
	v14 =	vld [tilespmem:s6+$0xFFFFFD90]  }
0x5b5: {  	[tilespmem:s6+$0xFFFFFD30] =	vst v11;
	v9 =	vmul.f32 v9, v10;
	v11 =	vld [tilespmem:s6+$0xFFFFFDA0]  }
0x5b6: {  	[tilespmem:s6+$0xFFFFFD40] =	vst v8;
	v8 =	vmul.f32 v15, v10;
	v15 =	vld [tilespmem:s6+$0xFFFFFDB0]  }
0x5b7: {  	[tilespmem:s6+$0xFFFFFD50] =	vst v9;
	v9 =	vmul.f32 v12, v10;
	v12 =	vld [tilespmem:s6+$0xFFFFFDC0]  }
0x5b8: {  	[tilespmem:s6+$0xFFFFFD60] =	vst v8;
	v8 =	vmul.f32 v13, v10;
	v10 =	vld [tilespmem:s6+$0xFFFFFDD0]  }
0x5b9: {  	[tilespmem:s6+$0xFFFFFD70] =	vst v9;
	v9 =	vmul.f32 v14, v7;
	v13 =	vld [tilespmem:s6+$0xFFFFFDE0]  }
0x5ba: {  	[tilespmem:s6+$0xFFFFFD80] =	vst v8;
	v8 =	vmul.f32 v11, v7;
	v11 =	vld [tilespmem:s6+$0xFFFFFDF0]  }
0x5bb: {  	[tilespmem:s6+$0xFFFFFD90] =	vst v9;
	v9 =	vmul.f32 v15, v7;
	v14 =	vld [tilespmem:s6+$0xFFFFFE00]  }
0x5bc: {  	[tilespmem:s6+$0xFFFFFDA0] =	vst v8;
	v8 =	vmul.f32 v12, v7;
	v12 =	vld [tilespmem:s6+$0xFFFFFE10]  }
0x5bd: {  	[tilespmem:s6+$0xFFFFFDB0] =	vst v9;
	v9 =	vmul.f32 v10, v7;
	v10 =	vld [tilespmem:s6+$0xFFFFFE20]  }
0x5be: {  	[tilespmem:s6+$0xFFFFFDC0] =	vst v8;
	v8 =	vmul.f32 v13, v7;
	v13 =	vld [tilespmem:s6+$0xFFFFFE30]  }
0x5bf: {  	[tilespmem:s6+$0xFFFFFDD0] =	vst v9;
	v9 =	vmul.f32 v11, v7;
	v11 =	vld [tilespmem:s6+$0xFFFFFE40]  }
0x5c0: {  	[tilespmem:s6+$0xFFFFFDE0] =	vst v8;
	v7 =	vmul.f32 v14, v7;
	v8 =	vld [tilespmem:s6+$0xFFFFFE50]  }
0x5c1: {  	[tilespmem:s6+$0xFFFFFDF0] =	vst v9;
	v9 =	vmul.f32 v12, v6;
	v12 =	vld [tilespmem:s6+$0xFFFFFE60]  }
0x5c2: {  	[tilespmem:s6+$0xFFFFFE00] =	vst v7;
	v7 =	vmul.f32 v10, v6;
	v10 =	vld [tilespmem:s6+$0xFFFFFE70]  }
0x5c3: {  	[tilespmem:s6+$0xFFFFFE10] =	vst v9;
	v9 =	vmul.f32 v13, v6;
	v13 =	vld [tilespmem:s6+$0xFFFFFE80]  }
0x5c4: {  	[tilespmem:s6+$0xFFFFFE20] =	vst v7;
	v7 =	vmul.f32 v11, v6;
	v11 =	vld [tilespmem:s6+$0xFFFFFE90]  }
0x5c5: {  	[tilespmem:s6+$0xFFFFFE30] =	vst v9;
	v8 =	vmul.f32 v8, v6;
	v9 =	vld [tilespmem:s6+$0xFFFFFEA0]  }
0x5c6: {  	[tilespmem:s6+$0xFFFFFE40] =	vst v7;
	v7 =	vmul.f32 v12, v6;
	v12 =	vld [tilespmem:s6+$0xFFFFFEB0]  }
0x5c7: {  	[tilespmem:s6+$0xFFFFFE50] =	vst v8;
	v8 =	vmul.f32 v10, v6;
	v10 =	vld [tilespmem:s6+$0xFFFFFEC0]  }
0x5c8: {  	[tilespmem:s6+$0xFFFFFE60] =	vst v7;
	v6 =	vmul.f32 v13, v6;
	v7 =	vld [tilespmem:s6+$0xFFFFFED0]  }
0x5c9: {  	[tilespmem:s6+$0xFFFFFE70] =	vst v8;
	v8 =	vmul.f32 v11, v5;
	v11 =	vld [tilespmem:s6+$0xFFFFFEE0]  }
0x5ca: {  	[tilespmem:s6+$0xFFFFFE80] =	vst v6;
	v6 =	vmul.f32 v9, v5;
	v9 =	vld [tilespmem:s6+$0xFFFFFEF0]  }
0x5cb: {  	[tilespmem:s6+$0xFFFFFE90] =	vst v8;
	v8 =	vmul.f32 v12, v5;
	v12 =	vld [tilespmem:s6+$0xFFFFFF00]  }
0x5cc: {  	[tilespmem:s6+$0xFFFFFEA0] =	vst v6;
	v6 =	vmul.f32 v10, v5;
	v10 =	vld [tilespmem:s6+$0xFFFFFF10]  }
0x5cd: {  	[tilespmem:s6+$0xFFFFFEB0] =	vst v8;
	v7 =	vmul.f32 v7, v5;
	v8 =	vld [tilespmem:s6+$0xFFFFFF20]  }
0x5ce: {  	[tilespmem:s6+$0xFFFFFEC0] =	vst v6;
	v6 =	vmul.f32 v11, v5;
	v11 =	vld [tilespmem:s6+$0xFFFFFF30]  }
0x5cf: {  	[tilespmem:s6+$0xFFFFFED0] =	vst v7;
	v7 =	vmul.f32 v9, v5;
	v9 =	vld [tilespmem:s6+$0xFFFFFF40]  }
0x5d0: {  	[tilespmem:s6+$0xFFFFFEE0] =	vst v6;
	v6 =	vmul.f32 v12, v5;
	v12 =	vld [tilespmem:s6+$0xFFFFFF50]  }
0x5d1: {  	s14 =	sadd.s32 $0x7, s9;
	v5 =	vmov s9;
	[tilespmem:s6+$0xFFFFFEF0] =	vst v7;
	v7 =	vmul.f32 v10, v4;
	v10 =	vld [tilespmem:s6+$0xFFFFFF60]  }
0x5d2: {  	s15 =	sadd.s32 $0x1, s9;
	s16 =	sadd.s32 $0x2, s9;
	v13 =	vand.u32 $0xFFFFFFF8, v5;
	v5 =	vmov s14;
	[tilespmem:s6+$0xFFFFFF00] =	vst v6;
	v6 =	vmul.f32 v8, v4;
	v14 =	vld [tilespmem:s6+$0xFFFFFF70]  }
0x5d3: {  	v16 =	vmov s16;
	v15 =	vmov s15;
	s15 =	sadd.s32 $0x4, s9;
	s14 =	sadd.s32 $0x3, s9;
	[tilespmem:s6+$0xFFFFFF10] =	vst v7;
	v7 =	vmul.f32 v11, v4;
	v11 =	vld [tilespmem:s6+$0xFFFFFF90]  }
0x5d4: {  	v18 =	vmov s15;
	v17 =	vmov s14;
	s14 =	sadd.s32 $0x5, s9;
	[tilespmem:s6+$0xFFFFFF20] =	vst v6;
	v9 =	vmul.f32 v9, v4;
	v19 =	vld [tilespmem:s6+$0xFFFFFFA0]  }
.Ltmp7:
0x5d5: {  	v6 =	vbroadcast v13, $0x0;
	v13 =	vmov s14;
	[tilespmem:s6+$0xFFFFFF30] =	vst v7;
	v12 =	vmul.f32 v12, v4;
	v8 =	vld [tilespmem:s6+$0xFFFFFFB0];
	(pc) =	sbr.rel @p2 .LBB2_17-.Ltmp7, $4  }
0x5d6: {  	v7 =	vand.u32 $0xFFFFFFF9, v15;
	v15 =	vand.u32 $0xFFFFFFFA, v16;
	[tilespmem:s6+$0xFFFFFF40] =	vst v9;
	v16 =	vmul.f32 v10, v4;
	v9 =	vld [tilespmem:s6+$0xFFFFFFC0]  }
0x5d7: {  	v20 =	vand.u32 $0xFFFFFFFB, v17;
	v7 =	vbroadcast v7, $0x0;
	[tilespmem:s6+$0xFFFFFF50] =	vst v12;
	v21 =	vmul.f32 v14, v4;
	v10 =	vld [tilespmem:s6+$0xFFFFFFD0]  }
0x5d8: {  	v12 =	vbroadcast v15, $0x0;
	v4 =	vand.u32 $0xFFFFFFFC, v18;
	[tilespmem:s6+$0xFFFFFF60] =	vst v16;
	v17 =	vmul.f32 v11, v3;
	v11 =	vld [tilespmem:s6+$0xFFFFFFE0]  }
0x5d9: {  	s14 =	sadd.s32 $0x6, s9;
	s9 =	sadd.s32 $0x8, s9;
	v14 =	vbroadcast v20, $0x0;
	v16 =	vand.u32 $0xFFFFFFFD, v13;
	[tilespmem:s6+$0xFFFFFF70] =	vst v21;
	v15 =	vmul.f32 v19, v3;
	v13 =	vld [tilespmem:s6+$0xFFFFFFF0]  }
0x5da: {  	_ =	sdelay $0x2  }
0x5db: {  	v18 =	vld [tilespmem:s6+$0x0]  }
0x5dc: {  	v59 =	vbroadcast v4, $0x0;
	v4 =	vld.idx.msk [tilespmem:v5+s7+$0x0], $0xffff  }
0x5dd: {  	v20 =	vld.idx.msk [tilespmem:v6+s7+$0x0], $0xffff  }
0x5de: {  	v62 =	vld.idx.msk [tilespmem:v7+s7+$0x0], $0xffff  }
0x5df: {  	v12 =	vld.idx.msk [tilespmem:v12+s7+$0x0], $0xffff  }
0x5e0: {  	s9 =	sadd.s32 $0x400, s6;
	v14 =	vld.idx.msk [tilespmem:v14+s7+$0x0], $0xffff  }
0x5e1: {  	v63 =	vld [tilespmem:s9+$0xFFFFFF80]  }
0x5e2: {  	v22 =	vld [tilespmem:s9+$0xFFFFFC10]  }
0x5e3: {  	[tilespmem:s6+$0xFFFFFF90] =	vst v17;
	v8 =	vmul.f32 v8, v3;
	v24 =	vld [tilespmem:s9+$0xFFFFFC20]  }
0x5e4: {  	[tilespmem:s6+$0xFFFFFFA0] =	vst v15;
	v9 =	vmul.f32 v9, v3;
	v26 =	vld [tilespmem:s9+$0xFFFFFC30]  }
0x5e5: {  	v27 =	vld [tilespmem:s9+$0xFFFFFC40];
	[tilespmem:s6+$0xFFFFFFB0] =	vst v8;
	v21 =	vmul.f32 v10, v3  }
0x5e6: {  	v28 =	vld [tilespmem:s9+$0xFFFFFC50];
	[tilespmem:s6+$0xFFFFFFC0] =	vst v9;
	v23 =	vmul.f32 v11, v3  }
0x5e7: {  	v29 =	vld [tilespmem:s9+$0xFFFFFC60];
	[tilespmem:s6+$0xFFFFFFD0] =	vst v21;
	v25 =	vmul.f32 v13, v3  }
0x5e8: {  	v30 =	vld [tilespmem:s9+$0xFFFFFC70];
	[tilespmem:s6+$0xFFFFFFE0] =	vst v23;
	v3 =	vmul.f32 v18, v3  }
0x5e9: {  	v31 =	vld [tilespmem:s9+$0xFFFFFC80];
	[tilespmem:s6+$0xFFFFFFF0] =	vst v25;
	v11 =	vmul.f32 v24, v20  }
0x5ea: {  	v32 =	vld [tilespmem:s9+$0xFFFFFC90];
	[tilespmem:s6+$0x0] =	vst v3;
	v3 =	vmul.f32 v22, v20  }
0x5eb: {  	v33 =	vld [tilespmem:s9+$0xFFFFFCA0];
	v9 =	vmul.f32 v27, v20;
	[tilespmem:s9+$0xFFFFFC20] =	vst v11  }
0x5ec: {  	v35 =	vld [tilespmem:s9+$0xFFFFFCB0];
	[tilespmem:s9+$0xFFFFFC10] =	vst v3;
	v3 =	vmul.f32 v26, v20  }
0x5ed: {  	v36 =	vld [tilespmem:s9+$0xFFFFFCC0];
	v34 =	vmul.f32 v29, v20;
	[tilespmem:s9+$0xFFFFFC40] =	vst v9  }
0x5ee: {  	v38 =	vld [tilespmem:s9+$0xFFFFFCD0];
	[tilespmem:s9+$0xFFFFFC30] =	vst v3;
	v3 =	vmul.f32 v28, v20  }
0x5ef: {  	v39 =	vld [tilespmem:s9+$0xFFFFFCE0];
	v37 =	vmul.f32 v31, v20;
	[tilespmem:s9+$0xFFFFFC60] =	vst v34  }
0x5f0: {  	v40 =	vld [tilespmem:s9+$0xFFFFFCF0];
	[tilespmem:s9+$0xFFFFFC50] =	vst v3;
	v3 =	vmul.f32 v30, v20  }
0x5f1: {  	v41 =	vld [tilespmem:s9+$0xFFFFFD00];
	v8 =	vmul.f32 v33, v62;
	[tilespmem:s9+$0xFFFFFC80] =	vst v37  }
0x5f2: {  	v43 =	vld [tilespmem:s9+$0xFFFFFD10];
	[tilespmem:s9+$0xFFFFFC70] =	vst v3;
	v3 =	vmul.f32 v32, v62  }
0x5f3: {  	v44 =	vld [tilespmem:s9+$0xFFFFFD20];
	v42 =	vmul.f32 v36, v62;
	[tilespmem:s9+$0xFFFFFCA0] =	vst v8  }
0x5f4: {  	v46 =	vld [tilespmem:s9+$0xFFFFFD30];
	[tilespmem:s9+$0xFFFFFC90] =	vst v3;
	v3 =	vmul.f32 v35, v62  }
0x5f5: {  	v47 =	vld [tilespmem:s9+$0xFFFFFD40];
	v45 =	vmul.f32 v39, v62;
	[tilespmem:s9+$0xFFFFFCC0] =	vst v42  }
0x5f6: {  	v49 =	vld [tilespmem:s9+$0xFFFFFD50];
	[tilespmem:s9+$0xFFFFFCB0] =	vst v3;
	v3 =	vmul.f32 v38, v62  }
0x5f7: {  	v50 =	vld [tilespmem:s9+$0xFFFFFD60];
	v48 =	vmul.f32 v41, v62;
	[tilespmem:s9+$0xFFFFFCE0] =	vst v45  }
0x5f8: {  	v60 =	vmov s14;
	v52 =	vld [tilespmem:s9+$0xFFFFFD70];
	[tilespmem:s9+$0xFFFFFCD0] =	vst v3;
	v3 =	vmul.f32 v40, v62  }
0x5f9: {  	v19 =	vand.u32 $0xFFFFFFFE, v60;
	v53 =	vld [tilespmem:s9+$0xFFFFFD80];
	v51 =	vmul.f32 v44, v12;
	[tilespmem:s9+$0xFFFFFD00] =	vst v48  }
0x5fa: {  	v55 =	vld [tilespmem:s9+$0xFFFFFD90];
	v61 =	vbroadcast v19, $0x0;
	[tilespmem:s9+$0xFFFFFCF0] =	vst v3;
	v3 =	vmul.f32 v43, v12  }
0x5fb: {  	v56 =	vld [tilespmem:s9+$0xFFFFFDA0];
	v54 =	vmul.f32 v47, v12;
	[tilespmem:s9+$0xFFFFFD20] =	vst v51  }
0x5fc: {  	v16 =	vbroadcast v16, $0x0;
	v17 =	vld [tilespmem:s9+$0xFFFFFE00];
	[tilespmem:s9+$0xFFFFFD10] =	vst v3;
	v3 =	vmul.f32 v46, v12  }
0x5fd: {  	v7 =	vld.idx.msk [tilespmem:v59+s7+$0x0], $0xffff;
	v57 =	vmul.f32 v50, v12;
	[tilespmem:s9+$0xFFFFFD40] =	vst v54  }
0x5fe: {  	v59 =	vld [tilespmem:s9+$0xFFFFFDC0];
	[tilespmem:s9+$0xFFFFFD30] =	vst v3;
	v3 =	vmul.f32 v49, v12  }
0x5ff: {  	v58 =	vld [tilespmem:s9+$0xFFFFFDB0];
	v60 =	vmul.f32 v53, v12;
	[tilespmem:s9+$0xFFFFFD60] =	vst v57  }
0x600: {  	v5 =	vld.idx.msk [tilespmem:v61+s7+$0x0], $0xffff;
	[tilespmem:s9+$0xFFFFFD50] =	vst v3;
	v3 =	vmul.f32 v52, v12  }
0x601: {  	v24 =	vmul.f32 v17, v14;
	v61 =	vld [tilespmem:s9+$0xFFFFFDD0];
	[tilespmem:s9+$0xFFFFFD80] =	vst v60  }
0x602: {  	v6 =	vld.idx.msk [tilespmem:v16+s7+$0x0], $0xffff;
	[tilespmem:s9+$0xFFFFFD70] =	vst v3;
	v3 =	vmul.f32 v55, v14  }
0x603: {  	v16 =	vld [tilespmem:s9+$0xFFFFFDF0];
	[tilespmem:s9+$0xFFFFFE00] =	vst v24;
	v18 =	vmul.f32 v59, v14  }
0x604: {  	v23 =	vld [tilespmem:s9+$0xFFFFFE40];
	[tilespmem:s9+$0xFFFFFD90] =	vst v3;
	v3 =	vmul.f32 v58, v14  }
0x605: {  	v19 =	vld [tilespmem:s9+$0xFFFFFE10];
	v15 =	vmul.f32 v63, v5;
	[tilespmem:s9+$0xFFFFFDC0] =	vst v18  }
0x606: {  	v37 =	vld [tilespmem:s9+$0xFFFFFEE0];
	[tilespmem:s9+$0xFFFFFDB0] =	vst v3;
	v3 =	vmul.f32 v61, v14  }
0x607: {  	v22 =	vld [tilespmem:s9+$0xFFFFFE30];
	v63 =	vmul.f32 v56, v14;
	[tilespmem:s9+$0xFFFFFF80] =	vst v15  }
0x608: {  	v26 =	vld [tilespmem:s9+$0xFFFFFE60];
	[tilespmem:s9+$0xFFFFFDD0] =	vst v3;
	v3 =	vmul.f32 v16, v14  }
0x609: {  	v25 =	vld [tilespmem:s9+$0xFFFFFE50];
	v30 =	vmul.f32 v23, v7;
	[tilespmem:s9+$0xFFFFFDA0] =	vst v63  }
0x60a: {  	v60 =	vld [tilespmem:s9+$0xFFFFFFF0];
	[tilespmem:s9+$0xFFFFFDF0] =	vst v3;
	v3 =	vmul.f32 v19, v7  }
0x60b: {  	v28 =	vld [tilespmem:s9+$0xFFFFFE70];
	v44 =	vmul.f32 v37, v6;
	[tilespmem:s9+$0xFFFFFE40] =	vst v30  }
0x60c: {  	v20 =	vld [tilespmem:s9+$0xFFFFFE20];
	[tilespmem:s9+$0xFFFFFE10] =	vst v3;
	v3 =	vmul.f32 v22, v7  }
0x60d: {  	v31 =	vld [tilespmem:s9+$0xFFFFFE90];
	v33 =	vmul.f32 v26, v7;
	[tilespmem:s9+$0xFFFFFEE0] =	vst v44  }
0x60e: {  	v32 =	vld [tilespmem:s9+$0xFFFFFEA0];
	[tilespmem:s9+$0xFFFFFE30] =	vst v3;
	v3 =	vmul.f32 v25, v7  }
0x60f: {  	v34 =	vld [tilespmem:s9+$0xFFFFFEB0];
	v63 =	vmul.f32 v60, v4;
	[tilespmem:s9+$0xFFFFFE60] =	vst v33  }
0x610: {  	v35 =	vld [tilespmem:s9+$0xFFFFFEC0];
	[tilespmem:s9+$0xFFFFFE50] =	vst v3;
	v3 =	vmul.f32 v28, v7  }
0x611: {  	v36 =	vld [tilespmem:s9+$0xFFFFFED0];
	[tilespmem:s9+$0xFFFFFFF0] =	vst v63;
	v27 =	vmul.f32 v20, v7  }
0x612: {  	v62 =	vld [tilespmem:s9+$0xFFFFFDE0];
	[tilespmem:s9+$0xFFFFFE70] =	vst v3;
	v3 =	vmul.f32 v31, v6  }
0x613: {  	v39 =	vld [tilespmem:s9+$0xFFFFFEF0];
	[tilespmem:s9+$0xFFFFFE20] =	vst v27;
	v38 =	vmul.f32 v32, v6  }
0x614: {  	v43 =	vld [tilespmem:s9+$0xFFFFFF20];
	[tilespmem:s9+$0xFFFFFE90] =	vst v3;
	v3 =	vmul.f32 v34, v6  }
0x615: {  	v42 =	vld [tilespmem:s9+$0xFFFFFF10];
	[tilespmem:s9+$0xFFFFFEA0] =	vst v38;
	v41 =	vmul.f32 v35, v6  }
0x616: {  	v46 =	vld [tilespmem:s9+$0xFFFFFF40];
	[tilespmem:s9+$0xFFFFFEB0] =	vst v3;
	v3 =	vmul.f32 v36, v6  }
0x617: {  	v45 =	vld [tilespmem:s9+$0xFFFFFF30];
	[tilespmem:s9+$0xFFFFFEC0] =	vst v41;
	v21 =	vmul.f32 v62, v14  }
0x618: {  	v48 =	vld [tilespmem:s9+$0xFFFFFF60];
	[tilespmem:s9+$0xFFFFFED0] =	vst v3;
	v3 =	vmul.f32 v39, v6  }
0x619: {  	v47 =	vld [tilespmem:s9+$0xFFFFFF50];
	[tilespmem:s9+$0xFFFFFDE0] =	vst v21;
	v49 =	vmul.f32 v43, v5  }
0x61a: {  	v51 =	vld [tilespmem:s9+$0xFFFFFF90];
	[tilespmem:s9+$0xFFFFFEF0] =	vst v3;
	v3 =	vmul.f32 v42, v5  }
0x61b: {  	v50 =	vld [tilespmem:s9+$0xFFFFFF70];
	[tilespmem:s9+$0xFFFFFF20] =	vst v49;
	v52 =	vmul.f32 v46, v5  }
0x61c: {  	v54 =	vld [tilespmem:s9+$0xFFFFFFB0];
	[tilespmem:s9+$0xFFFFFF10] =	vst v3;
	v3 =	vmul.f32 v45, v5  }
0x61d: {  	v53 =	vld [tilespmem:s9+$0xFFFFFFA0];
	v55 =	vmul.f32 v48, v5;
	[tilespmem:s9+$0xFFFFFF40] =	vst v52  }
0x61e: {  	v29 =	vld [tilespmem:s9+$0xFFFFFE80];
	[tilespmem:s9+$0xFFFFFF30] =	vst v3;
	v3 =	vmul.f32 v47, v5  }
0x61f: {  	v56 =	vld [tilespmem:s9+$0xFFFFFFC0];
	[tilespmem:s9+$0xFFFFFF60] =	vst v55;
	v58 =	vmul.f32 v51, v4  }
0x620: {  	v40 =	vld [tilespmem:s9+$0xFFFFFF00];
	[tilespmem:s9+$0xFFFFFF50] =	vst v3;
	v3 =	vmul.f32 v50, v5  }
0x621: {  	v59 =	vld [tilespmem:s9+$0xFFFFFFE0];
	[tilespmem:s9+$0xFFFFFF90] =	vst v58;
	v61 =	vmul.f32 v54, v4  }
0x622: {  	v57 =	vld [tilespmem:s9+$0xFFFFFFD0];
	[tilespmem:s9+$0xFFFFFF70] =	vst v3;
	v3 =	vmul.f32 v53, v4  }
0x623: {  	v62 =	vld [tilespmem:s9+$0x0];
	[tilespmem:s9+$0xFFFFFFB0] =	vst v61;
	v7 =	vmul.f32 v29, v7  }
0x624: {  	[tilespmem:s9+$0xFFFFFFA0] =	vst v3;
	v3 =	vmul.f32 v56, v4  }
0x625: {  	[tilespmem:s9+$0xFFFFFE80] =	vst v7;
	v6 =	vmul.f32 v40, v6  }
0x626: {  	p2 =	sne.s32 s8, $0x19;
	[tilespmem:s9+$0xFFFFFFC0] =	vst v3;
	v3 =	vmul.f32 v59, v4  }
.Ltmp8:
0x627: {  	[tilespmem:s9+$0xFFFFFF00] =	vst v6;
	v5 =	vmul.f32 v57, v4;
	(pc) =	sbr.rel @p2 .LBB2_8-.Ltmp8, $4  }
0x628: {  	[tilespmem:s9+$0xFFFFFFE0] =	vst v3;
	v3 =	vmul.f32 v62, v4  }
0x629: {  	[tilespmem:s9+$0xFFFFFFD0] =	vst v5  }
0x62a: {  	s15 =	smov.u32 s8;
	[tilespmem:s9+$0x0] =	vst v3  }
0x62b: {  	[spmem:s2] =	stream.indirect.scatter.add.f32 [tilespmem:s28], [sflag:$0x5], $0x80, s19, s31, $0xb8;
	[tilespmem:$0x1CDE8] =	vst v63  }
0x62c: {  	_ =	swait.ge [sflag:s12], $0x2800  }
0x62d: {  	[sflag:s12] =	ssyncset.done $0x0  }
0x62e: {  	[sflag:s12] =	ssyncadd.s32 $0xFFFFD800  }
0x62f: {  	_ =	swait.ge [sflag:s17], $0x2800  }
0x630: {  	[sflag:s17] =	ssyncset.done $0x0  }
0x631: {  	s6 =	simm.s32 $0x6;
	[sflag:s17] =	ssyncadd.s32 $0xFFFFD800  }
0x632: {  	_ =	swait.ge [sflag:s6], $0x2800  }
0x633: {  	[sflag:s6] =	ssyncset.done $0x0  }
0x634: {  	[sflag:s6] =	ssyncadd.s32 $0xFFFFD800  }
0x635: {  	_ =	swait.ge [sflag:s25], $0x50  }
0x636: {  	[sflag:s25] =	ssyncset.done $0x0  }
0x637: {  	[sflag:s25] =	ssyncadd.s32 $0xFFFFFFB0  }
0x638: {  	_ =	swait.ge [sflag:s21], $0x50  }
0x639: {  	[sflag:s21] =	ssyncset.done $0x0  }
0x63a: {  	[sflag:s21] =	ssyncadd.s32 $0xFFFFFFB0  }
0x63b: {  	s16 =	stileid.u32;
	[bflag:$0x0] =	sbarrier.arrive $0xFFFF  }
0x63c: {  	s6 =	sshll.u32 s16, $0x6;
	s16 =	rddreg [dreg:$0xc]  }
0x63d: {  	s6 =	sor.u32 $0x1C10, s6;
	s9 =	rddreg [dreg:$0x16];
	s8 =	sshrl.u32 s16, $0x3  }
0x63e: {  	[hbm:s9], [sflag:s6] =	dma.local [spmem:s8], $0x2710  }
0x63f: {  	s14 =	simm.s32 @!p0 $0x20;
	_ =	swait.ge [sflag:s29], $0x2710  }
0x640: {  	s15 =	simm.s32 @!p0 $0x10;
	s8 =	sshrl.u32 @!p0 s5, $0x3;
	[sflag:s29] =	ssyncset.done $0x0  }
0x641: {  	s9 =	simm.s32 @!p0 $0x1;
	s18 =	rddreg [dreg:$0x17];
	[sflag:s29] =	ssyncadd.s32 $0xFFFFD8F0  }
0x642: {  	[hbm:s18@s14], [sflag:s6] =	dma.strided @!p0 [spmem:s8@s15], $0x4F0, s9, $0x10   }
0x643: {  	_ =	swait.ge @!p0 [sflag:s15], $0x4F0  }
0x644: {  	s18 =	rddreg [dreg:$0x1b]  }
0x645: {  	s19 =	rddreg [dreg:$0x18];
	s8 =	sadd.s32 $0x1, s18  }
0x646: {  	p2 =	sne.s32 s8, s19  }
.Ltmp9:
0x647: {  	_ = 	snop;
	(pc) =	sbr.rel @p2 .LBB2_1-.Ltmp9, $3  }
0x648: {  	_ =	sdelay $0x1  }
0x649: {  	[sflag:s15] =	ssyncset.done @!p0 $0x0  }
0x64a: {  	[sflag:s15] =	ssyncadd.s32 @!p0 $0xFFFFFB10  }
0x64b: {  	_ =	sfence.sel $0x180000  }
0x64c: {  	[bflag:$0x0] =	sbarrier.arrive $0xFFFF  }
0x64d: {  	_ =	strace $0x90000047  }
0x64e: {  	[bflag:$0x2] =	sbarrier.arrive $0xFFFF  }
0x64f: {  	s0 =	rddreg [dreg:$0x6]  }
0x650: {  	s0 =	sadd.s32 @!p0 $0x100000, s0  }
0x651: {  	[sflag:s0] =	ssyncadd.tile.s32 @!p0 $0x1;
	_ =	shalt  }
.Lfunc_end2:
_tile_overlayer_lowered:
.L_overlay_start_2:
0x652: {  	(tag) =	ssettag $0x2  }
0x653: {  	s0 =	rddreg [dreg:$0x0];
	s2 =	stileid.u32  }
0x654: {  	s1 =	rddreg [dreg:$0x1];
	p0 =	sne.s32 s2, $0x0  }
0x655: {  	s3 =	rddreg [dreg:$0x2];
	[bflag:$0x3] =	sbarrier.arrive $0xFFFF;
	s2 =	simm.s32 @!p0 $0x1C10  }
0x656: {  	[timem:s3], [sflag:s2] =	dma.local @!p0 [hbm:s0], s1  }
0x657: {  	s0 =	simm.s32 @!p0 $0x10  }
0x658: {  	_ =	swait.ge @!p0 [sflag:s0], s1  }
0x659: {  	s1 =	ssub.s32 @!p0 $0x0, s1;
	[sflag:s0] =	ssyncset.done @!p0 $0x0  }
0x65a: {  	[sflag:s0] =	ssyncadd.s32 @!p0 s1  }
0x65b: {  	[bflag:$0x3] =	sbarrier.arrive $0xFFFF  }
0x65c: {  	_ =	shalt  }

</sc_bundles>
